<compile_context>
chip_gen: v7x
topology: tpu7x:2x2x1
jax: 0.10.2.dev20260603
libtpu: 0.0.44.dev20260713+nightly
codegen_flags: <defaults>
</compile_context>

<pallas_src>
import functools

import jax
import jax.numpy as jnp
from jax import lax
from jax.experimental import pallas as pl
from jax.experimental.pallas import tpu as pltpu
from jax.experimental.pallas import tpu_sc as plsc

VOCAB = 100000
EMB = 128
HID = 1024
OUT = 32
B = 4096
L = 50

NC = 2
NS = 16
NW = NC * NS
BW = B // NW
CB = 8
NBUF = 2
LANES = 16
KV = EMB // LANES


@functools.lru_cache(maxsize=None)
def _make_pool(bs, ncores=NC):
    nw = ncores * NS
    bw = bs // nw
    nchunk = bw // CB

    def body(xflat_hbm, emb_hbm, out_hbm, *scr):
        idx_v = scr[0]
        rows_v = scr[1:1 + NBUF]
        pool_v = scr[1 + NBUF]
        sem = scr[2 + NBUF:]
        wid = lax.axis_index("s") * ncores + lax.axis_index("c")
        base = wid * bw

        pltpu.sync_copy(xflat_hbm.at[pl.ds(base * L, bw * L)], idx_v)

        def start(c, r):
            pltpu.async_copy(emb_hbm.at[idx_v.at[pl.ds(c * CB * L, CB * L)]],
                             rows_v[r], sem[r])

        def drain(c, r):
            pltpu.make_async_copy(emb_hbm.at[idx_v.at[pl.ds(c * CB * L, CB * L)]],
                                  rows_v[r], sem[r]).wait()

        def reduce_chunk(c, r):
            rv = rows_v[r]
            rbase = base + c * CB
            for b in range(CB):
                def red(j, accs):
                    return tuple(
                        accs[k] + rv[b * L + 2 * j, pl.ds(k * LANES, LANES)]
                        + rv[b * L + 2 * j + 1, pl.ds(k * LANES, LANES)]
                        for k in range(KV)
                    )
                accs = lax.fori_loop(
                    0, L // 2, red,
                    tuple(jnp.zeros((LANES,), jnp.float32) for _ in range(KV)),
                )
                for k in range(KV):
                    pool_v[b, pl.ds(k * LANES, LANES)] = accs[k] * (1.0 / L)
            pltpu.sync_copy(pool_v, out_hbm.at[pl.ds(rbase, CB)])

        for r in range(NBUF - 1):
            start(r, r)

        def group(g, carry):
            c0 = NBUF * g
            for r in range(NBUF):
                c = c0 + r

                @pl.when(c + NBUF - 1 < nchunk)
                def _():
                    start(c + NBUF - 1, (r + NBUF - 1) % NBUF)

                drain(c, r)
                reduce_chunk(c, r)
            return carry

        lax.fori_loop(0, nchunk // NBUF, group, 0)

    return pl.kernel(
        body,
        out_type=jax.ShapeDtypeStruct((bs, EMB), jnp.float32),
        mesh=plsc.VectorSubcoreMesh(core_axis_name="c", subcore_axis_name="s",
                                    num_cores=ncores),
        scratch_types=(
            [pltpu.VMEM((bw * L,), jnp.int32)]
            + [pltpu.VMEM((CB * L, EMB), jnp.float32) for _ in range(NBUF)]
            + [pltpu.VMEM((CB, EMB), jnp.float32)]
            + [pltpu.SemaphoreType.DMA for _ in range(NBUF)]
        ),
    )


BM = 2048


def _matT(a, w):
    return lax.dot_general(a.astype(jnp.bfloat16), w, (((1,), (1,)), ((), ())),
                           preferred_element_type=jnp.float32)


def _mlp_body(h_ref, w1_ref, b1_ref, w2_ref, b2_ref, w3_ref, b3_ref, o_ref):
    h = h_ref[...]
    h1 = jnp.maximum(_matT(h, w1_ref[...]) + b1_ref[...], 0.0)
    h2 = jnp.maximum(_matT(h1, w2_ref[...]) + b2_ref[...], 0.0)
    o_ref[...] = _matT(h2, w3_ref[...]) + b3_ref[...]


def _mlp(pooled, w1, b1, w2, b2, w3, b3):
    bs = pooled.shape[0]
    bm = min(BM, bs)
    return pl.pallas_call(
        _mlp_body,
        grid=(bs // bm,),
        in_specs=[
            pl.BlockSpec((bm, EMB), lambda i: (i, 0)),
            pl.BlockSpec((HID, EMB), lambda i: (0, 0)),
            pl.BlockSpec((1, HID), lambda i: (0, 0)),
            pl.BlockSpec((HID // 2, HID), lambda i: (0, 0)),
            pl.BlockSpec((1, HID // 2), lambda i: (0, 0)),
            pl.BlockSpec((OUT, HID // 2), lambda i: (0, 0)),
            pl.BlockSpec((1, OUT), lambda i: (0, 0)),
        ],
        out_specs=pl.BlockSpec((bm, OUT), lambda i: (i, 0)),
        out_shape=jax.ShapeDtypeStruct((bs, OUT), jnp.float32),
    )(pooled, w1, b1, w2, b2, w3, b3)


SLICES = 1
POOL_CORES = NC


def kernel(x, emb, W1, b1, W2, b2, W3, b3):
    xflat = x.reshape(-1).astype(jnp.int32)
    b1r = b1.reshape(1, HID)
    b2r = b2.reshape(1, HID // 2)
    b3r = b3.reshape(1, OUT)
    w1 = W1.astype(jnp.bfloat16)
    w2 = W2.astype(jnp.bfloat16)
    w3 = W3.astype(jnp.bfloat16)
    bs = B // SLICES
    outs = []
    for s in range(SLICES):
        pooled = _make_pool(bs, POOL_CORES)(xflat[s * bs * L:(s + 1) * bs * L], emb)
        outs.append(_mlp(pooled, w1, b1r, w2, b2r, w3, b3r))
    return jnp.concatenate(outs, axis=0)

# --- scband reference (transcript-rebuilt; emitter-appended) ---
"""Pipeline reference for scband-ffnn-89584427860163 (READ-ONLY COPY).

The authoritative reference and input builder live on the scoring server;
editing this copy changes nothing except your own understanding.
"""

import jax, jax.numpy as jnp
import numpy as np

VOCAB = 100000
EMB = 128
HID = 1024
OUT = 32
B = 4096
L = 50

def setup_inputs(seed: int = 0) -> dict:
    key = jax.random.key(seed)
    k0, k1, k2, k3, k4 = jax.random.split(key, 5)
    x = jax.random.randint(k0, (B, L), 0, VOCAB, dtype=jnp.int64 if jax.config.jax_enable_x64 else jnp.int32)
    emb = jax.random.normal(k1, (VOCAB, EMB), dtype=jnp.float32)
    # xavier-uniform style linear weights
    def xavier(k, fan_out, fan_in):
        lim = float(np.sqrt(6.0 / (fan_in + fan_out)))
        return jax.random.uniform(k, (fan_out, fan_in), minval=-lim, maxval=lim, dtype=jnp.float32)
    W1 = xavier(k2, HID, EMB)
    b1 = jnp.zeros((HID,), dtype=jnp.float32)
    W2 = xavier(k3, HID // 2, HID)
    b2 = jnp.zeros((HID // 2,), dtype=jnp.float32)
    W3 = xavier(k4, OUT, HID // 2)
    b3 = jnp.zeros((OUT,), dtype=jnp.float32)
    return {"x": x, "emb": emb, "W1": W1, "b1": b1, "W2": W2, "b2": b2, "W3": W3, "b3": b3}

def reference(x, emb, W1, b1, W2, b2, W3, b3):
    # embedding lookup -> gather
    e = jnp.take(emb, x, axis=0)          # [B, L, EMB]
    h = jnp.mean(e, axis=1).astype(jnp.float32)  # [B, EMB]
    h = jnp.maximum(h @ W1.T + b1, 0.0)   # V1 + ReLU
    # dropout(p=0.1) is identity in eval mode
    h = jnp.maximum(h @ W2.T + b2, 0.0)   # V2 + ReLU
    out = h @ W3.T + b3                   # W
    return out

if __name__ == "__main__":
    import jax
    _d = setup_inputs()
    print(jax.jit(kernel)(*tuple(_d.values())))

</pallas_src>

<mosaic_0001>
#map = affine_map<(d0, d1) -> (0)>
#map1 = affine_map<(d0, d1) -> (0, 0)>
module attributes {stable_mosaic.version = 14 : i64} {
  func.func @body(%arg0: i32, %arg1: i32, %arg2: memref<204800xi32, #tpu.memory_space<hbm>>, %arg3: memref<100000x128xf32, #tpu.memory_space<hbm>>, %arg4: memref<4096x128xf32, #tpu.memory_space<hbm>>, %arg5: memref<6400xi32, #tpu.memory_space<vmem>>, %arg6: memref<400x128xf32, #tpu.memory_space<vmem>>, %arg7: memref<400x128xf32, #tpu.memory_space<vmem>>, %arg8: memref<8x128xf32, #tpu.memory_space<vmem>>, %arg9: memref<!tpu.dma_semaphore, #tpu.memory_space<semaphore_mem>>, %arg10: memref<!tpu.dma_semaphore, #tpu.memory_space<semaphore_mem>>) attributes {dimension_semantics = [#tpu.dimension_semantics<core_parallel>, #tpu.dimension_semantics<subcore_parallel>], iteration_bounds = array<i64: 2, 16>, scalar_prefetch = 0 : i64, scratch_operands = 6 : i64, tpu.core_type = #tpu.core_type<sc_vector_subcore>, window_params = [{transform_indices = #map}, {transform_indices = #map1}, {transform_indices = #map1}]} {
    %mul3A = arith.constant 2 : i32
    %mul3A_0 = arith.muli %arg1, %mul3A : i32
    %add3A = arith.addi %mul3A_0, %arg0 : i32
    %mul3A_1 = arith.constant 128 : i32
    %mul3A_2 = arith.muli %add3A, %mul3A_1 : i32
    %mul3A_3 = arith.constant 50 : i32
    %mul3A_4 = arith.muli %mul3A_2, %mul3A_3 : i32
    "tpu.region"() ({
      %run_scoped3A = tpu.sem_alloc : memref<!tpu.dma_semaphore, #tpu.memory_space<semaphore_mem>>
      %dma_start3A_14 = tpu.memref_slice %arg2[%mul3A_4] : memref<204800xi32, #tpu.memory_space<hbm>> -> memref<6400xi32, #tpu.memory_space<hbm>>
      %dma_start3A_15 = tpu.memref_slice %arg2[%mul3A_4] : memref<204800xi32, #tpu.memory_space<hbm>> -> memref<6400xi32, #tpu.memory_space<hbm>>
      tpu.enqueue_dma source(%dma_start3A_15 : memref<6400xi32, #tpu.memory_space<hbm>>) target(%arg5 : memref<6400xi32, #tpu.memory_space<vmem>>) target_semaphore(%run_scoped3A : memref<!tpu.dma_semaphore, #tpu.memory_space<semaphore_mem>>)
      %dma_wait3A = tpu.memref_slice %arg2[%mul3A_4] : memref<204800xi32, #tpu.memory_space<hbm>> -> memref<6400xi32, #tpu.memory_space<hbm>>
      %dma_wait3A_16 = tpu.memref_slice %arg2[%mul3A_4] : memref<204800xi32, #tpu.memory_space<hbm>> -> memref<6400xi32, #tpu.memory_space<hbm>>
      tpu.wait_dma2 semaphore(%run_scoped3A : memref<!tpu.dma_semaphore, #tpu.memory_space<semaphore_mem>>) src(%dma_wait3A_16 : memref<6400xi32, #tpu.memory_space<hbm>>) dst(%arg5 : memref<6400xi32, #tpu.memory_space<vmem>>)
      tpu.yield
    }) : () -> ()
    %dma_start3A = arith.constant 0 : i32
    %dma_start3A_5 = tpu.memref_slice %arg5[%dma_start3A] : memref<6400xi32, #tpu.memory_space<vmem>> -> memref<400xi32, #tpu.memory_space<vmem>>
    %dma_start3A_6 = arith.constant 0 : i32
    %dma_start3A_7 = arith.constant 0 : i32
    %dma_start3A_8 = tpu.memref_slice %arg3[%dma_start3A_6, %dma_start3A_7] : memref<100000x128xf32, #tpu.memory_space<hbm>> -> memref<100000x128xf32, #tpu.memory_space<hbm>>
    tpu.enqueue_indirect_dma source(%dma_start3A_8 : memref<100000x128xf32, #tpu.memory_space<hbm>>) target(%arg6 : memref<400x128xf32, #tpu.memory_space<vmem>>) offsets(%dma_start3A_5 : memref<400xi32, #tpu.memory_space<vmem>>) semaphore(%arg9 : memref<!tpu.dma_semaphore, #tpu.memory_space<semaphore_mem>>)
    %scan3A = arith.constant 0 : i32
    %scan3A_9 = arith.constant 0 : i32
    %scan3A_10 = arith.constant 8 : i32
    %scan3A_11 = arith.addi %scan3A_9, %scan3A_10 : i32
    %scan3A_12 = arith.constant 1 : i32
    scf.for %scan3A_14 = %scan3A_9 to %scan3A_11 step %scan3A_12  : i32 {
      %mul3A_15 = arith.constant 2 : i32
      %mul3A_16 = arith.muli %mul3A_15, %scan3A_14 : i32
      %add3A_17 = arith.constant 0 : i32
      %add3A_18 = arith.addi %mul3A_16, %add3A_17 : i32
      %add3A_19 = arith.constant 2 : i32
      %add3A_20 = arith.addi %add3A_18, %add3A_19 : i32
      %sub3A = arith.constant 1 : i32
      %sub3A_21 = arith.subi %add3A_20, %sub3A : i32
      %lt3A = arith.constant 16 : i32
      %lt3A_22 = arith.cmpi slt, %sub3A_21, %lt3A : i32
      %convert_element_type3A = arith.extui %lt3A_22 : i1 to i32
      %cond3A = arith.constant 0 : i32
      %cond3A_23 = arith.cmpi ne, %convert_element_type3A, %cond3A : i32
      scf.if %cond3A_23 {
        %add3A_1558 = arith.constant 2 : i32
        %add3A_1559 = arith.addi %add3A_18, %add3A_1558 : i32
        %sub3A_1560 = arith.constant 1 : i32
        %sub3A_1561 = arith.subi %add3A_1559, %sub3A_1560 : i32
        %mul3A_1562 = arith.constant 8 : i32
        %mul3A_1563 = arith.muli %sub3A_1561, %mul3A_1562 : i32
        %mul3A_1564 = arith.constant 50 : i32
        %mul3A_1565 = arith.muli %mul3A_1563, %mul3A_1564 : i32
        %dma_start3A_1566 = tpu.memref_slice %arg5[%mul3A_1565] : memref<6400xi32, #tpu.memory_space<vmem>> -> memref<400xi32, #tpu.memory_space<vmem>>
        %dma_start3A_1567 = arith.constant 0 : i32
        %dma_start3A_1568 = arith.constant 0 : i32
        %dma_start3A_1569 = tpu.memref_slice %arg3[%dma_start3A_1567, %dma_start3A_1568] : memref<100000x128xf32, #tpu.memory_space<hbm>> -> memref<100000x128xf32, #tpu.memory_space<hbm>>
        tpu.enqueue_indirect_dma source(%dma_start3A_1569 : memref<100000x128xf32, #tpu.memory_space<hbm>>) target(%arg7 : memref<400x128xf32, #tpu.memory_space<vmem>>) offsets(%dma_start3A_1566 : memref<400xi32, #tpu.memory_space<vmem>>) semaphore(%arg10 : memref<!tpu.dma_semaphore, #tpu.memory_space<semaphore_mem>>)
      } else {
      }
      %mul3A_24 = arith.constant 8 : i32
      %mul3A_25 = arith.muli %add3A_18, %mul3A_24 : i32
      %mul3A_26 = arith.constant 50 : i32
      %mul3A_27 = arith.muli %mul3A_25, %mul3A_26 : i32
      %dma_wait3A = tpu.memref_slice %arg5[%mul3A_27] : memref<6400xi32, #tpu.memory_space<vmem>> -> memref<400xi32, #tpu.memory_space<vmem>>
      %dma_wait3A_28 = arith.constant 0 : i32
      %dma_wait3A_29 = arith.constant 0 : i32
      %dma_wait3A_30 = tpu.memref_slice %arg3[%dma_wait3A_28, %dma_wait3A_29] : memref<100000x128xf32, #tpu.memory_space<hbm>> -> memref<100000x128xf32, #tpu.memory_space<hbm>>
      tpu.wait_indirect_dma semaphore(%arg9 : memref<!tpu.dma_semaphore, #tpu.memory_space<semaphore_mem>>) src(%dma_wait3A_30 : memref<100000x128xf32, #tpu.memory_space<hbm>>) dst(%arg6 : memref<400x128xf32, #tpu.memory_space<vmem>>)
      %mul3A_31 = arith.constant 8 : i32
      %mul3A_32 = arith.muli %add3A_18, %mul3A_31 : i32
      %add3A_33 = arith.addi %mul3A_2, %mul3A_32 : i32
      %broadcast_in_dim3A = arith.constant 0.000000e+00 : f32
      %broadcast_in_dim3A_34 = vector.broadcast %broadcast_in_dim3A : f32 to vector<16xf32>
      %broadcast_in_dim3A_35 = arith.constant 0.000000e+00 : f32
      %broadcast_in_dim3A_36 = vector.broadcast %broadcast_in_dim3A_35 : f32 to vector<16xf32>
      %broadcast_in_dim3A_37 = arith.constant 0.000000e+00 : f32
      %broadcast_in_dim3A_38 = vector.broadcast %broadcast_in_dim3A_37 : f32 to vector<16xf32>
      %broadcast_in_dim3A_39 = arith.constant 0.000000e+00 : f32
      %broadcast_in_dim3A_40 = vector.broadcast %broadcast_in_dim3A_39 : f32 to vector<16xf32>
      %broadcast_in_dim3A_41 = arith.constant 0.000000e+00 : f32
      %broadcast_in_dim3A_42 = vector.broadcast %broadcast_in_dim3A_41 : f32 to vector<16xf32>
      %broadcast_in_dim3A_43 = arith.constant 0.000000e+00 : f32
      %broadcast_in_dim3A_44 = vector.broadcast %broadcast_in_dim3A_43 : f32 to vector<16xf32>
      %broadcast_in_dim3A_45 = arith.constant 0.000000e+00 : f32
      %broadcast_in_dim3A_46 = vector.broadcast %broadcast_in_dim3A_45 : f32 to vector<16xf32>
      %broadcast_in_dim3A_47 = arith.constant 0.000000e+00 : f32
      %broadcast_in_dim3A_48 = vector.broadcast %broadcast_in_dim3A_47 : f32 to vector<16xf32>
      %scan3A_49 = arith.constant 0 : i32
      %scan3A_50 = arith.constant 25 : i32
      %scan3A_51 = arith.addi %scan3A_49, %scan3A_50 : i32
      %scan3A_52 = arith.constant 1 : i32
      %scan3A_53:8 = scf.for %scan3A_1558 = %scan3A_49 to %scan3A_51 step %scan3A_52 iter_args(%scan3A_1559 = %broadcast_in_dim3A_34, %scan3A_1560 = %broadcast_in_dim3A_36, %scan3A_1561 = %broadcast_in_dim3A_38, %scan3A_1562 = %broadcast_in_dim3A_40, %scan3A_1563 = %broadcast_in_dim3A_42, %scan3A_1564 = %broadcast_in_dim3A_44, %scan3A_1565 = %broadcast_in_dim3A_46, %scan3A_1566 = %broadcast_in_dim3A_48) -> (vector<16xf32>, vector<16xf32>, vector<16xf32>, vector<16xf32>, vector<16xf32>, vector<16xf32>, vector<16xf32>, vector<16xf32>)  : i32 {
        %mul3A_1567 = arith.constant 2 : i32
        %mul3A_1568 = arith.muli %mul3A_1567, %scan3A_1558 : i32
        %add3A_1569 = arith.constant 0 : i32
        %add3A_1570 = arith.addi %add3A_1569, %mul3A_1568 : i32
        %get3A = arith.index_cast %add3A_1570 : i32 to index
        %get3A_1571 = arith.constant 0 : index
        %get3A_1572 = tpu.vector_load %arg6[%get3A, %get3A_1571] {strides = array<i32>} : memref<400x128xf32, #tpu.memory_space<vmem>>, vector<1x16xf32>,
        %get3A_1573 = vector.shape_cast %get3A_1572 : vector<1x16xf32> to vector<16xf32>
        %add3A_1574 = arith.addf %scan3A_1559, %get3A_1573 : vector<16xf32>
        %mul3A_1575 = arith.constant 2 : i32
        %mul3A_1576 = arith.muli %mul3A_1575, %scan3A_1558 : i32
        %add3A_1577 = arith.constant 0 : i32
        %add3A_1578 = arith.addi %add3A_1577, %mul3A_1576 : i32
        %add3A_1579 = arith.constant 1 : i32
        %add3A_1580 = arith.addi %add3A_1578, %add3A_1579 : i32
        %get3A_1581 = arith.index_cast %add3A_1580 : i32 to index
        %get3A_1582 = arith.constant 0 : index
        %get3A_1583 = tpu.vector_load %arg6[%get3A_1581, %get3A_1582] {strides = array<i32>} : memref<400x128xf32, #tpu.memory_space<vmem>>, vector<1x16xf32>,
        %get3A_1584 = vector.shape_cast %get3A_1583 : vector<1x16xf32> to vector<16xf32>
        %add3A_1585 = arith.addf %add3A_1574, %get3A_1584 : vector<16xf32>
        %mul3A_1586 = arith.constant 2 : i32
        %mul3A_1587 = arith.muli %mul3A_1586, %scan3A_1558 : i32
        %add3A_1588 = arith.constant 0 : i32
        %add3A_1589 = arith.addi %add3A_1588, %mul3A_1587 : i32
        %get3A_1590 = arith.index_cast %add3A_1589 : i32 to index
        %get3A_1591 = arith.constant 16 : index
        %get3A_1592 = tpu.vector_load %arg6[%get3A_1590, %get3A_1591] {strides = array<i32>} : memref<400x128xf32, #tpu.memory_space<vmem>>, vector<1x16xf32>,
        %get3A_1593 = vector.shape_cast %get3A_1592 : vector<1x16xf32> to vector<16xf32>
        %add3A_1594 = arith.addf %scan3A_1560, %get3A_1593 : vector<16xf32>
        %mul3A_1595 = arith.constant 2 : i32
        %mul3A_1596 = arith.muli %mul3A_1595, %scan3A_1558 : i32
        %add3A_1597 = arith.constant 0 : i32
        %add3A_1598 = arith.addi %add3A_1597, %mul3A_1596 : i32
        %add3A_1599 = arith.constant 1 : i32
        %add3A_1600 = arith.addi %add3A_1598, %add3A_1599 : i32
        %get3A_1601 = arith.index_cast %add3A_1600 : i32 to index
        %get3A_1602 = arith.constant 16 : index
        %get3A_1603 = tpu.vector_load %arg6[%get3A_1601, %get3A_1602] {strides = array<i32>} : memref<400x128xf32, #tpu.memory_space<vmem>>, vector<1x16xf32>,
        %get3A_1604 = vector.shape_cast %get3A_1603 : vector<1x16xf32> to vector<16xf32>
        %add3A_1605 = arith.addf %add3A_1594, %get3A_1604 : vector<16xf32>
        %mul3A_1606 = arith.constant 2 : i32
        %mul3A_1607 = arith.muli %mul3A_1606, %scan3A_1558 : i32
        %add3A_1608 = arith.constant 0 : i32
        %add3A_1609 = arith.addi %add3A_1608, %mul3A_1607 : i32
        %get3A_1610 = arith.index_cast %add3A_1609 : i32 to index
        %get3A_1611 = arith.constant 32 : index
        %get3A_1612 = tpu.vector_load %arg6[%get3A_1610, %get3A_1611] {strides = array<i32>} : memref<400x128xf32, #tpu.memory_space<vmem>>, vector<1x16xf32>,
        %get3A_1613 = vector.shape_cast %get3A_1612 : vector<1x16xf32> to vector<16xf32>
        %add3A_1614 = arith.addf %scan3A_1561, %get3A_1613 : vector<16xf32>
        %mul3A_1615 = arith.constant 2 : i32
        %mul3A_1616 = arith.muli %mul3A_1615, %scan3A_1558 : i32
        %add3A_1617 = arith.constant 0 : i32
        %add3A_1618 = arith.addi %add3A_1617, %mul3A_1616 : i32
        %add3A_1619 = arith.constant 1 : i32
        %add3A_1620 = arith.addi %add3A_1618, %add3A_1619 : i32
        %get3A_1621 = arith.index_cast %add3A_1620 : i32 to index
        %get3A_1622 = arith.constant 32 : index
        %get3A_1623 = tpu.vector_load %arg6[%get3A_1621, %get3A_1622] {strides = array<i32>} : memref<400x128xf32, #tpu.memory_space<vmem>>, vector<1x16xf32>,
        %get3A_1624 = vector.shape_cast %get3A_1623 : vector<1x16xf32> to vector<16xf32>
        %add3A_1625 = arith.addf %add3A_1614, %get3A_1624 : vector<16xf32>
        %mul3A_1626 = arith.constant 2 : i32
        %mul3A_1627 = arith.muli %mul3A_1626, %scan3A_1558 : i32
        %add3A_1628 = arith.constant 0 : i32
        %add3A_1629 = arith.addi %add3A_1628, %mul3A_1627 : i32
        %get3A_1630 = arith.index_cast %add3A_1629 : i32 to index
        %get3A_1631 = arith.constant 48 : index
        %get3A_1632 = tpu.vector_load %arg6[%get3A_1630, %get3A_1631] {strides = array<i32>} : memref<400x128xf32, #tpu.memory_space<vmem>>, vector<1x16xf32>,
        %get3A_1633 = vector.shape_cast %get3A_1632 : vector<1x16xf32> to vector<16xf32>
        %add3A_1634 = arith.addf %scan3A_1562, %get3A_1633 : vector<16xf32>
        %mul3A_1635 = arith.constant 2 : i32
        %mul3A_1636 = arith.muli %mul3A_1635, %scan3A_1558 : i32
        %add3A_1637 = arith.constant 0 : i32
        %add3A_1638 = arith.addi %add3A_1637, %mul3A_1636 : i32
        %add3A_1639 = arith.constant 1 : i32
        %add3A_1640 = arith.addi %add3A_1638, %add3A_1639 : i32
        %get3A_1641 = arith.index_cast %add3A_1640 : i32 to index
        %get3A_1642 = arith.constant 48 : index
        %get3A_1643 = tpu.vector_load %arg6[%get3A_1641, %get3A_1642] {strides = array<i32>} : memref<400x128xf32, #tpu.memory_space<vmem>>, vector<1x16xf32>,
        %get3A_1644 = vector.shape_cast %get3A_1643 : vector<1x16xf32> to vector<16xf32>
        %add3A_1645 = arith.addf %add3A_1634, %get3A_1644 : vector<16xf32>
        %mul3A_1646 = arith.constant 2 : i32
        %mul3A_1647 = arith.muli %mul3A_1646, %scan3A_1558 : i32
        %add3A_1648 = arith.constant 0 : i32
        %add3A_1649 = arith.addi %add3A_1648, %mul3A_1647 : i32
        %get3A_1650 = arith.index_cast %add3A_1649 : i32 to index
        %get3A_1651 = arith.constant 64 : index
        %get3A_1652 = tpu.vector_load %arg6[%get3A_1650, %get3A_1651] {strides = array<i32>} : memref<400x128xf32, #tpu.memory_space<vmem>>, vector<1x16xf32>,
        %get3A_1653 = vector.shape_cast %get3A_1652 : vector<1x16xf32> to vector<16xf32>
        %add3A_1654 = arith.addf %scan3A_1563, %get3A_1653 : vector<16xf32>
        %mul3A_1655 = arith.constant 2 : i32
        %mul3A_1656 = arith.muli %mul3A_1655, %scan3A_1558 : i32
        %add3A_1657 = arith.constant 0 : i32
        %add3A_1658 = arith.addi %add3A_1657, %mul3A_1656 : i32
        %add3A_1659 = arith.constant 1 : i32
        %add3A_1660 = arith.addi %add3A_1658, %add3A_1659 : i32
        %get3A_1661 = arith.index_cast %add3A_1660 : i32 to index
        %get3A_1662 = arith.constant 64 : index
        %get3A_1663 = tpu.vector_load %arg6[%get3A_1661, %get3A_1662] {strides = array<i32>} : memref<400x128xf32, #tpu.memory_space<vmem>>, vector<1x16xf32>,
        %get3A_1664 = vector.shape_cast %get3A_1663 : vector<1x16xf32> to vector<16xf32>
        %add3A_1665 = arith.addf %add3A_1654, %get3A_1664 : vector<16xf32>
        %mul3A_1666 = arith.constant 2 : i32
        %mul3A_1667 = arith.muli %mul3A_1666, %scan3A_1558 : i32
        %add3A_1668 = arith.constant 0 : i32
        %add3A_1669 = arith.addi %add3A_1668, %mul3A_1667 : i32
        %get3A_1670 = arith.index_cast %add3A_1669 : i32 to index
        %get3A_1671 = arith.constant 80 : index
        %get3A_1672 = tpu.vector_load %arg6[%get3A_1670, %get3A_1671] {strides = array<i32>} : memref<400x128xf32, #tpu.memory_space<vmem>>, vector<1x16xf32>,
        %get3A_1673 = vector.shape_cast %get3A_1672 : vector<1x16xf32> to vector<16xf32>
        %add3A_1674 = arith.addf %scan3A_1564, %get3A_1673 : vector<16xf32>
        %mul3A_1675 = arith.constant 2 : i32
        %mul3A_1676 = arith.muli %mul3A_1675, %scan3A_1558 : i32
        %add3A_1677 = arith.constant 0 : i32
        %add3A_1678 = arith.addi %add3A_1677, %mul3A_1676 : i32
        %add3A_1679 = arith.constant 1 : i32
        %add3A_1680 = arith.addi %add3A_1678, %add3A_1679 : i32
        %get3A_1681 = arith.index_cast %add3A_1680 : i32 to index
        %get3A_1682 = arith.constant 80 : index
        %get3A_1683 = tpu.vector_load %arg6[%get3A_1681, %get3A_1682] {strides = array<i32>} : memref<400x128xf32, #tpu.memory_space<vmem>>, vector<1x16xf32>,
        %get3A_1684 = vector.shape_cast %get3A_1683 : vector<1x16xf32> to vector<16xf32>
        %add3A_1685 = arith.addf %add3A_1674, %get3A_1684 : vector<16xf32>
        %mul3A_1686 = arith.constant 2 : i32
        %mul3A_1687 = arith.muli %mul3A_1686, %scan3A_1558 : i32
        %add3A_1688 = arith.constant 0 : i32
        %add3A_1689 = arith.addi %add3A_1688, %mul3A_1687 : i32
        %get3A_1690 = arith.index_cast %add3A_1689 : i32 to index
        %get3A_1691 = arith.constant 96 : index
        %get3A_1692 = tpu.vector_load %arg6[%get3A_1690, %get3A_1691] {strides = array<i32>} : memref<400x128xf32, #tpu.memory_space<vmem>>, vector<1x16xf32>,
        %get3A_1693 = vector.shape_cast %get3A_1692 : vector<1x16xf32> to vector<16xf32>
        %add3A_1694 = arith.addf %scan3A_1565, %get3A_1693 : vector<16xf32>
        %mul3A_1695 = arith.constant 2 : i32
        %mul3A_1696 = arith.muli %mul3A_1695, %scan3A_1558 : i32
        %add3A_1697 = arith.constant 0 : i32
        %add3A_1698 = arith.addi %add3A_1697, %mul3A_1696 : i32
        %add3A_1699 = arith.constant 1 : i32
        %add3A_1700 = arith.addi %add3A_1698, %add3A_1699 : i32
        %get3A_1701 = arith.index_cast %add3A_1700 : i32 to index
        %get3A_1702 = arith.constant 96 : index
        %get3A_1703 = tpu.vector_load %arg6[%get3A_1701, %get3A_1702] {strides = array<i32>} : memref<400x128xf32, #tpu.memory_space<vmem>>, vector<1x16xf32>,
        %get3A_1704 = vector.shape_cast %get3A_1703 : vector<1x16xf32> to vector<16xf32>
        %add3A_1705 = arith.addf %add3A_1694, %get3A_1704 : vector<16xf32>
        %mul3A_1706 = arith.constant 2 : i32
        %mul3A_1707 = arith.muli %mul3A_1706, %scan3A_1558 : i32
        %add3A_1708 = arith.constant 0 : i32
        %add3A_1709 = arith.addi %add3A_1708, %mul3A_1707 : i32
        %get3A_1710 = arith.index_cast %add3A_1709 : i32 to index
        %get3A_1711 = arith.constant 112 : index
        %get3A_1712 = tpu.vector_load %arg6[%get3A_1710, %get3A_1711] {strides = array<i32>} : memref<400x128xf32, #tpu.memory_space<vmem>>, vector<1x16xf32>,
        %get3A_1713 = vector.shape_cast %get3A_1712 : vector<1x16xf32> to vector<16xf32>
        %add3A_1714 = arith.addf %scan3A_1566, %get3A_1713 : vector<16xf32>
        %mul3A_1715 = arith.constant 2 : i32
        %mul3A_1716 = arith.muli %mul3A_1715, %scan3A_1558 : i32
        %add3A_1717 = arith.constant 0 : i32
        %add3A_1718 = arith.addi %add3A_1717, %mul3A_1716 : i32
        %add3A_1719 = arith.constant 1 : i32
        %add3A_1720 = arith.addi %add3A_1718, %add3A_1719 : i32
        %get3A_1721 = arith.index_cast %add3A_1720 : i32 to index
        %get3A_1722 = arith.constant 112 : index
        %get3A_1723 = tpu.vector_load %arg6[%get3A_1721, %get3A_1722] {strides = array<i32>} : memref<400x128xf32, #tpu.memory_space<vmem>>, vector<1x16xf32>,
        %get3A_1724 = vector.shape_cast %get3A_1723 : vector<1x16xf32> to vector<16xf32>
        %add3A_1725 = arith.addf %add3A_1714, %get3A_1724 : vector<16xf32>
        scf.yield %add3A_1585, %add3A_1605, %add3A_1625, %add3A_1645, %add3A_1665, %add3A_1685, %add3A_1705, %add3A_1725 : vector<16xf32>, vector<16xf32>, vector<16xf32>, vector<16xf32>, vector<16xf32>, vector<16xf32>, vector<16xf32>, vector<16xf32>
      }
      %scan3A_54 = arith.constant 25 : i32
      %mul3A_55 = arith.constant 2.000000e-02 : f32
      %mul3A_56 = vector.broadcast %mul3A_55 : f32 to vector<16xf32>
      %mul3A_57 = arith.mulf %scan3A_53#0, %mul3A_56 : vector<16xf32>
      %swap3A = arith.constant 0 : i32
      %swap3A_58 = arith.index_cast %swap3A : i32 to index
      %swap3A_59 = arith.constant 0 : index
      %swap3A_60 = tpu.vector_load %arg8[%swap3A_58, %swap3A_59] {strides = array<i32>} : memref<8x128xf32, #tpu.memory_space<vmem>>, vector<1x16xf32>,
      %swap3A_61 = vector.shape_cast %swap3A_60 : vector<1x16xf32> to vector<16xf32>
      %swap3A_62 = vector.shape_cast %mul3A_57 : vector<16xf32> to vector<1x16xf32>
      tpu.vector_store %arg8[%swap3A_58, %swap3A_59], %swap3A_62 {strides = array<i32>} : memref<8x128xf32, #tpu.memory_space<vmem>>, vector<1x16xf32>,
      %mul3A_63 = arith.constant 2.000000e-02 : f32
      %mul3A_64 = vector.broadcast %mul3A_63 : f32 to vector<16xf32>
      %mul3A_65 = arith.mulf %scan3A_53#1, %mul3A_64 : vector<16xf32>
      %swap3A_66 = arith.constant 0 : i32
      %swap3A_67 = arith.index_cast %swap3A_66 : i32 to index
      %swap3A_68 = arith.constant 16 : index
      %swap3A_69 = tpu.vector_load %arg8[%swap3A_67, %swap3A_68] {strides = array<i32>} : memref<8x128xf32, #tpu.memory_space<vmem>>, vector<1x16xf32>,
      %swap3A_70 = vector.shape_cast %swap3A_69 : vector<1x16xf32> to vector<16xf32>
      %swap3A_71 = vector.shape_cast %mul3A_65 : vector<16xf32> to vector<1x16xf32>
      tpu.vector_store %arg8[%swap3A_67, %swap3A_68], %swap3A_71 {strides = array<i32>} : memref<8x128xf32, #tpu.memory_space<vmem>>, vector<1x16xf32>,
      %mul3A_72 = arith.constant 2.000000e-02 : f32
      %mul3A_73 = vector.broadcast %mul3A_72 : f32 to vector<16xf32>
      %mul3A_74 = arith.mulf %scan3A_53#2, %mul3A_73 : vector<16xf32>
      %swap3A_75 = arith.constant 0 : i32
      %swap3A_76 = arith.index_cast %swap3A_75 : i32 to index
      %swap3A_77 = arith.constant 32 : index
      %swap3A_78 = tpu.vector_load %arg8[%swap3A_76, %swap3A_77] {strides = array<i32>} : memref<8x128xf32, #tpu.memory_space<vmem>>, vector<1x16xf32>,
      %swap3A_79 = vector.shape_cast %swap3A_78 : vector<1x16xf32> to vector<16xf32>
      %swap3A_80 = vector.shape_cast %mul3A_74 : vector<16xf32> to vector<1x16xf32>
      tpu.vector_store %arg8[%swap3A_76, %swap3A_77], %swap3A_80 {strides = array<i32>} : memref<8x128xf32, #tpu.memory_space<vmem>>, vector<1x16xf32>,
      %mul3A_81 = arith.constant 2.000000e-02 : f32
      %mul3A_82 = vector.broadcast %mul3A_81 : f32 to vector<16xf32>
      %mul3A_83 = arith.mulf %scan3A_53#3, %mul3A_82 : vector<16xf32>
      %swap3A_84 = arith.constant 0 : i32
      %swap3A_85 = arith.index_cast %swap3A_84 : i32 to index
      %swap3A_86 = arith.constant 48 : index
      %swap3A_87 = tpu.vector_load %arg8[%swap3A_85, %swap3A_86] {strides = array<i32>} : memref<8x128xf32, #tpu.memory_space<vmem>>, vector<1x16xf32>,
      %swap3A_88 = vector.shape_cast %swap3A_87 : vector<1x16xf32> to vector<16xf32>
      %swap3A_89 = vector.shape_cast %mul3A_83 : vector<16xf32> to vector<1x16xf32>
      tpu.vector_store %arg8[%swap3A_85, %swap3A_86], %swap3A_89 {strides = array<i32>} : memref<8x128xf32, #tpu.memory_space<vmem>>, vector<1x16xf32>,
      %mul3A_90 = arith.constant 2.000000e-02 : f32
      %mul3A_91 = vector.broadcast %mul3A_90 : f32 to vector<16xf32>
      %mul3A_92 = arith.mulf %scan3A_53#4, %mul3A_91 : vector<16xf32>
      %swap3A_93 = arith.constant 0 : i32
      %swap3A_94 = arith.index_cast %swap3A_93 : i32 to index
      %swap3A_95 = arith.constant 64 : index
      %swap3A_96 = tpu.vector_load %arg8[%swap3A_94, %swap3A_95] {strides = array<i32>} : memref<8x128xf32, #tpu.memory_space<vmem>>, vector<1x16xf32>,
      %swap3A_97 = vector.shape_cast %swap3A_96 : vector<1x16xf32> to vector<16xf32>
      %swap3A_98 = vector.shape_cast %mul3A_92 : vector<16xf32> to vector<1x16xf32>
      tpu.vector_store %arg8[%swap3A_94, %swap3A_95], %swap3A_98 {strides = array<i32>} : memref<8x128xf32, #tpu.memory_space<vmem>>, vector<1x16xf32>,
      %mul3A_99 = arith.constant 2.000000e-02 : f32
      %mul3A_100 = vector.broadcast %mul3A_99 : f32 to vector<16xf32>
      %mul3A_101 = arith.mulf %scan3A_53#5, %mul3A_100 : vector<16xf32>
      %swap3A_102 = arith.constant 0 : i32
      %swap3A_103 = arith.index_cast %swap3A_102 : i32 to index
      %swap3A_104 = arith.constant 80 : index
      %swap3A_105 = tpu.vector_load %arg8[%swap3A_103, %swap3A_104] {strides = array<i32>} : memref<8x128xf32, #tpu.memory_space<vmem>>, vector<1x16xf32>,
      %swap3A_106 = vector.shape_cast %swap3A_105 : vector<1x16xf32> to vector<16xf32>
      %swap3A_107 = vector.shape_cast %mul3A_101 : vector<16xf32> to vector<1x16xf32>
      tpu.vector_store %arg8[%swap3A_103, %swap3A_104], %swap3A_107 {strides = array<i32>} : memref<8x128xf32, #tpu.memory_space<vmem>>, vector<1x16xf32>,
      %mul3A_108 = arith.constant 2.000000e-02 : f32
      %mul3A_109 = vector.broadcast %mul3A_108 : f32 to vector<16xf32>
      %mul3A_110 = arith.mulf %scan3A_53#6, %mul3A_109 : vector<16xf32>
      %swap3A_111 = arith.constant 0 : i32
      %swap3A_112 = arith.index_cast %swap3A_111 : i32 to index
      %swap3A_113 = arith.constant 96 : index
      %swap3A_114 = tpu.vector_load %arg8[%swap3A_112, %swap3A_113] {strides = array<i32>} : memref<8x128xf32, #tpu.memory_space<vmem>>, vector<1x16xf32>,
      %swap3A_115 = vector.shape_cast %swap3A_114 : vector<1x16xf32> to vector<16xf32>
      %swap3A_116 = vector.shape_cast %mul3A_110 : vector<16xf32> to vector<1x16xf32>
      tpu.vector_store %arg8[%swap3A_112, %swap3A_113], %swap3A_116 {strides = array<i32>} : memref<8x128xf32, #tpu.memory_space<vmem>>, vector<1x16xf32>,
      %mul3A_117 = arith.constant 2.000000e-02 : f32
      %mul3A_118 = vector.broadcast %mul3A_117 : f32 to vector<16xf32>
      %mul3A_119 = arith.mulf %scan3A_53#7, %mul3A_118 : vector<16xf32>
      %swap3A_120 = arith.constant 0 : i32
      %swap3A_121 = arith.index_cast %swap3A_120 : i32 to index
      %swap3A_122 = arith.constant 112 : index
      %swap3A_123 = tpu.vector_load %arg8[%swap3A_121, %swap3A_122] {strides = array<i32>} : memref<8x128xf32, #tpu.memory_space<vmem>>, vector<1x16xf32>,
      %swap3A_124 = vector.shape_cast %swap3A_123 : vector<1x16xf32> to vector<16xf32>
      %swap3A_125 = vector.shape_cast %mul3A_119 : vector<16xf32> to vector<1x16xf32>
      tpu.vector_store %arg8[%swap3A_121, %swap3A_122], %swap3A_125 {strides = array<i32>} : memref<8x128xf32, #tpu.memory_space<vmem>>, vector<1x16xf32>,
      %broadcast_in_dim3A_126 = arith.constant 0.000000e+00 : f32
      %broadcast_in_dim3A_127 = vector.broadcast %broadcast_in_dim3A_126 : f32 to vector<16xf32>
      %broadcast_in_dim3A_128 = arith.constant 0.000000e+00 : f32
      %broadcast_in_dim3A_129 = vector.broadcast %broadcast_in_dim3A_128 : f32 to vector<16xf32>
      %broadcast_in_dim3A_130 = arith.constant 0.000000e+00 : f32
      %broadcast_in_dim3A_131 = vector.broadcast %broadcast_in_dim3A_130 : f32 to vector<16xf32>
      %broadcast_in_dim3A_132 = arith.constant 0.000000e+00 : f32
      %broadcast_in_dim3A_133 = vector.broadcast %broadcast_in_dim3A_132 : f32 to vector<16xf32>
      %broadcast_in_dim3A_134 = arith.constant 0.000000e+00 : f32
      %broadcast_in_dim3A_135 = vector.broadcast %broadcast_in_dim3A_134 : f32 to vector<16xf32>
      %broadcast_in_dim3A_136 = arith.constant 0.000000e+00 : f32
      %broadcast_in_dim3A_137 = vector.broadcast %broadcast_in_dim3A_136 : f32 to vector<16xf32>
      %broadcast_in_dim3A_138 = arith.constant 0.000000e+00 : f32
      %broadcast_in_dim3A_139 = vector.broadcast %broadcast_in_dim3A_138 : f32 to vector<16xf32>
      %broadcast_in_dim3A_140 = arith.constant 0.000000e+00 : f32
      %broadcast_in_dim3A_141 = vector.broadcast %broadcast_in_dim3A_140 : f32 to vector<16xf32>
      %scan3A_142 = arith.constant 0 : i32
      %scan3A_143 = arith.constant 25 : i32
      %scan3A_144 = arith.addi %scan3A_142, %scan3A_143 : i32
      %scan3A_145 = arith.constant 1 : i32
      %scan3A_146:8 = scf.for %scan3A_1558 = %scan3A_142 to %scan3A_144 step %scan3A_145 iter_args(%scan3A_1559 = %broadcast_in_dim3A_127, %scan3A_1560 = %broadcast_in_dim3A_129, %scan3A_1561 = %broadcast_in_dim3A_131, %scan3A_1562 = %broadcast_in_dim3A_133, %scan3A_1563 = %broadcast_in_dim3A_135, %scan3A_1564 = %broadcast_in_dim3A_137, %scan3A_1565 = %broadcast_in_dim3A_139, %scan3A_1566 = %broadcast_in_dim3A_141) -> (vector<16xf32>, vector<16xf32>, vector<16xf32>, vector<16xf32>, vector<16xf32>, vector<16xf32>, vector<16xf32>, vector<16xf32>)  : i32 {
        %mul3A_1567 = arith.constant 2 : i32
        %mul3A_1568 = arith.muli %mul3A_1567, %scan3A_1558 : i32
        %add3A_1569 = arith.constant 50 : i32
        %add3A_1570 = arith.addi %add3A_1569, %mul3A_1568 : i32
        %get3A = arith.index_cast %add3A_1570 : i32 to index
        %get3A_1571 = arith.constant 0 : index
        %get3A_1572 = tpu.vector_load %arg6[%get3A, %get3A_1571] {strides = array<i32>} : memref<400x128xf32, #tpu.memory_space<vmem>>, vector<1x16xf32>,
        %get3A_1573 = vector.shape_cast %get3A_1572 : vector<1x16xf32> to vector<16xf32>
        %add3A_1574 = arith.addf %scan3A_1559, %get3A_1573 : vector<16xf32>
        %mul3A_1575 = arith.constant 2 : i32
        %mul3A_1576 = arith.muli %mul3A_1575, %scan3A_1558 : i32
        %add3A_1577 = arith.constant 50 : i32
        %add3A_1578 = arith.addi %add3A_1577, %mul3A_1576 : i32
        %add3A_1579 = arith.constant 1 : i32
        %add3A_1580 = arith.addi %add3A_1578, %add3A_1579 : i32
        %get3A_1581 = arith.index_cast %add3A_1580 : i32 to index
        %get3A_1582 = arith.constant 0 : index
        %get3A_1583 = tpu.vector_load %arg6[%get3A_1581, %get3A_1582] {strides = array<i32>} : memref<400x128xf32, #tpu.memory_space<vmem>>, vector<1x16xf32>,
        %get3A_1584 = vector.shape_cast %get3A_1583 : vector<1x16xf32> to vector<16xf32>
        %add3A_1585 = arith.addf %add3A_1574, %get3A_1584 : vector<16xf32>
        %mul3A_1586 = arith.constant 2 : i32
        %mul3A_1587 = arith.muli %mul3A_1586, %scan3A_1558 : i32
        %add3A_1588 = arith.constant 50 : i32
        %add3A_1589 = arith.addi %add3A_1588, %mul3A_1587 : i32
        %get3A_1590 = arith.index_cast %add3A_1589 : i32 to index
        %get3A_1591 = arith.constant 16 : index
        %get3A_1592 = tpu.vector_load %arg6[%get3A_1590, %get3A_1591] {strides = array<i32>} : memref<400x128xf32, #tpu.memory_space<vmem>>, vector<1x16xf32>,
        %get3A_1593 = vector.shape_cast %get3A_1592 : vector<1x16xf32> to vector<16xf32>
        %add3A_1594 = arith.addf %scan3A_1560, %get3A_1593 : vector<16xf32>
        %mul3A_1595 = arith.constant 2 : i32
        %mul3A_1596 = arith.muli %mul3A_1595, %scan3A_1558 : i32
        %add3A_1597 = arith.constant 50 : i32
        %add3A_1598 = arith.addi %add3A_1597, %mul3A_1596 : i32
        %add3A_1599 = arith.constant 1 : i32
        %add3A_1600 = arith.addi %add3A_1598, %add3A_1599 : i32
        %get3A_1601 = arith.index_cast %add3A_1600 : i32 to index
        %get3A_1602 = arith.constant 16 : index
        %get3A_1603 = tpu.vector_load %arg6[%get3A_1601, %get3A_1602] {strides = array<i32>} : memref<400x128xf32, #tpu.memory_space<vmem>>, vector<1x16xf32>,
        %get3A_1604 = vector.shape_cast %get3A_1603 : vector<1x16xf32> to vector<16xf32>
        %add3A_1605 = arith.addf %add3A_1594, %get3A_1604 : vector<16xf32>
        %mul3A_1606 = arith.constant 2 : i32
        %mul3A_1607 = arith.muli %mul3A_1606, %scan3A_1558 : i32
        %add3A_1608 = arith.constant 50 : i32
        %add3A_1609 = arith.addi %add3A_1608, %mul3A_1607 : i32
        %get3A_1610 = arith.index_cast %add3A_1609 : i32 to index
        %get3A_1611 = arith.constant 32 : index
        %get3A_1612 = tpu.vector_load %arg6[%get3A_1610, %get3A_1611] {strides = array<i32>} : memref<400x128xf32, #tpu.memory_space<vmem>>, vector<1x16xf32>,
        %get3A_1613 = vector.shape_cast %get3A_1612 : vector<1x16xf32> to vector<16xf32>
        %add3A_1614 = arith.addf %scan3A_1561, %get3A_1613 : vector<16xf32>
        %mul3A_1615 = arith.constant 2 : i32
        %mul3A_1616 = arith.muli %mul3A_1615, %scan3A_1558 : i32
        %add3A_1617 = arith.constant 50 : i32
        %add3A_1618 = arith.addi %add3A_1617, %mul3A_1616 : i32
        %add3A_1619 = arith.constant 1 : i32
        %add3A_1620 = arith.addi %add3A_1618, %add3A_1619 : i32
        %get3A_1621 = arith.index_cast %add3A_1620 : i32 to index
        %get3A_1622 = arith.constant 32 : index
        %get3A_1623 = tpu.vector_load %arg6[%get3A_1621, %get3A_1622] {strides = array<i32>} : memref<400x128xf32, #tpu.memory_space<vmem>>, vector<1x16xf32>,
        %get3A_1624 = vector.shape_cast %get3A_1623 : vector<1x16xf32> to vector<16xf32>
        %add3A_1625 = arith.addf %add3A_1614, %get3A_1624 : vector<16xf32>
        %mul3A_1626 = arith.constant 2 : i32
        %mul3A_1627 = arith.muli %mul3A_1626, %scan3A_1558 : i32
        %add3A_1628 = arith.constant 50 : i32
        %add3A_1629 = arith.addi %add3A_1628, %mul3A_1627 : i32
        %get3A_1630 = arith.index_cast %add3A_1629 : i32 to index
        %get3A_1631 = arith.constant 48 : index
        %get3A_1632 = tpu.vector_load %arg6[%get3A_1630, %get3A_1631] {strides = array<i32>} : memref<400x128xf32, #tpu.memory_space<vmem>>, vector<1x16xf32>,
        %get3A_1633 = vector.shape_cast %get3A_1632 : vector<1x16xf32> to vector<16xf32>
        %add3A_1634 = arith.addf %scan3A_1562, %get3A_1633 : vector<16xf32>
        %mul3A_1635 = arith.constant 2 : i32
        %mul3A_1636 = arith.muli %mul3A_1635, %scan3A_1558 : i32
        %add3A_1637 = arith.constant 50 : i32
        %add3A_1638 = arith.addi %add3A_1637, %mul3A_1636 : i32
        %add3A_1639 = arith.constant 1 : i32
        %add3A_1640 = arith.addi %add3A_1638, %add3A_1639 : i32
        %get3A_1641 = arith.index_cast %add3A_1640 : i32 to index
        %get3A_1642 = arith.constant 48 : index
        %get3A_1643 = tpu.vector_load %arg6[%get3A_1641, %get3A_1642] {strides = array<i32>} : memref<400x128xf32, #tpu.memory_space<vmem>>, vector<1x16xf32>,
        %get3A_1644 = vector.shape_cast %get3A_1643 : vector<1x16xf32> to vector<16xf32>
        %add3A_1645 = arith.addf %add3A_1634, %get3A_1644 : vector<16xf32>
        %mul3A_1646 = arith.constant 2 : i32
        %mul3A_1647 = arith.muli %mul3A_1646, %scan3A_1558 : i32
        %add3A_1648 = arith.constant 50 : i32
        %add3A_1649 = arith.addi %add3A_1648, %mul3A_1647 : i32
        %get3A_1650 = arith.index_cast %add3A_1649 : i32 to index
        %get3A_1651 = arith.constant 64 : index
        %get3A_1652 = tpu.vector_load %arg6[%get3A_1650, %get3A_1651] {strides = array<i32>} : memref<400x128xf32, #tpu.memory_space<vmem>>, vector<1x16xf32>,
        %get3A_1653 = vector.shape_cast %get3A_1652 : vector<1x16xf32> to vector<16xf32>
        %add3A_1654 = arith.addf %scan3A_1563, %get3A_1653 : vector<16xf32>
        %mul3A_1655 = arith.constant 2 : i32
        %mul3A_1656 = arith.muli %mul3A_1655, %scan3A_1558 : i32
        %add3A_1657 = arith.constant 50 : i32
        %add3A_1658 = arith.addi %add3A_1657, %mul3A_1656 : i32
        %add3A_1659 = arith.constant 1 : i32
        %add3A_1660 = arith.addi %add3A_1658, %add3A_1659 : i32
        %get3A_1661 = arith.index_cast %add3A_1660 : i32 to index
        %get3A_1662 = arith.constant 64 : index
        %get3A_1663 = tpu.vector_load %arg6[%get3A_1661, %get3A_1662] {strides = array<i32>} : memref<400x128xf32, #tpu.memory_space<vmem>>, vector<1x16xf32>,
        %get3A_1664 = vector.shape_cast %get3A_1663 : vector<1x16xf32> to vector<16xf32>
        %add3A_1665 = arith.addf %add3A_1654, %get3A_1664 : vector<16xf32>
        %mul3A_1666 = arith.constant 2 : i32
        %mul3A_1667 = arith.muli %mul3A_1666, %scan3A_1558 : i32
        %add3A_1668 = arith.constant 50 : i32
        %add3A_1669 = arith.addi %add3A_1668, %mul3A_1667 : i32
        %get3A_1670 = arith.index_cast %add3A_1669 : i32 to index
        %get3A_1671 = arith.constant 80 : index
        %get3A_1672 = tpu.vector_load %arg6[%get3A_1670, %get3A_1671] {strides = array<i32>} : memref<400x128xf32, #tpu.memory_space<vmem>>, vector<1x16xf32>,
        %get3A_1673 = vector.shape_cast %get3A_1672 : vector<1x16xf32> to vector<16xf32>
        %add3A_1674 = arith.addf %scan3A_1564, %get3A_1673 : vector<16xf32>
        %mul3A_1675 = arith.constant 2 : i32
        %mul3A_1676 = arith.muli %mul3A_1675, %scan3A_1558 : i32
        %add3A_1677 = arith.constant 50 : i32
        %add3A_1678 = arith.addi %add3A_1677, %mul3A_1676 : i32
        %add3A_1679 = arith.constant 1 : i32
        %add3A_1680 = arith.addi %add3A_1678, %add3A_1679 : i32
        %get3A_1681 = arith.index_cast %add3A_1680 : i32 to index
        %get3A_1682 = arith.constant 80 : index
        %get3A_1683 = tpu.vector_load %arg6[%get3A_1681, %get3A_1682] {strides = array<i32>} : memref<400x128xf32, #tpu.memory_space<vmem>>, vector<1x16xf32>,
        %get3A_1684 = vector.shape_cast %get3A_1683 : vector<1x16xf32> to vector<16xf32>
        %add3A_1685 = arith.addf %add3A_1674, %get3A_1684 : vector<16xf32>
        %mul3A_1686 = arith.constant 2 : i32
        %mul3A_1687 = arith.muli %mul3A_1686, %scan3A_1558 : i32
        %add3A_1688 = arith.constant 50 : i32
        %add3A_1689 = arith.addi %add3A_1688, %mul3A_1687 : i32
        %get3A_1690 = arith.index_cast %add3A_1689 : i32 to index
        %get3A_1691 = arith.constant 96 : index
        %get3A_1692 = tpu.vector_load %arg6[%get3A_1690, %get3A_1691] {strides = array<i32>} : memref<400x128xf32, #tpu.memory_space<vmem>>, vector<1x16xf32>,
        %get3A_1693 = vector.shape_cast %get3A_1692 : vector<1x16xf32> to vector<16xf32>
        %add3A_1694 = arith.addf %scan3A_1565, %get3A_1693 : vector<16xf32>
        %mul3A_1695 = arith.constant 2 : i32
        %mul3A_1696 = arith.muli %mul3A_1695, %scan3A_1558 : i32
        %add3A_1697 = arith.constant 50 : i32
        %add3A_1698 = arith.addi %add3A_1697, %mul3A_1696 : i32
        %add3A_1699 = arith.constant 1 : i32
        %add3A_1700 = arith.addi %add3A_1698, %add3A_1699 : i32
        %get3A_1701 = arith.index_cast %add3A_1700 : i32 to index
        %get3A_1702 = arith.constant 96 : index
        %get3A_1703 = tpu.vector_load %arg6[%get3A_1701, %get3A_1702] {strides = array<i32>} : memref<400x128xf32, #tpu.memory_space<vmem>>, vector<1x16xf32>,
        %get3A_1704 = vector.shape_cast %get3A_1703 : vector<1x16xf32> to vector<16xf32>
        %add3A_1705 = arith.addf %add3A_1694, %get3A_1704 : vector<16xf32>
        %mul3A_1706 = arith.constant 2 : i32
        %mul3A_1707 = arith.muli %mul3A_1706, %scan3A_1558 : i32
        %add3A_1708 = arith.constant 50 : i32
        %add3A_1709 = arith.addi %add3A_1708, %mul3A_1707 : i32
        %get3A_1710 = arith.index_cast %add3A_1709 : i32 to index
        %get3A_1711 = arith.constant 112 : index
        %get3A_1712 = tpu.vector_load %arg6[%get3A_1710, %get3A_1711] {strides = array<i32>} : memref<400x128xf32, #tpu.memory_space<vmem>>, vector<1x16xf32>,
        %get3A_1713 = vector.shape_cast %get3A_1712 : vector<1x16xf32> to vector<16xf32>
        %add3A_1714 = arith.addf %scan3A_1566, %get3A_1713 : vector<16xf32>
        %mul3A_1715 = arith.constant 2 : i32
        %mul3A_1716 = arith.muli %mul3A_1715, %scan3A_1558 : i32
        %add3A_1717 = arith.constant 50 : i32
        %add3A_1718 = arith.addi %add3A_1717, %mul3A_1716 : i32
        %add3A_1719 = arith.constant 1 : i32
        %add3A_1720 = arith.addi %add3A_1718, %add3A_1719 : i32
        %get3A_1721 = arith.index_cast %add3A_1720 : i32 to index
        %get3A_1722 = arith.constant 112 : index
        %get3A_1723 = tpu.vector_load %arg6[%get3A_1721, %get3A_1722] {strides = array<i32>} : memref<400x128xf32, #tpu.memory_space<vmem>>, vector<1x16xf32>,
        %get3A_1724 = vector.shape_cast %get3A_1723 : vector<1x16xf32> to vector<16xf32>
        %add3A_1725 = arith.addf %add3A_1714, %get3A_1724 : vector<16xf32>
        scf.yield %add3A_1585, %add3A_1605, %add3A_1625, %add3A_1645, %add3A_1665, %add3A_1685, %add3A_1705, %add3A_1725 : vector<16xf32>, vector<16xf32>, vector<16xf32>, vector<16xf32>, vector<16xf32>, vector<16xf32>, vector<16xf32>, vector<16xf32>
      }
      %scan3A_147 = arith.constant 25 : i32
      %mul3A_148 = arith.constant 2.000000e-02 : f32
      %mul3A_149 = vector.broadcast %mul3A_148 : f32 to vector<16xf32>
      %mul3A_150 = arith.mulf %scan3A_146#0, %mul3A_149 : vector<16xf32>
      %swap3A_151 = arith.constant 1 : i32
      %swap3A_152 = arith.index_cast %swap3A_151 : i32 to index
      %swap3A_153 = arith.constant 0 : index
      %swap3A_154 = tpu.vector_load %arg8[%swap3A_152, %swap3A_153] {strides = array<i32>} : memref<8x128xf32, #tpu.memory_space<vmem>>, vector<1x16xf32>,
      %swap3A_155 = vector.shape_cast %swap3A_154 : vector<1x16xf32> to vector<16xf32>
      %swap3A_156 = vector.shape_cast %mul3A_150 : vector<16xf32> to vector<1x16xf32>
      tpu.vector_store %arg8[%swap3A_152, %swap3A_153], %swap3A_156 {strides = array<i32>} : memref<8x128xf32, #tpu.memory_space<vmem>>, vector<1x16xf32>,
      %mul3A_157 = arith.constant 2.000000e-02 : f32
      %mul3A_158 = vector.broadcast %mul3A_157 : f32 to vector<16xf32>
      %mul3A_159 = arith.mulf %scan3A_146#1, %mul3A_158 : vector<16xf32>
      %swap3A_160 = arith.constant 1 : i32
      %swap3A_161 = arith.index_cast %swap3A_160 : i32 to index
      %swap3A_162 = arith.constant 16 : index
      %swap3A_163 = tpu.vector_load %arg8[%swap3A_161, %swap3A_162] {strides = array<i32>} : memref<8x128xf32, #tpu.memory_space<vmem>>, vector<1x16xf32>,
      %swap3A_164 = vector.shape_cast %swap3A_163 : vector<1x16xf32> to vector<16xf32>
      %swap3A_165 = vector.shape_cast %mul3A_159 : vector<16xf32> to vector<1x16xf32>
      tpu.vector_store %arg8[%swap3A_161, %swap3A_162], %swap3A_165 {strides = array<i32>} : memref<8x128xf32, #tpu.memory_space<vmem>>, vector<1x16xf32>,
      %mul3A_166 = arith.constant 2.000000e-02 : f32
      %mul3A_167 = vector.broadcast %mul3A_166 : f32 to vector<16xf32>
      %mul3A_168 = arith.mulf %scan3A_146#2, %mul3A_167 : vector<16xf32>
      %swap3A_169 = arith.constant 1 : i32
      %swap3A_170 = arith.index_cast %swap3A_169 : i32 to index
      %swap3A_171 = arith.constant 32 : index
      %swap3A_172 = tpu.vector_load %arg8[%swap3A_170, %swap3A_171] {strides = array<i32>} : memref<8x128xf32, #tpu.memory_space<vmem>>, vector<1x16xf32>,
      %swap3A_173 = vector.shape_cast %swap3A_172 : vector<1x16xf32> to vector<16xf32>
      %swap3A_174 = vector.shape_cast %mul3A_168 : vector<16xf32> to vector<1x16xf32>
      tpu.vector_store %arg8[%swap3A_170, %swap3A_171], %swap3A_174 {strides = array<i32>} : memref<8x128xf32, #tpu.memory_space<vmem>>, vector<1x16xf32>,
      %mul3A_175 = arith.constant 2.000000e-02 : f32
      %mul3A_176 = vector.broadcast %mul3A_175 : f32 to vector<16xf32>
      %mul3A_177 = arith.mulf %scan3A_146#3, %mul3A_176 : vector<16xf32>
      %swap3A_178 = arith.constant 1 : i32
      %swap3A_179 = arith.index_cast %swap3A_178 : i32 to index
      %swap3A_180 = arith.constant 48 : index
      %swap3A_181 = tpu.vector_load %arg8[%swap3A_179, %swap3A_180] {strides = array<i32>} : memref<8x128xf32, #tpu.memory_space<vmem>>, vector<1x16xf32>,
      %swap3A_182 = vector.shape_cast %swap3A_181 : vector<1x16xf32> to vector<16xf32>
      %swap3A_183 = vector.shape_cast %mul3A_177 : vector<16xf32> to vector<1x16xf32>
      tpu.vector_store %arg8[%swap3A_179, %swap3A_180], %swap3A_183 {strides = array<i32>} : memref<8x128xf32, #tpu.memory_space<vmem>>, vector<1x16xf32>,
      %mul3A_184 = arith.constant 2.000000e-02 : f32
      %mul3A_185 = vector.broadcast %mul3A_184 : f32 to vector<16xf32>
      %mul3A_186 = arith.mulf %scan3A_146#4, %mul3A_185 : vector<16xf32>
      %swap3A_187 = arith.constant 1 : i32
      %swap3A_188 = arith.index_cast %swap3A_187 : i32 to index
      %swap3A_189 = arith.constant 64 : index
      %swap3A_190 = tpu.vector_load %arg8[%swap3A_188, %swap3A_189] {strides = array<i32>} : memref<8x128xf32, #tpu.memory_space<vmem>>, vector<1x16xf32>,
      %swap3A_191 = vector.shape_cast %swap3A_190 : vector<1x16xf32> to vector<16xf32>
      %swap3A_192 = vector.shape_cast %mul3A_186 : vector<16xf32> to vector<1x16xf32>
      tpu.vector_store %arg8[%swap3A_188, %swap3A_189], %swap3A_192 {strides = array<i32>} : memref<8x128xf32, #tpu.memory_space<vmem>>, vector<1x16xf32>,
      %mul3A_193 = arith.constant 2.000000e-02 : f32
      %mul3A_194 = vector.broadcast %mul3A_193 : f32 to vector<16xf32>
      %mul3A_195 = arith.mulf %scan3A_146#5, %mul3A_194 : vector<16xf32>
      %swap3A_196 = arith.constant 1 : i32
      %swap3A_197 = arith.index_cast %swap3A_196 : i32 to index
      %swap3A_198 = arith.constant 80 : index
      %swap3A_199 = tpu.vector_load %arg8[%swap3A_197, %swap3A_198] {strides = array<i32>} : memref<8x128xf32, #tpu.memory_space<vmem>>, vector<1x16xf32>,
      %swap3A_200 = vector.shape_cast %swap3A_199 : vector<1x16xf32> to vector<16xf32>
      %swap3A_201 = vector.shape_cast %mul3A_195 : vector<16xf32> to vector<1x16xf32>
      tpu.vector_store %arg8[%swap3A_197, %swap3A_198], %swap3A_201 {strides = array<i32>} : memref<8x128xf32, #tpu.memory_space<vmem>>, vector<1x16xf32>,
      %mul3A_202 = arith.constant 2.000000e-02 : f32
      %mul3A_203 = vector.broadcast %mul3A_202 : f32 to vector<16xf32>
      %mul3A_204 = arith.mulf %scan3A_146#6, %mul3A_203 : vector<16xf32>
      %swap3A_205 = arith.constant 1 : i32
      %swap3A_206 = arith.index_cast %swap3A_205 : i32 to index
      %swap3A_207 = arith.constant 96 : index
      %swap3A_208 = tpu.vector_load %arg8[%swap3A_206, %swap3A_207] {strides = array<i32>} : memref<8x128xf32, #tpu.memory_space<vmem>>, vector<1x16xf32>,
      %swap3A_209 = vector.shape_cast %swap3A_208 : vector<1x16xf32> to vector<16xf32>
      %swap3A_210 = vector.shape_cast %mul3A_204 : vector<16xf32> to vector<1x16xf32>
      tpu.vector_store %arg8[%swap3A_206, %swap3A_207], %swap3A_210 {strides = array<i32>} : memref<8x128xf32, #tpu.memory_space<vmem>>, vector<1x16xf32>,
      %mul3A_211 = arith.constant 2.000000e-02 : f32
      %mul3A_212 = vector.broadcast %mul3A_211 : f32 to vector<16xf32>
      %mul3A_213 = arith.mulf %scan3A_146#7, %mul3A_212 : vector<16xf32>
      %swap3A_214 = arith.constant 1 : i32
      %swap3A_215 = arith.index_cast %swap3A_214 : i32 to index
      %swap3A_216 = arith.constant 112 : index
      %swap3A_217 = tpu.vector_load %arg8[%swap3A_215, %swap3A_216] {strides = array<i32>} : memref<8x128xf32, #tpu.memory_space<vmem>>, vector<1x16xf32>,
      %swap3A_218 = vector.shape_cast %swap3A_217 : vector<1x16xf32> to vector<16xf32>
      %swap3A_219 = vector.shape_cast %mul3A_213 : vector<16xf32> to vector<1x16xf32>
      tpu.vector_store %arg8[%swap3A_215, %swap3A_216], %swap3A_219 {strides = array<i32>} : memref<8x128xf32, #tpu.memory_space<vmem>>, vector<1x16xf32>,
      %broadcast_in_dim3A_220 = arith.constant 0.000000e+00 : f32
      %broadcast_in_dim3A_221 = vector.broadcast %broadcast_in_dim3A_220 : f32 to vector<16xf32>
      %broadcast_in_dim3A_222 = arith.constant 0.000000e+00 : f32
      %broadcast_in_dim3A_223 = vector.broadcast %broadcast_in_dim3A_222 : f32 to vector<16xf32>
      %broadcast_in_dim3A_224 = arith.constant 0.000000e+00 : f32
      %broadcast_in_dim3A_225 = vector.broadcast %broadcast_in_dim3A_224 : f32 to vector<16xf32>
      %broadcast_in_dim3A_226 = arith.constant 0.000000e+00 : f32
      %broadcast_in_dim3A_227 = vector.broadcast %broadcast_in_dim3A_226 : f32 to vector<16xf32>
      %broadcast_in_dim3A_228 = arith.constant 0.000000e+00 : f32
      %broadcast_in_dim3A_229 = vector.broadcast %broadcast_in_dim3A_228 : f32 to vector<16xf32>
      %broadcast_in_dim3A_230 = arith.constant 0.000000e+00 : f32
      %broadcast_in_dim3A_231 = vector.broadcast %broadcast_in_dim3A_230 : f32 to vector<16xf32>
      %broadcast_in_dim3A_232 = arith.constant 0.000000e+00 : f32
      %broadcast_in_dim3A_233 = vector.broadcast %broadcast_in_dim3A_232 : f32 to vector<16xf32>
      %broadcast_in_dim3A_234 = arith.constant 0.000000e+00 : f32
      %broadcast_in_dim3A_235 = vector.broadcast %broadcast_in_dim3A_234 : f32 to vector<16xf32>
      %scan3A_236 = arith.constant 0 : i32
      %scan3A_237 = arith.constant 25 : i32
      %scan3A_238 = arith.addi %scan3A_236, %scan3A_237 : i32
      %scan3A_239 = arith.constant 1 : i32
      %scan3A_240:8 = scf.for %scan3A_1558 = %scan3A_236 to %scan3A_238 step %scan3A_239 iter_args(%scan3A_1559 = %broadcast_in_dim3A_221, %scan3A_1560 = %broadcast_in_dim3A_223, %scan3A_1561 = %broadcast_in_dim3A_225, %scan3A_1562 = %broadcast_in_dim3A_227, %scan3A_1563 = %broadcast_in_dim3A_229, %scan3A_1564 = %broadcast_in_dim3A_231, %scan3A_1565 = %broadcast_in_dim3A_233, %scan3A_1566 = %broadcast_in_dim3A_235) -> (vector<16xf32>, vector<16xf32>, vector<16xf32>, vector<16xf32>, vector<16xf32>, vector<16xf32>, vector<16xf32>, vector<16xf32>)  : i32 {
        %mul3A_1567 = arith.constant 2 : i32
        %mul3A_1568 = arith.muli %mul3A_1567, %scan3A_1558 : i32
        %add3A_1569 = arith.constant 100 : i32
        %add3A_1570 = arith.addi %add3A_1569, %mul3A_1568 : i32
        %get3A = arith.index_cast %add3A_1570 : i32 to index
        %get3A_1571 = arith.constant 0 : index
        %get3A_1572 = tpu.vector_load %arg6[%get3A, %get3A_1571] {strides = array<i32>} : memref<400x128xf32, #tpu.memory_space<vmem>>, vector<1x16xf32>,
        %get3A_1573 = vector.shape_cast %get3A_1572 : vector<1x16xf32> to vector<16xf32>
        %add3A_1574 = arith.addf %scan3A_1559, %get3A_1573 : vector<16xf32>
        %mul3A_1575 = arith.constant 2 : i32
        %mul3A_1576 = arith.muli %mul3A_1575, %scan3A_1558 : i32
        %add3A_1577 = arith.constant 100 : i32
        %add3A_1578 = arith.addi %add3A_1577, %mul3A_1576 : i32
        %add3A_1579 = arith.constant 1 : i32
        %add3A_1580 = arith.addi %add3A_1578, %add3A_1579 : i32
        %get3A_1581 = arith.index_cast %add3A_1580 : i32 to index
        %get3A_1582 = arith.constant 0 : index
        %get3A_1583 = tpu.vector_load %arg6[%get3A_1581, %get3A_1582] {strides = array<i32>} : memref<400x128xf32, #tpu.memory_space<vmem>>, vector<1x16xf32>,
        %get3A_1584 = vector.shape_cast %get3A_1583 : vector<1x16xf32> to vector<16xf32>
        %add3A_1585 = arith.addf %add3A_1574, %get3A_1584 : vector<16xf32>
        %mul3A_1586 = arith.constant 2 : i32
        %mul3A_1587 = arith.muli %mul3A_1586, %scan3A_1558 : i32
        %add3A_1588 = arith.constant 100 : i32
        %add3A_1589 = arith.addi %add3A_1588, %mul3A_1587 : i32
        %get3A_1590 = arith.index_cast %add3A_1589 : i32 to index
        %get3A_1591 = arith.constant 16 : index
        %get3A_1592 = tpu.vector_load %arg6[%get3A_1590, %get3A_1591] {strides = array<i32>} : memref<400x128xf32, #tpu.memory_space<vmem>>, vector<1x16xf32>,
        %get3A_1593 = vector.shape_cast %get3A_1592 : vector<1x16xf32> to vector<16xf32>
        %add3A_1594 = arith.addf %scan3A_1560, %get3A_1593 : vector<16xf32>
        %mul3A_1595 = arith.constant 2 : i32
        %mul3A_1596 = arith.muli %mul3A_1595, %scan3A_1558 : i32
        %add3A_1597 = arith.constant 100 : i32
        %add3A_1598 = arith.addi %add3A_1597, %mul3A_1596 : i32
        %add3A_1599 = arith.constant 1 : i32
        %add3A_1600 = arith.addi %add3A_1598, %add3A_1599 : i32
        %get3A_1601 = arith.index_cast %add3A_1600 : i32 to index
        %get3A_1602 = arith.constant 16 : index
        %get3A_1603 = tpu.vector_load %arg6[%get3A_1601, %get3A_1602] {strides = array<i32>} : memref<400x128xf32, #tpu.memory_space<vmem>>, vector<1x16xf32>,
        %get3A_1604 = vector.shape_cast %get3A_1603 : vector<1x16xf32> to vector<16xf32>
        %add3A_1605 = arith.addf %add3A_1594, %get3A_1604 : vector<16xf32>
        %mul3A_1606 = arith.constant 2 : i32
        %mul3A_1607 = arith.muli %mul3A_1606, %scan3A_1558 : i32
        %add3A_1608 = arith.constant 100 : i32
        %add3A_1609 = arith.addi %add3A_1608, %mul3A_1607 : i32
        %get3A_1610 = arith.index_cast %add3A_1609 : i32 to index
        %get3A_1611 = arith.constant 32 : index
        %get3A_1612 = tpu.vector_load %arg6[%get3A_1610, %get3A_1611] {strides = array<i32>} : memref<400x128xf32, #tpu.memory_space<vmem>>, vector<1x16xf32>,
        %get3A_1613 = vector.shape_cast %get3A_1612 : vector<1x16xf32> to vector<16xf32>
        %add3A_1614 = arith.addf %scan3A_1561, %get3A_1613 : vector<16xf32>
        %mul3A_1615 = arith.constant 2 : i32
        %mul3A_1616 = arith.muli %mul3A_1615, %scan3A_1558 : i32
        %add3A_1617 = arith.constant 100 : i32
        %add3A_1618 = arith.addi %add3A_1617, %mul3A_1616 : i32
        %add3A_1619 = arith.constant 1 : i32
        %add3A_1620 = arith.addi %add3A_1618, %add3A_1619 : i32
        %get3A_1621 = arith.index_cast %add3A_1620 : i32 to index
        %get3A_1622 = arith.constant 32 : index
        %get3A_1623 = tpu.vector_load %arg6[%get3A_1621, %get3A_1622] {strides = array<i32>} : memref<400x128xf32, #tpu.memory_space<vmem>>, vector<1x16xf32>,
        %get3A_1624 = vector.shape_cast %get3A_1623 : vector<1x16xf32> to vector<16xf32>
        %add3A_1625 = arith.addf %add3A_1614, %get3A_1624 : vector<16xf32>
        %mul3A_1626 = arith.constant 2 : i32
        %mul3A_1627 = arith.muli %mul3A_1626, %scan3A_1558 : i32
        %add3A_1628 = arith.constant 100 : i32
        %add3A_1629 = arith.addi %add3A_1628, %mul3A_1627 : i32
        %get3A_1630 = arith.index_cast %add3A_1629 : i32 to index
        %get3A_1631 = arith.constant 48 : index
        %get3A_1632 = tpu.vector_load %arg6[%get3A_1630, %get3A_1631] {strides = array<i32>} : memref<400x128xf32, #tpu.memory_space<vmem>>, vector<1x16xf32>,
        %get3A_1633 = vector.shape_cast %get3A_1632 : vector<1x16xf32> to vector<16xf32>
        %add3A_1634 = arith.addf %scan3A_1562, %get3A_1633 : vector<16xf32>
        %mul3A_1635 = arith.constant 2 : i32
        %mul3A_1636 = arith.muli %mul3A_1635, %scan3A_1558 : i32
        %add3A_1637 = arith.constant 100 : i32
        %add3A_1638 = arith.addi %add3A_1637, %mul3A_1636 : i32
        %add3A_1639 = arith.constant 1 : i32
        %add3A_1640 = arith.addi %add3A_1638, %add3A_1639 : i32
        %get3A_1641 = arith.index_cast %add3A_1640 : i32 to index
        %get3A_1642 = arith.constant 48 : index
        %get3A_1643 = tpu.vector_load %arg6[%get3A_1641, %get3A_1642] {strides = array<i32>} : memref<400x128xf32, #tpu.memory_space<vmem>>, vector<1x16xf32>,
        %get3A_1644 = vector.shape_cast %get3A_1643 : vector<1x16xf32> to vector<16xf32>
        %add3A_1645 = arith.addf %add3A_1634, %get3A_1644 : vector<16xf32>
        %mul3A_1646 = arith.constant 2 : i32
        %mul3A_1647 = arith.muli %mul3A_1646, %scan3A_1558 : i32
        %add3A_1648 = arith.constant 100 : i32
        %add3A_1649 = arith.addi %add3A_1648, %mul3A_1647 : i32
        %get3A_1650 = arith.index_cast %add3A_1649 : i32 to index
        %get3A_1651 = arith.constant 64 : index
        %get3A_1652 = tpu.vector_load %arg6[%get3A_1650, %get3A_1651] {strides = array<i32>} : memref<400x128xf32, #tpu.memory_space<vmem>>, vector<1x16xf32>,
        %get3A_1653 = vector.shape_cast %get3A_1652 : vector<1x16xf32> to vector<16xf32>
        %add3A_1654 = arith.addf %scan3A_1563, %get3A_1653 : vector<16xf32>
        %mul3A_1655 = arith.constant 2 : i32
        %mul3A_1656 = arith.muli %mul3A_1655, %scan3A_1558 : i32
        %add3A_1657 = arith.constant 100 : i32
        %add3A_1658 = arith.addi %add3A_1657, %mul3A_1656 : i32
        %add3A_1659 = arith.constant 1 : i32
        %add3A_1660 = arith.addi %add3A_1658, %add3A_1659 : i32
        %get3A_1661 = arith.index_cast %add3A_1660 : i32 to index
        %get3A_1662 = arith.constant 64 : index
        %get3A_1663 = tpu.vector_load %arg6[%get3A_1661, %get3A_1662] {strides = array<i32>} : memref<400x128xf32, #tpu.memory_space<vmem>>, vector<1x16xf32>,
        %get3A_1664 = vector.shape_cast %get3A_1663 : vector<1x16xf32> to vector<16xf32>
        %add3A_1665 = arith.addf %add3A_1654, %get3A_1664 : vector<16xf32>
        %mul3A_1666 = arith.constant 2 : i32
        %mul3A_1667 = arith.muli %mul3A_1666, %scan3A_1558 : i32
        %add3A_1668 = arith.constant 100 : i32
        %add3A_1669 = arith.addi %add3A_1668, %mul3A_1667 : i32
        %get3A_1670 = arith.index_cast %add3A_1669 : i32 to index
        %get3A_1671 = arith.constant 80 : index
        %get3A_1672 = tpu.vector_load %arg6[%get3A_1670, %get3A_1671] {strides = array<i32>} : memref<400x128xf32, #tpu.memory_space<vmem>>, vector<1x16xf32>,
        %get3A_1673 = vector.shape_cast %get3A_1672 : vector<1x16xf32> to vector<16xf32>
        %add3A_1674 = arith.addf %scan3A_1564, %get3A_1673 : vector<16xf32>
        %mul3A_1675 = arith.constant 2 : i32
        %mul3A_1676 = arith.muli %mul3A_1675, %scan3A_1558 : i32
        %add3A_1677 = arith.constant 100 : i32
        %add3A_1678 = arith.addi %add3A_1677, %mul3A_1676 : i32
        %add3A_1679 = arith.constant 1 : i32
        %add3A_1680 = arith.addi %add3A_1678, %add3A_1679 : i32
        %get3A_1681 = arith.index_cast %add3A_1680 : i32 to index
        %get3A_1682 = arith.constant 80 : index
        %get3A_1683 = tpu.vector_load %arg6[%get3A_1681, %get3A_1682] {strides = array<i32>} : memref<400x128xf32, #tpu.memory_space<vmem>>, vector<1x16xf32>,
        %get3A_1684 = vector.shape_cast %get3A_1683 : vector<1x16xf32> to vector<16xf32>
        %add3A_1685 = arith.addf %add3A_1674, %get3A_1684 : vector<16xf32>
        %mul3A_1686 = arith.constant 2 : i32
        %mul3A_1687 = arith.muli %mul3A_1686, %scan3A_1558 : i32
        %add3A_1688 = arith.constant 100 : i32
        %add3A_1689 = arith.addi %add3A_1688, %mul3A_1687 : i32
        %get3A_1690 = arith.index_cast %add3A_1689 : i32 to index
        %get3A_1691 = arith.constant 96 : index
        %get3A_1692 = tpu.vector_load %arg6[%get3A_1690, %get3A_1691] {strides = array<i32>} : memref<400x128xf32, #tpu.memory_space<vmem>>, vector<1x16xf32>,
        %get3A_1693 = vector.shape_cast %get3A_1692 : vector<1x16xf32> to vector<16xf32>
        %add3A_1694 = arith.addf %scan3A_1565, %get3A_1693 : vector<16xf32>
        %mul3A_1695 = arith.constant 2 : i32
        %mul3A_1696 = arith.muli %mul3A_1695, %scan3A_1558 : i32
        %add3A_1697 = arith.constant 100 : i32
        %add3A_1698 = arith.addi %add3A_1697, %mul3A_1696 : i32
        %add3A_1699 = arith.constant 1 : i32
        %add3A_1700 = arith.addi %add3A_1698, %add3A_1699 : i32
        %get3A_1701 = arith.index_cast %add3A_1700 : i32 to index
        %get3A_1702 = arith.constant 96 : index
        %get3A_1703 = tpu.vector_load %arg6[%get3A_1701, %get3A_1702] {strides = array<i32>} : memref<400x128xf32, #tpu.memory_space<vmem>>, vector<1x16xf32>,
        %get3A_1704 = vector.shape_cast %get3A_1703 : vector<1x16xf32> to vector<16xf32>
        %add3A_1705 = arith.addf %add3A_1694, %get3A_1704 : vector<16xf32>
        %mul3A_1706 = arith.constant 2 : i32
        %mul3A_1707 = arith.muli %mul3A_1706, %scan3A_1558 : i32
        %add3A_1708 = arith.constant 100 : i32
        %add3A_1709 = arith.addi %add3A_1708, %mul3A_1707 : i32
        %get3A_1710 = arith.index_cast %add3A_1709 : i32 to index
        %get3A_1711 = arith.constant 112 : index
        %get3A_1712 = tpu.vector_load %arg6[%get3A_1710, %get3A_1711] {strides = array<i32>} : memref<400x128xf32, #tpu.memory_space<vmem>>, vector<1x16xf32>,
        %get3A_1713 = vector.shape_cast %get3A_1712 : vector<1x16xf32> to vector<16xf32>
        %add3A_1714 = arith.addf %scan3A_1566, %get3A_1713 : vector<16xf32>
        %mul3A_1715 = arith.constant 2 : i32
        %mul3A_1716 = arith.muli %mul3A_1715, %scan3A_1558 : i32
        %add3A_1717 = arith.constant 100 : i32
        %add3A_1718 = arith.addi %add3A_1717, %mul3A_1716 : i32
        %add3A_1719 = arith.constant 1 : i32
        %add3A_1720 = arith.addi %add3A_1718, %add3A_1719 : i32
        %get3A_1721 = arith.index_cast %add3A_1720 : i32 to index
        %get3A_1722 = arith.constant 112 : index
        %get3A_1723 = tpu.vector_load %arg6[%get3A_1721, %get3A_1722] {strides = array<i32>} : memref<400x128xf32, #tpu.memory_space<vmem>>, vector<1x16xf32>,
        %get3A_1724 = vector.shape_cast %get3A_1723 : vector<1x16xf32> to vector<16xf32>
        %add3A_1725 = arith.addf %add3A_1714, %get3A_1724 : vector<16xf32>
        scf.yield %add3A_1585, %add3A_1605, %add3A_1625, %add3A_1645, %add3A_1665, %add3A_1685, %add3A_1705, %add3A_1725 : vector<16xf32>, vector<16xf32>, vector<16xf32>, vector<16xf32>, vector<16xf32>, vector<16xf32>, vector<16xf32>, vector<16xf32>
      }
      %scan3A_241 = arith.constant 25 : i32
      %mul3A_242 = arith.constant 2.000000e-02 : f32
      %mul3A_243 = vector.broadcast %mul3A_242 : f32 to vector<16xf32>
      %mul3A_244 = arith.mulf %scan3A_240#0, %mul3A_243 : vector<16xf32>
      %swap3A_245 = arith.constant 2 : i32
      %swap3A_246 = arith.index_cast %swap3A_245 : i32 to index
      %swap3A_247 = arith.constant 0 : index
      %swap3A_248 = tpu.vector_load %arg8[%swap3A_246, %swap3A_247] {strides = array<i32>} : memref<8x128xf32, #tpu.memory_space<vmem>>, vector<1x16xf32>,
      %swap3A_249 = vector.shape_cast %swap3A_248 : vector<1x16xf32> to vector<16xf32>
      %swap3A_250 = vector.shape_cast %mul3A_244 : vector<16xf32> to vector<1x16xf32>
      tpu.vector_store %arg8[%swap3A_246, %swap3A_247], %swap3A_250 {strides = array<i32>} : memref<8x128xf32, #tpu.memory_space<vmem>>, vector<1x16xf32>,
      %mul3A_251 = arith.constant 2.000000e-02 : f32
      %mul3A_252 = vector.broadcast %mul3A_251 : f32 to vector<16xf32>
      %mul3A_253 = arith.mulf %scan3A_240#1, %mul3A_252 : vector<16xf32>
      %swap3A_254 = arith.constant 2 : i32
      %swap3A_255 = arith.index_cast %swap3A_254 : i32 to index
      %swap3A_256 = arith.constant 16 : index
      %swap3A_257 = tpu.vector_load %arg8[%swap3A_255, %swap3A_256] {strides = array<i32>} : memref<8x128xf32, #tpu.memory_space<vmem>>, vector<1x16xf32>,
      %swap3A_258 = vector.shape_cast %swap3A_257 : vector<1x16xf32> to vector<16xf32>
      %swap3A_259 = vector.shape_cast %mul3A_253 : vector<16xf32> to vector<1x16xf32>
      tpu.vector_store %arg8[%swap3A_255, %swap3A_256], %swap3A_259 {strides = array<i32>} : memref<8x128xf32, #tpu.memory_space<vmem>>, vector<1x16xf32>,
      %mul3A_260 = arith.constant 2.000000e-02 : f32
      %mul3A_261 = vector.broadcast %mul3A_260 : f32 to vector<16xf32>
      %mul3A_262 = arith.mulf %scan3A_240#2, %mul3A_261 : vector<16xf32>
      %swap3A_263 = arith.constant 2 : i32
      %swap3A_264 = arith.index_cast %swap3A_263 : i32 to index
      %swap3A_265 = arith.constant 32 : index
      %swap3A_266 = tpu.vector_load %arg8[%swap3A_264, %swap3A_265] {strides = array<i32>} : memref<8x128xf32, #tpu.memory_space<vmem>>, vector<1x16xf32>,
      %swap3A_267 = vector.shape_cast %swap3A_266 : vector<1x16xf32> to vector<16xf32>
      %swap3A_268 = vector.shape_cast %mul3A_262 : vector<16xf32> to vector<1x16xf32>
      tpu.vector_store %arg8[%swap3A_264, %swap3A_265], %swap3A_268 {strides = array<i32>} : memref<8x128xf32, #tpu.memory_space<vmem>>, vector<1x16xf32>,
      %mul3A_269 = arith.constant 2.000000e-02 : f32
      %mul3A_270 = vector.broadcast %mul3A_269 : f32 to vector<16xf32>
      %mul3A_271 = arith.mulf %scan3A_240#3, %mul3A_270 : vector<16xf32>
      %swap3A_272 = arith.constant 2 : i32
      %swap3A_273 = arith.index_cast %swap3A_272 : i32 to index
      %swap3A_274 = arith.constant 48 : index
      %swap3A_275 = tpu.vector_load %arg8[%swap3A_273, %swap3A_274] {strides = array<i32>} : memref<8x128xf32, #tpu.memory_space<vmem>>, vector<1x16xf32>,
      %swap3A_276 = vector.shape_cast %swap3A_275 : vector<1x16xf32> to vector<16xf32>
      %swap3A_277 = vector.shape_cast %mul3A_271 : vector<16xf32> to vector<1x16xf32>
      tpu.vector_store %arg8[%swap3A_273, %swap3A_274], %swap3A_277 {strides = array<i32>} : memref<8x128xf32, #tpu.memory_space<vmem>>, vector<1x16xf32>,
      %mul3A_278 = arith.constant 2.000000e-02 : f32
      %mul3A_279 = vector.broadcast %mul3A_278 : f32 to vector<16xf32>
      %mul3A_280 = arith.mulf %scan3A_240#4, %mul3A_279 : vector<16xf32>
      %swap3A_281 = arith.constant 2 : i32
      %swap3A_282 = arith.index_cast %swap3A_281 : i32 to index
      %swap3A_283 = arith.constant 64 : index
      %swap3A_284 = tpu.vector_load %arg8[%swap3A_282, %swap3A_283] {strides = array<i32>} : memref<8x128xf32, #tpu.memory_space<vmem>>, vector<1x16xf32>,
      %swap3A_285 = vector.shape_cast %swap3A_284 : vector<1x16xf32> to vector<16xf32>
      %swap3A_286 = vector.shape_cast %mul3A_280 : vector<16xf32> to vector<1x16xf32>
      tpu.vector_store %arg8[%swap3A_282, %swap3A_283], %swap3A_286 {strides = array<i32>} : memref<8x128xf32, #tpu.memory_space<vmem>>, vector<1x16xf32>,
      %mul3A_287 = arith.constant 2.000000e-02 : f32
      %mul3A_288 = vector.broadcast %mul3A_287 : f32 to vector<16xf32>
      %mul3A_289 = arith.mulf %scan3A_240#5, %mul3A_288 : vector<16xf32>
      %swap3A_290 = arith.constant 2 : i32
      %swap3A_291 = arith.index_cast %swap3A_290 : i32 to index
      %swap3A_292 = arith.constant 80 : index
      %swap3A_293 = tpu.vector_load %arg8[%swap3A_291, %swap3A_292] {strides = array<i32>} : memref<8x128xf32, #tpu.memory_space<vmem>>, vector<1x16xf32>,
      %swap3A_294 = vector.shape_cast %swap3A_293 : vector<1x16xf32> to vector<16xf32>
      %swap3A_295 = vector.shape_cast %mul3A_289 : vector<16xf32> to vector<1x16xf32>
      tpu.vector_store %arg8[%swap3A_291, %swap3A_292], %swap3A_295 {strides = array<i32>} : memref<8x128xf32, #tpu.memory_space<vmem>>, vector<1x16xf32>,
      %mul3A_296 = arith.constant 2.000000e-02 : f32
      %mul3A_297 = vector.broadcast %mul3A_296 : f32 to vector<16xf32>
      %mul3A_298 = arith.mulf %scan3A_240#6, %mul3A_297 : vector<16xf32>
      %swap3A_299 = arith.constant 2 : i32
      %swap3A_300 = arith.index_cast %swap3A_299 : i32 to index
      %swap3A_301 = arith.constant 96 : index
      %swap3A_302 = tpu.vector_load %arg8[%swap3A_300, %swap3A_301] {strides = array<i32>} : memref<8x128xf32, #tpu.memory_space<vmem>>, vector<1x16xf32>,
      %swap3A_303 = vector.shape_cast %swap3A_302 : vector<1x16xf32> to vector<16xf32>
      %swap3A_304 = vector.shape_cast %mul3A_298 : vector<16xf32> to vector<1x16xf32>
      tpu.vector_store %arg8[%swap3A_300, %swap3A_301], %swap3A_304 {strides = array<i32>} : memref<8x128xf32, #tpu.memory_space<vmem>>, vector<1x16xf32>,
      %mul3A_305 = arith.constant 2.000000e-02 : f32
      %mul3A_306 = vector.broadcast %mul3A_305 : f32 to vector<16xf32>
      %mul3A_307 = arith.mulf %scan3A_240#7, %mul3A_306 : vector<16xf32>
      %swap3A_308 = arith.constant 2 : i32
      %swap3A_309 = arith.index_cast %swap3A_308 : i32 to index
      %swap3A_310 = arith.constant 112 : index
      %swap3A_311 = tpu.vector_load %arg8[%swap3A_309, %swap3A_310] {strides = array<i32>} : memref<8x128xf32, #tpu.memory_space<vmem>>, vector<1x16xf32>,
      %swap3A_312 = vector.shape_cast %swap3A_311 : vector<1x16xf32> to vector<16xf32>
      %swap3A_313 = vector.shape_cast %mul3A_307 : vector<16xf32> to vector<1x16xf32>
      tpu.vector_store %arg8[%swap3A_309, %swap3A_310], %swap3A_313 {strides = array<i32>} : memref<8x128xf32, #tpu.memory_space<vmem>>, vector<1x16xf32>,
      %broadcast_in_dim3A_314 = arith.constant 0.000000e+00 : f32
      %broadcast_in_dim3A_315 = vector.broadcast %broadcast_in_dim3A_314 : f32 to vector<16xf32>
      %broadcast_in_dim3A_316 = arith.constant 0.000000e+00 : f32
      %broadcast_in_dim3A_317 = vector.broadcast %broadcast_in_dim3A_316 : f32 to vector<16xf32>
      %broadcast_in_dim3A_318 = arith.constant 0.000000e+00 : f32
      %broadcast_in_dim3A_319 = vector.broadcast %broadcast_in_dim3A_318 : f32 to vector<16xf32>
      %broadcast_in_dim3A_320 = arith.constant 0.000000e+00 : f32
      %broadcast_in_dim3A_321 = vector.broadcast %broadcast_in_dim3A_320 : f32 to vector<16xf32>
      %broadcast_in_dim3A_322 = arith.constant 0.000000e+00 : f32
      %broadcast_in_dim3A_323 = vector.broadcast %broadcast_in_dim3A_322 : f32 to vector<16xf32>
      %broadcast_in_dim3A_324 = arith.constant 0.000000e+00 : f32
      %broadcast_in_dim3A_325 = vector.broadcast %broadcast_in_dim3A_324 : f32 to vector<16xf32>
      %broadcast_in_dim3A_326 = arith.constant 0.000000e+00 : f32
      %broadcast_in_dim3A_327 = vector.broadcast %broadcast_in_dim3A_326 : f32 to vector<16xf32>
      %broadcast_in_dim3A_328 = arith.constant 0.000000e+00 : f32
      %broadcast_in_dim3A_329 = vector.broadcast %broadcast_in_dim3A_328 : f32 to vector<16xf32>
      %scan3A_330 = arith.constant 0 : i32
      %scan3A_331 = arith.constant 25 : i32
      %scan3A_332 = arith.addi %scan3A_330, %scan3A_331 : i32
      %scan3A_333 = arith.constant 1 : i32
      %scan3A_334:8 = scf.for %scan3A_1558 = %scan3A_330 to %scan3A_332 step %scan3A_333 iter_args(%scan3A_1559 = %broadcast_in_dim3A_315, %scan3A_1560 = %broadcast_in_dim3A_317, %scan3A_1561 = %broadcast_in_dim3A_319, %scan3A_1562 = %broadcast_in_dim3A_321, %scan3A_1563 = %broadcast_in_dim3A_323, %scan3A_1564 = %broadcast_in_dim3A_325, %scan3A_1565 = %broadcast_in_dim3A_327, %scan3A_1566 = %broadcast_in_dim3A_329) -> (vector<16xf32>, vector<16xf32>, vector<16xf32>, vector<16xf32>, vector<16xf32>, vector<16xf32>, vector<16xf32>, vector<16xf32>)  : i32 {
        %mul3A_1567 = arith.constant 2 : i32
        %mul3A_1568 = arith.muli %mul3A_1567, %scan3A_1558 : i32
        %add3A_1569 = arith.constant 150 : i32
        %add3A_1570 = arith.addi %add3A_1569, %mul3A_1568 : i32
        %get3A = arith.index_cast %add3A_1570 : i32 to index
        %get3A_1571 = arith.constant 0 : index
        %get3A_1572 = tpu.vector_load %arg6[%get3A, %get3A_1571] {strides = array<i32>} : memref<400x128xf32, #tpu.memory_space<vmem>>, vector<1x16xf32>,
        %get3A_1573 = vector.shape_cast %get3A_1572 : vector<1x16xf32> to vector<16xf32>
        %add3A_1574 = arith.addf %scan3A_1559, %get3A_1573 : vector<16xf32>
        %mul3A_1575 = arith.constant 2 : i32
        %mul3A_1576 = arith.muli %mul3A_1575, %scan3A_1558 : i32
        %add3A_1577 = arith.constant 150 : i32
        %add3A_1578 = arith.addi %add3A_1577, %mul3A_1576 : i32
        %add3A_1579 = arith.constant 1 : i32
        %add3A_1580 = arith.addi %add3A_1578, %add3A_1579 : i32
        %get3A_1581 = arith.index_cast %add3A_1580 : i32 to index
        %get3A_1582 = arith.constant 0 : index
        %get3A_1583 = tpu.vector_load %arg6[%get3A_1581, %get3A_1582] {strides = array<i32>} : memref<400x128xf32, #tpu.memory_space<vmem>>, vector<1x16xf32>,
        %get3A_1584 = vector.shape_cast %get3A_1583 : vector<1x16xf32> to vector<16xf32>
        %add3A_1585 = arith.addf %add3A_1574, %get3A_1584 : vector<16xf32>
        %mul3A_1586 = arith.constant 2 : i32
        %mul3A_1587 = arith.muli %mul3A_1586, %scan3A_1558 : i32
        %add3A_1588 = arith.constant 150 : i32
        %add3A_1589 = arith.addi %add3A_1588, %mul3A_1587 : i32
        %get3A_1590 = arith.index_cast %add3A_1589 : i32 to index
        %get3A_1591 = arith.constant 16 : index
        %get3A_1592 = tpu.vector_load %arg6[%get3A_1590, %get3A_1591] {strides = array<i32>} : memref<400x128xf32, #tpu.memory_space<vmem>>, vector<1x16xf32>,
        %get3A_1593 = vector.shape_cast %get3A_1592 : vector<1x16xf32> to vector<16xf32>
        %add3A_1594 = arith.addf %scan3A_1560, %get3A_1593 : vector<16xf32>
        %mul3A_1595 = arith.constant 2 : i32
        %mul3A_1596 = arith.muli %mul3A_1595, %scan3A_1558 : i32
        %add3A_1597 = arith.constant 150 : i32
        %add3A_1598 = arith.addi %add3A_1597, %mul3A_1596 : i32
        %add3A_1599 = arith.constant 1 : i32
        %add3A_1600 = arith.addi %add3A_1598, %add3A_1599 : i32
        %get3A_1601 = arith.index_cast %add3A_1600 : i32 to index
        %get3A_1602 = arith.constant 16 : index
        %get3A_1603 = tpu.vector_load %arg6[%get3A_1601, %get3A_1602] {strides = array<i32>} : memref<400x128xf32, #tpu.memory_space<vmem>>, vector<1x16xf32>,
        %get3A_1604 = vector.shape_cast %get3A_1603 : vector<1x16xf32> to vector<16xf32>
        %add3A_1605 = arith.addf %add3A_1594, %get3A_1604 : vector<16xf32>
        %mul3A_1606 = arith.constant 2 : i32
        %mul3A_1607 = arith.muli %mul3A_1606, %scan3A_1558 : i32
        %add3A_1608 = arith.constant 150 : i32
        %add3A_1609 = arith.addi %add3A_1608, %mul3A_1607 : i32
        %get3A_1610 = arith.index_cast %add3A_1609 : i32 to index
        %get3A_1611 = arith.constant 32 : index
        %get3A_1612 = tpu.vector_load %arg6[%get3A_1610, %get3A_1611] {strides = array<i32>} : memref<400x128xf32, #tpu.memory_space<vmem>>, vector<1x16xf32>,
        %get3A_1613 = vector.shape_cast %get3A_1612 : vector<1x16xf32> to vector<16xf32>
        %add3A_1614 = arith.addf %scan3A_1561, %get3A_1613 : vector<16xf32>
        %mul3A_1615 = arith.constant 2 : i32
        %mul3A_1616 = arith.muli %mul3A_1615, %scan3A_1558 : i32
        %add3A_1617 = arith.constant 150 : i32
        %add3A_1618 = arith.addi %add3A_1617, %mul3A_1616 : i32
        %add3A_1619 = arith.constant 1 : i32
        %add3A_1620 = arith.addi %add3A_1618, %add3A_1619 : i32
        %get3A_1621 = arith.index_cast %add3A_1620 : i32 to index
        %get3A_1622 = arith.constant 32 : index
        %get3A_1623 = tpu.vector_load %arg6[%get3A_1621, %get3A_1622] {strides = array<i32>} : memref<400x128xf32, #tpu.memory_space<vmem>>, vector<1x16xf32>,
        %get3A_1624 = vector.shape_cast %get3A_1623 : vector<1x16xf32> to vector<16xf32>
        %add3A_1625 = arith.addf %add3A_1614, %get3A_1624 : vector<16xf32>
        %mul3A_1626 = arith.constant 2 : i32
        %mul3A_1627 = arith.muli %mul3A_1626, %scan3A_1558 : i32
        %add3A_1628 = arith.constant 150 : i32
        %add3A_1629 = arith.addi %add3A_1628, %mul3A_1627 : i32
        %get3A_1630 = arith.index_cast %add3A_1629 : i32 to index
        %get3A_1631 = arith.constant 48 : index
        %get3A_1632 = tpu.vector_load %arg6[%get3A_1630, %get3A_1631] {strides = array<i32>} : memref<400x128xf32, #tpu.memory_space<vmem>>, vector<1x16xf32>,
        %get3A_1633 = vector.shape_cast %get3A_1632 : vector<1x16xf32> to vector<16xf32>
        %add3A_1634 = arith.addf %scan3A_1562, %get3A_1633 : vector<16xf32>
        %mul3A_1635 = arith.constant 2 : i32
        %mul3A_1636 = arith.muli %mul3A_1635, %scan3A_1558 : i32
        %add3A_1637 = arith.constant 150 : i32
        %add3A_1638 = arith.addi %add3A_1637, %mul3A_1636 : i32
        %add3A_1639 = arith.constant 1 : i32
        %add3A_1640 = arith.addi %add3A_1638, %add3A_1639 : i32
        %get3A_1641 = arith.index_cast %add3A_1640 : i32 to index
        %get3A_1642 = arith.constant 48 : index
        %get3A_1643 = tpu.vector_load %arg6[%get3A_1641, %get3A_1642] {strides = array<i32>} : memref<400x128xf32, #tpu.memory_space<vmem>>, vector<1x16xf32>,
        %get3A_1644 = vector.shape_cast %get3A_1643 : vector<1x16xf32> to vector<16xf32>
        %add3A_1645 = arith.addf %add3A_1634, %get3A_1644 : vector<16xf32>
        %mul3A_1646 = arith.constant 2 : i32
        %mul3A_1647 = arith.muli %mul3A_1646, %scan3A_1558 : i32
        %add3A_1648 = arith.constant 150 : i32
        %add3A_1649 = arith.addi %add3A_1648, %mul3A_1647 : i32
        %get3A_1650 = arith.index_cast %add3A_1649 : i32 to index
        %get3A_1651 = arith.constant 64 : index
        %get3A_1652 = tpu.vector_load %arg6[%get3A_1650, %get3A_1651] {strides = array<i32>} : memref<400x128xf32, #tpu.memory_space<vmem>>, vector<1x16xf32>,
        %get3A_1653 = vector.shape_cast %get3A_1652 : vector<1x16xf32> to vector<16xf32>
        %add3A_1654 = arith.addf %scan3A_1563, %get3A_1653 : vector<16xf32>
        %mul3A_1655 = arith.constant 2 : i32
        %mul3A_1656 = arith.muli %mul3A_1655, %scan3A_1558 : i32
        %add3A_1657 = arith.constant 150 : i32
        %add3A_1658 = arith.addi %add3A_1657, %mul3A_1656 : i32
        %add3A_1659 = arith.constant 1 : i32
        %add3A_1660 = arith.addi %add3A_1658, %add3A_1659 : i32
        %get3A_1661 = arith.index_cast %add3A_1660 : i32 to index
        %get3A_1662 = arith.constant 64 : index
        %get3A_1663 = tpu.vector_load %arg6[%get3A_1661, %get3A_1662] {strides = array<i32>} : memref<400x128xf32, #tpu.memory_space<vmem>>, vector<1x16xf32>,
        %get3A_1664 = vector.shape_cast %get3A_1663 : vector<1x16xf32> to vector<16xf32>
        %add3A_1665 = arith.addf %add3A_1654, %get3A_1664 : vector<16xf32>
        %mul3A_1666 = arith.constant 2 : i32
        %mul3A_1667 = arith.muli %mul3A_1666, %scan3A_1558 : i32
        %add3A_1668 = arith.constant 150 : i32
        %add3A_1669 = arith.addi %add3A_1668, %mul3A_1667 : i32
        %get3A_1670 = arith.index_cast %add3A_1669 : i32 to index
        %get3A_1671 = arith.constant 80 : index
        %get3A_1672 = tpu.vector_load %arg6[%get3A_1670, %get3A_1671] {strides = array<i32>} : memref<400x128xf32, #tpu.memory_space<vmem>>, vector<1x16xf32>,
        %get3A_1673 = vector.shape_cast %get3A_1672 : vector<1x16xf32> to vector<16xf32>
        %add3A_1674 = arith.addf %scan3A_1564, %get3A_1673 : vector<16xf32>
        %mul3A_1675 = arith.constant 2 : i32
        %mul3A_1676 = arith.muli %mul3A_1675, %scan3A_1558 : i32
        %add3A_1677 = arith.constant 150 : i32
        %add3A_1678 = arith.addi %add3A_1677, %mul3A_1676 : i32
        %add3A_1679 = arith.constant 1 : i32
        %add3A_1680 = arith.addi %add3A_1678, %add3A_1679 : i32
        %get3A_1681 = arith.index_cast %add3A_1680 : i32 to index
        %get3A_1682 = arith.constant 80 : index
        %get3A_1683 = tpu.vector_load %arg6[%get3A_1681, %get3A_1682] {strides = array<i32>} : memref<400x128xf32, #tpu.memory_space<vmem>>, vector<1x16xf32>,
        %get3A_1684 = vector.shape_cast %get3A_1683 : vector<1x16xf32> to vector<16xf32>
        %add3A_1685 = arith.addf %add3A_1674, %get3A_1684 : vector<16xf32>
        %mul3A_1686 = arith.constant 2 : i32
        %mul3A_1687 = arith.muli %mul3A_1686, %scan3A_1558 : i32
        %add3A_1688 = arith.constant 150 : i32
        %add3A_1689 = arith.addi %add3A_1688, %mul3A_1687 : i32
        %get3A_1690 = arith.index_cast %add3A_1689 : i32 to index
        %get3A_1691 = arith.constant 96 : index
        %get3A_1692 = tpu.vector_load %arg6[%get3A_1690, %get3A_1691] {strides = array<i32>} : memref<400x128xf32, #tpu.memory_space<vmem>>, vector<1x16xf32>,
        %get3A_1693 = vector.shape_cast %get3A_1692 : vector<1x16xf32> to vector<16xf32>
        %add3A_1694 = arith.addf %scan3A_1565, %get3A_1693 : vector<16xf32>
        %mul3A_1695 = arith.constant 2 : i32
        %mul3A_1696 = arith.muli %mul3A_1695, %scan3A_1558 : i32
        %add3A_1697 = arith.constant 150 : i32
        %add3A_1698 = arith.addi %add3A_1697, %mul3A_1696 : i32
        %add3A_1699 = arith.constant 1 : i32
        %add3A_1700 = arith.addi %add3A_1698, %add3A_1699 : i32
        %get3A_1701 = arith.index_cast %add3A_1700 : i32 to index
        %get3A_1702 = arith.constant 96 : index
        %get3A_1703 = tpu.vector_load %arg6[%get3A_1701, %get3A_1702] {strides = array<i32>} : memref<400x128xf32, #tpu.memory_space<vmem>>, vector<1x16xf32>,
        %get3A_1704 = vector.shape_cast %get3A_1703 : vector<1x16xf32> to vector<16xf32>
        %add3A_1705 = arith.addf %add3A_1694, %get3A_1704 : vector<16xf32>
        %mul3A_1706 = arith.constant 2 : i32
        %mul3A_1707 = arith.muli %mul3A_1706, %scan3A_1558 : i32
        %add3A_1708 = arith.constant 150 : i32
        %add3A_1709 = arith.addi %add3A_1708, %mul3A_1707 : i32
        %get3A_1710 = arith.index_cast %add3A_1709 : i32 to index
        %get3A_1711 = arith.constant 112 : index
        %get3A_1712 = tpu.vector_load %arg6[%get3A_1710, %get3A_1711] {strides = array<i32>} : memref<400x128xf32, #tpu.memory_space<vmem>>, vector<1x16xf32>,
        %get3A_1713 = vector.shape_cast %get3A_1712 : vector<1x16xf32> to vector<16xf32>
        %add3A_1714 = arith.addf %scan3A_1566, %get3A_1713 : vector<16xf32>
        %mul3A_1715 = arith.constant 2 : i32
        %mul3A_1716 = arith.muli %mul3A_1715, %scan3A_1558 : i32
        %add3A_1717 = arith.constant 150 : i32
        %add3A_1718 = arith.addi %add3A_1717, %mul3A_1716 : i32
        %add3A_1719 = arith.constant 1 : i32
        %add3A_1720 = arith.addi %add3A_1718, %add3A_1719 : i32
        %get3A_1721 = arith.index_cast %add3A_1720 : i32 to index
        %get3A_1722 = arith.constant 112 : index
        %get3A_1723 = tpu.vector_load %arg6[%get3A_1721, %get3A_1722] {strides = array<i32>} : memref<400x128xf32, #tpu.memory_space<vmem>>, vector<1x16xf32>,
        %get3A_1724 = vector.shape_cast %get3A_1723 : vector<1x16xf32> to vector<16xf32>
        %add3A_1725 = arith.addf %add3A_1714, %get3A_1724 : vector<16xf32>
        scf.yield %add3A_1585, %add3A_1605, %add3A_1625, %add3A_1645, %add3A_1665, %add3A_1685, %add3A_1705, %add3A_1725 : vector<16xf32>, vector<16xf32>, vector<16xf32>, vector<16xf32>, vector<16xf32>, vector<16xf32>, vector<16xf32>, vector<16xf32>
      }
      %scan3A_335 = arith.constant 25 : i32
      %mul3A_336 = arith.constant 2.000000e-02 : f32
      %mul3A_337 = vector.broadcast %mul3A_336 : f32 to vector<16xf32>
      %mul3A_338 = arith.mulf %scan3A_334#0, %mul3A_337 : vector<16xf32>
      %swap3A_339 = arith.constant 3 : i32
      %swap3A_340 = arith.index_cast %swap3A_339 : i32 to index
      %swap3A_341 = arith.constant 0 : index
      %swap3A_342 = tpu.vector_load %arg8[%swap3A_340, %swap3A_341] {strides = array<i32>} : memref<8x128xf32, #tpu.memory_space<vmem>>, vector<1x16xf32>,
      %swap3A_343 = vector.shape_cast %swap3A_342 : vector<1x16xf32> to vector<16xf32>
      %swap3A_344 = vector.shape_cast %mul3A_338 : vector<16xf32> to vector<1x16xf32>
      tpu.vector_store %arg8[%swap3A_340, %swap3A_341], %swap3A_344 {strides = array<i32>} : memref<8x128xf32, #tpu.memory_space<vmem>>, vector<1x16xf32>,
      %mul3A_345 = arith.constant 2.000000e-02 : f32
      %mul3A_346 = vector.broadcast %mul3A_345 : f32 to vector<16xf32>
      %mul3A_347 = arith.mulf %scan3A_334#1, %mul3A_346 : vector<16xf32>
      %swap3A_348 = arith.constant 3 : i32
      %swap3A_349 = arith.index_cast %swap3A_348 : i32 to index
      %swap3A_350 = arith.constant 16 : index
      %swap3A_351 = tpu.vector_load %arg8[%swap3A_349, %swap3A_350] {strides = array<i32>} : memref<8x128xf32, #tpu.memory_space<vmem>>, vector<1x16xf32>,
      %swap3A_352 = vector.shape_cast %swap3A_351 : vector<1x16xf32> to vector<16xf32>
      %swap3A_353 = vector.shape_cast %mul3A_347 : vector<16xf32> to vector<1x16xf32>
      tpu.vector_store %arg8[%swap3A_349, %swap3A_350], %swap3A_353 {strides = array<i32>} : memref<8x128xf32, #tpu.memory_space<vmem>>, vector<1x16xf32>,
      %mul3A_354 = arith.constant 2.000000e-02 : f32
      %mul3A_355 = vector.broadcast %mul3A_354 : f32 to vector<16xf32>
      %mul3A_356 = arith.mulf %scan3A_334#2, %mul3A_355 : vector<16xf32>
      %swap3A_357 = arith.constant 3 : i32
      %swap3A_358 = arith.index_cast %swap3A_357 : i32 to index
      %swap3A_359 = arith.constant 32 : index
      %swap3A_360 = tpu.vector_load %arg8[%swap3A_358, %swap3A_359] {strides = array<i32>} : memref<8x128xf32, #tpu.memory_space<vmem>>, vector<1x16xf32>,
      %swap3A_361 = vector.shape_cast %swap3A_360 : vector<1x16xf32> to vector<16xf32>
      %swap3A_362 = vector.shape_cast %mul3A_356 : vector<16xf32> to vector<1x16xf32>
      tpu.vector_store %arg8[%swap3A_358, %swap3A_359], %swap3A_362 {strides = array<i32>} : memref<8x128xf32, #tpu.memory_space<vmem>>, vector<1x16xf32>,
      %mul3A_363 = arith.constant 2.000000e-02 : f32
      %mul3A_364 = vector.broadcast %mul3A_363 : f32 to vector<16xf32>
      %mul3A_365 = arith.mulf %scan3A_334#3, %mul3A_364 : vector<16xf32>
      %swap3A_366 = arith.constant 3 : i32
      %swap3A_367 = arith.index_cast %swap3A_366 : i32 to index
      %swap3A_368 = arith.constant 48 : index
      %swap3A_369 = tpu.vector_load %arg8[%swap3A_367, %swap3A_368] {strides = array<i32>} : memref<8x128xf32, #tpu.memory_space<vmem>>, vector<1x16xf32>,
      %swap3A_370 = vector.shape_cast %swap3A_369 : vector<1x16xf32> to vector<16xf32>
      %swap3A_371 = vector.shape_cast %mul3A_365 : vector<16xf32> to vector<1x16xf32>
      tpu.vector_store %arg8[%swap3A_367, %swap3A_368], %swap3A_371 {strides = array<i32>} : memref<8x128xf32, #tpu.memory_space<vmem>>, vector<1x16xf32>,
      %mul3A_372 = arith.constant 2.000000e-02 : f32
      %mul3A_373 = vector.broadcast %mul3A_372 : f32 to vector<16xf32>
      %mul3A_374 = arith.mulf %scan3A_334#4, %mul3A_373 : vector<16xf32>
      %swap3A_375 = arith.constant 3 : i32
      %swap3A_376 = arith.index_cast %swap3A_375 : i32 to index
      %swap3A_377 = arith.constant 64 : index
      %swap3A_378 = tpu.vector_load %arg8[%swap3A_376, %swap3A_377] {strides = array<i32>} : memref<8x128xf32, #tpu.memory_space<vmem>>, vector<1x16xf32>,
      %swap3A_379 = vector.shape_cast %swap3A_378 : vector<1x16xf32> to vector<16xf32>
      %swap3A_380 = vector.shape_cast %mul3A_374 : vector<16xf32> to vector<1x16xf32>
      tpu.vector_store %arg8[%swap3A_376, %swap3A_377], %swap3A_380 {strides = array<i32>} : memref<8x128xf32, #tpu.memory_space<vmem>>, vector<1x16xf32>,
      %mul3A_381 = arith.constant 2.000000e-02 : f32
      %mul3A_382 = vector.broadcast %mul3A_381 : f32 to vector<16xf32>
      %mul3A_383 = arith.mulf %scan3A_334#5, %mul3A_382 : vector<16xf32>
      %swap3A_384 = arith.constant 3 : i32
      %swap3A_385 = arith.index_cast %swap3A_384 : i32 to index
      %swap3A_386 = arith.constant 80 : index
      %swap3A_387 = tpu.vector_load %arg8[%swap3A_385, %swap3A_386] {strides = array<i32>} : memref<8x128xf32, #tpu.memory_space<vmem>>, vector<1x16xf32>,
      %swap3A_388 = vector.shape_cast %swap3A_387 : vector<1x16xf32> to vector<16xf32>
      %swap3A_389 = vector.shape_cast %mul3A_383 : vector<16xf32> to vector<1x16xf32>
      tpu.vector_store %arg8[%swap3A_385, %swap3A_386], %swap3A_389 {strides = array<i32>} : memref<8x128xf32, #tpu.memory_space<vmem>>, vector<1x16xf32>,
      %mul3A_390 = arith.constant 2.000000e-02 : f32
      %mul3A_391 = vector.broadcast %mul3A_390 : f32 to vector<16xf32>
      %mul3A_392 = arith.mulf %scan3A_334#6, %mul3A_391 : vector<16xf32>
      %swap3A_393 = arith.constant 3 : i32
      %swap3A_394 = arith.index_cast %swap3A_393 : i32 to index
      %swap3A_395 = arith.constant 96 : index
      %swap3A_396 = tpu.vector_load %arg8[%swap3A_394, %swap3A_395] {strides = array<i32>} : memref<8x128xf32, #tpu.memory_space<vmem>>, vector<1x16xf32>,
      %swap3A_397 = vector.shape_cast %swap3A_396 : vector<1x16xf32> to vector<16xf32>
      %swap3A_398 = vector.shape_cast %mul3A_392 : vector<16xf32> to vector<1x16xf32>
      tpu.vector_store %arg8[%swap3A_394, %swap3A_395], %swap3A_398 {strides = array<i32>} : memref<8x128xf32, #tpu.memory_space<vmem>>, vector<1x16xf32>,
      %mul3A_399 = arith.constant 2.000000e-02 : f32
      %mul3A_400 = vector.broadcast %mul3A_399 : f32 to vector<16xf32>
      %mul3A_401 = arith.mulf %scan3A_334#7, %mul3A_400 : vector<16xf32>
      %swap3A_402 = arith.constant 3 : i32
      %swap3A_403 = arith.index_cast %swap3A_402 : i32 to index
      %swap3A_404 = arith.constant 112 : index
      %swap3A_405 = tpu.vector_load %arg8[%swap3A_403, %swap3A_404] {strides = array<i32>} : memref<8x128xf32, #tpu.memory_space<vmem>>, vector<1x16xf32>,
      %swap3A_406 = vector.shape_cast %swap3A_405 : vector<1x16xf32> to vector<16xf32>
      %swap3A_407 = vector.shape_cast %mul3A_401 : vector<16xf32> to vector<1x16xf32>
      tpu.vector_store %arg8[%swap3A_403, %swap3A_404], %swap3A_407 {strides = array<i32>} : memref<8x128xf32, #tpu.memory_space<vmem>>, vector<1x16xf32>,
      %broadcast_in_dim3A_408 = arith.constant 0.000000e+00 : f32
      %broadcast_in_dim3A_409 = vector.broadcast %broadcast_in_dim3A_408 : f32 to vector<16xf32>
      %broadcast_in_dim3A_410 = arith.constant 0.000000e+00 : f32
      %broadcast_in_dim3A_411 = vector.broadcast %broadcast_in_dim3A_410 : f32 to vector<16xf32>
      %broadcast_in_dim3A_412 = arith.constant 0.000000e+00 : f32
      %broadcast_in_dim3A_413 = vector.broadcast %broadcast_in_dim3A_412 : f32 to vector<16xf32>
      %broadcast_in_dim3A_414 = arith.constant 0.000000e+00 : f32
      %broadcast_in_dim3A_415 = vector.broadcast %broadcast_in_dim3A_414 : f32 to vector<16xf32>
      %broadcast_in_dim3A_416 = arith.constant 0.000000e+00 : f32
      %broadcast_in_dim3A_417 = vector.broadcast %broadcast_in_dim3A_416 : f32 to vector<16xf32>
      %broadcast_in_dim3A_418 = arith.constant 0.000000e+00 : f32
      %broadcast_in_dim3A_419 = vector.broadcast %broadcast_in_dim3A_418 : f32 to vector<16xf32>
      %broadcast_in_dim3A_420 = arith.constant 0.000000e+00 : f32
      %broadcast_in_dim3A_421 = vector.broadcast %broadcast_in_dim3A_420 : f32 to vector<16xf32>
      %broadcast_in_dim3A_422 = arith.constant 0.000000e+00 : f32
      %broadcast_in_dim3A_423 = vector.broadcast %broadcast_in_dim3A_422 : f32 to vector<16xf32>
      %scan3A_424 = arith.constant 0 : i32
      %scan3A_425 = arith.constant 25 : i32
      %scan3A_426 = arith.addi %scan3A_424, %scan3A_425 : i32
      %scan3A_427 = arith.constant 1 : i32
      %scan3A_428:8 = scf.for %scan3A_1558 = %scan3A_424 to %scan3A_426 step %scan3A_427 iter_args(%scan3A_1559 = %broadcast_in_dim3A_409, %scan3A_1560 = %broadcast_in_dim3A_411, %scan3A_1561 = %broadcast_in_dim3A_413, %scan3A_1562 = %broadcast_in_dim3A_415, %scan3A_1563 = %broadcast_in_dim3A_417, %scan3A_1564 = %broadcast_in_dim3A_419, %scan3A_1565 = %broadcast_in_dim3A_421, %scan3A_1566 = %broadcast_in_dim3A_423) -> (vector<16xf32>, vector<16xf32>, vector<16xf32>, vector<16xf32>, vector<16xf32>, vector<16xf32>, vector<16xf32>, vector<16xf32>)  : i32 {
        %mul3A_1567 = arith.constant 2 : i32
        %mul3A_1568 = arith.muli %mul3A_1567, %scan3A_1558 : i32
        %add3A_1569 = arith.constant 200 : i32
        %add3A_1570 = arith.addi %add3A_1569, %mul3A_1568 : i32
        %get3A = arith.index_cast %add3A_1570 : i32 to index
        %get3A_1571 = arith.constant 0 : index
        %get3A_1572 = tpu.vector_load %arg6[%get3A, %get3A_1571] {strides = array<i32>} : memref<400x128xf32, #tpu.memory_space<vmem>>, vector<1x16xf32>,
        %get3A_1573 = vector.shape_cast %get3A_1572 : vector<1x16xf32> to vector<16xf32>
        %add3A_1574 = arith.addf %scan3A_1559, %get3A_1573 : vector<16xf32>
        %mul3A_1575 = arith.constant 2 : i32
        %mul3A_1576 = arith.muli %mul3A_1575, %scan3A_1558 : i32
        %add3A_1577 = arith.constant 200 : i32
        %add3A_1578 = arith.addi %add3A_1577, %mul3A_1576 : i32
        %add3A_1579 = arith.constant 1 : i32
        %add3A_1580 = arith.addi %add3A_1578, %add3A_1579 : i32
        %get3A_1581 = arith.index_cast %add3A_1580 : i32 to index
        %get3A_1582 = arith.constant 0 : index
        %get3A_1583 = tpu.vector_load %arg6[%get3A_1581, %get3A_1582] {strides = array<i32>} : memref<400x128xf32, #tpu.memory_space<vmem>>, vector<1x16xf32>,
        %get3A_1584 = vector.shape_cast %get3A_1583 : vector<1x16xf32> to vector<16xf32>
        %add3A_1585 = arith.addf %add3A_1574, %get3A_1584 : vector<16xf32>
        %mul3A_1586 = arith.constant 2 : i32
        %mul3A_1587 = arith.muli %mul3A_1586, %scan3A_1558 : i32
        %add3A_1588 = arith.constant 200 : i32
        %add3A_1589 = arith.addi %add3A_1588, %mul3A_1587 : i32
        %get3A_1590 = arith.index_cast %add3A_1589 : i32 to index
        %get3A_1591 = arith.constant 16 : index
        %get3A_1592 = tpu.vector_load %arg6[%get3A_1590, %get3A_1591] {strides = array<i32>} : memref<400x128xf32, #tpu.memory_space<vmem>>, vector<1x16xf32>,
        %get3A_1593 = vector.shape_cast %get3A_1592 : vector<1x16xf32> to vector<16xf32>
        %add3A_1594 = arith.addf %scan3A_1560, %get3A_1593 : vector<16xf32>
        %mul3A_1595 = arith.constant 2 : i32
        %mul3A_1596 = arith.muli %mul3A_1595, %scan3A_1558 : i32
        %add3A_1597 = arith.constant 200 : i32
        %add3A_1598 = arith.addi %add3A_1597, %mul3A_1596 : i32
        %add3A_1599 = arith.constant 1 : i32
        %add3A_1600 = arith.addi %add3A_1598, %add3A_1599 : i32
        %get3A_1601 = arith.index_cast %add3A_1600 : i32 to index
        %get3A_1602 = arith.constant 16 : index
        %get3A_1603 = tpu.vector_load %arg6[%get3A_1601, %get3A_1602] {strides = array<i32>} : memref<400x128xf32, #tpu.memory_space<vmem>>, vector<1x16xf32>,
        %get3A_1604 = vector.shape_cast %get3A_1603 : vector<1x16xf32> to vector<16xf32>
        %add3A_1605 = arith.addf %add3A_1594, %get3A_1604 : vector<16xf32>
        %mul3A_1606 = arith.constant 2 : i32
        %mul3A_1607 = arith.muli %mul3A_1606, %scan3A_1558 : i32
        %add3A_1608 = arith.constant 200 : i32
        %add3A_1609 = arith.addi %add3A_1608, %mul3A_1607 : i32
        %get3A_1610 = arith.index_cast %add3A_1609 : i32 to index
        %get3A_1611 = arith.constant 32 : index
        %get3A_1612 = tpu.vector_load %arg6[%get3A_1610, %get3A_1611] {strides = array<i32>} : memref<400x128xf32, #tpu.memory_space<vmem>>, vector<1x16xf32>,
        %get3A_1613 = vector.shape_cast %get3A_1612 : vector<1x16xf32> to vector<16xf32>
        %add3A_1614 = arith.addf %scan3A_1561, %get3A_1613 : vector<16xf32>
        %mul3A_1615 = arith.constant 2 : i32
        %mul3A_1616 = arith.muli %mul3A_1615, %scan3A_1558 : i32
        %add3A_1617 = arith.constant 200 : i32
        %add3A_1618 = arith.addi %add3A_1617, %mul3A_1616 : i32
        %add3A_1619 = arith.constant 1 : i32
        %add3A_1620 = arith.addi %add3A_1618, %add3A_1619 : i32
        %get3A_1621 = arith.index_cast %add3A_1620 : i32 to index
        %get3A_1622 = arith.constant 32 : index
        %get3A_1623 = tpu.vector_load %arg6[%get3A_1621, %get3A_1622] {strides = array<i32>} : memref<400x128xf32, #tpu.memory_space<vmem>>, vector<1x16xf32>,
        %get3A_1624 = vector.shape_cast %get3A_1623 : vector<1x16xf32> to vector<16xf32>
        %add3A_1625 = arith.addf %add3A_1614, %get3A_1624 : vector<16xf32>
        %mul3A_1626 = arith.constant 2 : i32
        %mul3A_1627 = arith.muli %mul3A_1626, %scan3A_1558 : i32
        %add3A_1628 = arith.constant 200 : i32
        %add3A_1629 = arith.addi %add3A_1628, %mul3A_1627 : i32
        %get3A_1630 = arith.index_cast %add3A_1629 : i32 to index
        %get3A_1631 = arith.constant 48 : index
        %get3A_1632 = tpu.vector_load %arg6[%get3A_1630, %get3A_1631] {strides = array<i32>} : memref<400x128xf32, #tpu.memory_space<vmem>>, vector<1x16xf32>,
        %get3A_1633 = vector.shape_cast %get3A_1632 : vector<1x16xf32> to vector<16xf32>
        %add3A_1634 = arith.addf %scan3A_1562, %get3A_1633 : vector<16xf32>
        %mul3A_1635 = arith.constant 2 : i32
        %mul3A_1636 = arith.muli %mul3A_1635, %scan3A_1558 : i32
        %add3A_1637 = arith.constant 200 : i32
        %add3A_1638 = arith.addi %add3A_1637, %mul3A_1636 : i32
        %add3A_1639 = arith.constant 1 : i32
        %add3A_1640 = arith.addi %add3A_1638, %add3A_1639 : i32
        %get3A_1641 = arith.index_cast %add3A_1640 : i32 to index
        %get3A_1642 = arith.constant 48 : index
        %get3A_1643 = tpu.vector_load %arg6[%get3A_1641, %get3A_1642] {strides = array<i32>} : memref<400x128xf32, #tpu.memory_space<vmem>>, vector<1x16xf32>,
        %get3A_1644 = vector.shape_cast %get3A_1643 : vector<1x16xf32> to vector<16xf32>
        %add3A_1645 = arith.addf %add3A_1634, %get3A_1644 : vector<16xf32>
        %mul3A_1646 = arith.constant 2 : i32
        %mul3A_1647 = arith.muli %mul3A_1646, %scan3A_1558 : i32
        %add3A_1648 = arith.constant 200 : i32
        %add3A_1649 = arith.addi %add3A_1648, %mul3A_1647 : i32
        %get3A_1650 = arith.index_cast %add3A_1649 : i32 to index
        %get3A_1651 = arith.constant 64 : index
        %get3A_1652 = tpu.vector_load %arg6[%get3A_1650, %get3A_1651] {strides = array<i32>} : memref<400x128xf32, #tpu.memory_space<vmem>>, vector<1x16xf32>,
        %get3A_1653 = vector.shape_cast %get3A_1652 : vector<1x16xf32> to vector<16xf32>
        %add3A_1654 = arith.addf %scan3A_1563, %get3A_1653 : vector<16xf32>
        %mul3A_1655 = arith.constant 2 : i32
        %mul3A_1656 = arith.muli %mul3A_1655, %scan3A_1558 : i32
        %add3A_1657 = arith.constant 200 : i32
        %add3A_1658 = arith.addi %add3A_1657, %mul3A_1656 : i32
        %add3A_1659 = arith.constant 1 : i32
        %add3A_1660 = arith.addi %add3A_1658, %add3A_1659 : i32
        %get3A_1661 = arith.index_cast %add3A_1660 : i32 to index
        %get3A_1662 = arith.constant 64 : index
        %get3A_1663 = tpu.vector_load %arg6[%get3A_1661, %get3A_1662] {strides = array<i32>} : memref<400x128xf32, #tpu.memory_space<vmem>>, vector<1x16xf32>,
        %get3A_1664 = vector.shape_cast %get3A_1663 : vector<1x16xf32> to vector<16xf32>
        %add3A_1665 = arith.addf %add3A_1654, %get3A_1664 : vector<16xf32>
        %mul3A_1666 = arith.constant 2 : i32
        %mul3A_1667 = arith.muli %mul3A_1666, %scan3A_1558 : i32
        %add3A_1668 = arith.constant 200 : i32
        %add3A_1669 = arith.addi %add3A_1668, %mul3A_1667 : i32
        %get3A_1670 = arith.index_cast %add3A_1669 : i32 to index
        %get3A_1671 = arith.constant 80 : index
        %get3A_1672 = tpu.vector_load %arg6[%get3A_1670, %get3A_1671] {strides = array<i32>} : memref<400x128xf32, #tpu.memory_space<vmem>>, vector<1x16xf32>,
        %get3A_1673 = vector.shape_cast %get3A_1672 : vector<1x16xf32> to vector<16xf32>
        %add3A_1674 = arith.addf %scan3A_1564, %get3A_1673 : vector<16xf32>
        %mul3A_1675 = arith.constant 2 : i32
        %mul3A_1676 = arith.muli %mul3A_1675, %scan3A_1558 : i32
        %add3A_1677 = arith.constant 200 : i32
        %add3A_1678 = arith.addi %add3A_1677, %mul3A_1676 : i32
        %add3A_1679 = arith.constant 1 : i32
        %add3A_1680 = arith.addi %add3A_1678, %add3A_1679 : i32
        %get3A_1681 = arith.index_cast %add3A_1680 : i32 to index
        %get3A_1682 = arith.constant 80 : index
        %get3A_1683 = tpu.vector_load %arg6[%get3A_1681, %get3A_1682] {strides = array<i32>} : memref<400x128xf32, #tpu.memory_space<vmem>>, vector<1x16xf32>,
        %get3A_1684 = vector.shape_cast %get3A_1683 : vector<1x16xf32> to vector<16xf32>
        %add3A_1685 = arith.addf %add3A_1674, %get3A_1684 : vector<16xf32>
        %mul3A_1686 = arith.constant 2 : i32
        %mul3A_1687 = arith.muli %mul3A_1686, %scan3A_1558 : i32
        %add3A_1688 = arith.constant 200 : i32
        %add3A_1689 = arith.addi %add3A_1688, %mul3A_1687 : i32
        %get3A_1690 = arith.index_cast %add3A_1689 : i32 to index
        %get3A_1691 = arith.constant 96 : index
        %get3A_1692 = tpu.vector_load %arg6[%get3A_1690, %get3A_1691] {strides = array<i32>} : memref<400x128xf32, #tpu.memory_space<vmem>>, vector<1x16xf32>,
        %get3A_1693 = vector.shape_cast %get3A_1692 : vector<1x16xf32> to vector<16xf32>
        %add3A_1694 = arith.addf %scan3A_1565, %get3A_1693 : vector<16xf32>
        %mul3A_1695 = arith.constant 2 : i32
        %mul3A_1696 = arith.muli %mul3A_1695, %scan3A_1558 : i32
        %add3A_1697 = arith.constant 200 : i32
        %add3A_1698 = arith.addi %add3A_1697, %mul3A_1696 : i32
        %add3A_1699 = arith.constant 1 : i32
        %add3A_1700 = arith.addi %add3A_1698, %add3A_1699 : i32
        %get3A_1701 = arith.index_cast %add3A_1700 : i32 to index
        %get3A_1702 = arith.constant 96 : index
        %get3A_1703 = tpu.vector_load %arg6[%get3A_1701, %get3A_1702] {strides = array<i32>} : memref<400x128xf32, #tpu.memory_space<vmem>>, vector<1x16xf32>,
        %get3A_1704 = vector.shape_cast %get3A_1703 : vector<1x16xf32> to vector<16xf32>
        %add3A_1705 = arith.addf %add3A_1694, %get3A_1704 : vector<16xf32>
        %mul3A_1706 = arith.constant 2 : i32
        %mul3A_1707 = arith.muli %mul3A_1706, %scan3A_1558 : i32
        %add3A_1708 = arith.constant 200 : i32
        %add3A_1709 = arith.addi %add3A_1708, %mul3A_1707 : i32
        %get3A_1710 = arith.index_cast %add3A_1709 : i32 to index
        %get3A_1711 = arith.constant 112 : index
        %get3A_1712 = tpu.vector_load %arg6[%get3A_1710, %get3A_1711] {strides = array<i32>} : memref<400x128xf32, #tpu.memory_space<vmem>>, vector<1x16xf32>,
        %get3A_1713 = vector.shape_cast %get3A_1712 : vector<1x16xf32> to vector<16xf32>
        %add3A_1714 = arith.addf %scan3A_1566, %get3A_1713 : vector<16xf32>
        %mul3A_1715 = arith.constant 2 : i32
        %mul3A_1716 = arith.muli %mul3A_1715, %scan3A_1558 : i32
        %add3A_1717 = arith.constant 200 : i32
        %add3A_1718 = arith.addi %add3A_1717, %mul3A_1716 : i32
        %add3A_1719 = arith.constant 1 : i32
        %add3A_1720 = arith.addi %add3A_1718, %add3A_1719 : i32
        %get3A_1721 = arith.index_cast %add3A_1720 : i32 to index
        %get3A_1722 = arith.constant 112 : index
        %get3A_1723 = tpu.vector_load %arg6[%get3A_1721, %get3A_1722] {strides = array<i32>} : memref<400x128xf32, #tpu.memory_space<vmem>>, vector<1x16xf32>,
        %get3A_1724 = vector.shape_cast %get3A_1723 : vector<1x16xf32> to vector<16xf32>
        %add3A_1725 = arith.addf %add3A_1714, %get3A_1724 : vector<16xf32>
        scf.yield %add3A_1585, %add3A_1605, %add3A_1625, %add3A_1645, %add3A_1665, %add3A_1685, %add3A_1705, %add3A_1725 : vector<16xf32>, vector<16xf32>, vector<16xf32>, vector<16xf32>, vector<16xf32>, vector<16xf32>, vector<16xf32>, vector<16xf32>
      }
      %scan3A_429 = arith.constant 25 : i32
      %mul3A_430 = arith.constant 2.000000e-02 : f32
      %mul3A_431 = vector.broadcast %mul3A_430 : f32 to vector<16xf32>
      %mul3A_432 = arith.mulf %scan3A_428#0, %mul3A_431 : vector<16xf32>
      %swap3A_433 = arith.constant 4 : i32
      %swap3A_434 = arith.index_cast %swap3A_433 : i32 to index
      %swap3A_435 = arith.constant 0 : index
      %swap3A_436 = tpu.vector_load %arg8[%swap3A_434, %swap3A_435] {strides = array<i32>} : memref<8x128xf32, #tpu.memory_space<vmem>>, vector<1x16xf32>,
      %swap3A_437 = vector.shape_cast %swap3A_436 : vector<1x16xf32> to vector<16xf32>
      %swap3A_438 = vector.shape_cast %mul3A_432 : vector<16xf32> to vector<1x16xf32>
      tpu.vector_store %arg8[%swap3A_434, %swap3A_435], %swap3A_438 {strides = array<i32>} : memref<8x128xf32, #tpu.memory_space<vmem>>, vector<1x16xf32>,
      %mul3A_439 = arith.constant 2.000000e-02 : f32
      %mul3A_440 = vector.broadcast %mul3A_439 : f32 to vector<16xf32>
      %mul3A_441 = arith.mulf %scan3A_428#1, %mul3A_440 : vector<16xf32>
      %swap3A_442 = arith.constant 4 : i32
      %swap3A_443 = arith.index_cast %swap3A_442 : i32 to index
      %swap3A_444 = arith.constant 16 : index
      %swap3A_445 = tpu.vector_load %arg8[%swap3A_443, %swap3A_444] {strides = array<i32>} : memref<8x128xf32, #tpu.memory_space<vmem>>, vector<1x16xf32>,
      %swap3A_446 = vector.shape_cast %swap3A_445 : vector<1x16xf32> to vector<16xf32>
      %swap3A_447 = vector.shape_cast %mul3A_441 : vector<16xf32> to vector<1x16xf32>
      tpu.vector_store %arg8[%swap3A_443, %swap3A_444], %swap3A_447 {strides = array<i32>} : memref<8x128xf32, #tpu.memory_space<vmem>>, vector<1x16xf32>,
      %mul3A_448 = arith.constant 2.000000e-02 : f32
      %mul3A_449 = vector.broadcast %mul3A_448 : f32 to vector<16xf32>
      %mul3A_450 = arith.mulf %scan3A_428#2, %mul3A_449 : vector<16xf32>
      %swap3A_451 = arith.constant 4 : i32
      %swap3A_452 = arith.index_cast %swap3A_451 : i32 to index
      %swap3A_453 = arith.constant 32 : index
      %swap3A_454 = tpu.vector_load %arg8[%swap3A_452, %swap3A_453] {strides = array<i32>} : memref<8x128xf32, #tpu.memory_space<vmem>>, vector<1x16xf32>,
      %swap3A_455 = vector.shape_cast %swap3A_454 : vector<1x16xf32> to vector<16xf32>
      %swap3A_456 = vector.shape_cast %mul3A_450 : vector<16xf32> to vector<1x16xf32>
      tpu.vector_store %arg8[%swap3A_452, %swap3A_453], %swap3A_456 {strides = array<i32>} : memref<8x128xf32, #tpu.memory_space<vmem>>, vector<1x16xf32>,
      %mul3A_457 = arith.constant 2.000000e-02 : f32
      %mul3A_458 = vector.broadcast %mul3A_457 : f32 to vector<16xf32>
      %mul3A_459 = arith.mulf %scan3A_428#3, %mul3A_458 : vector<16xf32>
      %swap3A_460 = arith.constant 4 : i32
      %swap3A_461 = arith.index_cast %swap3A_460 : i32 to index
      %swap3A_462 = arith.constant 48 : index
      %swap3A_463 = tpu.vector_load %arg8[%swap3A_461, %swap3A_462] {strides = array<i32>} : memref<8x128xf32, #tpu.memory_space<vmem>>, vector<1x16xf32>,
      %swap3A_464 = vector.shape_cast %swap3A_463 : vector<1x16xf32> to vector<16xf32>
      %swap3A_465 = vector.shape_cast %mul3A_459 : vector<16xf32> to vector<1x16xf32>
      tpu.vector_store %arg8[%swap3A_461, %swap3A_462], %swap3A_465 {strides = array<i32>} : memref<8x128xf32, #tpu.memory_space<vmem>>, vector<1x16xf32>,
      %mul3A_466 = arith.constant 2.000000e-02 : f32
      %mul3A_467 = vector.broadcast %mul3A_466 : f32 to vector<16xf32>
      %mul3A_468 = arith.mulf %scan3A_428#4, %mul3A_467 : vector<16xf32>
      %swap3A_469 = arith.constant 4 : i32
      %swap3A_470 = arith.index_cast %swap3A_469 : i32 to index
      %swap3A_471 = arith.constant 64 : index
      %swap3A_472 = tpu.vector_load %arg8[%swap3A_470, %swap3A_471] {strides = array<i32>} : memref<8x128xf32, #tpu.memory_space<vmem>>, vector<1x16xf32>,
      %swap3A_473 = vector.shape_cast %swap3A_472 : vector<1x16xf32> to vector<16xf32>
      %swap3A_474 = vector.shape_cast %mul3A_468 : vector<16xf32> to vector<1x16xf32>
      tpu.vector_store %arg8[%swap3A_470, %swap3A_471], %swap3A_474 {strides = array<i32>} : memref<8x128xf32, #tpu.memory_space<vmem>>, vector<1x16xf32>,
      %mul3A_475 = arith.constant 2.000000e-02 : f32
      %mul3A_476 = vector.broadcast %mul3A_475 : f32 to vector<16xf32>
      %mul3A_477 = arith.mulf %scan3A_428#5, %mul3A_476 : vector<16xf32>
      %swap3A_478 = arith.constant 4 : i32
      %swap3A_479 = arith.index_cast %swap3A_478 : i32 to index
      %swap3A_480 = arith.constant 80 : index
      %swap3A_481 = tpu.vector_load %arg8[%swap3A_479, %swap3A_480] {strides = array<i32>} : memref<8x128xf32, #tpu.memory_space<vmem>>, vector<1x16xf32>,
      %swap3A_482 = vector.shape_cast %swap3A_481 : vector<1x16xf32> to vector<16xf32>
      %swap3A_483 = vector.shape_cast %mul3A_477 : vector<16xf32> to vector<1x16xf32>
      tpu.vector_store %arg8[%swap3A_479, %swap3A_480], %swap3A_483 {strides = array<i32>} : memref<8x128xf32, #tpu.memory_space<vmem>>, vector<1x16xf32>,
      %mul3A_484 = arith.constant 2.000000e-02 : f32
      %mul3A_485 = vector.broadcast %mul3A_484 : f32 to vector<16xf32>
      %mul3A_486 = arith.mulf %scan3A_428#6, %mul3A_485 : vector<16xf32>
      %swap3A_487 = arith.constant 4 : i32
      %swap3A_488 = arith.index_cast %swap3A_487 : i32 to index
      %swap3A_489 = arith.constant 96 : index
      %swap3A_490 = tpu.vector_load %arg8[%swap3A_488, %swap3A_489] {strides = array<i32>} : memref<8x128xf32, #tpu.memory_space<vmem>>, vector<1x16xf32>,
      %swap3A_491 = vector.shape_cast %swap3A_490 : vector<1x16xf32> to vector<16xf32>
      %swap3A_492 = vector.shape_cast %mul3A_486 : vector<16xf32> to vector<1x16xf32>
      tpu.vector_store %arg8[%swap3A_488, %swap3A_489], %swap3A_492 {strides = array<i32>} : memref<8x128xf32, #tpu.memory_space<vmem>>, vector<1x16xf32>,
      %mul3A_493 = arith.constant 2.000000e-02 : f32
      %mul3A_494 = vector.broadcast %mul3A_493 : f32 to vector<16xf32>
      %mul3A_495 = arith.mulf %scan3A_428#7, %mul3A_494 : vector<16xf32>
      %swap3A_496 = arith.constant 4 : i32
      %swap3A_497 = arith.index_cast %swap3A_496 : i32 to index
      %swap3A_498 = arith.constant 112 : index
      %swap3A_499 = tpu.vector_load %arg8[%swap3A_497, %swap3A_498] {strides = array<i32>} : memref<8x128xf32, #tpu.memory_space<vmem>>, vector<1x16xf32>,
      %swap3A_500 = vector.shape_cast %swap3A_499 : vector<1x16xf32> to vector<16xf32>
      %swap3A_501 = vector.shape_cast %mul3A_495 : vector<16xf32> to vector<1x16xf32>
      tpu.vector_store %arg8[%swap3A_497, %swap3A_498], %swap3A_501 {strides = array<i32>} : memref<8x128xf32, #tpu.memory_space<vmem>>, vector<1x16xf32>,
      %broadcast_in_dim3A_502 = arith.constant 0.000000e+00 : f32
      %broadcast_in_dim3A_503 = vector.broadcast %broadcast_in_dim3A_502 : f32 to vector<16xf32>
      %broadcast_in_dim3A_504 = arith.constant 0.000000e+00 : f32
      %broadcast_in_dim3A_505 = vector.broadcast %broadcast_in_dim3A_504 : f32 to vector<16xf32>
      %broadcast_in_dim3A_506 = arith.constant 0.000000e+00 : f32
      %broadcast_in_dim3A_507 = vector.broadcast %broadcast_in_dim3A_506 : f32 to vector<16xf32>
      %broadcast_in_dim3A_508 = arith.constant 0.000000e+00 : f32
      %broadcast_in_dim3A_509 = vector.broadcast %broadcast_in_dim3A_508 : f32 to vector<16xf32>
      %broadcast_in_dim3A_510 = arith.constant 0.000000e+00 : f32
      %broadcast_in_dim3A_511 = vector.broadcast %broadcast_in_dim3A_510 : f32 to vector<16xf32>
      %broadcast_in_dim3A_512 = arith.constant 0.000000e+00 : f32
      %broadcast_in_dim3A_513 = vector.broadcast %broadcast_in_dim3A_512 : f32 to vector<16xf32>
      %broadcast_in_dim3A_514 = arith.constant 0.000000e+00 : f32
      %broadcast_in_dim3A_515 = vector.broadcast %broadcast_in_dim3A_514 : f32 to vector<16xf32>
      %broadcast_in_dim3A_516 = arith.constant 0.000000e+00 : f32
      %broadcast_in_dim3A_517 = vector.broadcast %broadcast_in_dim3A_516 : f32 to vector<16xf32>
      %scan3A_518 = arith.constant 0 : i32
      %scan3A_519 = arith.constant 25 : i32
      %scan3A_520 = arith.addi %scan3A_518, %scan3A_519 : i32
      %scan3A_521 = arith.constant 1 : i32
      %scan3A_522:8 = scf.for %scan3A_1558 = %scan3A_518 to %scan3A_520 step %scan3A_521 iter_args(%scan3A_1559 = %broadcast_in_dim3A_503, %scan3A_1560 = %broadcast_in_dim3A_505, %scan3A_1561 = %broadcast_in_dim3A_507, %scan3A_1562 = %broadcast_in_dim3A_509, %scan3A_1563 = %broadcast_in_dim3A_511, %scan3A_1564 = %broadcast_in_dim3A_513, %scan3A_1565 = %broadcast_in_dim3A_515, %scan3A_1566 = %broadcast_in_dim3A_517) -> (vector<16xf32>, vector<16xf32>, vector<16xf32>, vector<16xf32>, vector<16xf32>, vector<16xf32>, vector<16xf32>, vector<16xf32>)  : i32 {
        %mul3A_1567 = arith.constant 2 : i32
        %mul3A_1568 = arith.muli %mul3A_1567, %scan3A_1558 : i32
        %add3A_1569 = arith.constant 250 : i32
        %add3A_1570 = arith.addi %add3A_1569, %mul3A_1568 : i32
        %get3A = arith.index_cast %add3A_1570 : i32 to index
        %get3A_1571 = arith.constant 0 : index
        %get3A_1572 = tpu.vector_load %arg6[%get3A, %get3A_1571] {strides = array<i32>} : memref<400x128xf32, #tpu.memory_space<vmem>>, vector<1x16xf32>,
        %get3A_1573 = vector.shape_cast %get3A_1572 : vector<1x16xf32> to vector<16xf32>
        %add3A_1574 = arith.addf %scan3A_1559, %get3A_1573 : vector<16xf32>
        %mul3A_1575 = arith.constant 2 : i32
        %mul3A_1576 = arith.muli %mul3A_1575, %scan3A_1558 : i32
        %add3A_1577 = arith.constant 250 : i32
        %add3A_1578 = arith.addi %add3A_1577, %mul3A_1576 : i32
        %add3A_1579 = arith.constant 1 : i32
        %add3A_1580 = arith.addi %add3A_1578, %add3A_1579 : i32
        %get3A_1581 = arith.index_cast %add3A_1580 : i32 to index
        %get3A_1582 = arith.constant 0 : index
        %get3A_1583 = tpu.vector_load %arg6[%get3A_1581, %get3A_1582] {strides = array<i32>} : memref<400x128xf32, #tpu.memory_space<vmem>>, vector<1x16xf32>,
        %get3A_1584 = vector.shape_cast %get3A_1583 : vector<1x16xf32> to vector<16xf32>
        %add3A_1585 = arith.addf %add3A_1574, %get3A_1584 : vector<16xf32>
        %mul3A_1586 = arith.constant 2 : i32
        %mul3A_1587 = arith.muli %mul3A_1586, %scan3A_1558 : i32
        %add3A_1588 = arith.constant 250 : i32
        %add3A_1589 = arith.addi %add3A_1588, %mul3A_1587 : i32
        %get3A_1590 = arith.index_cast %add3A_1589 : i32 to index
        %get3A_1591 = arith.constant 16 : index
        %get3A_1592 = tpu.vector_load %arg6[%get3A_1590, %get3A_1591] {strides = array<i32>} : memref<400x128xf32, #tpu.memory_space<vmem>>, vector<1x16xf32>,
        %get3A_1593 = vector.shape_cast %get3A_1592 : vector<1x16xf32> to vector<16xf32>
        %add3A_1594 = arith.addf %scan3A_1560, %get3A_1593 : vector<16xf32>
        %mul3A_1595 = arith.constant 2 : i32
        %mul3A_1596 = arith.muli %mul3A_1595, %scan3A_1558 : i32
        %add3A_1597 = arith.constant 250 : i32
        %add3A_1598 = arith.addi %add3A_1597, %mul3A_1596 : i32
        %add3A_1599 = arith.constant 1 : i32
        %add3A_1600 = arith.addi %add3A_1598, %add3A_1599 : i32
        %get3A_1601 = arith.index_cast %add3A_1600 : i32 to index
        %get3A_1602 = arith.constant 16 : index
        %get3A_1603 = tpu.vector_load %arg6[%get3A_1601, %get3A_1602] {strides = array<i32>} : memref<400x128xf32, #tpu.memory_space<vmem>>, vector<1x16xf32>,
        %get3A_1604 = vector.shape_cast %get3A_1603 : vector<1x16xf32> to vector<16xf32>
        %add3A_1605 = arith.addf %add3A_1594, %get3A_1604 : vector<16xf32>
        %mul3A_1606 = arith.constant 2 : i32
        %mul3A_1607 = arith.muli %mul3A_1606, %scan3A_1558 : i32
        %add3A_1608 = arith.constant 250 : i32
        %add3A_1609 = arith.addi %add3A_1608, %mul3A_1607 : i32
        %get3A_1610 = arith.index_cast %add3A_1609 : i32 to index
        %get3A_1611 = arith.constant 32 : index
        %get3A_1612 = tpu.vector_load %arg6[%get3A_1610, %get3A_1611] {strides = array<i32>} : memref<400x128xf32, #tpu.memory_space<vmem>>, vector<1x16xf32>,
        %get3A_1613 = vector.shape_cast %get3A_1612 : vector<1x16xf32> to vector<16xf32>
        %add3A_1614 = arith.addf %scan3A_1561, %get3A_1613 : vector<16xf32>
        %mul3A_1615 = arith.constant 2 : i32
        %mul3A_1616 = arith.muli %mul3A_1615, %scan3A_1558 : i32
        %add3A_1617 = arith.constant 250 : i32
        %add3A_1618 = arith.addi %add3A_1617, %mul3A_1616 : i32
        %add3A_1619 = arith.constant 1 : i32
        %add3A_1620 = arith.addi %add3A_1618, %add3A_1619 : i32
        %get3A_1621 = arith.index_cast %add3A_1620 : i32 to index
        %get3A_1622 = arith.constant 32 : index
        %get3A_1623 = tpu.vector_load %arg6[%get3A_1621, %get3A_1622] {strides = array<i32>} : memref<400x128xf32, #tpu.memory_space<vmem>>, vector<1x16xf32>,
        %get3A_1624 = vector.shape_cast %get3A_1623 : vector<1x16xf32> to vector<16xf32>
        %add3A_1625 = arith.addf %add3A_1614, %get3A_1624 : vector<16xf32>
        %mul3A_1626 = arith.constant 2 : i32
        %mul3A_1627 = arith.muli %mul3A_1626, %scan3A_1558 : i32
        %add3A_1628 = arith.constant 250 : i32
        %add3A_1629 = arith.addi %add3A_1628, %mul3A_1627 : i32
        %get3A_1630 = arith.index_cast %add3A_1629 : i32 to index
        %get3A_1631 = arith.constant 48 : index
        %get3A_1632 = tpu.vector_load %arg6[%get3A_1630, %get3A_1631] {strides = array<i32>} : memref<400x128xf32, #tpu.memory_space<vmem>>, vector<1x16xf32>,
        %get3A_1633 = vector.shape_cast %get3A_1632 : vector<1x16xf32> to vector<16xf32>
        %add3A_1634 = arith.addf %scan3A_1562, %get3A_1633 : vector<16xf32>
        %mul3A_1635 = arith.constant 2 : i32
        %mul3A_1636 = arith.muli %mul3A_1635, %scan3A_1558 : i32
        %add3A_1637 = arith.constant 250 : i32
        %add3A_1638 = arith.addi %add3A_1637, %mul3A_1636 : i32
        %add3A_1639 = arith.constant 1 : i32
        %add3A_1640 = arith.addi %add3A_1638, %add3A_1639 : i32
        %get3A_1641 = arith.index_cast %add3A_1640 : i32 to index
        %get3A_1642 = arith.constant 48 : index
        %get3A_1643 = tpu.vector_load %arg6[%get3A_1641, %get3A_1642] {strides = array<i32>} : memref<400x128xf32, #tpu.memory_space<vmem>>, vector<1x16xf32>,
        %get3A_1644 = vector.shape_cast %get3A_1643 : vector<1x16xf32> to vector<16xf32>
        %add3A_1645 = arith.addf %add3A_1634, %get3A_1644 : vector<16xf32>
        %mul3A_1646 = arith.constant 2 : i32
        %mul3A_1647 = arith.muli %mul3A_1646, %scan3A_1558 : i32
        %add3A_1648 = arith.constant 250 : i32
        %add3A_1649 = arith.addi %add3A_1648, %mul3A_1647 : i32
        %get3A_1650 = arith.index_cast %add3A_1649 : i32 to index
        %get3A_1651 = arith.constant 64 : index
        %get3A_1652 = tpu.vector_load %arg6[%get3A_1650, %get3A_1651] {strides = array<i32>} : memref<400x128xf32, #tpu.memory_space<vmem>>, vector<1x16xf32>,
        %get3A_1653 = vector.shape_cast %get3A_1652 : vector<1x16xf32> to vector<16xf32>
        %add3A_1654 = arith.addf %scan3A_1563, %get3A_1653 : vector<16xf32>
        %mul3A_1655 = arith.constant 2 : i32
        %mul3A_1656 = arith.muli %mul3A_1655, %scan3A_1558 : i32
        %add3A_1657 = arith.constant 250 : i32
        %add3A_1658 = arith.addi %add3A_1657, %mul3A_1656 : i32
        %add3A_1659 = arith.constant 1 : i32
        %add3A_1660 = arith.addi %add3A_1658, %add3A_1659 : i32
        %get3A_1661 = arith.index_cast %add3A_1660 : i32 to index
        %get3A_1662 = arith.constant 64 : index
        %get3A_1663 = tpu.vector_load %arg6[%get3A_1661, %get3A_1662] {strides = array<i32>} : memref<400x128xf32, #tpu.memory_space<vmem>>, vector<1x16xf32>,
        %get3A_1664 = vector.shape_cast %get3A_1663 : vector<1x16xf32> to vector<16xf32>
        %add3A_1665 = arith.addf %add3A_1654, %get3A_1664 : vector<16xf32>
        %mul3A_1666 = arith.constant 2 : i32
        %mul3A_1667 = arith.muli %mul3A_1666, %scan3A_1558 : i32
        %add3A_1668 = arith.constant 250 : i32
        %add3A_1669 = arith.addi %add3A_1668, %mul3A_1667 : i32
        %get3A_1670 = arith.index_cast %add3A_1669 : i32 to index
        %get3A_1671 = arith.constant 80 : index
        %get3A_1672 = tpu.vector_load %arg6[%get3A_1670, %get3A_1671] {strides = array<i32>} : memref<400x128xf32, #tpu.memory_space<vmem>>, vector<1x16xf32>,
        %get3A_1673 = vector.shape_cast %get3A_1672 : vector<1x16xf32> to vector<16xf32>
        %add3A_1674 = arith.addf %scan3A_1564, %get3A_1673 : vector<16xf32>
        %mul3A_1675 = arith.constant 2 : i32
        %mul3A_1676 = arith.muli %mul3A_1675, %scan3A_1558 : i32
        %add3A_1677 = arith.constant 250 : i32
        %add3A_1678 = arith.addi %add3A_1677, %mul3A_1676 : i32
        %add3A_1679 = arith.constant 1 : i32
        %add3A_1680 = arith.addi %add3A_1678, %add3A_1679 : i32
        %get3A_1681 = arith.index_cast %add3A_1680 : i32 to index
        %get3A_1682 = arith.constant 80 : index
        %get3A_1683 = tpu.vector_load %arg6[%get3A_1681, %get3A_1682] {strides = array<i32>} : memref<400x128xf32, #tpu.memory_space<vmem>>, vector<1x16xf32>,
        %get3A_1684 = vector.shape_cast %get3A_1683 : vector<1x16xf32> to vector<16xf32>
        %add3A_1685 = arith.addf %add3A_1674, %get3A_1684 : vector<16xf32>
        %mul3A_1686 = arith.constant 2 : i32
        %mul3A_1687 = arith.muli %mul3A_1686, %scan3A_1558 : i32
        %add3A_1688 = arith.constant 250 : i32
        %add3A_1689 = arith.addi %add3A_1688, %mul3A_1687 : i32
        %get3A_1690 = arith.index_cast %add3A_1689 : i32 to index
        %get3A_1691 = arith.constant 96 : index
        %get3A_1692 = tpu.vector_load %arg6[%get3A_1690, %get3A_1691] {strides = array<i32>} : memref<400x128xf32, #tpu.memory_space<vmem>>, vector<1x16xf32>,
        %get3A_1693 = vector.shape_cast %get3A_1692 : vector<1x16xf32> to vector<16xf32>
        %add3A_1694 = arith.addf %scan3A_1565, %get3A_1693 : vector<16xf32>
        %mul3A_1695 = arith.constant 2 : i32
        %mul3A_1696 = arith.muli %mul3A_1695, %scan3A_1558 : i32
        %add3A_1697 = arith.constant 250 : i32
        %add3A_1698 = arith.addi %add3A_1697, %mul3A_1696 : i32
        %add3A_1699 = arith.constant 1 : i32
        %add3A_1700 = arith.addi %add3A_1698, %add3A_1699 : i32
        %get3A_1701 = arith.index_cast %add3A_1700 : i32 to index
        %get3A_1702 = arith.constant 96 : index
        %get3A_1703 = tpu.vector_load %arg6[%get3A_1701, %get3A_1702] {strides = array<i32>} : memref<400x128xf32, #tpu.memory_space<vmem>>, vector<1x16xf32>,
        %get3A_1704 = vector.shape_cast %get3A_1703 : vector<1x16xf32> to vector<16xf32>
        %add3A_1705 = arith.addf %add3A_1694, %get3A_1704 : vector<16xf32>
        %mul3A_1706 = arith.constant 2 : i32
        %mul3A_1707 = arith.muli %mul3A_1706, %scan3A_1558 : i32
        %add3A_1708 = arith.constant 250 : i32
        %add3A_1709 = arith.addi %add3A_1708, %mul3A_1707 : i32
        %get3A_1710 = arith.index_cast %add3A_1709 : i32 to index
        %get3A_1711 = arith.constant 112 : index
        %get3A_1712 = tpu.vector_load %arg6[%get3A_1710, %get3A_1711] {strides = array<i32>} : memref<400x128xf32, #tpu.memory_space<vmem>>, vector<1x16xf32>,
        %get3A_1713 = vector.shape_cast %get3A_1712 : vector<1x16xf32> to vector<16xf32>
        %add3A_1714 = arith.addf %scan3A_1566, %get3A_1713 : vector<16xf32>
        %mul3A_1715 = arith.constant 2 : i32
        %mul3A_1716 = arith.muli %mul3A_1715, %scan3A_1558 : i32
        %add3A_1717 = arith.constant 250 : i32
        %add3A_1718 = arith.addi %add3A_1717, %mul3A_1716 : i32
        %add3A_1719 = arith.constant 1 : i32
        %add3A_1720 = arith.addi %add3A_1718, %add3A_1719 : i32
        %get3A_1721 = arith.index_cast %add3A_1720 : i32 to index
        %get3A_1722 = arith.constant 112 : index
        %get3A_1723 = tpu.vector_load %arg6[%get3A_1721, %get3A_1722] {strides = array<i32>} : memref<400x128xf32, #tpu.memory_space<vmem>>, vector<1x16xf32>,
        %get3A_1724 = vector.shape_cast %get3A_1723 : vector<1x16xf32> to vector<16xf32>
        %add3A_1725 = arith.addf %add3A_1714, %get3A_1724 : vector<16xf32>
        scf.yield %add3A_1585, %add3A_1605, %add3A_1625, %add3A_1645, %add3A_1665, %add3A_1685, %add3A_1705, %add3A_1725 : vector<16xf32>, vector<16xf32>, vector<16xf32>, vector<16xf32>, vector<16xf32>, vector<16xf32>, vector<16xf32>, vector<16xf32>
      }
      %scan3A_523 = arith.constant 25 : i32
      %mul3A_524 = arith.constant 2.000000e-02 : f32
      %mul3A_525 = vector.broadcast %mul3A_524 : f32 to vector<16xf32>
      %mul3A_526 = arith.mulf %scan3A_522#0, %mul3A_525 : vector<16xf32>
      %swap3A_527 = arith.constant 5 : i32
      %swap3A_528 = arith.index_cast %swap3A_527 : i32 to index
      %swap3A_529 = arith.constant 0 : index
      %swap3A_530 = tpu.vector_load %arg8[%swap3A_528, %swap3A_529] {strides = array<i32>} : memref<8x128xf32, #tpu.memory_space<vmem>>, vector<1x16xf32>,
      %swap3A_531 = vector.shape_cast %swap3A_530 : vector<1x16xf32> to vector<16xf32>
      %swap3A_532 = vector.shape_cast %mul3A_526 : vector<16xf32> to vector<1x16xf32>
      tpu.vector_store %arg8[%swap3A_528, %swap3A_529], %swap3A_532 {strides = array<i32>} : memref<8x128xf32, #tpu.memory_space<vmem>>, vector<1x16xf32>,
      %mul3A_533 = arith.constant 2.000000e-02 : f32
      %mul3A_534 = vector.broadcast %mul3A_533 : f32 to vector<16xf32>
      %mul3A_535 = arith.mulf %scan3A_522#1, %mul3A_534 : vector<16xf32>
      %swap3A_536 = arith.constant 5 : i32
      %swap3A_537 = arith.index_cast %swap3A_536 : i32 to index
      %swap3A_538 = arith.constant 16 : index
      %swap3A_539 = tpu.vector_load %arg8[%swap3A_537, %swap3A_538] {strides = array<i32>} : memref<8x128xf32, #tpu.memory_space<vmem>>, vector<1x16xf32>,
      %swap3A_540 = vector.shape_cast %swap3A_539 : vector<1x16xf32> to vector<16xf32>
      %swap3A_541 = vector.shape_cast %mul3A_535 : vector<16xf32> to vector<1x16xf32>
      tpu.vector_store %arg8[%swap3A_537, %swap3A_538], %swap3A_541 {strides = array<i32>} : memref<8x128xf32, #tpu.memory_space<vmem>>, vector<1x16xf32>,
      %mul3A_542 = arith.constant 2.000000e-02 : f32
      %mul3A_543 = vector.broadcast %mul3A_542 : f32 to vector<16xf32>
      %mul3A_544 = arith.mulf %scan3A_522#2, %mul3A_543 : vector<16xf32>
      %swap3A_545 = arith.constant 5 : i32
      %swap3A_546 = arith.index_cast %swap3A_545 : i32 to index
      %swap3A_547 = arith.constant 32 : index
      %swap3A_548 = tpu.vector_load %arg8[%swap3A_546, %swap3A_547] {strides = array<i32>} : memref<8x128xf32, #tpu.memory_space<vmem>>, vector<1x16xf32>,
      %swap3A_549 = vector.shape_cast %swap3A_548 : vector<1x16xf32> to vector<16xf32>
      %swap3A_550 = vector.shape_cast %mul3A_544 : vector<16xf32> to vector<1x16xf32>
      tpu.vector_store %arg8[%swap3A_546, %swap3A_547], %swap3A_550 {strides = array<i32>} : memref<8x128xf32, #tpu.memory_space<vmem>>, vector<1x16xf32>,
      %mul3A_551 = arith.constant 2.000000e-02 : f32
      %mul3A_552 = vector.broadcast %mul3A_551 : f32 to vector<16xf32>
      %mul3A_553 = arith.mulf %scan3A_522#3, %mul3A_552 : vector<16xf32>
      %swap3A_554 = arith.constant 5 : i32
      %swap3A_555 = arith.index_cast %swap3A_554 : i32 to index
      %swap3A_556 = arith.constant 48 : index
      %swap3A_557 = tpu.vector_load %arg8[%swap3A_555, %swap3A_556] {strides = array<i32>} : memref<8x128xf32, #tpu.memory_space<vmem>>, vector<1x16xf32>,
      %swap3A_558 = vector.shape_cast %swap3A_557 : vector<1x16xf32> to vector<16xf32>
      %swap3A_559 = vector.shape_cast %mul3A_553 : vector<16xf32> to vector<1x16xf32>
      tpu.vector_store %arg8[%swap3A_555, %swap3A_556], %swap3A_559 {strides = array<i32>} : memref<8x128xf32, #tpu.memory_space<vmem>>, vector<1x16xf32>,
      %mul3A_560 = arith.constant 2.000000e-02 : f32
      %mul3A_561 = vector.broadcast %mul3A_560 : f32 to vector<16xf32>
      %mul3A_562 = arith.mulf %scan3A_522#4, %mul3A_561 : vector<16xf32>
      %swap3A_563 = arith.constant 5 : i32
      %swap3A_564 = arith.index_cast %swap3A_563 : i32 to index
      %swap3A_565 = arith.constant 64 : index
      %swap3A_566 = tpu.vector_load %arg8[%swap3A_564, %swap3A_565] {strides = array<i32>} : memref<8x128xf32, #tpu.memory_space<vmem>>, vector<1x16xf32>,
      %swap3A_567 = vector.shape_cast %swap3A_566 : vector<1x16xf32> to vector<16xf32>
      %swap3A_568 = vector.shape_cast %mul3A_562 : vector<16xf32> to vector<1x16xf32>
      tpu.vector_store %arg8[%swap3A_564, %swap3A_565], %swap3A_568 {strides = array<i32>} : memref<8x128xf32, #tpu.memory_space<vmem>>, vector<1x16xf32>,
      %mul3A_569 = arith.constant 2.000000e-02 : f32
      %mul3A_570 = vector.broadcast %mul3A_569 : f32 to vector<16xf32>
      %mul3A_571 = arith.mulf %scan3A_522#5, %mul3A_570 : vector<16xf32>
      %swap3A_572 = arith.constant 5 : i32
      %swap3A_573 = arith.index_cast %swap3A_572 : i32 to index
      %swap3A_574 = arith.constant 80 : index
      %swap3A_575 = tpu.vector_load %arg8[%swap3A_573, %swap3A_574] {strides = array<i32>} : memref<8x128xf32, #tpu.memory_space<vmem>>, vector<1x16xf32>,
      %swap3A_576 = vector.shape_cast %swap3A_575 : vector<1x16xf32> to vector<16xf32>
      %swap3A_577 = vector.shape_cast %mul3A_571 : vector<16xf32> to vector<1x16xf32>
      tpu.vector_store %arg8[%swap3A_573, %swap3A_574], %swap3A_577 {strides = array<i32>} : memref<8x128xf32, #tpu.memory_space<vmem>>, vector<1x16xf32>,
      %mul3A_578 = arith.constant 2.000000e-02 : f32
      %mul3A_579 = vector.broadcast %mul3A_578 : f32 to vector<16xf32>
      %mul3A_580 = arith.mulf %scan3A_522#6, %mul3A_579 : vector<16xf32>
      %swap3A_581 = arith.constant 5 : i32
      %swap3A_582 = arith.index_cast %swap3A_581 : i32 to index
      %swap3A_583 = arith.constant 96 : index
      %swap3A_584 = tpu.vector_load %arg8[%swap3A_582, %swap3A_583] {strides = array<i32>} : memref<8x128xf32, #tpu.memory_space<vmem>>, vector<1x16xf32>,
      %swap3A_585 = vector.shape_cast %swap3A_584 : vector<1x16xf32> to vector<16xf32>
      %swap3A_586 = vector.shape_cast %mul3A_580 : vector<16xf32> to vector<1x16xf32>
      tpu.vector_store %arg8[%swap3A_582, %swap3A_583], %swap3A_586 {strides = array<i32>} : memref<8x128xf32, #tpu.memory_space<vmem>>, vector<1x16xf32>,
      %mul3A_587 = arith.constant 2.000000e-02 : f32
      %mul3A_588 = vector.broadcast %mul3A_587 : f32 to vector<16xf32>
      %mul3A_589 = arith.mulf %scan3A_522#7, %mul3A_588 : vector<16xf32>
      %swap3A_590 = arith.constant 5 : i32
      %swap3A_591 = arith.index_cast %swap3A_590 : i32 to index
      %swap3A_592 = arith.constant 112 : index
      %swap3A_593 = tpu.vector_load %arg8[%swap3A_591, %swap3A_592] {strides = array<i32>} : memref<8x128xf32, #tpu.memory_space<vmem>>, vector<1x16xf32>,
      %swap3A_594 = vector.shape_cast %swap3A_593 : vector<1x16xf32> to vector<16xf32>
      %swap3A_595 = vector.shape_cast %mul3A_589 : vector<16xf32> to vector<1x16xf32>
      tpu.vector_store %arg8[%swap3A_591, %swap3A_592], %swap3A_595 {strides = array<i32>} : memref<8x128xf32, #tpu.memory_space<vmem>>, vector<1x16xf32>,
      %broadcast_in_dim3A_596 = arith.constant 0.000000e+00 : f32
      %broadcast_in_dim3A_597 = vector.broadcast %broadcast_in_dim3A_596 : f32 to vector<16xf32>
      %broadcast_in_dim3A_598 = arith.constant 0.000000e+00 : f32
      %broadcast_in_dim3A_599 = vector.broadcast %broadcast_in_dim3A_598 : f32 to vector<16xf32>
      %broadcast_in_dim3A_600 = arith.constant 0.000000e+00 : f32
      %broadcast_in_dim3A_601 = vector.broadcast %broadcast_in_dim3A_600 : f32 to vector<16xf32>
      %broadcast_in_dim3A_602 = arith.constant 0.000000e+00 : f32
      %broadcast_in_dim3A_603 = vector.broadcast %broadcast_in_dim3A_602 : f32 to vector<16xf32>
      %broadcast_in_dim3A_604 = arith.constant 0.000000e+00 : f32
      %broadcast_in_dim3A_605 = vector.broadcast %broadcast_in_dim3A_604 : f32 to vector<16xf32>
      %broadcast_in_dim3A_606 = arith.constant 0.000000e+00 : f32
      %broadcast_in_dim3A_607 = vector.broadcast %broadcast_in_dim3A_606 : f32 to vector<16xf32>
      %broadcast_in_dim3A_608 = arith.constant 0.000000e+00 : f32
      %broadcast_in_dim3A_609 = vector.broadcast %broadcast_in_dim3A_608 : f32 to vector<16xf32>
      %broadcast_in_dim3A_610 = arith.constant 0.000000e+00 : f32
      %broadcast_in_dim3A_611 = vector.broadcast %broadcast_in_dim3A_610 : f32 to vector<16xf32>
      %scan3A_612 = arith.constant 0 : i32
      %scan3A_613 = arith.constant 25 : i32
      %scan3A_614 = arith.addi %scan3A_612, %scan3A_613 : i32
      %scan3A_615 = arith.constant 1 : i32
      %scan3A_616:8 = scf.for %scan3A_1558 = %scan3A_612 to %scan3A_614 step %scan3A_615 iter_args(%scan3A_1559 = %broadcast_in_dim3A_597, %scan3A_1560 = %broadcast_in_dim3A_599, %scan3A_1561 = %broadcast_in_dim3A_601, %scan3A_1562 = %broadcast_in_dim3A_603, %scan3A_1563 = %broadcast_in_dim3A_605, %scan3A_1564 = %broadcast_in_dim3A_607, %scan3A_1565 = %broadcast_in_dim3A_609, %scan3A_1566 = %broadcast_in_dim3A_611) -> (vector<16xf32>, vector<16xf32>, vector<16xf32>, vector<16xf32>, vector<16xf32>, vector<16xf32>, vector<16xf32>, vector<16xf32>)  : i32 {
        %mul3A_1567 = arith.constant 2 : i32
        %mul3A_1568 = arith.muli %mul3A_1567, %scan3A_1558 : i32
        %add3A_1569 = arith.constant 300 : i32
        %add3A_1570 = arith.addi %add3A_1569, %mul3A_1568 : i32
        %get3A = arith.index_cast %add3A_1570 : i32 to index
        %get3A_1571 = arith.constant 0 : index
        %get3A_1572 = tpu.vector_load %arg6[%get3A, %get3A_1571] {strides = array<i32>} : memref<400x128xf32, #tpu.memory_space<vmem>>, vector<1x16xf32>,
        %get3A_1573 = vector.shape_cast %get3A_1572 : vector<1x16xf32> to vector<16xf32>
        %add3A_1574 = arith.addf %scan3A_1559, %get3A_1573 : vector<16xf32>
        %mul3A_1575 = arith.constant 2 : i32
        %mul3A_1576 = arith.muli %mul3A_1575, %scan3A_1558 : i32
        %add3A_1577 = arith.constant 300 : i32
        %add3A_1578 = arith.addi %add3A_1577, %mul3A_1576 : i32
        %add3A_1579 = arith.constant 1 : i32
        %add3A_1580 = arith.addi %add3A_1578, %add3A_1579 : i32
        %get3A_1581 = arith.index_cast %add3A_1580 : i32 to index
        %get3A_1582 = arith.constant 0 : index
        %get3A_1583 = tpu.vector_load %arg6[%get3A_1581, %get3A_1582] {strides = array<i32>} : memref<400x128xf32, #tpu.memory_space<vmem>>, vector<1x16xf32>,
        %get3A_1584 = vector.shape_cast %get3A_1583 : vector<1x16xf32> to vector<16xf32>
        %add3A_1585 = arith.addf %add3A_1574, %get3A_1584 : vector<16xf32>
        %mul3A_1586 = arith.constant 2 : i32
        %mul3A_1587 = arith.muli %mul3A_1586, %scan3A_1558 : i32
        %add3A_1588 = arith.constant 300 : i32
        %add3A_1589 = arith.addi %add3A_1588, %mul3A_1587 : i32
        %get3A_1590 = arith.index_cast %add3A_1589 : i32 to index
        %get3A_1591 = arith.constant 16 : index
        %get3A_1592 = tpu.vector_load %arg6[%get3A_1590, %get3A_1591] {strides = array<i32>} : memref<400x128xf32, #tpu.memory_space<vmem>>, vector<1x16xf32>,
        %get3A_1593 = vector.shape_cast %get3A_1592 : vector<1x16xf32> to vector<16xf32>
        %add3A_1594 = arith.addf %scan3A_1560, %get3A_1593 : vector<16xf32>
        %mul3A_1595 = arith.constant 2 : i32
        %mul3A_1596 = arith.muli %mul3A_1595, %scan3A_1558 : i32
        %add3A_1597 = arith.constant 300 : i32
        %add3A_1598 = arith.addi %add3A_1597, %mul3A_1596 : i32
        %add3A_1599 = arith.constant 1 : i32
        %add3A_1600 = arith.addi %add3A_1598, %add3A_1599 : i32
        %get3A_1601 = arith.index_cast %add3A_1600 : i32 to index
        %get3A_1602 = arith.constant 16 : index
        %get3A_1603 = tpu.vector_load %arg6[%get3A_1601, %get3A_1602] {strides = array<i32>} : memref<400x128xf32, #tpu.memory_space<vmem>>, vector<1x16xf32>,
        %get3A_1604 = vector.shape_cast %get3A_1603 : vector<1x16xf32> to vector<16xf32>
        %add3A_1605 = arith.addf %add3A_1594, %get3A_1604 : vector<16xf32>
        %mul3A_1606 = arith.constant 2 : i32
        %mul3A_1607 = arith.muli %mul3A_1606, %scan3A_1558 : i32
        %add3A_1608 = arith.constant 300 : i32
        %add3A_1609 = arith.addi %add3A_1608, %mul3A_1607 : i32
        %get3A_1610 = arith.index_cast %add3A_1609 : i32 to index
        %get3A_1611 = arith.constant 32 : index
        %get3A_1612 = tpu.vector_load %arg6[%get3A_1610, %get3A_1611] {strides = array<i32>} : memref<400x128xf32, #tpu.memory_space<vmem>>, vector<1x16xf32>,
        %get3A_1613 = vector.shape_cast %get3A_1612 : vector<1x16xf32> to vector<16xf32>
        %add3A_1614 = arith.addf %scan3A_1561, %get3A_1613 : vector<16xf32>
        %mul3A_1615 = arith.constant 2 : i32
        %mul3A_1616 = arith.muli %mul3A_1615, %scan3A_1558 : i32
        %add3A_1617 = arith.constant 300 : i32
        %add3A_1618 = arith.addi %add3A_1617, %mul3A_1616 : i32
        %add3A_1619 = arith.constant 1 : i32
        %add3A_1620 = arith.addi %add3A_1618, %add3A_1619 : i32
        %get3A_1621 = arith.index_cast %add3A_1620 : i32 to index
        %get3A_1622 = arith.constant 32 : index
        %get3A_1623 = tpu.vector_load %arg6[%get3A_1621, %get3A_1622] {strides = array<i32>} : memref<400x128xf32, #tpu.memory_space<vmem>>, vector<1x16xf32>,
        %get3A_1624 = vector.shape_cast %get3A_1623 : vector<1x16xf32> to vector<16xf32>
        %add3A_1625 = arith.addf %add3A_1614, %get3A_1624 : vector<16xf32>
        %mul3A_1626 = arith.constant 2 : i32
        %mul3A_1627 = arith.muli %mul3A_1626, %scan3A_1558 : i32
        %add3A_1628 = arith.constant 300 : i32
        %add3A_1629 = arith.addi %add3A_1628, %mul3A_1627 : i32
        %get3A_1630 = arith.index_cast %add3A_1629 : i32 to index
        %get3A_1631 = arith.constant 48 : index
        %get3A_1632 = tpu.vector_load %arg6[%get3A_1630, %get3A_1631] {strides = array<i32>} : memref<400x128xf32, #tpu.memory_space<vmem>>, vector<1x16xf32>,
        %get3A_1633 = vector.shape_cast %get3A_1632 : vector<1x16xf32> to vector<16xf32>
        %add3A_1634 = arith.addf %scan3A_1562, %get3A_1633 : vector<16xf32>
        %mul3A_1635 = arith.constant 2 : i32
        %mul3A_1636 = arith.muli %mul3A_1635, %scan3A_1558 : i32
        %add3A_1637 = arith.constant 300 : i32
        %add3A_1638 = arith.addi %add3A_1637, %mul3A_1636 : i32
        %add3A_1639 = arith.constant 1 : i32
        %add3A_1640 = arith.addi %add3A_1638, %add3A_1639 : i32
        %get3A_1641 = arith.index_cast %add3A_1640 : i32 to index
        %get3A_1642 = arith.constant 48 : index
        %get3A_1643 = tpu.vector_load %arg6[%get3A_1641, %get3A_1642] {strides = array<i32>} : memref<400x128xf32, #tpu.memory_space<vmem>>, vector<1x16xf32>,
        %get3A_1644 = vector.shape_cast %get3A_1643 : vector<1x16xf32> to vector<16xf32>
        %add3A_1645 = arith.addf %add3A_1634, %get3A_1644 : vector<16xf32>
        %mul3A_1646 = arith.constant 2 : i32
        %mul3A_1647 = arith.muli %mul3A_1646, %scan3A_1558 : i32
        %add3A_1648 = arith.constant 300 : i32
        %add3A_1649 = arith.addi %add3A_1648, %mul3A_1647 : i32
        %get3A_1650 = arith.index_cast %add3A_1649 : i32 to index
        %get3A_1651 = arith.constant 64 : index
        %get3A_1652 = tpu.vector_load %arg6[%get3A_1650, %get3A_1651] {strides = array<i32>} : memref<400x128xf32, #tpu.memory_space<vmem>>, vector<1x16xf32>,
        %get3A_1653 = vector.shape_cast %get3A_1652 : vector<1x16xf32> to vector<16xf32>
        %add3A_1654 = arith.addf %scan3A_1563, %get3A_1653 : vector<16xf32>
        %mul3A_1655 = arith.constant 2 : i32
        %mul3A_1656 = arith.muli %mul3A_1655, %scan3A_1558 : i32
        %add3A_1657 = arith.constant 300 : i32
        %add3A_1658 = arith.addi %add3A_1657, %mul3A_1656 : i32
        %add3A_1659 = arith.constant 1 : i32
        %add3A_1660 = arith.addi %add3A_1658, %add3A_1659 : i32
        %get3A_1661 = arith.index_cast %add3A_1660 : i32 to index
        %get3A_1662 = arith.constant 64 : index
        %get3A_1663 = tpu.vector_load %arg6[%get3A_1661, %get3A_1662] {strides = array<i32>} : memref<400x128xf32, #tpu.memory_space<vmem>>, vector<1x16xf32>,
        %get3A_1664 = vector.shape_cast %get3A_1663 : vector<1x16xf32> to vector<16xf32>
        %add3A_1665 = arith.addf %add3A_1654, %get3A_1664 : vector<16xf32>
        %mul3A_1666 = arith.constant 2 : i32
        %mul3A_1667 = arith.muli %mul3A_1666, %scan3A_1558 : i32
        %add3A_1668 = arith.constant 300 : i32
        %add3A_1669 = arith.addi %add3A_1668, %mul3A_1667 : i32
        %get3A_1670 = arith.index_cast %add3A_1669 : i32 to index
        %get3A_1671 = arith.constant 80 : index
        %get3A_1672 = tpu.vector_load %arg6[%get3A_1670, %get3A_1671] {strides = array<i32>} : memref<400x128xf32, #tpu.memory_space<vmem>>, vector<1x16xf32>,
        %get3A_1673 = vector.shape_cast %get3A_1672 : vector<1x16xf32> to vector<16xf32>
        %add3A_1674 = arith.addf %scan3A_1564, %get3A_1673 : vector<16xf32>
        %mul3A_1675 = arith.constant 2 : i32
        %mul3A_1676 = arith.muli %mul3A_1675, %scan3A_1558 : i32
        %add3A_1677 = arith.constant 300 : i32
        %add3A_1678 = arith.addi %add3A_1677, %mul3A_1676 : i32
        %add3A_1679 = arith.constant 1 : i32
        %add3A_1680 = arith.addi %add3A_1678, %add3A_1679 : i32
        %get3A_1681 = arith.index_cast %add3A_1680 : i32 to index
        %get3A_1682 = arith.constant 80 : index
        %get3A_1683 = tpu.vector_load %arg6[%get3A_1681, %get3A_1682] {strides = array<i32>} : memref<400x128xf32, #tpu.memory_space<vmem>>, vector<1x16xf32>,
        %get3A_1684 = vector.shape_cast %get3A_1683 : vector<1x16xf32> to vector<16xf32>
        %add3A_1685 = arith.addf %add3A_1674, %get3A_1684 : vector<16xf32>
        %mul3A_1686 = arith.constant 2 : i32
        %mul3A_1687 = arith.muli %mul3A_1686, %scan3A_1558 : i32
        %add3A_1688 = arith.constant 300 : i32
        %add3A_1689 = arith.addi %add3A_1688, %mul3A_1687 : i32
        %get3A_1690 = arith.index_cast %add3A_1689 : i32 to index
        %get3A_1691 = arith.constant 96 : index
        %get3A_1692 = tpu.vector_load %arg6[%get3A_1690, %get3A_1691] {strides = array<i32>} : memref<400x128xf32, #tpu.memory_space<vmem>>, vector<1x16xf32>,
        %get3A_1693 = vector.shape_cast %get3A_1692 : vector<1x16xf32> to vector<16xf32>
        %add3A_1694 = arith.addf %scan3A_1565, %get3A_1693 : vector<16xf32>
        %mul3A_1695 = arith.constant 2 : i32
        %mul3A_1696 = arith.muli %mul3A_1695, %scan3A_1558 : i32
        %add3A_1697 = arith.constant 300 : i32
        %add3A_1698 = arith.addi %add3A_1697, %mul3A_1696 : i32
        %add3A_1699 = arith.constant 1 : i32
        %add3A_1700 = arith.addi %add3A_1698, %add3A_1699 : i32
        %get3A_1701 = arith.index_cast %add3A_1700 : i32 to index
        %get3A_1702 = arith.constant 96 : index
        %get3A_1703 = tpu.vector_load %arg6[%get3A_1701, %get3A_1702] {strides = array<i32>} : memref<400x128xf32, #tpu.memory_space<vmem>>, vector<1x16xf32>,
        %get3A_1704 = vector.shape_cast %get3A_1703 : vector<1x16xf32> to vector<16xf32>
        %add3A_1705 = arith.addf %add3A_1694, %get3A_1704 : vector<16xf32>
        %mul3A_1706 = arith.constant 2 : i32
        %mul3A_1707 = arith.muli %mul3A_1706, %scan3A_1558 : i32
        %add3A_1708 = arith.constant 300 : i32
        %add3A_1709 = arith.addi %add3A_1708, %mul3A_1707 : i32
        %get3A_1710 = arith.index_cast %add3A_1709 : i32 to index
        %get3A_1711 = arith.constant 112 : index
        %get3A_1712 = tpu.vector_load %arg6[%get3A_1710, %get3A_1711] {strides = array<i32>} : memref<400x128xf32, #tpu.memory_space<vmem>>, vector<1x16xf32>,
        %get3A_1713 = vector.shape_cast %get3A_1712 : vector<1x16xf32> to vector<16xf32>
        %add3A_1714 = arith.addf %scan3A_1566, %get3A_1713 : vector<16xf32>
        %mul3A_1715 = arith.constant 2 : i32
        %mul3A_1716 = arith.muli %mul3A_1715, %scan3A_1558 : i32
        %add3A_1717 = arith.constant 300 : i32
        %add3A_1718 = arith.addi %add3A_1717, %mul3A_1716 : i32
        %add3A_1719 = arith.constant 1 : i32
        %add3A_1720 = arith.addi %add3A_1718, %add3A_1719 : i32
        %get3A_1721 = arith.index_cast %add3A_1720 : i32 to index
        %get3A_1722 = arith.constant 112 : index
        %get3A_1723 = tpu.vector_load %arg6[%get3A_1721, %get3A_1722] {strides = array<i32>} : memref<400x128xf32, #tpu.memory_space<vmem>>, vector<1x16xf32>,
        %get3A_1724 = vector.shape_cast %get3A_1723 : vector<1x16xf32> to vector<16xf32>
        %add3A_1725 = arith.addf %add3A_1714, %get3A_1724 : vector<16xf32>
        scf.yield %add3A_1585, %add3A_1605, %add3A_1625, %add3A_1645, %add3A_1665, %add3A_1685, %add3A_1705, %add3A_1725 : vector<16xf32>, vector<16xf32>, vector<16xf32>, vector<16xf32>, vector<16xf32>, vector<16xf32>, vector<16xf32>, vector<16xf32>
      }
      %scan3A_617 = arith.constant 25 : i32
      %mul3A_618 = arith.constant 2.000000e-02 : f32
      %mul3A_619 = vector.broadcast %mul3A_618 : f32 to vector<16xf32>
      %mul3A_620 = arith.mulf %scan3A_616#0, %mul3A_619 : vector<16xf32>
      %swap3A_621 = arith.constant 6 : i32
      %swap3A_622 = arith.index_cast %swap3A_621 : i32 to index
      %swap3A_623 = arith.constant 0 : index
      %swap3A_624 = tpu.vector_load %arg8[%swap3A_622, %swap3A_623] {strides = array<i32>} : memref<8x128xf32, #tpu.memory_space<vmem>>, vector<1x16xf32>,
      %swap3A_625 = vector.shape_cast %swap3A_624 : vector<1x16xf32> to vector<16xf32>
      %swap3A_626 = vector.shape_cast %mul3A_620 : vector<16xf32> to vector<1x16xf32>
      tpu.vector_store %arg8[%swap3A_622, %swap3A_623], %swap3A_626 {strides = array<i32>} : memref<8x128xf32, #tpu.memory_space<vmem>>, vector<1x16xf32>,
      %mul3A_627 = arith.constant 2.000000e-02 : f32
      %mul3A_628 = vector.broadcast %mul3A_627 : f32 to vector<16xf32>
      %mul3A_629 = arith.mulf %scan3A_616#1, %mul3A_628 : vector<16xf32>
      %swap3A_630 = arith.constant 6 : i32
      %swap3A_631 = arith.index_cast %swap3A_630 : i32 to index
      %swap3A_632 = arith.constant 16 : index
      %swap3A_633 = tpu.vector_load %arg8[%swap3A_631, %swap3A_632] {strides = array<i32>} : memref<8x128xf32, #tpu.memory_space<vmem>>, vector<1x16xf32>,
      %swap3A_634 = vector.shape_cast %swap3A_633 : vector<1x16xf32> to vector<16xf32>
      %swap3A_635 = vector.shape_cast %mul3A_629 : vector<16xf32> to vector<1x16xf32>
      tpu.vector_store %arg8[%swap3A_631, %swap3A_632], %swap3A_635 {strides = array<i32>} : memref<8x128xf32, #tpu.memory_space<vmem>>, vector<1x16xf32>,
      %mul3A_636 = arith.constant 2.000000e-02 : f32
      %mul3A_637 = vector.broadcast %mul3A_636 : f32 to vector<16xf32>
      %mul3A_638 = arith.mulf %scan3A_616#2, %mul3A_637 : vector<16xf32>
      %swap3A_639 = arith.constant 6 : i32
      %swap3A_640 = arith.index_cast %swap3A_639 : i32 to index
      %swap3A_641 = arith.constant 32 : index
      %swap3A_642 = tpu.vector_load %arg8[%swap3A_640, %swap3A_641] {strides = array<i32>} : memref<8x128xf32, #tpu.memory_space<vmem>>, vector<1x16xf32>,
      %swap3A_643 = vector.shape_cast %swap3A_642 : vector<1x16xf32> to vector<16xf32>
      %swap3A_644 = vector.shape_cast %mul3A_638 : vector<16xf32> to vector<1x16xf32>
      tpu.vector_store %arg8[%swap3A_640, %swap3A_641], %swap3A_644 {strides = array<i32>} : memref<8x128xf32, #tpu.memory_space<vmem>>, vector<1x16xf32>,
      %mul3A_645 = arith.constant 2.000000e-02 : f32
      %mul3A_646 = vector.broadcast %mul3A_645 : f32 to vector<16xf32>
      %mul3A_647 = arith.mulf %scan3A_616#3, %mul3A_646 : vector<16xf32>
      %swap3A_648 = arith.constant 6 : i32
      %swap3A_649 = arith.index_cast %swap3A_648 : i32 to index
      %swap3A_650 = arith.constant 48 : index
      %swap3A_651 = tpu.vector_load %arg8[%swap3A_649, %swap3A_650] {strides = array<i32>} : memref<8x128xf32, #tpu.memory_space<vmem>>, vector<1x16xf32>,
      %swap3A_652 = vector.shape_cast %swap3A_651 : vector<1x16xf32> to vector<16xf32>
      %swap3A_653 = vector.shape_cast %mul3A_647 : vector<16xf32> to vector<1x16xf32>
      tpu.vector_store %arg8[%swap3A_649, %swap3A_650], %swap3A_653 {strides = array<i32>} : memref<8x128xf32, #tpu.memory_space<vmem>>, vector<1x16xf32>,
      %mul3A_654 = arith.constant 2.000000e-02 : f32
      %mul3A_655 = vector.broadcast %mul3A_654 : f32 to vector<16xf32>
      %mul3A_656 = arith.mulf %scan3A_616#4, %mul3A_655 : vector<16xf32>
      %swap3A_657 = arith.constant 6 : i32
      %swap3A_658 = arith.index_cast %swap3A_657 : i32 to index
      %swap3A_659 = arith.constant 64 : index
      %swap3A_660 = tpu.vector_load %arg8[%swap3A_658, %swap3A_659] {strides = array<i32>} : memref<8x128xf32, #tpu.memory_space<vmem>>, vector<1x16xf32>,
      %swap3A_661 = vector.shape_cast %swap3A_660 : vector<1x16xf32> to vector<16xf32>
      %swap3A_662 = vector.shape_cast %mul3A_656 : vector<16xf32> to vector<1x16xf32>
      tpu.vector_store %arg8[%swap3A_658, %swap3A_659], %swap3A_662 {strides = array<i32>} : memref<8x128xf32, #tpu.memory_space<vmem>>, vector<1x16xf32>,
      %mul3A_663 = arith.constant 2.000000e-02 : f32
      %mul3A_664 = vector.broadcast %mul3A_663 : f32 to vector<16xf32>
      %mul3A_665 = arith.mulf %scan3A_616#5, %mul3A_664 : vector<16xf32>
      %swap3A_666 = arith.constant 6 : i32
      %swap3A_667 = arith.index_cast %swap3A_666 : i32 to index
      %swap3A_668 = arith.constant 80 : index
      %swap3A_669 = tpu.vector_load %arg8[%swap3A_667, %swap3A_668] {strides = array<i32>} : memref<8x128xf32, #tpu.memory_space<vmem>>, vector<1x16xf32>,
      %swap3A_670 = vector.shape_cast %swap3A_669 : vector<1x16xf32> to vector<16xf32>
      %swap3A_671 = vector.shape_cast %mul3A_665 : vector<16xf32> to vector<1x16xf32>
      tpu.vector_store %arg8[%swap3A_667, %swap3A_668], %swap3A_671 {strides = array<i32>} : memref<8x128xf32, #tpu.memory_space<vmem>>, vector<1x16xf32>,
      %mul3A_672 = arith.constant 2.000000e-02 : f32
      %mul3A_673 = vector.broadcast %mul3A_672 : f32 to vector<16xf32>
      %mul3A_674 = arith.mulf %scan3A_616#6, %mul3A_673 : vector<16xf32>
      %swap3A_675 = arith.constant 6 : i32
      %swap3A_676 = arith.index_cast %swap3A_675 : i32 to index
      %swap3A_677 = arith.constant 96 : index
      %swap3A_678 = tpu.vector_load %arg8[%swap3A_676, %swap3A_677] {strides = array<i32>} : memref<8x128xf32, #tpu.memory_space<vmem>>, vector<1x16xf32>,
      %swap3A_679 = vector.shape_cast %swap3A_678 : vector<1x16xf32> to vector<16xf32>
      %swap3A_680 = vector.shape_cast %mul3A_674 : vector<16xf32> to vector<1x16xf32>
      tpu.vector_store %arg8[%swap3A_676, %swap3A_677], %swap3A_680 {strides = array<i32>} : memref<8x128xf32, #tpu.memory_space<vmem>>, vector<1x16xf32>,
      %mul3A_681 = arith.constant 2.000000e-02 : f32
      %mul3A_682 = vector.broadcast %mul3A_681 : f32 to vector<16xf32>
      %mul3A_683 = arith.mulf %scan3A_616#7, %mul3A_682 : vector<16xf32>
      %swap3A_684 = arith.constant 6 : i32
      %swap3A_685 = arith.index_cast %swap3A_684 : i32 to index
      %swap3A_686 = arith.constant 112 : index
      %swap3A_687 = tpu.vector_load %arg8[%swap3A_685, %swap3A_686] {strides = array<i32>} : memref<8x128xf32, #tpu.memory_space<vmem>>, vector<1x16xf32>,
      %swap3A_688 = vector.shape_cast %swap3A_687 : vector<1x16xf32> to vector<16xf32>
      %swap3A_689 = vector.shape_cast %mul3A_683 : vector<16xf32> to vector<1x16xf32>
      tpu.vector_store %arg8[%swap3A_685, %swap3A_686], %swap3A_689 {strides = array<i32>} : memref<8x128xf32, #tpu.memory_space<vmem>>, vector<1x16xf32>,
      %broadcast_in_dim3A_690 = arith.constant 0.000000e+00 : f32
      %broadcast_in_dim3A_691 = vector.broadcast %broadcast_in_dim3A_690 : f32 to vector<16xf32>
      %broadcast_in_dim3A_692 = arith.constant 0.000000e+00 : f32
      %broadcast_in_dim3A_693 = vector.broadcast %broadcast_in_dim3A_692 : f32 to vector<16xf32>
      %broadcast_in_dim3A_694 = arith.constant 0.000000e+00 : f32
      %broadcast_in_dim3A_695 = vector.broadcast %broadcast_in_dim3A_694 : f32 to vector<16xf32>
      %broadcast_in_dim3A_696 = arith.constant 0.000000e+00 : f32
      %broadcast_in_dim3A_697 = vector.broadcast %broadcast_in_dim3A_696 : f32 to vector<16xf32>
      %broadcast_in_dim3A_698 = arith.constant 0.000000e+00 : f32
      %broadcast_in_dim3A_699 = vector.broadcast %broadcast_in_dim3A_698 : f32 to vector<16xf32>
      %broadcast_in_dim3A_700 = arith.constant 0.000000e+00 : f32
      %broadcast_in_dim3A_701 = vector.broadcast %broadcast_in_dim3A_700 : f32 to vector<16xf32>
      %broadcast_in_dim3A_702 = arith.constant 0.000000e+00 : f32
      %broadcast_in_dim3A_703 = vector.broadcast %broadcast_in_dim3A_702 : f32 to vector<16xf32>
      %broadcast_in_dim3A_704 = arith.constant 0.000000e+00 : f32
      %broadcast_in_dim3A_705 = vector.broadcast %broadcast_in_dim3A_704 : f32 to vector<16xf32>
      %scan3A_706 = arith.constant 0 : i32
      %scan3A_707 = arith.constant 25 : i32
      %scan3A_708 = arith.addi %scan3A_706, %scan3A_707 : i32
      %scan3A_709 = arith.constant 1 : i32
      %scan3A_710:8 = scf.for %scan3A_1558 = %scan3A_706 to %scan3A_708 step %scan3A_709 iter_args(%scan3A_1559 = %broadcast_in_dim3A_691, %scan3A_1560 = %broadcast_in_dim3A_693, %scan3A_1561 = %broadcast_in_dim3A_695, %scan3A_1562 = %broadcast_in_dim3A_697, %scan3A_1563 = %broadcast_in_dim3A_699, %scan3A_1564 = %broadcast_in_dim3A_701, %scan3A_1565 = %broadcast_in_dim3A_703, %scan3A_1566 = %broadcast_in_dim3A_705) -> (vector<16xf32>, vector<16xf32>, vector<16xf32>, vector<16xf32>, vector<16xf32>, vector<16xf32>, vector<16xf32>, vector<16xf32>)  : i32 {
        %mul3A_1567 = arith.constant 2 : i32
        %mul3A_1568 = arith.muli %mul3A_1567, %scan3A_1558 : i32
        %add3A_1569 = arith.constant 350 : i32
        %add3A_1570 = arith.addi %add3A_1569, %mul3A_1568 : i32
        %get3A = arith.index_cast %add3A_1570 : i32 to index
        %get3A_1571 = arith.constant 0 : index
        %get3A_1572 = tpu.vector_load %arg6[%get3A, %get3A_1571] {strides = array<i32>} : memref<400x128xf32, #tpu.memory_space<vmem>>, vector<1x16xf32>,
        %get3A_1573 = vector.shape_cast %get3A_1572 : vector<1x16xf32> to vector<16xf32>
        %add3A_1574 = arith.addf %scan3A_1559, %get3A_1573 : vector<16xf32>
        %mul3A_1575 = arith.constant 2 : i32
        %mul3A_1576 = arith.muli %mul3A_1575, %scan3A_1558 : i32
        %add3A_1577 = arith.constant 350 : i32
        %add3A_1578 = arith.addi %add3A_1577, %mul3A_1576 : i32
        %add3A_1579 = arith.constant 1 : i32
        %add3A_1580 = arith.addi %add3A_1578, %add3A_1579 : i32
        %get3A_1581 = arith.index_cast %add3A_1580 : i32 to index
        %get3A_1582 = arith.constant 0 : index
        %get3A_1583 = tpu.vector_load %arg6[%get3A_1581, %get3A_1582] {strides = array<i32>} : memref<400x128xf32, #tpu.memory_space<vmem>>, vector<1x16xf32>,
        %get3A_1584 = vector.shape_cast %get3A_1583 : vector<1x16xf32> to vector<16xf32>
        %add3A_1585 = arith.addf %add3A_1574, %get3A_1584 : vector<16xf32>
        %mul3A_1586 = arith.constant 2 : i32
        %mul3A_1587 = arith.muli %mul3A_1586, %scan3A_1558 : i32
        %add3A_1588 = arith.constant 350 : i32
        %add3A_1589 = arith.addi %add3A_1588, %mul3A_1587 : i32
        %get3A_1590 = arith.index_cast %add3A_1589 : i32 to index
        %get3A_1591 = arith.constant 16 : index
        %get3A_1592 = tpu.vector_load %arg6[%get3A_1590, %get3A_1591] {strides = array<i32>} : memref<400x128xf32, #tpu.memory_space<vmem>>, vector<1x16xf32>,
        %get3A_1593 = vector.shape_cast %get3A_1592 : vector<1x16xf32> to vector<16xf32>
        %add3A_1594 = arith.addf %scan3A_1560, %get3A_1593 : vector<16xf32>
        %mul3A_1595 = arith.constant 2 : i32
        %mul3A_1596 = arith.muli %mul3A_1595, %scan3A_1558 : i32
        %add3A_1597 = arith.constant 350 : i32
        %add3A_1598 = arith.addi %add3A_1597, %mul3A_1596 : i32
        %add3A_1599 = arith.constant 1 : i32
        %add3A_1600 = arith.addi %add3A_1598, %add3A_1599 : i32
        %get3A_1601 = arith.index_cast %add3A_1600 : i32 to index
        %get3A_1602 = arith.constant 16 : index
        %get3A_1603 = tpu.vector_load %arg6[%get3A_1601, %get3A_1602] {strides = array<i32>} : memref<400x128xf32, #tpu.memory_space<vmem>>, vector<1x16xf32>,
        %get3A_1604 = vector.shape_cast %get3A_1603 : vector<1x16xf32> to vector<16xf32>
        %add3A_1605 = arith.addf %add3A_1594, %get3A_1604 : vector<16xf32>
        %mul3A_1606 = arith.constant 2 : i32
        %mul3A_1607 = arith.muli %mul3A_1606, %scan3A_1558 : i32
        %add3A_1608 = arith.constant 350 : i32
        %add3A_1609 = arith.addi %add3A_1608, %mul3A_1607 : i32
        %get3A_1610 = arith.index_cast %add3A_1609 : i32 to index
        %get3A_1611 = arith.constant 32 : index
        %get3A_1612 = tpu.vector_load %arg6[%get3A_1610, %get3A_1611] {strides = array<i32>} : memref<400x128xf32, #tpu.memory_space<vmem>>, vector<1x16xf32>,
        %get3A_1613 = vector.shape_cast %get3A_1612 : vector<1x16xf32> to vector<16xf32>
        %add3A_1614 = arith.addf %scan3A_1561, %get3A_1613 : vector<16xf32>
        %mul3A_1615 = arith.constant 2 : i32
        %mul3A_1616 = arith.muli %mul3A_1615, %scan3A_1558 : i32
        %add3A_1617 = arith.constant 350 : i32
        %add3A_1618 = arith.addi %add3A_1617, %mul3A_1616 : i32
        %add3A_1619 = arith.constant 1 : i32
        %add3A_1620 = arith.addi %add3A_1618, %add3A_1619 : i32
        %get3A_1621 = arith.index_cast %add3A_1620 : i32 to index
        %get3A_1622 = arith.constant 32 : index
        %get3A_1623 = tpu.vector_load %arg6[%get3A_1621, %get3A_1622] {strides = array<i32>} : memref<400x128xf32, #tpu.memory_space<vmem>>, vector<1x16xf32>,
        %get3A_1624 = vector.shape_cast %get3A_1623 : vector<1x16xf32> to vector<16xf32>
        %add3A_1625 = arith.addf %add3A_1614, %get3A_1624 : vector<16xf32>
        %mul3A_1626 = arith.constant 2 : i32
        %mul3A_1627 = arith.muli %mul3A_1626, %scan3A_1558 : i32
        %add3A_1628 = arith.constant 350 : i32
        %add3A_1629 = arith.addi %add3A_1628, %mul3A_1627 : i32
        %get3A_1630 = arith.index_cast %add3A_1629 : i32 to index
        %get3A_1631 = arith.constant 48 : index
        %get3A_1632 = tpu.vector_load %arg6[%get3A_1630, %get3A_1631] {strides = array<i32>} : memref<400x128xf32, #tpu.memory_space<vmem>>, vector<1x16xf32>,
        %get3A_1633 = vector.shape_cast %get3A_1632 : vector<1x16xf32> to vector<16xf32>
        %add3A_1634 = arith.addf %scan3A_1562, %get3A_1633 : vector<16xf32>
        %mul3A_1635 = arith.constant 2 : i32
        %mul3A_1636 = arith.muli %mul3A_1635, %scan3A_1558 : i32
        %add3A_1637 = arith.constant 350 : i32
        %add3A_1638 = arith.addi %add3A_1637, %mul3A_1636 : i32
        %add3A_1639 = arith.constant 1 : i32
        %add3A_1640 = arith.addi %add3A_1638, %add3A_1639 : i32
        %get3A_1641 = arith.index_cast %add3A_1640 : i32 to index
        %get3A_1642 = arith.constant 48 : index
        %get3A_1643 = tpu.vector_load %arg6[%get3A_1641, %get3A_1642] {strides = array<i32>} : memref<400x128xf32, #tpu.memory_space<vmem>>, vector<1x16xf32>,
        %get3A_1644 = vector.shape_cast %get3A_1643 : vector<1x16xf32> to vector<16xf32>
        %add3A_1645 = arith.addf %add3A_1634, %get3A_1644 : vector<16xf32>
        %mul3A_1646 = arith.constant 2 : i32
        %mul3A_1647 = arith.muli %mul3A_1646, %scan3A_1558 : i32
        %add3A_1648 = arith.constant 350 : i32
        %add3A_1649 = arith.addi %add3A_1648, %mul3A_1647 : i32
        %get3A_1650 = arith.index_cast %add3A_1649 : i32 to index
        %get3A_1651 = arith.constant 64 : index
        %get3A_1652 = tpu.vector_load %arg6[%get3A_1650, %get3A_1651] {strides = array<i32>} : memref<400x128xf32, #tpu.memory_space<vmem>>, vector<1x16xf32>,
        %get3A_1653 = vector.shape_cast %get3A_1652 : vector<1x16xf32> to vector<16xf32>
        %add3A_1654 = arith.addf %scan3A_1563, %get3A_1653 : vector<16xf32>
        %mul3A_1655 = arith.constant 2 : i32
        %mul3A_1656 = arith.muli %mul3A_1655, %scan3A_1558 : i32
        %add3A_1657 = arith.constant 350 : i32
        %add3A_1658 = arith.addi %add3A_1657, %mul3A_1656 : i32
        %add3A_1659 = arith.constant 1 : i32
        %add3A_1660 = arith.addi %add3A_1658, %add3A_1659 : i32
        %get3A_1661 = arith.index_cast %add3A_1660 : i32 to index
        %get3A_1662 = arith.constant 64 : index
        %get3A_1663 = tpu.vector_load %arg6[%get3A_1661, %get3A_1662] {strides = array<i32>} : memref<400x128xf32, #tpu.memory_space<vmem>>, vector<1x16xf32>,
        %get3A_1664 = vector.shape_cast %get3A_1663 : vector<1x16xf32> to vector<16xf32>
        %add3A_1665 = arith.addf %add3A_1654, %get3A_1664 : vector<16xf32>
        %mul3A_1666 = arith.constant 2 : i32
        %mul3A_1667 = arith.muli %mul3A_1666, %scan3A_1558 : i32
        %add3A_1668 = arith.constant 350 : i32
        %add3A_1669 = arith.addi %add3A_1668, %mul3A_1667 : i32
        %get3A_1670 = arith.index_cast %add3A_1669 : i32 to index
        %get3A_1671 = arith.constant 80 : index
        %get3A_1672 = tpu.vector_load %arg6[%get3A_1670, %get3A_1671] {strides = array<i32>} : memref<400x128xf32, #tpu.memory_space<vmem>>, vector<1x16xf32>,
        %get3A_1673 = vector.shape_cast %get3A_1672 : vector<1x16xf32> to vector<16xf32>
        %add3A_1674 = arith.addf %scan3A_1564, %get3A_1673 : vector<16xf32>
        %mul3A_1675 = arith.constant 2 : i32
        %mul3A_1676 = arith.muli %mul3A_1675, %scan3A_1558 : i32
        %add3A_1677 = arith.constant 350 : i32
        %add3A_1678 = arith.addi %add3A_1677, %mul3A_1676 : i32
        %add3A_1679 = arith.constant 1 : i32
        %add3A_1680 = arith.addi %add3A_1678, %add3A_1679 : i32
        %get3A_1681 = arith.index_cast %add3A_1680 : i32 to index
        %get3A_1682 = arith.constant 80 : index
        %get3A_1683 = tpu.vector_load %arg6[%get3A_1681, %get3A_1682] {strides = array<i32>} : memref<400x128xf32, #tpu.memory_space<vmem>>, vector<1x16xf32>,
        %get3A_1684 = vector.shape_cast %get3A_1683 : vector<1x16xf32> to vector<16xf32>
        %add3A_1685 = arith.addf %add3A_1674, %get3A_1684 : vector<16xf32>
        %mul3A_1686 = arith.constant 2 : i32
        %mul3A_1687 = arith.muli %mul3A_1686, %scan3A_1558 : i32
        %add3A_1688 = arith.constant 350 : i32
        %add3A_1689 = arith.addi %add3A_1688, %mul3A_1687 : i32
        %get3A_1690 = arith.index_cast %add3A_1689 : i32 to index
        %get3A_1691 = arith.constant 96 : index
        %get3A_1692 = tpu.vector_load %arg6[%get3A_1690, %get3A_1691] {strides = array<i32>} : memref<400x128xf32, #tpu.memory_space<vmem>>, vector<1x16xf32>,
        %get3A_1693 = vector.shape_cast %get3A_1692 : vector<1x16xf32> to vector<16xf32>
        %add3A_1694 = arith.addf %scan3A_1565, %get3A_1693 : vector<16xf32>
        %mul3A_1695 = arith.constant 2 : i32
        %mul3A_1696 = arith.muli %mul3A_1695, %scan3A_1558 : i32
        %add3A_1697 = arith.constant 350 : i32
        %add3A_1698 = arith.addi %add3A_1697, %mul3A_1696 : i32
        %add3A_1699 = arith.constant 1 : i32
        %add3A_1700 = arith.addi %add3A_1698, %add3A_1699 : i32
        %get3A_1701 = arith.index_cast %add3A_1700 : i32 to index
        %get3A_1702 = arith.constant 96 : index
        %get3A_1703 = tpu.vector_load %arg6[%get3A_1701, %get3A_1702] {strides = array<i32>} : memref<400x128xf32, #tpu.memory_space<vmem>>, vector<1x16xf32>,
        %get3A_1704 = vector.shape_cast %get3A_1703 : vector<1x16xf32> to vector<16xf32>
        %add3A_1705 = arith.addf %add3A_1694, %get3A_1704 : vector<16xf32>
        %mul3A_1706 = arith.constant 2 : i32
        %mul3A_1707 = arith.muli %mul3A_1706, %scan3A_1558 : i32
        %add3A_1708 = arith.constant 350 : i32
        %add3A_1709 = arith.addi %add3A_1708, %mul3A_1707 : i32
        %get3A_1710 = arith.index_cast %add3A_1709 : i32 to index
        %get3A_1711 = arith.constant 112 : index
        %get3A_1712 = tpu.vector_load %arg6[%get3A_1710, %get3A_1711] {strides = array<i32>} : memref<400x128xf32, #tpu.memory_space<vmem>>, vector<1x16xf32>,
        %get3A_1713 = vector.shape_cast %get3A_1712 : vector<1x16xf32> to vector<16xf32>
        %add3A_1714 = arith.addf %scan3A_1566, %get3A_1713 : vector<16xf32>
        %mul3A_1715 = arith.constant 2 : i32
        %mul3A_1716 = arith.muli %mul3A_1715, %scan3A_1558 : i32
        %add3A_1717 = arith.constant 350 : i32
        %add3A_1718 = arith.addi %add3A_1717, %mul3A_1716 : i32
        %add3A_1719 = arith.constant 1 : i32
        %add3A_1720 = arith.addi %add3A_1718, %add3A_1719 : i32
        %get3A_1721 = arith.index_cast %add3A_1720 : i32 to index
        %get3A_1722 = arith.constant 112 : index
        %get3A_1723 = tpu.vector_load %arg6[%get3A_1721, %get3A_1722] {strides = array<i32>} : memref<400x128xf32, #tpu.memory_space<vmem>>, vector<1x16xf32>,
        %get3A_1724 = vector.shape_cast %get3A_1723 : vector<1x16xf32> to vector<16xf32>
        %add3A_1725 = arith.addf %add3A_1714, %get3A_1724 : vector<16xf32>
        scf.yield %add3A_1585, %add3A_1605, %add3A_1625, %add3A_1645, %add3A_1665, %add3A_1685, %add3A_1705, %add3A_1725 : vector<16xf32>, vector<16xf32>, vector<16xf32>, vector<16xf32>, vector<16xf32>, vector<16xf32>, vector<16xf32>, vector<16xf32>
      }
      %scan3A_711 = arith.constant 25 : i32
      %mul3A_712 = arith.constant 2.000000e-02 : f32
      %mul3A_713 = vector.broadcast %mul3A_712 : f32 to vector<16xf32>
      %mul3A_714 = arith.mulf %scan3A_710#0, %mul3A_713 : vector<16xf32>
      %swap3A_715 = arith.constant 7 : i32
      %swap3A_716 = arith.index_cast %swap3A_715 : i32 to index
      %swap3A_717 = arith.constant 0 : index
      %swap3A_718 = tpu.vector_load %arg8[%swap3A_716, %swap3A_717] {strides = array<i32>} : memref<8x128xf32, #tpu.memory_space<vmem>>, vector<1x16xf32>,
      %swap3A_719 = vector.shape_cast %swap3A_718 : vector<1x16xf32> to vector<16xf32>
      %swap3A_720 = vector.shape_cast %mul3A_714 : vector<16xf32> to vector<1x16xf32>
      tpu.vector_store %arg8[%swap3A_716, %swap3A_717], %swap3A_720 {strides = array<i32>} : memref<8x128xf32, #tpu.memory_space<vmem>>, vector<1x16xf32>,
      %mul3A_721 = arith.constant 2.000000e-02 : f32
      %mul3A_722 = vector.broadcast %mul3A_721 : f32 to vector<16xf32>
      %mul3A_723 = arith.mulf %scan3A_710#1, %mul3A_722 : vector<16xf32>
      %swap3A_724 = arith.constant 7 : i32
      %swap3A_725 = arith.index_cast %swap3A_724 : i32 to index
      %swap3A_726 = arith.constant 16 : index
      %swap3A_727 = tpu.vector_load %arg8[%swap3A_725, %swap3A_726] {strides = array<i32>} : memref<8x128xf32, #tpu.memory_space<vmem>>, vector<1x16xf32>,
      %swap3A_728 = vector.shape_cast %swap3A_727 : vector<1x16xf32> to vector<16xf32>
      %swap3A_729 = vector.shape_cast %mul3A_723 : vector<16xf32> to vector<1x16xf32>
      tpu.vector_store %arg8[%swap3A_725, %swap3A_726], %swap3A_729 {strides = array<i32>} : memref<8x128xf32, #tpu.memory_space<vmem>>, vector<1x16xf32>,
      %mul3A_730 = arith.constant 2.000000e-02 : f32
      %mul3A_731 = vector.broadcast %mul3A_730 : f32 to vector<16xf32>
      %mul3A_732 = arith.mulf %scan3A_710#2, %mul3A_731 : vector<16xf32>
      %swap3A_733 = arith.constant 7 : i32
      %swap3A_734 = arith.index_cast %swap3A_733 : i32 to index
      %swap3A_735 = arith.constant 32 : index
      %swap3A_736 = tpu.vector_load %arg8[%swap3A_734, %swap3A_735] {strides = array<i32>} : memref<8x128xf32, #tpu.memory_space<vmem>>, vector<1x16xf32>,
      %swap3A_737 = vector.shape_cast %swap3A_736 : vector<1x16xf32> to vector<16xf32>
      %swap3A_738 = vector.shape_cast %mul3A_732 : vector<16xf32> to vector<1x16xf32>
      tpu.vector_store %arg8[%swap3A_734, %swap3A_735], %swap3A_738 {strides = array<i32>} : memref<8x128xf32, #tpu.memory_space<vmem>>, vector<1x16xf32>,
      %mul3A_739 = arith.constant 2.000000e-02 : f32
      %mul3A_740 = vector.broadcast %mul3A_739 : f32 to vector<16xf32>
      %mul3A_741 = arith.mulf %scan3A_710#3, %mul3A_740 : vector<16xf32>
      %swap3A_742 = arith.constant 7 : i32
      %swap3A_743 = arith.index_cast %swap3A_742 : i32 to index
      %swap3A_744 = arith.constant 48 : index
      %swap3A_745 = tpu.vector_load %arg8[%swap3A_743, %swap3A_744] {strides = array<i32>} : memref<8x128xf32, #tpu.memory_space<vmem>>, vector<1x16xf32>,
      %swap3A_746 = vector.shape_cast %swap3A_745 : vector<1x16xf32> to vector<16xf32>
      %swap3A_747 = vector.shape_cast %mul3A_741 : vector<16xf32> to vector<1x16xf32>
      tpu.vector_store %arg8[%swap3A_743, %swap3A_744], %swap3A_747 {strides = array<i32>} : memref<8x128xf32, #tpu.memory_space<vmem>>, vector<1x16xf32>,
      %mul3A_748 = arith.constant 2.000000e-02 : f32
      %mul3A_749 = vector.broadcast %mul3A_748 : f32 to vector<16xf32>
      %mul3A_750 = arith.mulf %scan3A_710#4, %mul3A_749 : vector<16xf32>
      %swap3A_751 = arith.constant 7 : i32
      %swap3A_752 = arith.index_cast %swap3A_751 : i32 to index
      %swap3A_753 = arith.constant 64 : index
      %swap3A_754 = tpu.vector_load %arg8[%swap3A_752, %swap3A_753] {strides = array<i32>} : memref<8x128xf32, #tpu.memory_space<vmem>>, vector<1x16xf32>,
      %swap3A_755 = vector.shape_cast %swap3A_754 : vector<1x16xf32> to vector<16xf32>
      %swap3A_756 = vector.shape_cast %mul3A_750 : vector<16xf32> to vector<1x16xf32>
      tpu.vector_store %arg8[%swap3A_752, %swap3A_753], %swap3A_756 {strides = array<i32>} : memref<8x128xf32, #tpu.memory_space<vmem>>, vector<1x16xf32>,
      %mul3A_757 = arith.constant 2.000000e-02 : f32
      %mul3A_758 = vector.broadcast %mul3A_757 : f32 to vector<16xf32>
      %mul3A_759 = arith.mulf %scan3A_710#5, %mul3A_758 : vector<16xf32>
      %swap3A_760 = arith.constant 7 : i32
      %swap3A_761 = arith.index_cast %swap3A_760 : i32 to index
      %swap3A_762 = arith.constant 80 : index
      %swap3A_763 = tpu.vector_load %arg8[%swap3A_761, %swap3A_762] {strides = array<i32>} : memref<8x128xf32, #tpu.memory_space<vmem>>, vector<1x16xf32>,
      %swap3A_764 = vector.shape_cast %swap3A_763 : vector<1x16xf32> to vector<16xf32>
      %swap3A_765 = vector.shape_cast %mul3A_759 : vector<16xf32> to vector<1x16xf32>
      tpu.vector_store %arg8[%swap3A_761, %swap3A_762], %swap3A_765 {strides = array<i32>} : memref<8x128xf32, #tpu.memory_space<vmem>>, vector<1x16xf32>,
      %mul3A_766 = arith.constant 2.000000e-02 : f32
      %mul3A_767 = vector.broadcast %mul3A_766 : f32 to vector<16xf32>
      %mul3A_768 = arith.mulf %scan3A_710#6, %mul3A_767 : vector<16xf32>
      %swap3A_769 = arith.constant 7 : i32
      %swap3A_770 = arith.index_cast %swap3A_769 : i32 to index
      %swap3A_771 = arith.constant 96 : index
      %swap3A_772 = tpu.vector_load %arg8[%swap3A_770, %swap3A_771] {strides = array<i32>} : memref<8x128xf32, #tpu.memory_space<vmem>>, vector<1x16xf32>,
      %swap3A_773 = vector.shape_cast %swap3A_772 : vector<1x16xf32> to vector<16xf32>
      %swap3A_774 = vector.shape_cast %mul3A_768 : vector<16xf32> to vector<1x16xf32>
      tpu.vector_store %arg8[%swap3A_770, %swap3A_771], %swap3A_774 {strides = array<i32>} : memref<8x128xf32, #tpu.memory_space<vmem>>, vector<1x16xf32>,
      %mul3A_775 = arith.constant 2.000000e-02 : f32
      %mul3A_776 = vector.broadcast %mul3A_775 : f32 to vector<16xf32>
      %mul3A_777 = arith.mulf %scan3A_710#7, %mul3A_776 : vector<16xf32>
      %swap3A_778 = arith.constant 7 : i32
      %swap3A_779 = arith.index_cast %swap3A_778 : i32 to index
      %swap3A_780 = arith.constant 112 : index
      %swap3A_781 = tpu.vector_load %arg8[%swap3A_779, %swap3A_780] {strides = array<i32>} : memref<8x128xf32, #tpu.memory_space<vmem>>, vector<1x16xf32>,
      %swap3A_782 = vector.shape_cast %swap3A_781 : vector<1x16xf32> to vector<16xf32>
      %swap3A_783 = vector.shape_cast %mul3A_777 : vector<16xf32> to vector<1x16xf32>
      tpu.vector_store %arg8[%swap3A_779, %swap3A_780], %swap3A_783 {strides = array<i32>} : memref<8x128xf32, #tpu.memory_space<vmem>>, vector<1x16xf32>,
      "tpu.region"() ({
        %run_scoped3A = tpu.sem_alloc : memref<!tpu.dma_semaphore, #tpu.memory_space<semaphore_mem>>
        %dma_start3A_1558 = arith.constant 0 : i32
        %dma_start3A_1559 = tpu.memref_slice %arg4[%add3A_33, %dma_start3A_1558] : memref<4096x128xf32, #tpu.memory_space<hbm>> -> memref<8x128xf32, #tpu.memory_space<hbm>>
        %dma_start3A_1560 = arith.constant 0 : i32
        %dma_start3A_1561 = tpu.memref_slice %arg4[%add3A_33, %dma_start3A_1560] : memref<4096x128xf32, #tpu.memory_space<hbm>> -> memref<8x128xf32, #tpu.memory_space<hbm>>
        tpu.enqueue_dma source(%arg8 : memref<8x128xf32, #tpu.memory_space<vmem>>) target(%dma_start3A_1561 : memref<8x128xf32, #tpu.memory_space<hbm>>) target_semaphore(%run_scoped3A : memref<!tpu.dma_semaphore, #tpu.memory_space<semaphore_mem>>)
        %dma_wait3A_1562 = arith.constant 0 : i32
        %dma_wait3A_1563 = tpu.memref_slice %arg4[%add3A_33, %dma_wait3A_1562] : memref<4096x128xf32, #tpu.memory_space<hbm>> -> memref<8x128xf32, #tpu.memory_space<hbm>>
        %dma_wait3A_1564 = arith.constant 0 : i32
        %dma_wait3A_1565 = tpu.memref_slice %arg4[%add3A_33, %dma_wait3A_1564] : memref<4096x128xf32, #tpu.memory_space<hbm>> -> memref<8x128xf32, #tpu.memory_space<hbm>>
        tpu.wait_dma2 semaphore(%run_scoped3A : memref<!tpu.dma_semaphore, #tpu.memory_space<semaphore_mem>>) src(%arg8 : memref<8x128xf32, #tpu.memory_space<vmem>>) dst(%dma_wait3A_1565 : memref<8x128xf32, #tpu.memory_space<hbm>>)
        tpu.yield
      }) : () -> ()
      %add3A_784 = arith.constant 1 : i32
      %add3A_785 = arith.addi %mul3A_16, %add3A_784 : i32
      %add3A_786 = arith.constant 2 : i32
      %add3A_787 = arith.addi %add3A_785, %add3A_786 : i32
      %sub3A_788 = arith.constant 1 : i32
      %sub3A_789 = arith.subi %add3A_787, %sub3A_788 : i32
      %lt3A_790 = arith.constant 16 : i32
      %lt3A_791 = arith.cmpi slt, %sub3A_789, %lt3A_790 : i32
      %convert_element_type3A_792 = arith.extui %lt3A_791 : i1 to i32
      %cond3A_793 = arith.constant 0 : i32
      %cond3A_794 = arith.cmpi ne, %convert_element_type3A_792, %cond3A_793 : i32
      scf.if %cond3A_794 {
        %add3A_1558 = arith.constant 2 : i32
        %add3A_1559 = arith.addi %add3A_785, %add3A_1558 : i32
        %sub3A_1560 = arith.constant 1 : i32
        %sub3A_1561 = arith.subi %add3A_1559, %sub3A_1560 : i32
        %mul3A_1562 = arith.constant 8 : i32
        %mul3A_1563 = arith.muli %sub3A_1561, %mul3A_1562 : i32
        %mul3A_1564 = arith.constant 50 : i32
        %mul3A_1565 = arith.muli %mul3A_1563, %mul3A_1564 : i32
        %dma_start3A_1566 = tpu.memref_slice %arg5[%mul3A_1565] : memref<6400xi32, #tpu.memory_space<vmem>> -> memref<400xi32, #tpu.memory_space<vmem>>
        %dma_start3A_1567 = arith.constant 0 : i32
        %dma_start3A_1568 = arith.constant 0 : i32
        %dma_start3A_1569 = tpu.memref_slice %arg3[%dma_start3A_1567, %dma_start3A_1568] : memref<100000x128xf32, #tpu.memory_space<hbm>> -> memref<100000x128xf32, #tpu.memory_space<hbm>>
        tpu.enqueue_indirect_dma source(%dma_start3A_1569 : memref<100000x128xf32, #tpu.memory_space<hbm>>) target(%arg6 : memref<400x128xf32, #tpu.memory_space<vmem>>) offsets(%dma_start3A_1566 : memref<400xi32, #tpu.memory_space<vmem>>) semaphore(%arg9 : memref<!tpu.dma_semaphore, #tpu.memory_space<semaphore_mem>>)
      } else {
      }
      %mul3A_795 = arith.constant 8 : i32
      %mul3A_796 = arith.muli %add3A_785, %mul3A_795 : i32
      %mul3A_797 = arith.constant 50 : i32
      %mul3A_798 = arith.muli %mul3A_796, %mul3A_797 : i32
      %dma_wait3A_799 = tpu.memref_slice %arg5[%mul3A_798] : memref<6400xi32, #tpu.memory_space<vmem>> -> memref<400xi32, #tpu.memory_space<vmem>>
      %dma_wait3A_800 = arith.constant 0 : i32
      %dma_wait3A_801 = arith.constant 0 : i32
      %dma_wait3A_802 = tpu.memref_slice %arg3[%dma_wait3A_800, %dma_wait3A_801] : memref<100000x128xf32, #tpu.memory_space<hbm>> -> memref<100000x128xf32, #tpu.memory_space<hbm>>
      tpu.wait_indirect_dma semaphore(%arg10 : memref<!tpu.dma_semaphore, #tpu.memory_space<semaphore_mem>>) src(%dma_wait3A_802 : memref<100000x128xf32, #tpu.memory_space<hbm>>) dst(%arg7 : memref<400x128xf32, #tpu.memory_space<vmem>>)
      %mul3A_803 = arith.constant 8 : i32
      %mul3A_804 = arith.muli %add3A_785, %mul3A_803 : i32
      %add3A_805 = arith.addi %mul3A_2, %mul3A_804 : i32
      %broadcast_in_dim3A_806 = arith.constant 0.000000e+00 : f32
      %broadcast_in_dim3A_807 = vector.broadcast %broadcast_in_dim3A_806 : f32 to vector<16xf32>
      %broadcast_in_dim3A_808 = arith.constant 0.000000e+00 : f32
      %broadcast_in_dim3A_809 = vector.broadcast %broadcast_in_dim3A_808 : f32 to vector<16xf32>
      %broadcast_in_dim3A_810 = arith.constant 0.000000e+00 : f32
      %broadcast_in_dim3A_811 = vector.broadcast %broadcast_in_dim3A_810 : f32 to vector<16xf32>
      %broadcast_in_dim3A_812 = arith.constant 0.000000e+00 : f32
      %broadcast_in_dim3A_813 = vector.broadcast %broadcast_in_dim3A_812 : f32 to vector<16xf32>
      %broadcast_in_dim3A_814 = arith.constant 0.000000e+00 : f32
      %broadcast_in_dim3A_815 = vector.broadcast %broadcast_in_dim3A_814 : f32 to vector<16xf32>
      %broadcast_in_dim3A_816 = arith.constant 0.000000e+00 : f32
      %broadcast_in_dim3A_817 = vector.broadcast %broadcast_in_dim3A_816 : f32 to vector<16xf32>
      %broadcast_in_dim3A_818 = arith.constant 0.000000e+00 : f32
      %broadcast_in_dim3A_819 = vector.broadcast %broadcast_in_dim3A_818 : f32 to vector<16xf32>
      %broadcast_in_dim3A_820 = arith.constant 0.000000e+00 : f32
      %broadcast_in_dim3A_821 = vector.broadcast %broadcast_in_dim3A_820 : f32 to vector<16xf32>
      %scan3A_822 = arith.constant 0 : i32
      %scan3A_823 = arith.constant 25 : i32
      %scan3A_824 = arith.addi %scan3A_822, %scan3A_823 : i32
      %scan3A_825 = arith.constant 1 : i32
      %scan3A_826:8 = scf.for %scan3A_1558 = %scan3A_822 to %scan3A_824 step %scan3A_825 iter_args(%scan3A_1559 = %broadcast_in_dim3A_807, %scan3A_1560 = %broadcast_in_dim3A_809, %scan3A_1561 = %broadcast_in_dim3A_811, %scan3A_1562 = %broadcast_in_dim3A_813, %scan3A_1563 = %broadcast_in_dim3A_815, %scan3A_1564 = %broadcast_in_dim3A_817, %scan3A_1565 = %broadcast_in_dim3A_819, %scan3A_1566 = %broadcast_in_dim3A_821) -> (vector<16xf32>, vector<16xf32>, vector<16xf32>, vector<16xf32>, vector<16xf32>, vector<16xf32>, vector<16xf32>, vector<16xf32>)  : i32 {
        %mul3A_1567 = arith.constant 2 : i32
        %mul3A_1568 = arith.muli %mul3A_1567, %scan3A_1558 : i32
        %add3A_1569 = arith.constant 0 : i32
        %add3A_1570 = arith.addi %add3A_1569, %mul3A_1568 : i32
        %get3A = arith.index_cast %add3A_1570 : i32 to index
        %get3A_1571 = arith.constant 0 : index
        %get3A_1572 = tpu.vector_load %arg7[%get3A, %get3A_1571] {strides = array<i32>} : memref<400x128xf32, #tpu.memory_space<vmem>>, vector<1x16xf32>,
        %get3A_1573 = vector.shape_cast %get3A_1572 : vector<1x16xf32> to vector<16xf32>
        %add3A_1574 = arith.addf %scan3A_1559, %get3A_1573 : vector<16xf32>
        %mul3A_1575 = arith.constant 2 : i32
        %mul3A_1576 = arith.muli %mul3A_1575, %scan3A_1558 : i32
        %add3A_1577 = arith.constant 0 : i32
        %add3A_1578 = arith.addi %add3A_1577, %mul3A_1576 : i32
        %add3A_1579 = arith.constant 1 : i32
        %add3A_1580 = arith.addi %add3A_1578, %add3A_1579 : i32
        %get3A_1581 = arith.index_cast %add3A_1580 : i32 to index
        %get3A_1582 = arith.constant 0 : index
        %get3A_1583 = tpu.vector_load %arg7[%get3A_1581, %get3A_1582] {strides = array<i32>} : memref<400x128xf32, #tpu.memory_space<vmem>>, vector<1x16xf32>,
        %get3A_1584 = vector.shape_cast %get3A_1583 : vector<1x16xf32> to vector<16xf32>
        %add3A_1585 = arith.addf %add3A_1574, %get3A_1584 : vector<16xf32>
        %mul3A_1586 = arith.constant 2 : i32
        %mul3A_1587 = arith.muli %mul3A_1586, %scan3A_1558 : i32
        %add3A_1588 = arith.constant 0 : i32
        %add3A_1589 = arith.addi %add3A_1588, %mul3A_1587 : i32
        %get3A_1590 = arith.index_cast %add3A_1589 : i32 to index
        %get3A_1591 = arith.constant 16 : index
        %get3A_1592 = tpu.vector_load %arg7[%get3A_1590, %get3A_1591] {strides = array<i32>} : memref<400x128xf32, #tpu.memory_space<vmem>>, vector<1x16xf32>,
        %get3A_1593 = vector.shape_cast %get3A_1592 : vector<1x16xf32> to vector<16xf32>
        %add3A_1594 = arith.addf %scan3A_1560, %get3A_1593 : vector<16xf32>
        %mul3A_1595 = arith.constant 2 : i32
        %mul3A_1596 = arith.muli %mul3A_1595, %scan3A_1558 : i32
        %add3A_1597 = arith.constant 0 : i32
        %add3A_1598 = arith.addi %add3A_1597, %mul3A_1596 : i32
        %add3A_1599 = arith.constant 1 : i32
        %add3A_1600 = arith.addi %add3A_1598, %add3A_1599 : i32
        %get3A_1601 = arith.index_cast %add3A_1600 : i32 to index
        %get3A_1602 = arith.constant 16 : index
        %get3A_1603 = tpu.vector_load %arg7[%get3A_1601, %get3A_1602] {strides = array<i32>} : memref<400x128xf32, #tpu.memory_space<vmem>>, vector<1x16xf32>,
        %get3A_1604 = vector.shape_cast %get3A_1603 : vector<1x16xf32> to vector<16xf32>
        %add3A_1605 = arith.addf %add3A_1594, %get3A_1604 : vector<16xf32>
        %mul3A_1606 = arith.constant 2 : i32
        %mul3A_1607 = arith.muli %mul3A_1606, %scan3A_1558 : i32
        %add3A_1608 = arith.constant 0 : i32
        %add3A_1609 = arith.addi %add3A_1608, %mul3A_1607 : i32
        %get3A_1610 = arith.index_cast %add3A_1609 : i32 to index
        %get3A_1611 = arith.constant 32 : index
        %get3A_1612 = tpu.vector_load %arg7[%get3A_1610, %get3A_1611] {strides = array<i32>} : memref<400x128xf32, #tpu.memory_space<vmem>>, vector<1x16xf32>,
        %get3A_1613 = vector.shape_cast %get3A_1612 : vector<1x16xf32> to vector<16xf32>
        %add3A_1614 = arith.addf %scan3A_1561, %get3A_1613 : vector<16xf32>
        %mul3A_1615 = arith.constant 2 : i32
        %mul3A_1616 = arith.muli %mul3A_1615, %scan3A_1558 : i32
        %add3A_1617 = arith.constant 0 : i32
        %add3A_1618 = arith.addi %add3A_1617, %mul3A_1616 : i32
        %add3A_1619 = arith.constant 1 : i32
        %add3A_1620 = arith.addi %add3A_1618, %add3A_1619 : i32
        %get3A_1621 = arith.index_cast %add3A_1620 : i32 to index
        %get3A_1622 = arith.constant 32 : index
        %get3A_1623 = tpu.vector_load %arg7[%get3A_1621, %get3A_1622] {strides = array<i32>} : memref<400x128xf32, #tpu.memory_space<vmem>>, vector<1x16xf32>,
        %get3A_1624 = vector.shape_cast %get3A_1623 : vector<1x16xf32> to vector<16xf32>
        %add3A_1625 = arith.addf %add3A_1614, %get3A_1624 : vector<16xf32>
        %mul3A_1626 = arith.constant 2 : i32
        %mul3A_1627 = arith.muli %mul3A_1626, %scan3A_1558 : i32
        %add3A_1628 = arith.constant 0 : i32
        %add3A_1629 = arith.addi %add3A_1628, %mul3A_1627 : i32
        %get3A_1630 = arith.index_cast %add3A_1629 : i32 to index
        %get3A_1631 = arith.constant 48 : index
        %get3A_1632 = tpu.vector_load %arg7[%get3A_1630, %get3A_1631] {strides = array<i32>} : memref<400x128xf32, #tpu.memory_space<vmem>>, vector<1x16xf32>,
        %get3A_1633 = vector.shape_cast %get3A_1632 : vector<1x16xf32> to vector<16xf32>
        %add3A_1634 = arith.addf %scan3A_1562, %get3A_1633 : vector<16xf32>
        %mul3A_1635 = arith.constant 2 : i32
        %mul3A_1636 = arith.muli %mul3A_1635, %scan3A_1558 : i32
        %add3A_1637 = arith.constant 0 : i32
        %add3A_1638 = arith.addi %add3A_1637, %mul3A_1636 : i32
        %add3A_1639 = arith.constant 1 : i32
        %add3A_1640 = arith.addi %add3A_1638, %add3A_1639 : i32
        %get3A_1641 = arith.index_cast %add3A_1640 : i32 to index
        %get3A_1642 = arith.constant 48 : index
        %get3A_1643 = tpu.vector_load %arg7[%get3A_1641, %get3A_1642] {strides = array<i32>} : memref<400x128xf32, #tpu.memory_space<vmem>>, vector<1x16xf32>,
        %get3A_1644 = vector.shape_cast %get3A_1643 : vector<1x16xf32> to vector<16xf32>
        %add3A_1645 = arith.addf %add3A_1634, %get3A_1644 : vector<16xf32>
        %mul3A_1646 = arith.constant 2 : i32
        %mul3A_1647 = arith.muli %mul3A_1646, %scan3A_1558 : i32
        %add3A_1648 = arith.constant 0 : i32
        %add3A_1649 = arith.addi %add3A_1648, %mul3A_1647 : i32
        %get3A_1650 = arith.index_cast %add3A_1649 : i32 to index
        %get3A_1651 = arith.constant 64 : index
        %get3A_1652 = tpu.vector_load %arg7[%get3A_1650, %get3A_1651] {strides = array<i32>} : memref<400x128xf32, #tpu.memory_space<vmem>>, vector<1x16xf32>,
        %get3A_1653 = vector.shape_cast %get3A_1652 : vector<1x16xf32> to vector<16xf32>
        %add3A_1654 = arith.addf %scan3A_1563, %get3A_1653 : vector<16xf32>
        %mul3A_1655 = arith.constant 2 : i32
        %mul3A_1656 = arith.muli %mul3A_1655, %scan3A_1558 : i32
        %add3A_1657 = arith.constant 0 : i32
        %add3A_1658 = arith.addi %add3A_1657, %mul3A_1656 : i32
        %add3A_1659 = arith.constant 1 : i32
        %add3A_1660 = arith.addi %add3A_1658, %add3A_1659 : i32
        %get3A_1661 = arith.index_cast %add3A_1660 : i32 to index
        %get3A_1662 = arith.constant 64 : index
        %get3A_1663 = tpu.vector_load %arg7[%get3A_1661, %get3A_1662] {strides = array<i32>} : memref<400x128xf32, #tpu.memory_space<vmem>>, vector<1x16xf32>,
        %get3A_1664 = vector.shape_cast %get3A_1663 : vector<1x16xf32> to vector<16xf32>
        %add3A_1665 = arith.addf %add3A_1654, %get3A_1664 : vector<16xf32>
        %mul3A_1666 = arith.constant 2 : i32
        %mul3A_1667 = arith.muli %mul3A_1666, %scan3A_1558 : i32
        %add3A_1668 = arith.constant 0 : i32
        %add3A_1669 = arith.addi %add3A_1668, %mul3A_1667 : i32
        %get3A_1670 = arith.index_cast %add3A_1669 : i32 to index
        %get3A_1671 = arith.constant 80 : index
        %get3A_1672 = tpu.vector_load %arg7[%get3A_1670, %get3A_1671] {strides = array<i32>} : memref<400x128xf32, #tpu.memory_space<vmem>>, vector<1x16xf32>,
        %get3A_1673 = vector.shape_cast %get3A_1672 : vector<1x16xf32> to vector<16xf32>
        %add3A_1674 = arith.addf %scan3A_1564, %get3A_1673 : vector<16xf32>
        %mul3A_1675 = arith.constant 2 : i32
        %mul3A_1676 = arith.muli %mul3A_1675, %scan3A_1558 : i32
        %add3A_1677 = arith.constant 0 : i32
        %add3A_1678 = arith.addi %add3A_1677, %mul3A_1676 : i32
        %add3A_1679 = arith.constant 1 : i32
        %add3A_1680 = arith.addi %add3A_1678, %add3A_1679 : i32
        %get3A_1681 = arith.index_cast %add3A_1680 : i32 to index
        %get3A_1682 = arith.constant 80 : index
        %get3A_1683 = tpu.vector_load %arg7[%get3A_1681, %get3A_1682] {strides = array<i32>} : memref<400x128xf32, #tpu.memory_space<vmem>>, vector<1x16xf32>,
        %get3A_1684 = vector.shape_cast %get3A_1683 : vector<1x16xf32> to vector<16xf32>
        %add3A_1685 = arith.addf %add3A_1674, %get3A_1684 : vector<16xf32>
        %mul3A_1686 = arith.constant 2 : i32
        %mul3A_1687 = arith.muli %mul3A_1686, %scan3A_1558 : i32
        %add3A_1688 = arith.constant 0 : i32
        %add3A_1689 = arith.addi %add3A_1688, %mul3A_1687 : i32
        %get3A_1690 = arith.index_cast %add3A_1689 : i32 to index
        %get3A_1691 = arith.constant 96 : index
        %get3A_1692 = tpu.vector_load %arg7[%get3A_1690, %get3A_1691] {strides = array<i32>} : memref<400x128xf32, #tpu.memory_space<vmem>>, vector<1x16xf32>,
        %get3A_1693 = vector.shape_cast %get3A_1692 : vector<1x16xf32> to vector<16xf32>
        %add3A_1694 = arith.addf %scan3A_1565, %get3A_1693 : vector<16xf32>
        %mul3A_1695 = arith.constant 2 : i32
        %mul3A_1696 = arith.muli %mul3A_1695, %scan3A_1558 : i32
        %add3A_1697 = arith.constant 0 : i32
        %add3A_1698 = arith.addi %add3A_1697, %mul3A_1696 : i32
        %add3A_1699 = arith.constant 1 : i32
        %add3A_1700 = arith.addi %add3A_1698, %add3A_1699 : i32
        %get3A_1701 = arith.index_cast %add3A_1700 : i32 to index
        %get3A_1702 = arith.constant 96 : index
        %get3A_1703 = tpu.vector_load %arg7[%get3A_1701, %get3A_1702] {strides = array<i32>} : memref<400x128xf32, #tpu.memory_space<vmem>>, vector<1x16xf32>,
        %get3A_1704 = vector.shape_cast %get3A_1703 : vector<1x16xf32> to vector<16xf32>
        %add3A_1705 = arith.addf %add3A_1694, %get3A_1704 : vector<16xf32>
        %mul3A_1706 = arith.constant 2 : i32
        %mul3A_1707 = arith.muli %mul3A_1706, %scan3A_1558 : i32
        %add3A_1708 = arith.constant 0 : i32
        %add3A_1709 = arith.addi %add3A_1708, %mul3A_1707 : i32
        %get3A_1710 = arith.index_cast %add3A_1709 : i32 to index
        %get3A_1711 = arith.constant 112 : index
        %get3A_1712 = tpu.vector_load %arg7[%get3A_1710, %get3A_1711] {strides = array<i32>} : memref<400x128xf32, #tpu.memory_space<vmem>>, vector<1x16xf32>,
        %get3A_1713 = vector.shape_cast %get3A_1712 : vector<1x16xf32> to vector<16xf32>
        %add3A_1714 = arith.addf %scan3A_1566, %get3A_1713 : vector<16xf32>
        %mul3A_1715 = arith.constant 2 : i32
        %mul3A_1716 = arith.muli %mul3A_1715, %scan3A_1558 : i32
        %add3A_1717 = arith.constant 0 : i32
        %add3A_1718 = arith.addi %add3A_1717, %mul3A_1716 : i32
        %add3A_1719 = arith.constant 1 : i32
        %add3A_1720 = arith.addi %add3A_1718, %add3A_1719 : i32
        %get3A_1721 = arith.index_cast %add3A_1720 : i32 to index
        %get3A_1722 = arith.constant 112 : index
        %get3A_1723 = tpu.vector_load %arg7[%get3A_1721, %get3A_1722] {strides = array<i32>} : memref<400x128xf32, #tpu.memory_space<vmem>>, vector<1x16xf32>,
        %get3A_1724 = vector.shape_cast %get3A_1723 : vector<1x16xf32> to vector<16xf32>
        %add3A_1725 = arith.addf %add3A_1714, %get3A_1724 : vector<16xf32>
        scf.yield %add3A_1585, %add3A_1605, %add3A_1625, %add3A_1645, %add3A_1665, %add3A_1685, %add3A_1705, %add3A_1725 : vector<16xf32>, vector<16xf32>, vector<16xf32>, vector<16xf32>, vector<16xf32>, vector<16xf32>, vector<16xf32>, vector<16xf32>
      }
      %scan3A_827 = arith.constant 25 : i32
      %mul3A_828 = arith.constant 2.000000e-02 : f32
      %mul3A_829 = vector.broadcast %mul3A_828 : f32 to vector<16xf32>
      %mul3A_830 = arith.mulf %scan3A_826#0, %mul3A_829 : vector<16xf32>
      %swap3A_831 = arith.constant 0 : i32
      %swap3A_832 = arith.index_cast %swap3A_831 : i32 to index
      %swap3A_833 = arith.constant 0 : index
      %swap3A_834 = tpu.vector_load %arg8[%swap3A_832, %swap3A_833] {strides = array<i32>} : memref<8x128xf32, #tpu.memory_space<vmem>>, vector<1x16xf32>,
      %swap3A_835 = vector.shape_cast %swap3A_834 : vector<1x16xf32> to vector<16xf32>
      %swap3A_836 = vector.shape_cast %mul3A_830 : vector<16xf32> to vector<1x16xf32>
      tpu.vector_store %arg8[%swap3A_832, %swap3A_833], %swap3A_836 {strides = array<i32>} : memref<8x128xf32, #tpu.memory_space<vmem>>, vector<1x16xf32>,
      %mul3A_837 = arith.constant 2.000000e-02 : f32
      %mul3A_838 = vector.broadcast %mul3A_837 : f32 to vector<16xf32>
      %mul3A_839 = arith.mulf %scan3A_826#1, %mul3A_838 : vector<16xf32>
      %swap3A_840 = arith.constant 0 : i32
      %swap3A_841 = arith.index_cast %swap3A_840 : i32 to index
      %swap3A_842 = arith.constant 16 : index
      %swap3A_843 = tpu.vector_load %arg8[%swap3A_841, %swap3A_842] {strides = array<i32>} : memref<8x128xf32, #tpu.memory_space<vmem>>, vector<1x16xf32>,
      %swap3A_844 = vector.shape_cast %swap3A_843 : vector<1x16xf32> to vector<16xf32>
      %swap3A_845 = vector.shape_cast %mul3A_839 : vector<16xf32> to vector<1x16xf32>
      tpu.vector_store %arg8[%swap3A_841, %swap3A_842], %swap3A_845 {strides = array<i32>} : memref<8x128xf32, #tpu.memory_space<vmem>>, vector<1x16xf32>,
      %mul3A_846 = arith.constant 2.000000e-02 : f32
      %mul3A_847 = vector.broadcast %mul3A_846 : f32 to vector<16xf32>
      %mul3A_848 = arith.mulf %scan3A_826#2, %mul3A_847 : vector<16xf32>
      %swap3A_849 = arith.constant 0 : i32
      %swap3A_850 = arith.index_cast %swap3A_849 : i32 to index
      %swap3A_851 = arith.constant 32 : index
      %swap3A_852 = tpu.vector_load %arg8[%swap3A_850, %swap3A_851] {strides = array<i32>} : memref<8x128xf32, #tpu.memory_space<vmem>>, vector<1x16xf32>,
      %swap3A_853 = vector.shape_cast %swap3A_852 : vector<1x16xf32> to vector<16xf32>
      %swap3A_854 = vector.shape_cast %mul3A_848 : vector<16xf32> to vector<1x16xf32>
      tpu.vector_store %arg8[%swap3A_850, %swap3A_851], %swap3A_854 {strides = array<i32>} : memref<8x128xf32, #tpu.memory_space<vmem>>, vector<1x16xf32>,
      %mul3A_855 = arith.constant 2.000000e-02 : f32
      %mul3A_856 = vector.broadcast %mul3A_855 : f32 to vector<16xf32>
      %mul3A_857 = arith.mulf %scan3A_826#3, %mul3A_856 : vector<16xf32>
      %swap3A_858 = arith.constant 0 : i32
      %swap3A_859 = arith.index_cast %swap3A_858 : i32 to index
      %swap3A_860 = arith.constant 48 : index
      %swap3A_861 = tpu.vector_load %arg8[%swap3A_859, %swap3A_860] {strides = array<i32>} : memref<8x128xf32, #tpu.memory_space<vmem>>, vector<1x16xf32>,
      %swap3A_862 = vector.shape_cast %swap3A_861 : vector<1x16xf32> to vector<16xf32>
      %swap3A_863 = vector.shape_cast %mul3A_857 : vector<16xf32> to vector<1x16xf32>
      tpu.vector_store %arg8[%swap3A_859, %swap3A_860], %swap3A_863 {strides = array<i32>} : memref<8x128xf32, #tpu.memory_space<vmem>>, vector<1x16xf32>,
      %mul3A_864 = arith.constant 2.000000e-02 : f32
      %mul3A_865 = vector.broadcast %mul3A_864 : f32 to vector<16xf32>
      %mul3A_866 = arith.mulf %scan3A_826#4, %mul3A_865 : vector<16xf32>
      %swap3A_867 = arith.constant 0 : i32
      %swap3A_868 = arith.index_cast %swap3A_867 : i32 to index
      %swap3A_869 = arith.constant 64 : index
      %swap3A_870 = tpu.vector_load %arg8[%swap3A_868, %swap3A_869] {strides = array<i32>} : memref<8x128xf32, #tpu.memory_space<vmem>>, vector<1x16xf32>,
      %swap3A_871 = vector.shape_cast %swap3A_870 : vector<1x16xf32> to vector<16xf32>
      %swap3A_872 = vector.shape_cast %mul3A_866 : vector<16xf32> to vector<1x16xf32>
      tpu.vector_store %arg8[%swap3A_868, %swap3A_869], %swap3A_872 {strides = array<i32>} : memref<8x128xf32, #tpu.memory_space<vmem>>, vector<1x16xf32>,
      %mul3A_873 = arith.constant 2.000000e-02 : f32
      %mul3A_874 = vector.broadcast %mul3A_873 : f32 to vector<16xf32>
      %mul3A_875 = arith.mulf %scan3A_826#5, %mul3A_874 : vector<16xf32>
      %swap3A_876 = arith.constant 0 : i32
      %swap3A_877 = arith.index_cast %swap3A_876 : i32 to index
      %swap3A_878 = arith.constant 80 : index
      %swap3A_879 = tpu.vector_load %arg8[%swap3A_877, %swap3A_878] {strides = array<i32>} : memref<8x128xf32, #tpu.memory_space<vmem>>, vector<1x16xf32>,
      %swap3A_880 = vector.shape_cast %swap3A_879 : vector<1x16xf32> to vector<16xf32>
      %swap3A_881 = vector.shape_cast %mul3A_875 : vector<16xf32> to vector<1x16xf32>
      tpu.vector_store %arg8[%swap3A_877, %swap3A_878], %swap3A_881 {strides = array<i32>} : memref<8x128xf32, #tpu.memory_space<vmem>>, vector<1x16xf32>,
      %mul3A_882 = arith.constant 2.000000e-02 : f32
      %mul3A_883 = vector.broadcast %mul3A_882 : f32 to vector<16xf32>
      %mul3A_884 = arith.mulf %scan3A_826#6, %mul3A_883 : vector<16xf32>
      %swap3A_885 = arith.constant 0 : i32
      %swap3A_886 = arith.index_cast %swap3A_885 : i32 to index
      %swap3A_887 = arith.constant 96 : index
      %swap3A_888 = tpu.vector_load %arg8[%swap3A_886, %swap3A_887] {strides = array<i32>} : memref<8x128xf32, #tpu.memory_space<vmem>>, vector<1x16xf32>,
      %swap3A_889 = vector.shape_cast %swap3A_888 : vector<1x16xf32> to vector<16xf32>
      %swap3A_890 = vector.shape_cast %mul3A_884 : vector<16xf32> to vector<1x16xf32>
      tpu.vector_store %arg8[%swap3A_886, %swap3A_887], %swap3A_890 {strides = array<i32>} : memref<8x128xf32, #tpu.memory_space<vmem>>, vector<1x16xf32>,
      %mul3A_891 = arith.constant 2.000000e-02 : f32
      %mul3A_892 = vector.broadcast %mul3A_891 : f32 to vector<16xf32>
      %mul3A_893 = arith.mulf %scan3A_826#7, %mul3A_892 : vector<16xf32>
      %swap3A_894 = arith.constant 0 : i32
      %swap3A_895 = arith.index_cast %swap3A_894 : i32 to index
      %swap3A_896 = arith.constant 112 : index
      %swap3A_897 = tpu.vector_load %arg8[%swap3A_895, %swap3A_896] {strides = array<i32>} : memref<8x128xf32, #tpu.memory_space<vmem>>, vector<1x16xf32>,
      %swap3A_898 = vector.shape_cast %swap3A_897 : vector<1x16xf32> to vector<16xf32>
      %swap3A_899 = vector.shape_cast %mul3A_893 : vector<16xf32> to vector<1x16xf32>
      tpu.vector_store %arg8[%swap3A_895, %swap3A_896], %swap3A_899 {strides = array<i32>} : memref<8x128xf32, #tpu.memory_space<vmem>>, vector<1x16xf32>,
      %broadcast_in_dim3A_900 = arith.constant 0.000000e+00 : f32
      %broadcast_in_dim3A_901 = vector.broadcast %broadcast_in_dim3A_900 : f32 to vector<16xf32>
      %broadcast_in_dim3A_902 = arith.constant 0.000000e+00 : f32
      %broadcast_in_dim3A_903 = vector.broadcast %broadcast_in_dim3A_902 : f32 to vector<16xf32>
      %broadcast_in_dim3A_904 = arith.constant 0.000000e+00 : f32
      %broadcast_in_dim3A_905 = vector.broadcast %broadcast_in_dim3A_904 : f32 to vector<16xf32>
      %broadcast_in_dim3A_906 = arith.constant 0.000000e+00 : f32
      %broadcast_in_dim3A_907 = vector.broadcast %broadcast_in_dim3A_906 : f32 to vector<16xf32>
      %broadcast_in_dim3A_908 = arith.constant 0.000000e+00 : f32
      %broadcast_in_dim3A_909 = vector.broadcast %broadcast_in_dim3A_908 : f32 to vector<16xf32>
      %broadcast_in_dim3A_910 = arith.constant 0.000000e+00 : f32
      %broadcast_in_dim3A_911 = vector.broadcast %broadcast_in_dim3A_910 : f32 to vector<16xf32>
      %broadcast_in_dim3A_912 = arith.constant 0.000000e+00 : f32
      %broadcast_in_dim3A_913 = vector.broadcast %broadcast_in_dim3A_912 : f32 to vector<16xf32>
      %broadcast_in_dim3A_914 = arith.constant 0.000000e+00 : f32
      %broadcast_in_dim3A_915 = vector.broadcast %broadcast_in_dim3A_914 : f32 to vector<16xf32>
      %scan3A_916 = arith.constant 0 : i32
      %scan3A_917 = arith.constant 25 : i32
      %scan3A_918 = arith.addi %scan3A_916, %scan3A_917 : i32
      %scan3A_919 = arith.constant 1 : i32
      %scan3A_920:8 = scf.for %scan3A_1558 = %scan3A_916 to %scan3A_918 step %scan3A_919 iter_args(%scan3A_1559 = %broadcast_in_dim3A_901, %scan3A_1560 = %broadcast_in_dim3A_903, %scan3A_1561 = %broadcast_in_dim3A_905, %scan3A_1562 = %broadcast_in_dim3A_907, %scan3A_1563 = %broadcast_in_dim3A_909, %scan3A_1564 = %broadcast_in_dim3A_911, %scan3A_1565 = %broadcast_in_dim3A_913, %scan3A_1566 = %broadcast_in_dim3A_915) -> (vector<16xf32>, vector<16xf32>, vector<16xf32>, vector<16xf32>, vector<16xf32>, vector<16xf32>, vector<16xf32>, vector<16xf32>)  : i32 {
        %mul3A_1567 = arith.constant 2 : i32
        %mul3A_1568 = arith.muli %mul3A_1567, %scan3A_1558 : i32
        %add3A_1569 = arith.constant 50 : i32
        %add3A_1570 = arith.addi %add3A_1569, %mul3A_1568 : i32
        %get3A = arith.index_cast %add3A_1570 : i32 to index
        %get3A_1571 = arith.constant 0 : index
        %get3A_1572 = tpu.vector_load %arg7[%get3A, %get3A_1571] {strides = array<i32>} : memref<400x128xf32, #tpu.memory_space<vmem>>, vector<1x16xf32>,
        %get3A_1573 = vector.shape_cast %get3A_1572 : vector<1x16xf32> to vector<16xf32>
        %add3A_1574 = arith.addf %scan3A_1559, %get3A_1573 : vector<16xf32>
        %mul3A_1575 = arith.constant 2 : i32
        %mul3A_1576 = arith.muli %mul3A_1575, %scan3A_1558 : i32
        %add3A_1577 = arith.constant 50 : i32
        %add3A_1578 = arith.addi %add3A_1577, %mul3A_1576 : i32
        %add3A_1579 = arith.constant 1 : i32
        %add3A_1580 = arith.addi %add3A_1578, %add3A_1579 : i32
        %get3A_1581 = arith.index_cast %add3A_1580 : i32 to index
        %get3A_1582 = arith.constant 0 : index
        %get3A_1583 = tpu.vector_load %arg7[%get3A_1581, %get3A_1582] {strides = array<i32>} : memref<400x128xf32, #tpu.memory_space<vmem>>, vector<1x16xf32>,
        %get3A_1584 = vector.shape_cast %get3A_1583 : vector<1x16xf32> to vector<16xf32>
        %add3A_1585 = arith.addf %add3A_1574, %get3A_1584 : vector<16xf32>
        %mul3A_1586 = arith.constant 2 : i32
        %mul3A_1587 = arith.muli %mul3A_1586, %scan3A_1558 : i32
        %add3A_1588 = arith.constant 50 : i32
        %add3A_1589 = arith.addi %add3A_1588, %mul3A_1587 : i32
        %get3A_1590 = arith.index_cast %add3A_1589 : i32 to index
        %get3A_1591 = arith.constant 16 : index
        %get3A_1592 = tpu.vector_load %arg7[%get3A_1590, %get3A_1591] {strides = array<i32>} : memref<400x128xf32, #tpu.memory_space<vmem>>, vector<1x16xf32>,
        %get3A_1593 = vector.shape_cast %get3A_1592 : vector<1x16xf32> to vector<16xf32>
        %add3A_1594 = arith.addf %scan3A_1560, %get3A_1593 : vector<16xf32>
        %mul3A_1595 = arith.constant 2 : i32
        %mul3A_1596 = arith.muli %mul3A_1595, %scan3A_1558 : i32
        %add3A_1597 = arith.constant 50 : i32
        %add3A_1598 = arith.addi %add3A_1597, %mul3A_1596 : i32
        %add3A_1599 = arith.constant 1 : i32
        %add3A_1600 = arith.addi %add3A_1598, %add3A_1599 : i32
        %get3A_1601 = arith.index_cast %add3A_1600 : i32 to index
        %get3A_1602 = arith.constant 16 : index
        %get3A_1603 = tpu.vector_load %arg7[%get3A_1601, %get3A_1602] {strides = array<i32>} : memref<400x128xf32, #tpu.memory_space<vmem>>, vector<1x16xf32>,
        %get3A_1604 = vector.shape_cast %get3A_1603 : vector<1x16xf32> to vector<16xf32>
        %add3A_1605 = arith.addf %add3A_1594, %get3A_1604 : vector<16xf32>
        %mul3A_1606 = arith.constant 2 : i32
        %mul3A_1607 = arith.muli %mul3A_1606, %scan3A_1558 : i32
        %add3A_1608 = arith.constant 50 : i32
        %add3A_1609 = arith.addi %add3A_1608, %mul3A_1607 : i32
        %get3A_1610 = arith.index_cast %add3A_1609 : i32 to index
        %get3A_1611 = arith.constant 32 : index
        %get3A_1612 = tpu.vector_load %arg7[%get3A_1610, %get3A_1611] {strides = array<i32>} : memref<400x128xf32, #tpu.memory_space<vmem>>, vector<1x16xf32>,
        %get3A_1613 = vector.shape_cast %get3A_1612 : vector<1x16xf32> to vector<16xf32>
        %add3A_1614 = arith.addf %scan3A_1561, %get3A_1613 : vector<16xf32>
        %mul3A_1615 = arith.constant 2 : i32
        %mul3A_1616 = arith.muli %mul3A_1615, %scan3A_1558 : i32
        %add3A_1617 = arith.constant 50 : i32
        %add3A_1618 = arith.addi %add3A_1617, %mul3A_1616 : i32
        %add3A_1619 = arith.constant 1 : i32
        %add3A_1620 = arith.addi %add3A_1618, %add3A_1619 : i32
        %get3A_1621 = arith.index_cast %add3A_1620 : i32 to index
        %get3A_1622 = arith.constant 32 : index
        %get3A_1623 = tpu.vector_load %arg7[%get3A_1621, %get3A_1622] {strides = array<i32>} : memref<400x128xf32, #tpu.memory_space<vmem>>, vector<1x16xf32>,
        %get3A_1624 = vector.shape_cast %get3A_1623 : vector<1x16xf32> to vector<16xf32>
        %add3A_1625 = arith.addf %add3A_1614, %get3A_1624 : vector<16xf32>
        %mul3A_1626 = arith.constant 2 : i32
        %mul3A_1627 = arith.muli %mul3A_1626, %scan3A_1558 : i32
        %add3A_1628 = arith.constant 50 : i32
        %add3A_1629 = arith.addi %add3A_1628, %mul3A_1627 : i32
        %get3A_1630 = arith.index_cast %add3A_1629 : i32 to index
        %get3A_1631 = arith.constant 48 : index
        %get3A_1632 = tpu.vector_load %arg7[%get3A_1630, %get3A_1631] {strides = array<i32>} : memref<400x128xf32, #tpu.memory_space<vmem>>, vector<1x16xf32>,
        %get3A_1633 = vector.shape_cast %get3A_1632 : vector<1x16xf32> to vector<16xf32>
        %add3A_1634 = arith.addf %scan3A_1562, %get3A_1633 : vector<16xf32>
        %mul3A_1635 = arith.constant 2 : i32
        %mul3A_1636 = arith.muli %mul3A_1635, %scan3A_1558 : i32
        %add3A_1637 = arith.constant 50 : i32
        %add3A_1638 = arith.addi %add3A_1637, %mul3A_1636 : i32
        %add3A_1639 = arith.constant 1 : i32
        %add3A_1640 = arith.addi %add3A_1638, %add3A_1639 : i32
        %get3A_1641 = arith.index_cast %add3A_1640 : i32 to index
        %get3A_1642 = arith.constant 48 : index
        %get3A_1643 = tpu.vector_load %arg7[%get3A_1641, %get3A_1642] {strides = array<i32>} : memref<400x128xf32, #tpu.memory_space<vmem>>, vector<1x16xf32>,
        %get3A_1644 = vector.shape_cast %get3A_1643 : vector<1x16xf32> to vector<16xf32>
        %add3A_1645 = arith.addf %add3A_1634, %get3A_1644 : vector<16xf32>
        %mul3A_1646 = arith.constant 2 : i32
        %mul3A_1647 = arith.muli %mul3A_1646, %scan3A_1558 : i32
        %add3A_1648 = arith.constant 50 : i32
        %add3A_1649 = arith.addi %add3A_1648, %mul3A_1647 : i32
        %get3A_1650 = arith.index_cast %add3A_1649 : i32 to index
        %get3A_1651 = arith.constant 64 : index
        %get3A_1652 = tpu.vector_load %arg7[%get3A_1650, %get3A_1651] {strides = array<i32>} : memref<400x128xf32, #tpu.memory_space<vmem>>, vector<1x16xf32>,
        %get3A_1653 = vector.shape_cast %get3A_1652 : vector<1x16xf32> to vector<16xf32>
        %add3A_1654 = arith.addf %scan3A_1563, %get3A_1653 : vector<16xf32>
        %mul3A_1655 = arith.constant 2 : i32
        %mul3A_1656 = arith.muli %mul3A_1655, %scan3A_1558 : i32
        %add3A_1657 = arith.constant 50 : i32
        %add3A_1658 = arith.addi %add3A_1657, %mul3A_1656 : i32
        %add3A_1659 = arith.constant 1 : i32
        %add3A_1660 = arith.addi %add3A_1658, %add3A_1659 : i32
        %get3A_1661 = arith.index_cast %add3A_1660 : i32 to index
        %get3A_1662 = arith.constant 64 : index
        %get3A_1663 = tpu.vector_load %arg7[%get3A_1661, %get3A_1662] {strides = array<i32>} : memref<400x128xf32, #tpu.memory_space<vmem>>, vector<1x16xf32>,
        %get3A_1664 = vector.shape_cast %get3A_1663 : vector<1x16xf32> to vector<16xf32>
        %add3A_1665 = arith.addf %add3A_1654, %get3A_1664 : vector<16xf32>
        %mul3A_1666 = arith.constant 2 : i32
        %mul3A_1667 = arith.muli %mul3A_1666, %scan3A_1558 : i32
        %add3A_1668 = arith.constant 50 : i32
        %add3A_1669 = arith.addi %add3A_1668, %mul3A_1667 : i32
        %get3A_1670 = arith.index_cast %add3A_1669 : i32 to index
        %get3A_1671 = arith.constant 80 : index
        %get3A_1672 = tpu.vector_load %arg7[%get3A_1670, %get3A_1671] {strides = array<i32>} : memref<400x128xf32, #tpu.memory_space<vmem>>, vector<1x16xf32>,
        %get3A_1673 = vector.shape_cast %get3A_1672 : vector<1x16xf32> to vector<16xf32>
        %add3A_1674 = arith.addf %scan3A_1564, %get3A_1673 : vector<16xf32>
        %mul3A_1675 = arith.constant 2 : i32
        %mul3A_1676 = arith.muli %mul3A_1675, %scan3A_1558 : i32
        %add3A_1677 = arith.constant 50 : i32
        %add3A_1678 = arith.addi %add3A_1677, %mul3A_1676 : i32
        %add3A_1679 = arith.constant 1 : i32
        %add3A_1680 = arith.addi %add3A_1678, %add3A_1679 : i32
        %get3A_1681 = arith.index_cast %add3A_1680 : i32 to index
        %get3A_1682 = arith.constant 80 : index
        %get3A_1683 = tpu.vector_load %arg7[%get3A_1681, %get3A_1682] {strides = array<i32>} : memref<400x128xf32, #tpu.memory_space<vmem>>, vector<1x16xf32>,
        %get3A_1684 = vector.shape_cast %get3A_1683 : vector<1x16xf32> to vector<16xf32>
        %add3A_1685 = arith.addf %add3A_1674, %get3A_1684 : vector<16xf32>
        %mul3A_1686 = arith.constant 2 : i32
        %mul3A_1687 = arith.muli %mul3A_1686, %scan3A_1558 : i32
        %add3A_1688 = arith.constant 50 : i32
        %add3A_1689 = arith.addi %add3A_1688, %mul3A_1687 : i32
        %get3A_1690 = arith.index_cast %add3A_1689 : i32 to index
        %get3A_1691 = arith.constant 96 : index
        %get3A_1692 = tpu.vector_load %arg7[%get3A_1690, %get3A_1691] {strides = array<i32>} : memref<400x128xf32, #tpu.memory_space<vmem>>, vector<1x16xf32>,
        %get3A_1693 = vector.shape_cast %get3A_1692 : vector<1x16xf32> to vector<16xf32>
        %add3A_1694 = arith.addf %scan3A_1565, %get3A_1693 : vector<16xf32>
        %mul3A_1695 = arith.constant 2 : i32
        %mul3A_1696 = arith.muli %mul3A_1695, %scan3A_1558 : i32
        %add3A_1697 = arith.constant 50 : i32
        %add3A_1698 = arith.addi %add3A_1697, %mul3A_1696 : i32
        %add3A_1699 = arith.constant 1 : i32
        %add3A_1700 = arith.addi %add3A_1698, %add3A_1699 : i32
        %get3A_1701 = arith.index_cast %add3A_1700 : i32 to index
        %get3A_1702 = arith.constant 96 : index
        %get3A_1703 = tpu.vector_load %arg7[%get3A_1701, %get3A_1702] {strides = array<i32>} : memref<400x128xf32, #tpu.memory_space<vmem>>, vector<1x16xf32>,
        %get3A_1704 = vector.shape_cast %get3A_1703 : vector<1x16xf32> to vector<16xf32>
        %add3A_1705 = arith.addf %add3A_1694, %get3A_1704 : vector<16xf32>
        %mul3A_1706 = arith.constant 2 : i32
        %mul3A_1707 = arith.muli %mul3A_1706, %scan3A_1558 : i32
        %add3A_1708 = arith.constant 50 : i32
        %add3A_1709 = arith.addi %add3A_1708, %mul3A_1707 : i32
        %get3A_1710 = arith.index_cast %add3A_1709 : i32 to index
        %get3A_1711 = arith.constant 112 : index
        %get3A_1712 = tpu.vector_load %arg7[%get3A_1710, %get3A_1711] {strides = array<i32>} : memref<400x128xf32, #tpu.memory_space<vmem>>, vector<1x16xf32>,
        %get3A_1713 = vector.shape_cast %get3A_1712 : vector<1x16xf32> to vector<16xf32>
        %add3A_1714 = arith.addf %scan3A_1566, %get3A_1713 : vector<16xf32>
        %mul3A_1715 = arith.constant 2 : i32
        %mul3A_1716 = arith.muli %mul3A_1715, %scan3A_1558 : i32
        %add3A_1717 = arith.constant 50 : i32
        %add3A_1718 = arith.addi %add3A_1717, %mul3A_1716 : i32
        %add3A_1719 = arith.constant 1 : i32
        %add3A_1720 = arith.addi %add3A_1718, %add3A_1719 : i32
        %get3A_1721 = arith.index_cast %add3A_1720 : i32 to index
        %get3A_1722 = arith.constant 112 : index
        %get3A_1723 = tpu.vector_load %arg7[%get3A_1721, %get3A_1722] {strides = array<i32>} : memref<400x128xf32, #tpu.memory_space<vmem>>, vector<1x16xf32>,
        %get3A_1724 = vector.shape_cast %get3A_1723 : vector<1x16xf32> to vector<16xf32>
        %add3A_1725 = arith.addf %add3A_1714, %get3A_1724 : vector<16xf32>
        scf.yield %add3A_1585, %add3A_1605, %add3A_1625, %add3A_1645, %add3A_1665, %add3A_1685, %add3A_1705, %add3A_1725 : vector<16xf32>, vector<16xf32>, vector<16xf32>, vector<16xf32>, vector<16xf32>, vector<16xf32>, vector<16xf32>, vector<16xf32>
      }
      %scan3A_921 = arith.constant 25 : i32
      %mul3A_922 = arith.constant 2.000000e-02 : f32
      %mul3A_923 = vector.broadcast %mul3A_922 : f32 to vector<16xf32>
      %mul3A_924 = arith.mulf %scan3A_920#0, %mul3A_923 : vector<16xf32>
      %swap3A_925 = arith.constant 1 : i32
      %swap3A_926 = arith.index_cast %swap3A_925 : i32 to index
      %swap3A_927 = arith.constant 0 : index
      %swap3A_928 = tpu.vector_load %arg8[%swap3A_926, %swap3A_927] {strides = array<i32>} : memref<8x128xf32, #tpu.memory_space<vmem>>, vector<1x16xf32>,
      %swap3A_929 = vector.shape_cast %swap3A_928 : vector<1x16xf32> to vector<16xf32>
      %swap3A_930 = vector.shape_cast %mul3A_924 : vector<16xf32> to vector<1x16xf32>
      tpu.vector_store %arg8[%swap3A_926, %swap3A_927], %swap3A_930 {strides = array<i32>} : memref<8x128xf32, #tpu.memory_space<vmem>>, vector<1x16xf32>,
      %mul3A_931 = arith.constant 2.000000e-02 : f32
      %mul3A_932 = vector.broadcast %mul3A_931 : f32 to vector<16xf32>
      %mul3A_933 = arith.mulf %scan3A_920#1, %mul3A_932 : vector<16xf32>
      %swap3A_934 = arith.constant 1 : i32
      %swap3A_935 = arith.index_cast %swap3A_934 : i32 to index
      %swap3A_936 = arith.constant 16 : index
      %swap3A_937 = tpu.vector_load %arg8[%swap3A_935, %swap3A_936] {strides = array<i32>} : memref<8x128xf32, #tpu.memory_space<vmem>>, vector<1x16xf32>,
      %swap3A_938 = vector.shape_cast %swap3A_937 : vector<1x16xf32> to vector<16xf32>
      %swap3A_939 = vector.shape_cast %mul3A_933 : vector<16xf32> to vector<1x16xf32>
      tpu.vector_store %arg8[%swap3A_935, %swap3A_936], %swap3A_939 {strides = array<i32>} : memref<8x128xf32, #tpu.memory_space<vmem>>, vector<1x16xf32>,
      %mul3A_940 = arith.constant 2.000000e-02 : f32
      %mul3A_941 = vector.broadcast %mul3A_940 : f32 to vector<16xf32>
      %mul3A_942 = arith.mulf %scan3A_920#2, %mul3A_941 : vector<16xf32>
      %swap3A_943 = arith.constant 1 : i32
      %swap3A_944 = arith.index_cast %swap3A_943 : i32 to index
      %swap3A_945 = arith.constant 32 : index
      %swap3A_946 = tpu.vector_load %arg8[%swap3A_944, %swap3A_945] {strides = array<i32>} : memref<8x128xf32, #tpu.memory_space<vmem>>, vector<1x16xf32>,
      %swap3A_947 = vector.shape_cast %swap3A_946 : vector<1x16xf32> to vector<16xf32>
      %swap3A_948 = vector.shape_cast %mul3A_942 : vector<16xf32> to vector<1x16xf32>
      tpu.vector_store %arg8[%swap3A_944, %swap3A_945], %swap3A_948 {strides = array<i32>} : memref<8x128xf32, #tpu.memory_space<vmem>>, vector<1x16xf32>,
      %mul3A_949 = arith.constant 2.000000e-02 : f32
      %mul3A_950 = vector.broadcast %mul3A_949 : f32 to vector<16xf32>
      %mul3A_951 = arith.mulf %scan3A_920#3, %mul3A_950 : vector<16xf32>
      %swap3A_952 = arith.constant 1 : i32
      %swap3A_953 = arith.index_cast %swap3A_952 : i32 to index
      %swap3A_954 = arith.constant 48 : index
      %swap3A_955 = tpu.vector_load %arg8[%swap3A_953, %swap3A_954] {strides = array<i32>} : memref<8x128xf32, #tpu.memory_space<vmem>>, vector<1x16xf32>,
      %swap3A_956 = vector.shape_cast %swap3A_955 : vector<1x16xf32> to vector<16xf32>
      %swap3A_957 = vector.shape_cast %mul3A_951 : vector<16xf32> to vector<1x16xf32>
      tpu.vector_store %arg8[%swap3A_953, %swap3A_954], %swap3A_957 {strides = array<i32>} : memref<8x128xf32, #tpu.memory_space<vmem>>, vector<1x16xf32>,
      %mul3A_958 = arith.constant 2.000000e-02 : f32
      %mul3A_959 = vector.broadcast %mul3A_958 : f32 to vector<16xf32>
      %mul3A_960 = arith.mulf %scan3A_920#4, %mul3A_959 : vector<16xf32>
      %swap3A_961 = arith.constant 1 : i32
      %swap3A_962 = arith.index_cast %swap3A_961 : i32 to index
      %swap3A_963 = arith.constant 64 : index
      %swap3A_964 = tpu.vector_load %arg8[%swap3A_962, %swap3A_963] {strides = array<i32>} : memref<8x128xf32, #tpu.memory_space<vmem>>, vector<1x16xf32>,
      %swap3A_965 = vector.shape_cast %swap3A_964 : vector<1x16xf32> to vector<16xf32>
      %swap3A_966 = vector.shape_cast %mul3A_960 : vector<16xf32> to vector<1x16xf32>
      tpu.vector_store %arg8[%swap3A_962, %swap3A_963], %swap3A_966 {strides = array<i32>} : memref<8x128xf32, #tpu.memory_space<vmem>>, vector<1x16xf32>,
      %mul3A_967 = arith.constant 2.000000e-02 : f32
      %mul3A_968 = vector.broadcast %mul3A_967 : f32 to vector<16xf32>
      %mul3A_969 = arith.mulf %scan3A_920#5, %mul3A_968 : vector<16xf32>
      %swap3A_970 = arith.constant 1 : i32
      %swap3A_971 = arith.index_cast %swap3A_970 : i32 to index
      %swap3A_972 = arith.constant 80 : index
      %swap3A_973 = tpu.vector_load %arg8[%swap3A_971, %swap3A_972] {strides = array<i32>} : memref<8x128xf32, #tpu.memory_space<vmem>>, vector<1x16xf32>,
      %swap3A_974 = vector.shape_cast %swap3A_973 : vector<1x16xf32> to vector<16xf32>
      %swap3A_975 = vector.shape_cast %mul3A_969 : vector<16xf32> to vector<1x16xf32>
      tpu.vector_store %arg8[%swap3A_971, %swap3A_972], %swap3A_975 {strides = array<i32>} : memref<8x128xf32, #tpu.memory_space<vmem>>, vector<1x16xf32>,
      %mul3A_976 = arith.constant 2.000000e-02 : f32
      %mul3A_977 = vector.broadcast %mul3A_976 : f32 to vector<16xf32>
      %mul3A_978 = arith.mulf %scan3A_920#6, %mul3A_977 : vector<16xf32>
      %swap3A_979 = arith.constant 1 : i32
      %swap3A_980 = arith.index_cast %swap3A_979 : i32 to index
      %swap3A_981 = arith.constant 96 : index
      %swap3A_982 = tpu.vector_load %arg8[%swap3A_980, %swap3A_981] {strides = array<i32>} : memref<8x128xf32, #tpu.memory_space<vmem>>, vector<1x16xf32>,
      %swap3A_983 = vector.shape_cast %swap3A_982 : vector<1x16xf32> to vector<16xf32>
      %swap3A_984 = vector.shape_cast %mul3A_978 : vector<16xf32> to vector<1x16xf32>
      tpu.vector_store %arg8[%swap3A_980, %swap3A_981], %swap3A_984 {strides = array<i32>} : memref<8x128xf32, #tpu.memory_space<vmem>>, vector<1x16xf32>,
      %mul3A_985 = arith.constant 2.000000e-02 : f32
      %mul3A_986 = vector.broadcast %mul3A_985 : f32 to vector<16xf32>
      %mul3A_987 = arith.mulf %scan3A_920#7, %mul3A_986 : vector<16xf32>
      %swap3A_988 = arith.constant 1 : i32
      %swap3A_989 = arith.index_cast %swap3A_988 : i32 to index
      %swap3A_990 = arith.constant 112 : index
      %swap3A_991 = tpu.vector_load %arg8[%swap3A_989, %swap3A_990] {strides = array<i32>} : memref<8x128xf32, #tpu.memory_space<vmem>>, vector<1x16xf32>,
      %swap3A_992 = vector.shape_cast %swap3A_991 : vector<1x16xf32> to vector<16xf32>
      %swap3A_993 = vector.shape_cast %mul3A_987 : vector<16xf32> to vector<1x16xf32>
      tpu.vector_store %arg8[%swap3A_989, %swap3A_990], %swap3A_993 {strides = array<i32>} : memref<8x128xf32, #tpu.memory_space<vmem>>, vector<1x16xf32>,
      %broadcast_in_dim3A_994 = arith.constant 0.000000e+00 : f32
      %broadcast_in_dim3A_995 = vector.broadcast %broadcast_in_dim3A_994 : f32 to vector<16xf32>
      %broadcast_in_dim3A_996 = arith.constant 0.000000e+00 : f32
      %broadcast_in_dim3A_997 = vector.broadcast %broadcast_in_dim3A_996 : f32 to vector<16xf32>
      %broadcast_in_dim3A_998 = arith.constant 0.000000e+00 : f32
      %broadcast_in_dim3A_999 = vector.broadcast %broadcast_in_dim3A_998 : f32 to vector<16xf32>
      %broadcast_in_dim3A_1000 = arith.constant 0.000000e+00 : f32
      %broadcast_in_dim3A_1001 = vector.broadcast %broadcast_in_dim3A_1000 : f32 to vector<16xf32>
      %broadcast_in_dim3A_1002 = arith.constant 0.000000e+00 : f32
      %broadcast_in_dim3A_1003 = vector.broadcast %broadcast_in_dim3A_1002 : f32 to vector<16xf32>
      %broadcast_in_dim3A_1004 = arith.constant 0.000000e+00 : f32
      %broadcast_in_dim3A_1005 = vector.broadcast %broadcast_in_dim3A_1004 : f32 to vector<16xf32>
      %broadcast_in_dim3A_1006 = arith.constant 0.000000e+00 : f32
      %broadcast_in_dim3A_1007 = vector.broadcast %broadcast_in_dim3A_1006 : f32 to vector<16xf32>
      %broadcast_in_dim3A_1008 = arith.constant 0.000000e+00 : f32
      %broadcast_in_dim3A_1009 = vector.broadcast %broadcast_in_dim3A_1008 : f32 to vector<16xf32>
      %scan3A_1010 = arith.constant 0 : i32
      %scan3A_1011 = arith.constant 25 : i32
      %scan3A_1012 = arith.addi %scan3A_1010, %scan3A_1011 : i32
      %scan3A_1013 = arith.constant 1 : i32
      %scan3A_1014:8 = scf.for %scan3A_1558 = %scan3A_1010 to %scan3A_1012 step %scan3A_1013 iter_args(%scan3A_1559 = %broadcast_in_dim3A_995, %scan3A_1560 = %broadcast_in_dim3A_997, %scan3A_1561 = %broadcast_in_dim3A_999, %scan3A_1562 = %broadcast_in_dim3A_1001, %scan3A_1563 = %broadcast_in_dim3A_1003, %scan3A_1564 = %broadcast_in_dim3A_1005, %scan3A_1565 = %broadcast_in_dim3A_1007, %scan3A_1566 = %broadcast_in_dim3A_1009) -> (vector<16xf32>, vector<16xf32>, vector<16xf32>, vector<16xf32>, vector<16xf32>, vector<16xf32>, vector<16xf32>, vector<16xf32>)  : i32 {
        %mul3A_1567 = arith.constant 2 : i32
        %mul3A_1568 = arith.muli %mul3A_1567, %scan3A_1558 : i32
        %add3A_1569 = arith.constant 100 : i32
        %add3A_1570 = arith.addi %add3A_1569, %mul3A_1568 : i32
        %get3A = arith.index_cast %add3A_1570 : i32 to index
        %get3A_1571 = arith.constant 0 : index
        %get3A_1572 = tpu.vector_load %arg7[%get3A, %get3A_1571] {strides = array<i32>} : memref<400x128xf32, #tpu.memory_space<vmem>>, vector<1x16xf32>,
        %get3A_1573 = vector.shape_cast %get3A_1572 : vector<1x16xf32> to vector<16xf32>
        %add3A_1574 = arith.addf %scan3A_1559, %get3A_1573 : vector<16xf32>
        %mul3A_1575 = arith.constant 2 : i32
        %mul3A_1576 = arith.muli %mul3A_1575, %scan3A_1558 : i32
        %add3A_1577 = arith.constant 100 : i32
        %add3A_1578 = arith.addi %add3A_1577, %mul3A_1576 : i32
        %add3A_1579 = arith.constant 1 : i32
        %add3A_1580 = arith.addi %add3A_1578, %add3A_1579 : i32
        %get3A_1581 = arith.index_cast %add3A_1580 : i32 to index
        %get3A_1582 = arith.constant 0 : index
        %get3A_1583 = tpu.vector_load %arg7[%get3A_1581, %get3A_1582] {strides = array<i32>} : memref<400x128xf32, #tpu.memory_space<vmem>>, vector<1x16xf32>,
        %get3A_1584 = vector.shape_cast %get3A_1583 : vector<1x16xf32> to vector<16xf32>
        %add3A_1585 = arith.addf %add3A_1574, %get3A_1584 : vector<16xf32>
        %mul3A_1586 = arith.constant 2 : i32
        %mul3A_1587 = arith.muli %mul3A_1586, %scan3A_1558 : i32
        %add3A_1588 = arith.constant 100 : i32
        %add3A_1589 = arith.addi %add3A_1588, %mul3A_1587 : i32
        %get3A_1590 = arith.index_cast %add3A_1589 : i32 to index
        %get3A_1591 = arith.constant 16 : index
        %get3A_1592 = tpu.vector_load %arg7[%get3A_1590, %get3A_1591] {strides = array<i32>} : memref<400x128xf32, #tpu.memory_space<vmem>>, vector<1x16xf32>,
        %get3A_1593 = vector.shape_cast %get3A_1592 : vector<1x16xf32> to vector<16xf32>
        %add3A_1594 = arith.addf %scan3A_1560, %get3A_1593 : vector<16xf32>
        %mul3A_1595 = arith.constant 2 : i32
        %mul3A_1596 = arith.muli %mul3A_1595, %scan3A_1558 : i32
        %add3A_1597 = arith.constant 100 : i32
        %add3A_1598 = arith.addi %add3A_1597, %mul3A_1596 : i32
        %add3A_1599 = arith.constant 1 : i32
        %add3A_1600 = arith.addi %add3A_1598, %add3A_1599 : i32
        %get3A_1601 = arith.index_cast %add3A_1600 : i32 to index
        %get3A_1602 = arith.constant 16 : index
        %get3A_1603 = tpu.vector_load %arg7[%get3A_1601, %get3A_1602] {strides = array<i32>} : memref<400x128xf32, #tpu.memory_space<vmem>>, vector<1x16xf32>,
        %get3A_1604 = vector.shape_cast %get3A_1603 : vector<1x16xf32> to vector<16xf32>
        %add3A_1605 = arith.addf %add3A_1594, %get3A_1604 : vector<16xf32>
        %mul3A_1606 = arith.constant 2 : i32
        %mul3A_1607 = arith.muli %mul3A_1606, %scan3A_1558 : i32
        %add3A_1608 = arith.constant 100 : i32
        %add3A_1609 = arith.addi %add3A_1608, %mul3A_1607 : i32
        %get3A_1610 = arith.index_cast %add3A_1609 : i32 to index
        %get3A_1611 = arith.constant 32 : index
        %get3A_1612 = tpu.vector_load %arg7[%get3A_1610, %get3A_1611] {strides = array<i32>} : memref<400x128xf32, #tpu.memory_space<vmem>>, vector<1x16xf32>,
        %get3A_1613 = vector.shape_cast %get3A_1612 : vector<1x16xf32> to vector<16xf32>
        %add3A_1614 = arith.addf %scan3A_1561, %get3A_1613 : vector<16xf32>
        %mul3A_1615 = arith.constant 2 : i32
        %mul3A_1616 = arith.muli %mul3A_1615, %scan3A_1558 : i32
        %add3A_1617 = arith.constant 100 : i32
        %add3A_1618 = arith.addi %add3A_1617, %mul3A_1616 : i32
        %add3A_1619 = arith.constant 1 : i32
        %add3A_1620 = arith.addi %add3A_1618, %add3A_1619 : i32
        %get3A_1621 = arith.index_cast %add3A_1620 : i32 to index
        %get3A_1622 = arith.constant 32 : index
        %get3A_1623 = tpu.vector_load %arg7[%get3A_1621, %get3A_1622] {strides = array<i32>} : memref<400x128xf32, #tpu.memory_space<vmem>>, vector<1x16xf32>,
        %get3A_1624 = vector.shape_cast %get3A_1623 : vector<1x16xf32> to vector<16xf32>
        %add3A_1625 = arith.addf %add3A_1614, %get3A_1624 : vector<16xf32>
        %mul3A_1626 = arith.constant 2 : i32
        %mul3A_1627 = arith.muli %mul3A_1626, %scan3A_1558 : i32
        %add3A_1628 = arith.constant 100 : i32
        %add3A_1629 = arith.addi %add3A_1628, %mul3A_1627 : i32
        %get3A_1630 = arith.index_cast %add3A_1629 : i32 to index
        %get3A_1631 = arith.constant 48 : index
        %get3A_1632 = tpu.vector_load %arg7[%get3A_1630, %get3A_1631] {strides = array<i32>} : memref<400x128xf32, #tpu.memory_space<vmem>>, vector<1x16xf32>,
        %get3A_1633 = vector.shape_cast %get3A_1632 : vector<1x16xf32> to vector<16xf32>
        %add3A_1634 = arith.addf %scan3A_1562, %get3A_1633 : vector<16xf32>
        %mul3A_1635 = arith.constant 2 : i32
        %mul3A_1636 = arith.muli %mul3A_1635, %scan3A_1558 : i32
        %add3A_1637 = arith.constant 100 : i32
        %add3A_1638 = arith.addi %add3A_1637, %mul3A_1636 : i32
        %add3A_1639 = arith.constant 1 : i32
        %add3A_1640 = arith.addi %add3A_1638, %add3A_1639 : i32
        %get3A_1641 = arith.index_cast %add3A_1640 : i32 to index
        %get3A_1642 = arith.constant 48 : index
        %get3A_1643 = tpu.vector_load %arg7[%get3A_1641, %get3A_1642] {strides = array<i32>} : memref<400x128xf32, #tpu.memory_space<vmem>>, vector<1x16xf32>,
        %get3A_1644 = vector.shape_cast %get3A_1643 : vector<1x16xf32> to vector<16xf32>
        %add3A_1645 = arith.addf %add3A_1634, %get3A_1644 : vector<16xf32>
        %mul3A_1646 = arith.constant 2 : i32
        %mul3A_1647 = arith.muli %mul3A_1646, %scan3A_1558 : i32
        %add3A_1648 = arith.constant 100 : i32
        %add3A_1649 = arith.addi %add3A_1648, %mul3A_1647 : i32
        %get3A_1650 = arith.index_cast %add3A_1649 : i32 to index
        %get3A_1651 = arith.constant 64 : index
        %get3A_1652 = tpu.vector_load %arg7[%get3A_1650, %get3A_1651] {strides = array<i32>} : memref<400x128xf32, #tpu.memory_space<vmem>>, vector<1x16xf32>,
        %get3A_1653 = vector.shape_cast %get3A_1652 : vector<1x16xf32> to vector<16xf32>
        %add3A_1654 = arith.addf %scan3A_1563, %get3A_1653 : vector<16xf32>
        %mul3A_1655 = arith.constant 2 : i32
        %mul3A_1656 = arith.muli %mul3A_1655, %scan3A_1558 : i32
        %add3A_1657 = arith.constant 100 : i32
        %add3A_1658 = arith.addi %add3A_1657, %mul3A_1656 : i32
        %add3A_1659 = arith.constant 1 : i32
        %add3A_1660 = arith.addi %add3A_1658, %add3A_1659 : i32
        %get3A_1661 = arith.index_cast %add3A_1660 : i32 to index
        %get3A_1662 = arith.constant 64 : index
        %get3A_1663 = tpu.vector_load %arg7[%get3A_1661, %get3A_1662] {strides = array<i32>} : memref<400x128xf32, #tpu.memory_space<vmem>>, vector<1x16xf32>,
        %get3A_1664 = vector.shape_cast %get3A_1663 : vector<1x16xf32> to vector<16xf32>
        %add3A_1665 = arith.addf %add3A_1654, %get3A_1664 : vector<16xf32>
        %mul3A_1666 = arith.constant 2 : i32
        %mul3A_1667 = arith.muli %mul3A_1666, %scan3A_1558 : i32
        %add3A_1668 = arith.constant 100 : i32
        %add3A_1669 = arith.addi %add3A_1668, %mul3A_1667 : i32
        %get3A_1670 = arith.index_cast %add3A_1669 : i32 to index
        %get3A_1671 = arith.constant 80 : index
        %get3A_1672 = tpu.vector_load %arg7[%get3A_1670, %get3A_1671] {strides = array<i32>} : memref<400x128xf32, #tpu.memory_space<vmem>>, vector<1x16xf32>,
        %get3A_1673 = vector.shape_cast %get3A_1672 : vector<1x16xf32> to vector<16xf32>
        %add3A_1674 = arith.addf %scan3A_1564, %get3A_1673 : vector<16xf32>
        %mul3A_1675 = arith.constant 2 : i32
        %mul3A_1676 = arith.muli %mul3A_1675, %scan3A_1558 : i32
        %add3A_1677 = arith.constant 100 : i32
        %add3A_1678 = arith.addi %add3A_1677, %mul3A_1676 : i32
        %add3A_1679 = arith.constant 1 : i32
        %add3A_1680 = arith.addi %add3A_1678, %add3A_1679 : i32
        %get3A_1681 = arith.index_cast %add3A_1680 : i32 to index
        %get3A_1682 = arith.constant 80 : index
        %get3A_1683 = tpu.vector_load %arg7[%get3A_1681, %get3A_1682] {strides = array<i32>} : memref<400x128xf32, #tpu.memory_space<vmem>>, vector<1x16xf32>,
        %get3A_1684 = vector.shape_cast %get3A_1683 : vector<1x16xf32> to vector<16xf32>
        %add3A_1685 = arith.addf %add3A_1674, %get3A_1684 : vector<16xf32>
        %mul3A_1686 = arith.constant 2 : i32
        %mul3A_1687 = arith.muli %mul3A_1686, %scan3A_1558 : i32
        %add3A_1688 = arith.constant 100 : i32
        %add3A_1689 = arith.addi %add3A_1688, %mul3A_1687 : i32
        %get3A_1690 = arith.index_cast %add3A_1689 : i32 to index
        %get3A_1691 = arith.constant 96 : index
        %get3A_1692 = tpu.vector_load %arg7[%get3A_1690, %get3A_1691] {strides = array<i32>} : memref<400x128xf32, #tpu.memory_space<vmem>>, vector<1x16xf32>,
        %get3A_1693 = vector.shape_cast %get3A_1692 : vector<1x16xf32> to vector<16xf32>
        %add3A_1694 = arith.addf %scan3A_1565, %get3A_1693 : vector<16xf32>
        %mul3A_1695 = arith.constant 2 : i32
        %mul3A_1696 = arith.muli %mul3A_1695, %scan3A_1558 : i32
        %add3A_1697 = arith.constant 100 : i32
        %add3A_1698 = arith.addi %add3A_1697, %mul3A_1696 : i32
        %add3A_1699 = arith.constant 1 : i32
        %add3A_1700 = arith.addi %add3A_1698, %add3A_1699 : i32
        %get3A_1701 = arith.index_cast %add3A_1700 : i32 to index
        %get3A_1702 = arith.constant 96 : index
        %get3A_1703 = tpu.vector_load %arg7[%get3A_1701, %get3A_1702] {strides = array<i32>} : memref<400x128xf32, #tpu.memory_space<vmem>>, vector<1x16xf32>,
        %get3A_1704 = vector.shape_cast %get3A_1703 : vector<1x16xf32> to vector<16xf32>
        %add3A_1705 = arith.addf %add3A_1694, %get3A_1704 : vector<16xf32>
        %mul3A_1706 = arith.constant 2 : i32
        %mul3A_1707 = arith.muli %mul3A_1706, %scan3A_1558 : i32
        %add3A_1708 = arith.constant 100 : i32
        %add3A_1709 = arith.addi %add3A_1708, %mul3A_1707 : i32
        %get3A_1710 = arith.index_cast %add3A_1709 : i32 to index
        %get3A_1711 = arith.constant 112 : index
        %get3A_1712 = tpu.vector_load %arg7[%get3A_1710, %get3A_1711] {strides = array<i32>} : memref<400x128xf32, #tpu.memory_space<vmem>>, vector<1x16xf32>,
        %get3A_1713 = vector.shape_cast %get3A_1712 : vector<1x16xf32> to vector<16xf32>
        %add3A_1714 = arith.addf %scan3A_1566, %get3A_1713 : vector<16xf32>
        %mul3A_1715 = arith.constant 2 : i32
        %mul3A_1716 = arith.muli %mul3A_1715, %scan3A_1558 : i32
        %add3A_1717 = arith.constant 100 : i32
        %add3A_1718 = arith.addi %add3A_1717, %mul3A_1716 : i32
        %add3A_1719 = arith.constant 1 : i32
        %add3A_1720 = arith.addi %add3A_1718, %add3A_1719 : i32
        %get3A_1721 = arith.index_cast %add3A_1720 : i32 to index
        %get3A_1722 = arith.constant 112 : index
        %get3A_1723 = tpu.vector_load %arg7[%get3A_1721, %get3A_1722] {strides = array<i32>} : memref<400x128xf32, #tpu.memory_space<vmem>>, vector<1x16xf32>,
        %get3A_1724 = vector.shape_cast %get3A_1723 : vector<1x16xf32> to vector<16xf32>
        %add3A_1725 = arith.addf %add3A_1714, %get3A_1724 : vector<16xf32>
        scf.yield %add3A_1585, %add3A_1605, %add3A_1625, %add3A_1645, %add3A_1665, %add3A_1685, %add3A_1705, %add3A_1725 : vector<16xf32>, vector<16xf32>, vector<16xf32>, vector<16xf32>, vector<16xf32>, vector<16xf32>, vector<16xf32>, vector<16xf32>
      }
      %scan3A_1015 = arith.constant 25 : i32
      %mul3A_1016 = arith.constant 2.000000e-02 : f32
      %mul3A_1017 = vector.broadcast %mul3A_1016 : f32 to vector<16xf32>
      %mul3A_1018 = arith.mulf %scan3A_1014#0, %mul3A_1017 : vector<16xf32>
      %swap3A_1019 = arith.constant 2 : i32
      %swap3A_1020 = arith.index_cast %swap3A_1019 : i32 to index
      %swap3A_1021 = arith.constant 0 : index
      %swap3A_1022 = tpu.vector_load %arg8[%swap3A_1020, %swap3A_1021] {strides = array<i32>} : memref<8x128xf32, #tpu.memory_space<vmem>>, vector<1x16xf32>,
      %swap3A_1023 = vector.shape_cast %swap3A_1022 : vector<1x16xf32> to vector<16xf32>
      %swap3A_1024 = vector.shape_cast %mul3A_1018 : vector<16xf32> to vector<1x16xf32>
      tpu.vector_store %arg8[%swap3A_1020, %swap3A_1021], %swap3A_1024 {strides = array<i32>} : memref<8x128xf32, #tpu.memory_space<vmem>>, vector<1x16xf32>,
      %mul3A_1025 = arith.constant 2.000000e-02 : f32
      %mul3A_1026 = vector.broadcast %mul3A_1025 : f32 to vector<16xf32>
      %mul3A_1027 = arith.mulf %scan3A_1014#1, %mul3A_1026 : vector<16xf32>
      %swap3A_1028 = arith.constant 2 : i32
      %swap3A_1029 = arith.index_cast %swap3A_1028 : i32 to index
      %swap3A_1030 = arith.constant 16 : index
      %swap3A_1031 = tpu.vector_load %arg8[%swap3A_1029, %swap3A_1030] {strides = array<i32>} : memref<8x128xf32, #tpu.memory_space<vmem>>, vector<1x16xf32>,
      %swap3A_1032 = vector.shape_cast %swap3A_1031 : vector<1x16xf32> to vector<16xf32>
      %swap3A_1033 = vector.shape_cast %mul3A_1027 : vector<16xf32> to vector<1x16xf32>
      tpu.vector_store %arg8[%swap3A_1029, %swap3A_1030], %swap3A_1033 {strides = array<i32>} : memref<8x128xf32, #tpu.memory_space<vmem>>, vector<1x16xf32>,
      %mul3A_1034 = arith.constant 2.000000e-02 : f32
      %mul3A_1035 = vector.broadcast %mul3A_1034 : f32 to vector<16xf32>
      %mul3A_1036 = arith.mulf %scan3A_1014#2, %mul3A_1035 : vector<16xf32>
      %swap3A_1037 = arith.constant 2 : i32
      %swap3A_1038 = arith.index_cast %swap3A_1037 : i32 to index
      %swap3A_1039 = arith.constant 32 : index
      %swap3A_1040 = tpu.vector_load %arg8[%swap3A_1038, %swap3A_1039] {strides = array<i32>} : memref<8x128xf32, #tpu.memory_space<vmem>>, vector<1x16xf32>,
      %swap3A_1041 = vector.shape_cast %swap3A_1040 : vector<1x16xf32> to vector<16xf32>
      %swap3A_1042 = vector.shape_cast %mul3A_1036 : vector<16xf32> to vector<1x16xf32>
      tpu.vector_store %arg8[%swap3A_1038, %swap3A_1039], %swap3A_1042 {strides = array<i32>} : memref<8x128xf32, #tpu.memory_space<vmem>>, vector<1x16xf32>,
      %mul3A_1043 = arith.constant 2.000000e-02 : f32
      %mul3A_1044 = vector.broadcast %mul3A_1043 : f32 to vector<16xf32>
      %mul3A_1045 = arith.mulf %scan3A_1014#3, %mul3A_1044 : vector<16xf32>
      %swap3A_1046 = arith.constant 2 : i32
      %swap3A_1047 = arith.index_cast %swap3A_1046 : i32 to index
      %swap3A_1048 = arith.constant 48 : index
      %swap3A_1049 = tpu.vector_load %arg8[%swap3A_1047, %swap3A_1048] {strides = array<i32>} : memref<8x128xf32, #tpu.memory_space<vmem>>, vector<1x16xf32>,
      %swap3A_1050 = vector.shape_cast %swap3A_1049 : vector<1x16xf32> to vector<16xf32>
      %swap3A_1051 = vector.shape_cast %mul3A_1045 : vector<16xf32> to vector<1x16xf32>
      tpu.vector_store %arg8[%swap3A_1047, %swap3A_1048], %swap3A_1051 {strides = array<i32>} : memref<8x128xf32, #tpu.memory_space<vmem>>, vector<1x16xf32>,
      %mul3A_1052 = arith.constant 2.000000e-02 : f32
      %mul3A_1053 = vector.broadcast %mul3A_1052 : f32 to vector<16xf32>
      %mul3A_1054 = arith.mulf %scan3A_1014#4, %mul3A_1053 : vector<16xf32>
      %swap3A_1055 = arith.constant 2 : i32
      %swap3A_1056 = arith.index_cast %swap3A_1055 : i32 to index
      %swap3A_1057 = arith.constant 64 : index
      %swap3A_1058 = tpu.vector_load %arg8[%swap3A_1056, %swap3A_1057] {strides = array<i32>} : memref<8x128xf32, #tpu.memory_space<vmem>>, vector<1x16xf32>,
      %swap3A_1059 = vector.shape_cast %swap3A_1058 : vector<1x16xf32> to vector<16xf32>
      %swap3A_1060 = vector.shape_cast %mul3A_1054 : vector<16xf32> to vector<1x16xf32>
      tpu.vector_store %arg8[%swap3A_1056, %swap3A_1057], %swap3A_1060 {strides = array<i32>} : memref<8x128xf32, #tpu.memory_space<vmem>>, vector<1x16xf32>,
      %mul3A_1061 = arith.constant 2.000000e-02 : f32
      %mul3A_1062 = vector.broadcast %mul3A_1061 : f32 to vector<16xf32>
      %mul3A_1063 = arith.mulf %scan3A_1014#5, %mul3A_1062 : vector<16xf32>
      %swap3A_1064 = arith.constant 2 : i32
      %swap3A_1065 = arith.index_cast %swap3A_1064 : i32 to index
      %swap3A_1066 = arith.constant 80 : index
      %swap3A_1067 = tpu.vector_load %arg8[%swap3A_1065, %swap3A_1066] {strides = array<i32>} : memref<8x128xf32, #tpu.memory_space<vmem>>, vector<1x16xf32>,
      %swap3A_1068 = vector.shape_cast %swap3A_1067 : vector<1x16xf32> to vector<16xf32>
      %swap3A_1069 = vector.shape_cast %mul3A_1063 : vector<16xf32> to vector<1x16xf32>
      tpu.vector_store %arg8[%swap3A_1065, %swap3A_1066], %swap3A_1069 {strides = array<i32>} : memref<8x128xf32, #tpu.memory_space<vmem>>, vector<1x16xf32>,
      %mul3A_1070 = arith.constant 2.000000e-02 : f32
      %mul3A_1071 = vector.broadcast %mul3A_1070 : f32 to vector<16xf32>
      %mul3A_1072 = arith.mulf %scan3A_1014#6, %mul3A_1071 : vector<16xf32>
      %swap3A_1073 = arith.constant 2 : i32
      %swap3A_1074 = arith.index_cast %swap3A_1073 : i32 to index
      %swap3A_1075 = arith.constant 96 : index
      %swap3A_1076 = tpu.vector_load %arg8[%swap3A_1074, %swap3A_1075] {strides = array<i32>} : memref<8x128xf32, #tpu.memory_space<vmem>>, vector<1x16xf32>,
      %swap3A_1077 = vector.shape_cast %swap3A_1076 : vector<1x16xf32> to vector<16xf32>
      %swap3A_1078 = vector.shape_cast %mul3A_1072 : vector<16xf32> to vector<1x16xf32>
      tpu.vector_store %arg8[%swap3A_1074, %swap3A_1075], %swap3A_1078 {strides = array<i32>} : memref<8x128xf32, #tpu.memory_space<vmem>>, vector<1x16xf32>,
      %mul3A_1079 = arith.constant 2.000000e-02 : f32
      %mul3A_1080 = vector.broadcast %mul3A_1079 : f32 to vector<16xf32>
      %mul3A_1081 = arith.mulf %scan3A_1014#7, %mul3A_1080 : vector<16xf32>
      %swap3A_1082 = arith.constant 2 : i32
      %swap3A_1083 = arith.index_cast %swap3A_1082 : i32 to index
      %swap3A_1084 = arith.constant 112 : index
      %swap3A_1085 = tpu.vector_load %arg8[%swap3A_1083, %swap3A_1084] {strides = array<i32>} : memref<8x128xf32, #tpu.memory_space<vmem>>, vector<1x16xf32>,
      %swap3A_1086 = vector.shape_cast %swap3A_1085 : vector<1x16xf32> to vector<16xf32>
      %swap3A_1087 = vector.shape_cast %mul3A_1081 : vector<16xf32> to vector<1x16xf32>
      tpu.vector_store %arg8[%swap3A_1083, %swap3A_1084], %swap3A_1087 {strides = array<i32>} : memref<8x128xf32, #tpu.memory_space<vmem>>, vector<1x16xf32>,
      %broadcast_in_dim3A_1088 = arith.constant 0.000000e+00 : f32
      %broadcast_in_dim3A_1089 = vector.broadcast %broadcast_in_dim3A_1088 : f32 to vector<16xf32>
      %broadcast_in_dim3A_1090 = arith.constant 0.000000e+00 : f32
      %broadcast_in_dim3A_1091 = vector.broadcast %broadcast_in_dim3A_1090 : f32 to vector<16xf32>
      %broadcast_in_dim3A_1092 = arith.constant 0.000000e+00 : f32
      %broadcast_in_dim3A_1093 = vector.broadcast %broadcast_in_dim3A_1092 : f32 to vector<16xf32>
      %broadcast_in_dim3A_1094 = arith.constant 0.000000e+00 : f32
      %broadcast_in_dim3A_1095 = vector.broadcast %broadcast_in_dim3A_1094 : f32 to vector<16xf32>
      %broadcast_in_dim3A_1096 = arith.constant 0.000000e+00 : f32
      %broadcast_in_dim3A_1097 = vector.broadcast %broadcast_in_dim3A_1096 : f32 to vector<16xf32>
      %broadcast_in_dim3A_1098 = arith.constant 0.000000e+00 : f32
      %broadcast_in_dim3A_1099 = vector.broadcast %broadcast_in_dim3A_1098 : f32 to vector<16xf32>
      %broadcast_in_dim3A_1100 = arith.constant 0.000000e+00 : f32
      %broadcast_in_dim3A_1101 = vector.broadcast %broadcast_in_dim3A_1100 : f32 to vector<16xf32>
      %broadcast_in_dim3A_1102 = arith.constant 0.000000e+00 : f32
      %broadcast_in_dim3A_1103 = vector.broadcast %broadcast_in_dim3A_1102 : f32 to vector<16xf32>
      %scan3A_1104 = arith.constant 0 : i32
      %scan3A_1105 = arith.constant 25 : i32
      %scan3A_1106 = arith.addi %scan3A_1104, %scan3A_1105 : i32
      %scan3A_1107 = arith.constant 1 : i32
      %scan3A_1108:8 = scf.for %scan3A_1558 = %scan3A_1104 to %scan3A_1106 step %scan3A_1107 iter_args(%scan3A_1559 = %broadcast_in_dim3A_1089, %scan3A_1560 = %broadcast_in_dim3A_1091, %scan3A_1561 = %broadcast_in_dim3A_1093, %scan3A_1562 = %broadcast_in_dim3A_1095, %scan3A_1563 = %broadcast_in_dim3A_1097, %scan3A_1564 = %broadcast_in_dim3A_1099, %scan3A_1565 = %broadcast_in_dim3A_1101, %scan3A_1566 = %broadcast_in_dim3A_1103) -> (vector<16xf32>, vector<16xf32>, vector<16xf32>, vector<16xf32>, vector<16xf32>, vector<16xf32>, vector<16xf32>, vector<16xf32>)  : i32 {
        %mul3A_1567 = arith.constant 2 : i32
        %mul3A_1568 = arith.muli %mul3A_1567, %scan3A_1558 : i32
        %add3A_1569 = arith.constant 150 : i32
        %add3A_1570 = arith.addi %add3A_1569, %mul3A_1568 : i32
        %get3A = arith.index_cast %add3A_1570 : i32 to index
        %get3A_1571 = arith.constant 0 : index
        %get3A_1572 = tpu.vector_load %arg7[%get3A, %get3A_1571] {strides = array<i32>} : memref<400x128xf32, #tpu.memory_space<vmem>>, vector<1x16xf32>,
        %get3A_1573 = vector.shape_cast %get3A_1572 : vector<1x16xf32> to vector<16xf32>
        %add3A_1574 = arith.addf %scan3A_1559, %get3A_1573 : vector<16xf32>
        %mul3A_1575 = arith.constant 2 : i32
        %mul3A_1576 = arith.muli %mul3A_1575, %scan3A_1558 : i32
        %add3A_1577 = arith.constant 150 : i32
        %add3A_1578 = arith.addi %add3A_1577, %mul3A_1576 : i32
        %add3A_1579 = arith.constant 1 : i32
        %add3A_1580 = arith.addi %add3A_1578, %add3A_1579 : i32
        %get3A_1581 = arith.index_cast %add3A_1580 : i32 to index
        %get3A_1582 = arith.constant 0 : index
        %get3A_1583 = tpu.vector_load %arg7[%get3A_1581, %get3A_1582] {strides = array<i32>} : memref<400x128xf32, #tpu.memory_space<vmem>>, vector<1x16xf32>,
        %get3A_1584 = vector.shape_cast %get3A_1583 : vector<1x16xf32> to vector<16xf32>
        %add3A_1585 = arith.addf %add3A_1574, %get3A_1584 : vector<16xf32>
        %mul3A_1586 = arith.constant 2 : i32
        %mul3A_1587 = arith.muli %mul3A_1586, %scan3A_1558 : i32
        %add3A_1588 = arith.constant 150 : i32
        %add3A_1589 = arith.addi %add3A_1588, %mul3A_1587 : i32
        %get3A_1590 = arith.index_cast %add3A_1589 : i32 to index
        %get3A_1591 = arith.constant 16 : index
        %get3A_1592 = tpu.vector_load %arg7[%get3A_1590, %get3A_1591] {strides = array<i32>} : memref<400x128xf32, #tpu.memory_space<vmem>>, vector<1x16xf32>,
        %get3A_1593 = vector.shape_cast %get3A_1592 : vector<1x16xf32> to vector<16xf32>
        %add3A_1594 = arith.addf %scan3A_1560, %get3A_1593 : vector<16xf32>
        %mul3A_1595 = arith.constant 2 : i32
        %mul3A_1596 = arith.muli %mul3A_1595, %scan3A_1558 : i32
        %add3A_1597 = arith.constant 150 : i32
        %add3A_1598 = arith.addi %add3A_1597, %mul3A_1596 : i32
        %add3A_1599 = arith.constant 1 : i32
        %add3A_1600 = arith.addi %add3A_1598, %add3A_1599 : i32
        %get3A_1601 = arith.index_cast %add3A_1600 : i32 to index
        %get3A_1602 = arith.constant 16 : index
        %get3A_1603 = tpu.vector_load %arg7[%get3A_1601, %get3A_1602] {strides = array<i32>} : memref<400x128xf32, #tpu.memory_space<vmem>>, vector<1x16xf32>,
        %get3A_1604 = vector.shape_cast %get3A_1603 : vector<1x16xf32> to vector<16xf32>
        %add3A_1605 = arith.addf %add3A_1594, %get3A_1604 : vector<16xf32>
        %mul3A_1606 = arith.constant 2 : i32
        %mul3A_1607 = arith.muli %mul3A_1606, %scan3A_1558 : i32
        %add3A_1608 = arith.constant 150 : i32
        %add3A_1609 = arith.addi %add3A_1608, %mul3A_1607 : i32
        %get3A_1610 = arith.index_cast %add3A_1609 : i32 to index
        %get3A_1611 = arith.constant 32 : index
        %get3A_1612 = tpu.vector_load %arg7[%get3A_1610, %get3A_1611] {strides = array<i32>} : memref<400x128xf32, #tpu.memory_space<vmem>>, vector<1x16xf32>,
        %get3A_1613 = vector.shape_cast %get3A_1612 : vector<1x16xf32> to vector<16xf32>
        %add3A_1614 = arith.addf %scan3A_1561, %get3A_1613 : vector<16xf32>
        %mul3A_1615 = arith.constant 2 : i32
        %mul3A_1616 = arith.muli %mul3A_1615, %scan3A_1558 : i32
        %add3A_1617 = arith.constant 150 : i32
        %add3A_1618 = arith.addi %add3A_1617, %mul3A_1616 : i32
        %add3A_1619 = arith.constant 1 : i32
        %add3A_1620 = arith.addi %add3A_1618, %add3A_1619 : i32
        %get3A_1621 = arith.index_cast %add3A_1620 : i32 to index
        %get3A_1622 = arith.constant 32 : index
        %get3A_1623 = tpu.vector_load %arg7[%get3A_1621, %get3A_1622] {strides = array<i32>} : memref<400x128xf32, #tpu.memory_space<vmem>>, vector<1x16xf32>,
        %get3A_1624 = vector.shape_cast %get3A_1623 : vector<1x16xf32> to vector<16xf32>
        %add3A_1625 = arith.addf %add3A_1614, %get3A_1624 : vector<16xf32>
        %mul3A_1626 = arith.constant 2 : i32
        %mul3A_1627 = arith.muli %mul3A_1626, %scan3A_1558 : i32
        %add3A_1628 = arith.constant 150 : i32
        %add3A_1629 = arith.addi %add3A_1628, %mul3A_1627 : i32
        %get3A_1630 = arith.index_cast %add3A_1629 : i32 to index
        %get3A_1631 = arith.constant 48 : index
        %get3A_1632 = tpu.vector_load %arg7[%get3A_1630, %get3A_1631] {strides = array<i32>} : memref<400x128xf32, #tpu.memory_space<vmem>>, vector<1x16xf32>,
        %get3A_1633 = vector.shape_cast %get3A_1632 : vector<1x16xf32> to vector<16xf32>
        %add3A_1634 = arith.addf %scan3A_1562, %get3A_1633 : vector<16xf32>
        %mul3A_1635 = arith.constant 2 : i32
        %mul3A_1636 = arith.muli %mul3A_1635, %scan3A_1558 : i32
        %add3A_1637 = arith.constant 150 : i32
        %add3A_1638 = arith.addi %add3A_1637, %mul3A_1636 : i32
        %add3A_1639 = arith.constant 1 : i32
        %add3A_1640 = arith.addi %add3A_1638, %add3A_1639 : i32
        %get3A_1641 = arith.index_cast %add3A_1640 : i32 to index
        %get3A_1642 = arith.constant 48 : index
        %get3A_1643 = tpu.vector_load %arg7[%get3A_1641, %get3A_1642] {strides = array<i32>} : memref<400x128xf32, #tpu.memory_space<vmem>>, vector<1x16xf32>,
        %get3A_1644 = vector.shape_cast %get3A_1643 : vector<1x16xf32> to vector<16xf32>
        %add3A_1645 = arith.addf %add3A_1634, %get3A_1644 : vector<16xf32>
        %mul3A_1646 = arith.constant 2 : i32
        %mul3A_1647 = arith.muli %mul3A_1646, %scan3A_1558 : i32
        %add3A_1648 = arith.constant 150 : i32
        %add3A_1649 = arith.addi %add3A_1648, %mul3A_1647 : i32
        %get3A_1650 = arith.index_cast %add3A_1649 : i32 to index
        %get3A_1651 = arith.constant 64 : index
        %get3A_1652 = tpu.vector_load %arg7[%get3A_1650, %get3A_1651] {strides = array<i32>} : memref<400x128xf32, #tpu.memory_space<vmem>>, vector<1x16xf32>,
        %get3A_1653 = vector.shape_cast %get3A_1652 : vector<1x16xf32> to vector<16xf32>
        %add3A_1654 = arith.addf %scan3A_1563, %get3A_1653 : vector<16xf32>
        %mul3A_1655 = arith.constant 2 : i32
        %mul3A_1656 = arith.muli %mul3A_1655, %scan3A_1558 : i32
        %add3A_1657 = arith.constant 150 : i32
        %add3A_1658 = arith.addi %add3A_1657, %mul3A_1656 : i32
        %add3A_1659 = arith.constant 1 : i32
        %add3A_1660 = arith.addi %add3A_1658, %add3A_1659 : i32
        %get3A_1661 = arith.index_cast %add3A_1660 : i32 to index
        %get3A_1662 = arith.constant 64 : index
        %get3A_1663 = tpu.vector_load %arg7[%get3A_1661, %get3A_1662] {strides = array<i32>} : memref<400x128xf32, #tpu.memory_space<vmem>>, vector<1x16xf32>,
        %get3A_1664 = vector.shape_cast %get3A_1663 : vector<1x16xf32> to vector<16xf32>
        %add3A_1665 = arith.addf %add3A_1654, %get3A_1664 : vector<16xf32>
        %mul3A_1666 = arith.constant 2 : i32
        %mul3A_1667 = arith.muli %mul3A_1666, %scan3A_1558 : i32
        %add3A_1668 = arith.constant 150 : i32
        %add3A_1669 = arith.addi %add3A_1668, %mul3A_1667 : i32
        %get3A_1670 = arith.index_cast %add3A_1669 : i32 to index
        %get3A_1671 = arith.constant 80 : index
        %get3A_1672 = tpu.vector_load %arg7[%get3A_1670, %get3A_1671] {strides = array<i32>} : memref<400x128xf32, #tpu.memory_space<vmem>>, vector<1x16xf32>,
        %get3A_1673 = vector.shape_cast %get3A_1672 : vector<1x16xf32> to vector<16xf32>
        %add3A_1674 = arith.addf %scan3A_1564, %get3A_1673 : vector<16xf32>
        %mul3A_1675 = arith.constant 2 : i32
        %mul3A_1676 = arith.muli %mul3A_1675, %scan3A_1558 : i32
        %add3A_1677 = arith.constant 150 : i32
        %add3A_1678 = arith.addi %add3A_1677, %mul3A_1676 : i32
        %add3A_1679 = arith.constant 1 : i32
        %add3A_1680 = arith.addi %add3A_1678, %add3A_1679 : i32
        %get3A_1681 = arith.index_cast %add3A_1680 : i32 to index
        %get3A_1682 = arith.constant 80 : index
        %get3A_1683 = tpu.vector_load %arg7[%get3A_1681, %get3A_1682] {strides = array<i32>} : memref<400x128xf32, #tpu.memory_space<vmem>>, vector<1x16xf32>,
        %get3A_1684 = vector.shape_cast %get3A_1683 : vector<1x16xf32> to vector<16xf32>
        %add3A_1685 = arith.addf %add3A_1674, %get3A_1684 : vector<16xf32>
        %mul3A_1686 = arith.constant 2 : i32
        %mul3A_1687 = arith.muli %mul3A_1686, %scan3A_1558 : i32
        %add3A_1688 = arith.constant 150 : i32
        %add3A_1689 = arith.addi %add3A_1688, %mul3A_1687 : i32
        %get3A_1690 = arith.index_cast %add3A_1689 : i32 to index
        %get3A_1691 = arith.constant 96 : index
        %get3A_1692 = tpu.vector_load %arg7[%get3A_1690, %get3A_1691] {strides = array<i32>} : memref<400x128xf32, #tpu.memory_space<vmem>>, vector<1x16xf32>,
        %get3A_1693 = vector.shape_cast %get3A_1692 : vector<1x16xf32> to vector<16xf32>
        %add3A_1694 = arith.addf %scan3A_1565, %get3A_1693 : vector<16xf32>
        %mul3A_1695 = arith.constant 2 : i32
        %mul3A_1696 = arith.muli %mul3A_1695, %scan3A_1558 : i32
        %add3A_1697 = arith.constant 150 : i32
        %add3A_1698 = arith.addi %add3A_1697, %mul3A_1696 : i32
        %add3A_1699 = arith.constant 1 : i32
        %add3A_1700 = arith.addi %add3A_1698, %add3A_1699 : i32
        %get3A_1701 = arith.index_cast %add3A_1700 : i32 to index
        %get3A_1702 = arith.constant 96 : index
        %get3A_1703 = tpu.vector_load %arg7[%get3A_1701, %get3A_1702] {strides = array<i32>} : memref<400x128xf32, #tpu.memory_space<vmem>>, vector<1x16xf32>,
        %get3A_1704 = vector.shape_cast %get3A_1703 : vector<1x16xf32> to vector<16xf32>
        %add3A_1705 = arith.addf %add3A_1694, %get3A_1704 : vector<16xf32>
        %mul3A_1706 = arith.constant 2 : i32
        %mul3A_1707 = arith.muli %mul3A_1706, %scan3A_1558 : i32
        %add3A_1708 = arith.constant 150 : i32
        %add3A_1709 = arith.addi %add3A_1708, %mul3A_1707 : i32
        %get3A_1710 = arith.index_cast %add3A_1709 : i32 to index
        %get3A_1711 = arith.constant 112 : index
        %get3A_1712 = tpu.vector_load %arg7[%get3A_1710, %get3A_1711] {strides = array<i32>} : memref<400x128xf32, #tpu.memory_space<vmem>>, vector<1x16xf32>,
        %get3A_1713 = vector.shape_cast %get3A_1712 : vector<1x16xf32> to vector<16xf32>
        %add3A_1714 = arith.addf %scan3A_1566, %get3A_1713 : vector<16xf32>
        %mul3A_1715 = arith.constant 2 : i32
        %mul3A_1716 = arith.muli %mul3A_1715, %scan3A_1558 : i32
        %add3A_1717 = arith.constant 150 : i32
        %add3A_1718 = arith.addi %add3A_1717, %mul3A_1716 : i32
        %add3A_1719 = arith.constant 1 : i32
        %add3A_1720 = arith.addi %add3A_1718, %add3A_1719 : i32
        %get3A_1721 = arith.index_cast %add3A_1720 : i32 to index
        %get3A_1722 = arith.constant 112 : index
        %get3A_1723 = tpu.vector_load %arg7[%get3A_1721, %get3A_1722] {strides = array<i32>} : memref<400x128xf32, #tpu.memory_space<vmem>>, vector<1x16xf32>,
        %get3A_1724 = vector.shape_cast %get3A_1723 : vector<1x16xf32> to vector<16xf32>
        %add3A_1725 = arith.addf %add3A_1714, %get3A_1724 : vector<16xf32>
        scf.yield %add3A_1585, %add3A_1605, %add3A_1625, %add3A_1645, %add3A_1665, %add3A_1685, %add3A_1705, %add3A_1725 : vector<16xf32>, vector<16xf32>, vector<16xf32>, vector<16xf32>, vector<16xf32>, vector<16xf32>, vector<16xf32>, vector<16xf32>
      }
      %scan3A_1109 = arith.constant 25 : i32
      %mul3A_1110 = arith.constant 2.000000e-02 : f32
      %mul3A_1111 = vector.broadcast %mul3A_1110 : f32 to vector<16xf32>
      %mul3A_1112 = arith.mulf %scan3A_1108#0, %mul3A_1111 : vector<16xf32>
      %swap3A_1113 = arith.constant 3 : i32
      %swap3A_1114 = arith.index_cast %swap3A_1113 : i32 to index
      %swap3A_1115 = arith.constant 0 : index
      %swap3A_1116 = tpu.vector_load %arg8[%swap3A_1114, %swap3A_1115] {strides = array<i32>} : memref<8x128xf32, #tpu.memory_space<vmem>>, vector<1x16xf32>,
      %swap3A_1117 = vector.shape_cast %swap3A_1116 : vector<1x16xf32> to vector<16xf32>
      %swap3A_1118 = vector.shape_cast %mul3A_1112 : vector<16xf32> to vector<1x16xf32>
      tpu.vector_store %arg8[%swap3A_1114, %swap3A_1115], %swap3A_1118 {strides = array<i32>} : memref<8x128xf32, #tpu.memory_space<vmem>>, vector<1x16xf32>,
      %mul3A_1119 = arith.constant 2.000000e-02 : f32
      %mul3A_1120 = vector.broadcast %mul3A_1119 : f32 to vector<16xf32>
      %mul3A_1121 = arith.mulf %scan3A_1108#1, %mul3A_1120 : vector<16xf32>
      %swap3A_1122 = arith.constant 3 : i32
      %swap3A_1123 = arith.index_cast %swap3A_1122 : i32 to index
      %swap3A_1124 = arith.constant 16 : index
      %swap3A_1125 = tpu.vector_load %arg8[%swap3A_1123, %swap3A_1124] {strides = array<i32>} : memref<8x128xf32, #tpu.memory_space<vmem>>, vector<1x16xf32>,
      %swap3A_1126 = vector.shape_cast %swap3A_1125 : vector<1x16xf32> to vector<16xf32>
      %swap3A_1127 = vector.shape_cast %mul3A_1121 : vector<16xf32> to vector<1x16xf32>
      tpu.vector_store %arg8[%swap3A_1123, %swap3A_1124], %swap3A_1127 {strides = array<i32>} : memref<8x128xf32, #tpu.memory_space<vmem>>, vector<1x16xf32>,
      %mul3A_1128 = arith.constant 2.000000e-02 : f32
      %mul3A_1129 = vector.broadcast %mul3A_1128 : f32 to vector<16xf32>
      %mul3A_1130 = arith.mulf %scan3A_1108#2, %mul3A_1129 : vector<16xf32>
      %swap3A_1131 = arith.constant 3 : i32
      %swap3A_1132 = arith.index_cast %swap3A_1131 : i32 to index
      %swap3A_1133 = arith.constant 32 : index
      %swap3A_1134 = tpu.vector_load %arg8[%swap3A_1132, %swap3A_1133] {strides = array<i32>} : memref<8x128xf32, #tpu.memory_space<vmem>>, vector<1x16xf32>,
      %swap3A_1135 = vector.shape_cast %swap3A_1134 : vector<1x16xf32> to vector<16xf32>
      %swap3A_1136 = vector.shape_cast %mul3A_1130 : vector<16xf32> to vector<1x16xf32>
      tpu.vector_store %arg8[%swap3A_1132, %swap3A_1133], %swap3A_1136 {strides = array<i32>} : memref<8x128xf32, #tpu.memory_space<vmem>>, vector<1x16xf32>,
      %mul3A_1137 = arith.constant 2.000000e-02 : f32
      %mul3A_1138 = vector.broadcast %mul3A_1137 : f32 to vector<16xf32>
      %mul3A_1139 = arith.mulf %scan3A_1108#3, %mul3A_1138 : vector<16xf32>
      %swap3A_1140 = arith.constant 3 : i32
      %swap3A_1141 = arith.index_cast %swap3A_1140 : i32 to index
      %swap3A_1142 = arith.constant 48 : index
      %swap3A_1143 = tpu.vector_load %arg8[%swap3A_1141, %swap3A_1142] {strides = array<i32>} : memref<8x128xf32, #tpu.memory_space<vmem>>, vector<1x16xf32>,
      %swap3A_1144 = vector.shape_cast %swap3A_1143 : vector<1x16xf32> to vector<16xf32>
      %swap3A_1145 = vector.shape_cast %mul3A_1139 : vector<16xf32> to vector<1x16xf32>
      tpu.vector_store %arg8[%swap3A_1141, %swap3A_1142], %swap3A_1145 {strides = array<i32>} : memref<8x128xf32, #tpu.memory_space<vmem>>, vector<1x16xf32>,
      %mul3A_1146 = arith.constant 2.000000e-02 : f32
      %mul3A_1147 = vector.broadcast %mul3A_1146 : f32 to vector<16xf32>
      %mul3A_1148 = arith.mulf %scan3A_1108#4, %mul3A_1147 : vector<16xf32>
      %swap3A_1149 = arith.constant 3 : i32
      %swap3A_1150 = arith.index_cast %swap3A_1149 : i32 to index
      %swap3A_1151 = arith.constant 64 : index
      %swap3A_1152 = tpu.vector_load %arg8[%swap3A_1150, %swap3A_1151] {strides = array<i32>} : memref<8x128xf32, #tpu.memory_space<vmem>>, vector<1x16xf32>,
      %swap3A_1153 = vector.shape_cast %swap3A_1152 : vector<1x16xf32> to vector<16xf32>
      %swap3A_1154 = vector.shape_cast %mul3A_1148 : vector<16xf32> to vector<1x16xf32>
      tpu.vector_store %arg8[%swap3A_1150, %swap3A_1151], %swap3A_1154 {strides = array<i32>} : memref<8x128xf32, #tpu.memory_space<vmem>>, vector<1x16xf32>,
      %mul3A_1155 = arith.constant 2.000000e-02 : f32
      %mul3A_1156 = vector.broadcast %mul3A_1155 : f32 to vector<16xf32>
      %mul3A_1157 = arith.mulf %scan3A_1108#5, %mul3A_1156 : vector<16xf32>
      %swap3A_1158 = arith.constant 3 : i32
      %swap3A_1159 = arith.index_cast %swap3A_1158 : i32 to index
      %swap3A_1160 = arith.constant 80 : index
      %swap3A_1161 = tpu.vector_load %arg8[%swap3A_1159, %swap3A_1160] {strides = array<i32>} : memref<8x128xf32, #tpu.memory_space<vmem>>, vector<1x16xf32>,
      %swap3A_1162 = vector.shape_cast %swap3A_1161 : vector<1x16xf32> to vector<16xf32>
      %swap3A_1163 = vector.shape_cast %mul3A_1157 : vector<16xf32> to vector<1x16xf32>
      tpu.vector_store %arg8[%swap3A_1159, %swap3A_1160], %swap3A_1163 {strides = array<i32>} : memref<8x128xf32, #tpu.memory_space<vmem>>, vector<1x16xf32>,
      %mul3A_1164 = arith.constant 2.000000e-02 : f32
      %mul3A_1165 = vector.broadcast %mul3A_1164 : f32 to vector<16xf32>
      %mul3A_1166 = arith.mulf %scan3A_1108#6, %mul3A_1165 : vector<16xf32>
      %swap3A_1167 = arith.constant 3 : i32
      %swap3A_1168 = arith.index_cast %swap3A_1167 : i32 to index
      %swap3A_1169 = arith.constant 96 : index
      %swap3A_1170 = tpu.vector_load %arg8[%swap3A_1168, %swap3A_1169] {strides = array<i32>} : memref<8x128xf32, #tpu.memory_space<vmem>>, vector<1x16xf32>,
      %swap3A_1171 = vector.shape_cast %swap3A_1170 : vector<1x16xf32> to vector<16xf32>
      %swap3A_1172 = vector.shape_cast %mul3A_1166 : vector<16xf32> to vector<1x16xf32>
      tpu.vector_store %arg8[%swap3A_1168, %swap3A_1169], %swap3A_1172 {strides = array<i32>} : memref<8x128xf32, #tpu.memory_space<vmem>>, vector<1x16xf32>,
      %mul3A_1173 = arith.constant 2.000000e-02 : f32
      %mul3A_1174 = vector.broadcast %mul3A_1173 : f32 to vector<16xf32>
      %mul3A_1175 = arith.mulf %scan3A_1108#7, %mul3A_1174 : vector<16xf32>
      %swap3A_1176 = arith.constant 3 : i32
      %swap3A_1177 = arith.index_cast %swap3A_1176 : i32 to index
      %swap3A_1178 = arith.constant 112 : index
      %swap3A_1179 = tpu.vector_load %arg8[%swap3A_1177, %swap3A_1178] {strides = array<i32>} : memref<8x128xf32, #tpu.memory_space<vmem>>, vector<1x16xf32>,
      %swap3A_1180 = vector.shape_cast %swap3A_1179 : vector<1x16xf32> to vector<16xf32>
      %swap3A_1181 = vector.shape_cast %mul3A_1175 : vector<16xf32> to vector<1x16xf32>
      tpu.vector_store %arg8[%swap3A_1177, %swap3A_1178], %swap3A_1181 {strides = array<i32>} : memref<8x128xf32, #tpu.memory_space<vmem>>, vector<1x16xf32>,
      %broadcast_in_dim3A_1182 = arith.constant 0.000000e+00 : f32
      %broadcast_in_dim3A_1183 = vector.broadcast %broadcast_in_dim3A_1182 : f32 to vector<16xf32>
      %broadcast_in_dim3A_1184 = arith.constant 0.000000e+00 : f32
      %broadcast_in_dim3A_1185 = vector.broadcast %broadcast_in_dim3A_1184 : f32 to vector<16xf32>
      %broadcast_in_dim3A_1186 = arith.constant 0.000000e+00 : f32
      %broadcast_in_dim3A_1187 = vector.broadcast %broadcast_in_dim3A_1186 : f32 to vector<16xf32>
      %broadcast_in_dim3A_1188 = arith.constant 0.000000e+00 : f32
      %broadcast_in_dim3A_1189 = vector.broadcast %broadcast_in_dim3A_1188 : f32 to vector<16xf32>
      %broadcast_in_dim3A_1190 = arith.constant 0.000000e+00 : f32
      %broadcast_in_dim3A_1191 = vector.broadcast %broadcast_in_dim3A_1190 : f32 to vector<16xf32>
      %broadcast_in_dim3A_1192 = arith.constant 0.000000e+00 : f32
      %broadcast_in_dim3A_1193 = vector.broadcast %broadcast_in_dim3A_1192 : f32 to vector<16xf32>
      %broadcast_in_dim3A_1194 = arith.constant 0.000000e+00 : f32
      %broadcast_in_dim3A_1195 = vector.broadcast %broadcast_in_dim3A_1194 : f32 to vector<16xf32>
      %broadcast_in_dim3A_1196 = arith.constant 0.000000e+00 : f32
      %broadcast_in_dim3A_1197 = vector.broadcast %broadcast_in_dim3A_1196 : f32 to vector<16xf32>
      %scan3A_1198 = arith.constant 0 : i32
      %scan3A_1199 = arith.constant 25 : i32
      %scan3A_1200 = arith.addi %scan3A_1198, %scan3A_1199 : i32
      %scan3A_1201 = arith.constant 1 : i32
      %scan3A_1202:8 = scf.for %scan3A_1558 = %scan3A_1198 to %scan3A_1200 step %scan3A_1201 iter_args(%scan3A_1559 = %broadcast_in_dim3A_1183, %scan3A_1560 = %broadcast_in_dim3A_1185, %scan3A_1561 = %broadcast_in_dim3A_1187, %scan3A_1562 = %broadcast_in_dim3A_1189, %scan3A_1563 = %broadcast_in_dim3A_1191, %scan3A_1564 = %broadcast_in_dim3A_1193, %scan3A_1565 = %broadcast_in_dim3A_1195, %scan3A_1566 = %broadcast_in_dim3A_1197) -> (vector<16xf32>, vector<16xf32>, vector<16xf32>, vector<16xf32>, vector<16xf32>, vector<16xf32>, vector<16xf32>, vector<16xf32>)  : i32 {
        %mul3A_1567 = arith.constant 2 : i32
        %mul3A_1568 = arith.muli %mul3A_1567, %scan3A_1558 : i32
        %add3A_1569 = arith.constant 200 : i32
        %add3A_1570 = arith.addi %add3A_1569, %mul3A_1568 : i32
        %get3A = arith.index_cast %add3A_1570 : i32 to index
        %get3A_1571 = arith.constant 0 : index
        %get3A_1572 = tpu.vector_load %arg7[%get3A, %get3A_1571] {strides = array<i32>} : memref<400x128xf32, #tpu.memory_space<vmem>>, vector<1x16xf32>,
        %get3A_1573 = vector.shape_cast %get3A_1572 : vector<1x16xf32> to vector<16xf32>
        %add3A_1574 = arith.addf %scan3A_1559, %get3A_1573 : vector<16xf32>
        %mul3A_1575 = arith.constant 2 : i32
        %mul3A_1576 = arith.muli %mul3A_1575, %scan3A_1558 : i32
        %add3A_1577 = arith.constant 200 : i32
        %add3A_1578 = arith.addi %add3A_1577, %mul3A_1576 : i32
        %add3A_1579 = arith.constant 1 : i32
        %add3A_1580 = arith.addi %add3A_1578, %add3A_1579 : i32
        %get3A_1581 = arith.index_cast %add3A_1580 : i32 to index
        %get3A_1582 = arith.constant 0 : index
        %get3A_1583 = tpu.vector_load %arg7[%get3A_1581, %get3A_1582] {strides = array<i32>} : memref<400x128xf32, #tpu.memory_space<vmem>>, vector<1x16xf32>,
        %get3A_1584 = vector.shape_cast %get3A_1583 : vector<1x16xf32> to vector<16xf32>
        %add3A_1585 = arith.addf %add3A_1574, %get3A_1584 : vector<16xf32>
        %mul3A_1586 = arith.constant 2 : i32
        %mul3A_1587 = arith.muli %mul3A_1586, %scan3A_1558 : i32
        %add3A_1588 = arith.constant 200 : i32
        %add3A_1589 = arith.addi %add3A_1588, %mul3A_1587 : i32
        %get3A_1590 = arith.index_cast %add3A_1589 : i32 to index
        %get3A_1591 = arith.constant 16 : index
        %get3A_1592 = tpu.vector_load %arg7[%get3A_1590, %get3A_1591] {strides = array<i32>} : memref<400x128xf32, #tpu.memory_space<vmem>>, vector<1x16xf32>,
        %get3A_1593 = vector.shape_cast %get3A_1592 : vector<1x16xf32> to vector<16xf32>
        %add3A_1594 = arith.addf %scan3A_1560, %get3A_1593 : vector<16xf32>
        %mul3A_1595 = arith.constant 2 : i32
        %mul3A_1596 = arith.muli %mul3A_1595, %scan3A_1558 : i32
        %add3A_1597 = arith.constant 200 : i32
        %add3A_1598 = arith.addi %add3A_1597, %mul3A_1596 : i32
        %add3A_1599 = arith.constant 1 : i32
        %add3A_1600 = arith.addi %add3A_1598, %add3A_1599 : i32
        %get3A_1601 = arith.index_cast %add3A_1600 : i32 to index
        %get3A_1602 = arith.constant 16 : index
        %get3A_1603 = tpu.vector_load %arg7[%get3A_1601, %get3A_1602] {strides = array<i32>} : memref<400x128xf32, #tpu.memory_space<vmem>>, vector<1x16xf32>,
        %get3A_1604 = vector.shape_cast %get3A_1603 : vector<1x16xf32> to vector<16xf32>
        %add3A_1605 = arith.addf %add3A_1594, %get3A_1604 : vector<16xf32>
        %mul3A_1606 = arith.constant 2 : i32
        %mul3A_1607 = arith.muli %mul3A_1606, %scan3A_1558 : i32
        %add3A_1608 = arith.constant 200 : i32
        %add3A_1609 = arith.addi %add3A_1608, %mul3A_1607 : i32
        %get3A_1610 = arith.index_cast %add3A_1609 : i32 to index
        %get3A_1611 = arith.constant 32 : index
        %get3A_1612 = tpu.vector_load %arg7[%get3A_1610, %get3A_1611] {strides = array<i32>} : memref<400x128xf32, #tpu.memory_space<vmem>>, vector<1x16xf32>,
        %get3A_1613 = vector.shape_cast %get3A_1612 : vector<1x16xf32> to vector<16xf32>
        %add3A_1614 = arith.addf %scan3A_1561, %get3A_1613 : vector<16xf32>
        %mul3A_1615 = arith.constant 2 : i32
        %mul3A_1616 = arith.muli %mul3A_1615, %scan3A_1558 : i32
        %add3A_1617 = arith.constant 200 : i32
        %add3A_1618 = arith.addi %add3A_1617, %mul3A_1616 : i32
        %add3A_1619 = arith.constant 1 : i32
        %add3A_1620 = arith.addi %add3A_1618, %add3A_1619 : i32
        %get3A_1621 = arith.index_cast %add3A_1620 : i32 to index
        %get3A_1622 = arith.constant 32 : index
        %get3A_1623 = tpu.vector_load %arg7[%get3A_1621, %get3A_1622] {strides = array<i32>} : memref<400x128xf32, #tpu.memory_space<vmem>>, vector<1x16xf32>,
        %get3A_1624 = vector.shape_cast %get3A_1623 : vector<1x16xf32> to vector<16xf32>
        %add3A_1625 = arith.addf %add3A_1614, %get3A_1624 : vector<16xf32>
        %mul3A_1626 = arith.constant 2 : i32
        %mul3A_1627 = arith.muli %mul3A_1626, %scan3A_1558 : i32
        %add3A_1628 = arith.constant 200 : i32
        %add3A_1629 = arith.addi %add3A_1628, %mul3A_1627 : i32
        %get3A_1630 = arith.index_cast %add3A_1629 : i32 to index
        %get3A_1631 = arith.constant 48 : index
        %get3A_1632 = tpu.vector_load %arg7[%get3A_1630, %get3A_1631] {strides = array<i32>} : memref<400x128xf32, #tpu.memory_space<vmem>>, vector<1x16xf32>,
        %get3A_1633 = vector.shape_cast %get3A_1632 : vector<1x16xf32> to vector<16xf32>
        %add3A_1634 = arith.addf %scan3A_1562, %get3A_1633 : vector<16xf32>
        %mul3A_1635 = arith.constant 2 : i32
        %mul3A_1636 = arith.muli %mul3A_1635, %scan3A_1558 : i32
        %add3A_1637 = arith.constant 200 : i32
        %add3A_1638 = arith.addi %add3A_1637, %mul3A_1636 : i32
        %add3A_1639 = arith.constant 1 : i32
        %add3A_1640 = arith.addi %add3A_1638, %add3A_1639 : i32
        %get3A_1641 = arith.index_cast %add3A_1640 : i32 to index
        %get3A_1642 = arith.constant 48 : index
        %get3A_1643 = tpu.vector_load %arg7[%get3A_1641, %get3A_1642] {strides = array<i32>} : memref<400x128xf32, #tpu.memory_space<vmem>>, vector<1x16xf32>,
        %get3A_1644 = vector.shape_cast %get3A_1643 : vector<1x16xf32> to vector<16xf32>
        %add3A_1645 = arith.addf %add3A_1634, %get3A_1644 : vector<16xf32>
        %mul3A_1646 = arith.constant 2 : i32
        %mul3A_1647 = arith.muli %mul3A_1646, %scan3A_1558 : i32
        %add3A_1648 = arith.constant 200 : i32
        %add3A_1649 = arith.addi %add3A_1648, %mul3A_1647 : i32
        %get3A_1650 = arith.index_cast %add3A_1649 : i32 to index
        %get3A_1651 = arith.constant 64 : index
        %get3A_1652 = tpu.vector_load %arg7[%get3A_1650, %get3A_1651] {strides = array<i32>} : memref<400x128xf32, #tpu.memory_space<vmem>>, vector<1x16xf32>,
        %get3A_1653 = vector.shape_cast %get3A_1652 : vector<1x16xf32> to vector<16xf32>
        %add3A_1654 = arith.addf %scan3A_1563, %get3A_1653 : vector<16xf32>
        %mul3A_1655 = arith.constant 2 : i32
        %mul3A_1656 = arith.muli %mul3A_1655, %scan3A_1558 : i32
        %add3A_1657 = arith.constant 200 : i32
        %add3A_1658 = arith.addi %add3A_1657, %mul3A_1656 : i32
        %add3A_1659 = arith.constant 1 : i32
        %add3A_1660 = arith.addi %add3A_1658, %add3A_1659 : i32
        %get3A_1661 = arith.index_cast %add3A_1660 : i32 to index
        %get3A_1662 = arith.constant 64 : index
        %get3A_1663 = tpu.vector_load %arg7[%get3A_1661, %get3A_1662] {strides = array<i32>} : memref<400x128xf32, #tpu.memory_space<vmem>>, vector<1x16xf32>,
        %get3A_1664 = vector.shape_cast %get3A_1663 : vector<1x16xf32> to vector<16xf32>
        %add3A_1665 = arith.addf %add3A_1654, %get3A_1664 : vector<16xf32>
        %mul3A_1666 = arith.constant 2 : i32
        %mul3A_1667 = arith.muli %mul3A_1666, %scan3A_1558 : i32
        %add3A_1668 = arith.constant 200 : i32
        %add3A_1669 = arith.addi %add3A_1668, %mul3A_1667 : i32
        %get3A_1670 = arith.index_cast %add3A_1669 : i32 to index
        %get3A_1671 = arith.constant 80 : index
        %get3A_1672 = tpu.vector_load %arg7[%get3A_1670, %get3A_1671] {strides = array<i32>} : memref<400x128xf32, #tpu.memory_space<vmem>>, vector<1x16xf32>,
        %get3A_1673 = vector.shape_cast %get3A_1672 : vector<1x16xf32> to vector<16xf32>
        %add3A_1674 = arith.addf %scan3A_1564, %get3A_1673 : vector<16xf32>
        %mul3A_1675 = arith.constant 2 : i32
        %mul3A_1676 = arith.muli %mul3A_1675, %scan3A_1558 : i32
        %add3A_1677 = arith.constant 200 : i32
        %add3A_1678 = arith.addi %add3A_1677, %mul3A_1676 : i32
        %add3A_1679 = arith.constant 1 : i32
        %add3A_1680 = arith.addi %add3A_1678, %add3A_1679 : i32
        %get3A_1681 = arith.index_cast %add3A_1680 : i32 to index
        %get3A_1682 = arith.constant 80 : index
        %get3A_1683 = tpu.vector_load %arg7[%get3A_1681, %get3A_1682] {strides = array<i32>} : memref<400x128xf32, #tpu.memory_space<vmem>>, vector<1x16xf32>,
        %get3A_1684 = vector.shape_cast %get3A_1683 : vector<1x16xf32> to vector<16xf32>
        %add3A_1685 = arith.addf %add3A_1674, %get3A_1684 : vector<16xf32>
        %mul3A_1686 = arith.constant 2 : i32
        %mul3A_1687 = arith.muli %mul3A_1686, %scan3A_1558 : i32
        %add3A_1688 = arith.constant 200 : i32
        %add3A_1689 = arith.addi %add3A_1688, %mul3A_1687 : i32
        %get3A_1690 = arith.index_cast %add3A_1689 : i32 to index
        %get3A_1691 = arith.constant 96 : index
        %get3A_1692 = tpu.vector_load %arg7[%get3A_1690, %get3A_1691] {strides = array<i32>} : memref<400x128xf32, #tpu.memory_space<vmem>>, vector<1x16xf32>,
        %get3A_1693 = vector.shape_cast %get3A_1692 : vector<1x16xf32> to vector<16xf32>
        %add3A_1694 = arith.addf %scan3A_1565, %get3A_1693 : vector<16xf32>
        %mul3A_1695 = arith.constant 2 : i32
        %mul3A_1696 = arith.muli %mul3A_1695, %scan3A_1558 : i32
        %add3A_1697 = arith.constant 200 : i32
        %add3A_1698 = arith.addi %add3A_1697, %mul3A_1696 : i32
        %add3A_1699 = arith.constant 1 : i32
        %add3A_1700 = arith.addi %add3A_1698, %add3A_1699 : i32
        %get3A_1701 = arith.index_cast %add3A_1700 : i32 to index
        %get3A_1702 = arith.constant 96 : index
        %get3A_1703 = tpu.vector_load %arg7[%get3A_1701, %get3A_1702] {strides = array<i32>} : memref<400x128xf32, #tpu.memory_space<vmem>>, vector<1x16xf32>,
        %get3A_1704 = vector.shape_cast %get3A_1703 : vector<1x16xf32> to vector<16xf32>
        %add3A_1705 = arith.addf %add3A_1694, %get3A_1704 : vector<16xf32>
        %mul3A_1706 = arith.constant 2 : i32
        %mul3A_1707 = arith.muli %mul3A_1706, %scan3A_1558 : i32
        %add3A_1708 = arith.constant 200 : i32
        %add3A_1709 = arith.addi %add3A_1708, %mul3A_1707 : i32
        %get3A_1710 = arith.index_cast %add3A_1709 : i32 to index
        %get3A_1711 = arith.constant 112 : index
        %get3A_1712 = tpu.vector_load %arg7[%get3A_1710, %get3A_1711] {strides = array<i32>} : memref<400x128xf32, #tpu.memory_space<vmem>>, vector<1x16xf32>,
        %get3A_1713 = vector.shape_cast %get3A_1712 : vector<1x16xf32> to vector<16xf32>
        %add3A_1714 = arith.addf %scan3A_1566, %get3A_1713 : vector<16xf32>
        %mul3A_1715 = arith.constant 2 : i32
        %mul3A_1716 = arith.muli %mul3A_1715, %scan3A_1558 : i32
        %add3A_1717 = arith.constant 200 : i32
        %add3A_1718 = arith.addi %add3A_1717, %mul3A_1716 : i32
        %add3A_1719 = arith.constant 1 : i32
        %add3A_1720 = arith.addi %add3A_1718, %add3A_1719 : i32
        %get3A_1721 = arith.index_cast %add3A_1720 : i32 to index
        %get3A_1722 = arith.constant 112 : index
        %get3A_1723 = tpu.vector_load %arg7[%get3A_1721, %get3A_1722] {strides = array<i32>} : memref<400x128xf32, #tpu.memory_space<vmem>>, vector<1x16xf32>,
        %get3A_1724 = vector.shape_cast %get3A_1723 : vector<1x16xf32> to vector<16xf32>
        %add3A_1725 = arith.addf %add3A_1714, %get3A_1724 : vector<16xf32>
        scf.yield %add3A_1585, %add3A_1605, %add3A_1625, %add3A_1645, %add3A_1665, %add3A_1685, %add3A_1705, %add3A_1725 : vector<16xf32>, vector<16xf32>, vector<16xf32>, vector<16xf32>, vector<16xf32>, vector<16xf32>, vector<16xf32>, vector<16xf32>
      }
      %scan3A_1203 = arith.constant 25 : i32
      %mul3A_1204 = arith.constant 2.000000e-02 : f32
      %mul3A_1205 = vector.broadcast %mul3A_1204 : f32 to vector<16xf32>
      %mul3A_1206 = arith.mulf %scan3A_1202#0, %mul3A_1205 : vector<16xf32>
      %swap3A_1207 = arith.constant 4 : i32
      %swap3A_1208 = arith.index_cast %swap3A_1207 : i32 to index
      %swap3A_1209 = arith.constant 0 : index
      %swap3A_1210 = tpu.vector_load %arg8[%swap3A_1208, %swap3A_1209] {strides = array<i32>} : memref<8x128xf32, #tpu.memory_space<vmem>>, vector<1x16xf32>,
      %swap3A_1211 = vector.shape_cast %swap3A_1210 : vector<1x16xf32> to vector<16xf32>
      %swap3A_1212 = vector.shape_cast %mul3A_1206 : vector<16xf32> to vector<1x16xf32>
      tpu.vector_store %arg8[%swap3A_1208, %swap3A_1209], %swap3A_1212 {strides = array<i32>} : memref<8x128xf32, #tpu.memory_space<vmem>>, vector<1x16xf32>,
      %mul3A_1213 = arith.constant 2.000000e-02 : f32
      %mul3A_1214 = vector.broadcast %mul3A_1213 : f32 to vector<16xf32>
      %mul3A_1215 = arith.mulf %scan3A_1202#1, %mul3A_1214 : vector<16xf32>
      %swap3A_1216 = arith.constant 4 : i32
      %swap3A_1217 = arith.index_cast %swap3A_1216 : i32 to index
      %swap3A_1218 = arith.constant 16 : index
      %swap3A_1219 = tpu.vector_load %arg8[%swap3A_1217, %swap3A_1218] {strides = array<i32>} : memref<8x128xf32, #tpu.memory_space<vmem>>, vector<1x16xf32>,
      %swap3A_1220 = vector.shape_cast %swap3A_1219 : vector<1x16xf32> to vector<16xf32>
      %swap3A_1221 = vector.shape_cast %mul3A_1215 : vector<16xf32> to vector<1x16xf32>
      tpu.vector_store %arg8[%swap3A_1217, %swap3A_1218], %swap3A_1221 {strides = array<i32>} : memref<8x128xf32, #tpu.memory_space<vmem>>, vector<1x16xf32>,
      %mul3A_1222 = arith.constant 2.000000e-02 : f32
      %mul3A_1223 = vector.broadcast %mul3A_1222 : f32 to vector<16xf32>
      %mul3A_1224 = arith.mulf %scan3A_1202#2, %mul3A_1223 : vector<16xf32>
      %swap3A_1225 = arith.constant 4 : i32
      %swap3A_1226 = arith.index_cast %swap3A_1225 : i32 to index
      %swap3A_1227 = arith.constant 32 : index
      %swap3A_1228 = tpu.vector_load %arg8[%swap3A_1226, %swap3A_1227] {strides = array<i32>} : memref<8x128xf32, #tpu.memory_space<vmem>>, vector<1x16xf32>,
      %swap3A_1229 = vector.shape_cast %swap3A_1228 : vector<1x16xf32> to vector<16xf32>
      %swap3A_1230 = vector.shape_cast %mul3A_1224 : vector<16xf32> to vector<1x16xf32>
      tpu.vector_store %arg8[%swap3A_1226, %swap3A_1227], %swap3A_1230 {strides = array<i32>} : memref<8x128xf32, #tpu.memory_space<vmem>>, vector<1x16xf32>,
      %mul3A_1231 = arith.constant 2.000000e-02 : f32
      %mul3A_1232 = vector.broadcast %mul3A_1231 : f32 to vector<16xf32>
      %mul3A_1233 = arith.mulf %scan3A_1202#3, %mul3A_1232 : vector<16xf32>
      %swap3A_1234 = arith.constant 4 : i32
      %swap3A_1235 = arith.index_cast %swap3A_1234 : i32 to index
      %swap3A_1236 = arith.constant 48 : index
      %swap3A_1237 = tpu.vector_load %arg8[%swap3A_1235, %swap3A_1236] {strides = array<i32>} : memref<8x128xf32, #tpu.memory_space<vmem>>, vector<1x16xf32>,
      %swap3A_1238 = vector.shape_cast %swap3A_1237 : vector<1x16xf32> to vector<16xf32>
      %swap3A_1239 = vector.shape_cast %mul3A_1233 : vector<16xf32> to vector<1x16xf32>
      tpu.vector_store %arg8[%swap3A_1235, %swap3A_1236], %swap3A_1239 {strides = array<i32>} : memref<8x128xf32, #tpu.memory_space<vmem>>, vector<1x16xf32>,
      %mul3A_1240 = arith.constant 2.000000e-02 : f32
      %mul3A_1241 = vector.broadcast %mul3A_1240 : f32 to vector<16xf32>
      %mul3A_1242 = arith.mulf %scan3A_1202#4, %mul3A_1241 : vector<16xf32>
      %swap3A_1243 = arith.constant 4 : i32
      %swap3A_1244 = arith.index_cast %swap3A_1243 : i32 to index
      %swap3A_1245 = arith.constant 64 : index
      %swap3A_1246 = tpu.vector_load %arg8[%swap3A_1244, %swap3A_1245] {strides = array<i32>} : memref<8x128xf32, #tpu.memory_space<vmem>>, vector<1x16xf32>,
      %swap3A_1247 = vector.shape_cast %swap3A_1246 : vector<1x16xf32> to vector<16xf32>
      %swap3A_1248 = vector.shape_cast %mul3A_1242 : vector<16xf32> to vector<1x16xf32>
      tpu.vector_store %arg8[%swap3A_1244, %swap3A_1245], %swap3A_1248 {strides = array<i32>} : memref<8x128xf32, #tpu.memory_space<vmem>>, vector<1x16xf32>,
      %mul3A_1249 = arith.constant 2.000000e-02 : f32
      %mul3A_1250 = vector.broadcast %mul3A_1249 : f32 to vector<16xf32>
      %mul3A_1251 = arith.mulf %scan3A_1202#5, %mul3A_1250 : vector<16xf32>
      %swap3A_1252 = arith.constant 4 : i32
      %swap3A_1253 = arith.index_cast %swap3A_1252 : i32 to index
      %swap3A_1254 = arith.constant 80 : index
      %swap3A_1255 = tpu.vector_load %arg8[%swap3A_1253, %swap3A_1254] {strides = array<i32>} : memref<8x128xf32, #tpu.memory_space<vmem>>, vector<1x16xf32>,
      %swap3A_1256 = vector.shape_cast %swap3A_1255 : vector<1x16xf32> to vector<16xf32>
      %swap3A_1257 = vector.shape_cast %mul3A_1251 : vector<16xf32> to vector<1x16xf32>
      tpu.vector_store %arg8[%swap3A_1253, %swap3A_1254], %swap3A_1257 {strides = array<i32>} : memref<8x128xf32, #tpu.memory_space<vmem>>, vector<1x16xf32>,
      %mul3A_1258 = arith.constant 2.000000e-02 : f32
      %mul3A_1259 = vector.broadcast %mul3A_1258 : f32 to vector<16xf32>
      %mul3A_1260 = arith.mulf %scan3A_1202#6, %mul3A_1259 : vector<16xf32>
      %swap3A_1261 = arith.constant 4 : i32
      %swap3A_1262 = arith.index_cast %swap3A_1261 : i32 to index
      %swap3A_1263 = arith.constant 96 : index
      %swap3A_1264 = tpu.vector_load %arg8[%swap3A_1262, %swap3A_1263] {strides = array<i32>} : memref<8x128xf32, #tpu.memory_space<vmem>>, vector<1x16xf32>,
      %swap3A_1265 = vector.shape_cast %swap3A_1264 : vector<1x16xf32> to vector<16xf32>
      %swap3A_1266 = vector.shape_cast %mul3A_1260 : vector<16xf32> to vector<1x16xf32>
      tpu.vector_store %arg8[%swap3A_1262, %swap3A_1263], %swap3A_1266 {strides = array<i32>} : memref<8x128xf32, #tpu.memory_space<vmem>>, vector<1x16xf32>,
      %mul3A_1267 = arith.constant 2.000000e-02 : f32
      %mul3A_1268 = vector.broadcast %mul3A_1267 : f32 to vector<16xf32>
      %mul3A_1269 = arith.mulf %scan3A_1202#7, %mul3A_1268 : vector<16xf32>
      %swap3A_1270 = arith.constant 4 : i32
      %swap3A_1271 = arith.index_cast %swap3A_1270 : i32 to index
      %swap3A_1272 = arith.constant 112 : index
      %swap3A_1273 = tpu.vector_load %arg8[%swap3A_1271, %swap3A_1272] {strides = array<i32>} : memref<8x128xf32, #tpu.memory_space<vmem>>, vector<1x16xf32>,
      %swap3A_1274 = vector.shape_cast %swap3A_1273 : vector<1x16xf32> to vector<16xf32>
      %swap3A_1275 = vector.shape_cast %mul3A_1269 : vector<16xf32> to vector<1x16xf32>
      tpu.vector_store %arg8[%swap3A_1271, %swap3A_1272], %swap3A_1275 {strides = array<i32>} : memref<8x128xf32, #tpu.memory_space<vmem>>, vector<1x16xf32>,
      %broadcast_in_dim3A_1276 = arith.constant 0.000000e+00 : f32
      %broadcast_in_dim3A_1277 = vector.broadcast %broadcast_in_dim3A_1276 : f32 to vector<16xf32>
      %broadcast_in_dim3A_1278 = arith.constant 0.000000e+00 : f32
      %broadcast_in_dim3A_1279 = vector.broadcast %broadcast_in_dim3A_1278 : f32 to vector<16xf32>
      %broadcast_in_dim3A_1280 = arith.constant 0.000000e+00 : f32
      %broadcast_in_dim3A_1281 = vector.broadcast %broadcast_in_dim3A_1280 : f32 to vector<16xf32>
      %broadcast_in_dim3A_1282 = arith.constant 0.000000e+00 : f32
      %broadcast_in_dim3A_1283 = vector.broadcast %broadcast_in_dim3A_1282 : f32 to vector<16xf32>
      %broadcast_in_dim3A_1284 = arith.constant 0.000000e+00 : f32
      %broadcast_in_dim3A_1285 = vector.broadcast %broadcast_in_dim3A_1284 : f32 to vector<16xf32>
      %broadcast_in_dim3A_1286 = arith.constant 0.000000e+00 : f32
      %broadcast_in_dim3A_1287 = vector.broadcast %broadcast_in_dim3A_1286 : f32 to vector<16xf32>
      %broadcast_in_dim3A_1288 = arith.constant 0.000000e+00 : f32
      %broadcast_in_dim3A_1289 = vector.broadcast %broadcast_in_dim3A_1288 : f32 to vector<16xf32>
      %broadcast_in_dim3A_1290 = arith.constant 0.000000e+00 : f32
      %broadcast_in_dim3A_1291 = vector.broadcast %broadcast_in_dim3A_1290 : f32 to vector<16xf32>
      %scan3A_1292 = arith.constant 0 : i32
      %scan3A_1293 = arith.constant 25 : i32
      %scan3A_1294 = arith.addi %scan3A_1292, %scan3A_1293 : i32
      %scan3A_1295 = arith.constant 1 : i32
      %scan3A_1296:8 = scf.for %scan3A_1558 = %scan3A_1292 to %scan3A_1294 step %scan3A_1295 iter_args(%scan3A_1559 = %broadcast_in_dim3A_1277, %scan3A_1560 = %broadcast_in_dim3A_1279, %scan3A_1561 = %broadcast_in_dim3A_1281, %scan3A_1562 = %broadcast_in_dim3A_1283, %scan3A_1563 = %broadcast_in_dim3A_1285, %scan3A_1564 = %broadcast_in_dim3A_1287, %scan3A_1565 = %broadcast_in_dim3A_1289, %scan3A_1566 = %broadcast_in_dim3A_1291) -> (vector<16xf32>, vector<16xf32>, vector<16xf32>, vector<16xf32>, vector<16xf32>, vector<16xf32>, vector<16xf32>, vector<16xf32>)  : i32 {
        %mul3A_1567 = arith.constant 2 : i32
        %mul3A_1568 = arith.muli %mul3A_1567, %scan3A_1558 : i32
        %add3A_1569 = arith.constant 250 : i32
        %add3A_1570 = arith.addi %add3A_1569, %mul3A_1568 : i32
        %get3A = arith.index_cast %add3A_1570 : i32 to index
        %get3A_1571 = arith.constant 0 : index
        %get3A_1572 = tpu.vector_load %arg7[%get3A, %get3A_1571] {strides = array<i32>} : memref<400x128xf32, #tpu.memory_space<vmem>>, vector<1x16xf32>,
        %get3A_1573 = vector.shape_cast %get3A_1572 : vector<1x16xf32> to vector<16xf32>
        %add3A_1574 = arith.addf %scan3A_1559, %get3A_1573 : vector<16xf32>
        %mul3A_1575 = arith.constant 2 : i32
        %mul3A_1576 = arith.muli %mul3A_1575, %scan3A_1558 : i32
        %add3A_1577 = arith.constant 250 : i32
        %add3A_1578 = arith.addi %add3A_1577, %mul3A_1576 : i32
        %add3A_1579 = arith.constant 1 : i32
        %add3A_1580 = arith.addi %add3A_1578, %add3A_1579 : i32
        %get3A_1581 = arith.index_cast %add3A_1580 : i32 to index
        %get3A_1582 = arith.constant 0 : index
        %get3A_1583 = tpu.vector_load %arg7[%get3A_1581, %get3A_1582] {strides = array<i32>} : memref<400x128xf32, #tpu.memory_space<vmem>>, vector<1x16xf32>,
        %get3A_1584 = vector.shape_cast %get3A_1583 : vector<1x16xf32> to vector<16xf32>
        %add3A_1585 = arith.addf %add3A_1574, %get3A_1584 : vector<16xf32>
        %mul3A_1586 = arith.constant 2 : i32
        %mul3A_1587 = arith.muli %mul3A_1586, %scan3A_1558 : i32
        %add3A_1588 = arith.constant 250 : i32
        %add3A_1589 = arith.addi %add3A_1588, %mul3A_1587 : i32
        %get3A_1590 = arith.index_cast %add3A_1589 : i32 to index
        %get3A_1591 = arith.constant 16 : index
        %get3A_1592 = tpu.vector_load %arg7[%get3A_1590, %get3A_1591] {strides = array<i32>} : memref<400x128xf32, #tpu.memory_space<vmem>>, vector<1x16xf32>,
        %get3A_1593 = vector.shape_cast %get3A_1592 : vector<1x16xf32> to vector<16xf32>
        %add3A_1594 = arith.addf %scan3A_1560, %get3A_1593 : vector<16xf32>
        %mul3A_1595 = arith.constant 2 : i32
        %mul3A_1596 = arith.muli %mul3A_1595, %scan3A_1558 : i32
        %add3A_1597 = arith.constant 250 : i32
        %add3A_1598 = arith.addi %add3A_1597, %mul3A_1596 : i32
        %add3A_1599 = arith.constant 1 : i32
        %add3A_1600 = arith.addi %add3A_1598, %add3A_1599 : i32
        %get3A_1601 = arith.index_cast %add3A_1600 : i32 to index
        %get3A_1602 = arith.constant 16 : index
        %get3A_1603 = tpu.vector_load %arg7[%get3A_1601, %get3A_1602] {strides = array<i32>} : memref<400x128xf32, #tpu.memory_space<vmem>>, vector<1x16xf32>,
        %get3A_1604 = vector.shape_cast %get3A_1603 : vector<1x16xf32> to vector<16xf32>
        %add3A_1605 = arith.addf %add3A_1594, %get3A_1604 : vector<16xf32>
        %mul3A_1606 = arith.constant 2 : i32
        %mul3A_1607 = arith.muli %mul3A_1606, %scan3A_1558 : i32
        %add3A_1608 = arith.constant 250 : i32
        %add3A_1609 = arith.addi %add3A_1608, %mul3A_1607 : i32
        %get3A_1610 = arith.index_cast %add3A_1609 : i32 to index
        %get3A_1611 = arith.constant 32 : index
        %get3A_1612 = tpu.vector_load %arg7[%get3A_1610, %get3A_1611] {strides = array<i32>} : memref<400x128xf32, #tpu.memory_space<vmem>>, vector<1x16xf32>,
        %get3A_1613 = vector.shape_cast %get3A_1612 : vector<1x16xf32> to vector<16xf32>
        %add3A_1614 = arith.addf %scan3A_1561, %get3A_1613 : vector<16xf32>
        %mul3A_1615 = arith.constant 2 : i32
        %mul3A_1616 = arith.muli %mul3A_1615, %scan3A_1558 : i32
        %add3A_1617 = arith.constant 250 : i32
        %add3A_1618 = arith.addi %add3A_1617, %mul3A_1616 : i32
        %add3A_1619 = arith.constant 1 : i32
        %add3A_1620 = arith.addi %add3A_1618, %add3A_1619 : i32
        %get3A_1621 = arith.index_cast %add3A_1620 : i32 to index
        %get3A_1622 = arith.constant 32 : index
        %get3A_1623 = tpu.vector_load %arg7[%get3A_1621, %get3A_1622] {strides = array<i32>} : memref<400x128xf32, #tpu.memory_space<vmem>>, vector<1x16xf32>,
        %get3A_1624 = vector.shape_cast %get3A_1623 : vector<1x16xf32> to vector<16xf32>
        %add3A_1625 = arith.addf %add3A_1614, %get3A_1624 : vector<16xf32>
        %mul3A_1626 = arith.constant 2 : i32
        %mul3A_1627 = arith.muli %mul3A_1626, %scan3A_1558 : i32
        %add3A_1628 = arith.constant 250 : i32
        %add3A_1629 = arith.addi %add3A_1628, %mul3A_1627 : i32
        %get3A_1630 = arith.index_cast %add3A_1629 : i32 to index
        %get3A_1631 = arith.constant 48 : index
        %get3A_1632 = tpu.vector_load %arg7[%get3A_1630, %get3A_1631] {strides = array<i32>} : memref<400x128xf32, #tpu.memory_space<vmem>>, vector<1x16xf32>,
        %get3A_1633 = vector.shape_cast %get3A_1632 : vector<1x16xf32> to vector<16xf32>
        %add3A_1634 = arith.addf %scan3A_1562, %get3A_1633 : vector<16xf32>
        %mul3A_1635 = arith.constant 2 : i32
        %mul3A_1636 = arith.muli %mul3A_1635, %scan3A_1558 : i32
        %add3A_1637 = arith.constant 250 : i32
        %add3A_1638 = arith.addi %add3A_1637, %mul3A_1636 : i32
        %add3A_1639 = arith.constant 1 : i32
        %add3A_1640 = arith.addi %add3A_1638, %add3A_1639 : i32
        %get3A_1641 = arith.index_cast %add3A_1640 : i32 to index
        %get3A_1642 = arith.constant 48 : index
        %get3A_1643 = tpu.vector_load %arg7[%get3A_1641, %get3A_1642] {strides = array<i32>} : memref<400x128xf32, #tpu.memory_space<vmem>>, vector<1x16xf32>,
        %get3A_1644 = vector.shape_cast %get3A_1643 : vector<1x16xf32> to vector<16xf32>
        %add3A_1645 = arith.addf %add3A_1634, %get3A_1644 : vector<16xf32>
        %mul3A_1646 = arith.constant 2 : i32
        %mul3A_1647 = arith.muli %mul3A_1646, %scan3A_1558 : i32
        %add3A_1648 = arith.constant 250 : i32
        %add3A_1649 = arith.addi %add3A_1648, %mul3A_1647 : i32
        %get3A_1650 = arith.index_cast %add3A_1649 : i32 to index
        %get3A_1651 = arith.constant 64 : index
        %get3A_1652 = tpu.vector_load %arg7[%get3A_1650, %get3A_1651] {strides = array<i32>} : memref<400x128xf32, #tpu.memory_space<vmem>>, vector<1x16xf32>,
        %get3A_1653 = vector.shape_cast %get3A_1652 : vector<1x16xf32> to vector<16xf32>
        %add3A_1654 = arith.addf %scan3A_1563, %get3A_1653 : vector<16xf32>
        %mul3A_1655 = arith.constant 2 : i32
        %mul3A_1656 = arith.muli %mul3A_1655, %scan3A_1558 : i32
        %add3A_1657 = arith.constant 250 : i32
        %add3A_1658 = arith.addi %add3A_1657, %mul3A_1656 : i32
        %add3A_1659 = arith.constant 1 : i32
        %add3A_1660 = arith.addi %add3A_1658, %add3A_1659 : i32
        %get3A_1661 = arith.index_cast %add3A_1660 : i32 to index
        %get3A_1662 = arith.constant 64 : index
        %get3A_1663 = tpu.vector_load %arg7[%get3A_1661, %get3A_1662] {strides = array<i32>} : memref<400x128xf32, #tpu.memory_space<vmem>>, vector<1x16xf32>,
        %get3A_1664 = vector.shape_cast %get3A_1663 : vector<1x16xf32> to vector<16xf32>
        %add3A_1665 = arith.addf %add3A_1654, %get3A_1664 : vector<16xf32>
        %mul3A_1666 = arith.constant 2 : i32
        %mul3A_1667 = arith.muli %mul3A_1666, %scan3A_1558 : i32
        %add3A_1668 = arith.constant 250 : i32
        %add3A_1669 = arith.addi %add3A_1668, %mul3A_1667 : i32
        %get3A_1670 = arith.index_cast %add3A_1669 : i32 to index
        %get3A_1671 = arith.constant 80 : index
        %get3A_1672 = tpu.vector_load %arg7[%get3A_1670, %get3A_1671] {strides = array<i32>} : memref<400x128xf32, #tpu.memory_space<vmem>>, vector<1x16xf32>,
        %get3A_1673 = vector.shape_cast %get3A_1672 : vector<1x16xf32> to vector<16xf32>
        %add3A_1674 = arith.addf %scan3A_1564, %get3A_1673 : vector<16xf32>
        %mul3A_1675 = arith.constant 2 : i32
        %mul3A_1676 = arith.muli %mul3A_1675, %scan3A_1558 : i32
        %add3A_1677 = arith.constant 250 : i32
        %add3A_1678 = arith.addi %add3A_1677, %mul3A_1676 : i32
        %add3A_1679 = arith.constant 1 : i32
        %add3A_1680 = arith.addi %add3A_1678, %add3A_1679 : i32
        %get3A_1681 = arith.index_cast %add3A_1680 : i32 to index
        %get3A_1682 = arith.constant 80 : index
        %get3A_1683 = tpu.vector_load %arg7[%get3A_1681, %get3A_1682] {strides = array<i32>} : memref<400x128xf32, #tpu.memory_space<vmem>>, vector<1x16xf32>,
        %get3A_1684 = vector.shape_cast %get3A_1683 : vector<1x16xf32> to vector<16xf32>
        %add3A_1685 = arith.addf %add3A_1674, %get3A_1684 : vector<16xf32>
        %mul3A_1686 = arith.constant 2 : i32
        %mul3A_1687 = arith.muli %mul3A_1686, %scan3A_1558 : i32
        %add3A_1688 = arith.constant 250 : i32
        %add3A_1689 = arith.addi %add3A_1688, %mul3A_1687 : i32
        %get3A_1690 = arith.index_cast %add3A_1689 : i32 to index
        %get3A_1691 = arith.constant 96 : index
        %get3A_1692 = tpu.vector_load %arg7[%get3A_1690, %get3A_1691] {strides = array<i32>} : memref<400x128xf32, #tpu.memory_space<vmem>>, vector<1x16xf32>,
        %get3A_1693 = vector.shape_cast %get3A_1692 : vector<1x16xf32> to vector<16xf32>
        %add3A_1694 = arith.addf %scan3A_1565, %get3A_1693 : vector<16xf32>
        %mul3A_1695 = arith.constant 2 : i32
        %mul3A_1696 = arith.muli %mul3A_1695, %scan3A_1558 : i32
        %add3A_1697 = arith.constant 250 : i32
        %add3A_1698 = arith.addi %add3A_1697, %mul3A_1696 : i32
        %add3A_1699 = arith.constant 1 : i32
        %add3A_1700 = arith.addi %add3A_1698, %add3A_1699 : i32
        %get3A_1701 = arith.index_cast %add3A_1700 : i32 to index
        %get3A_1702 = arith.constant 96 : index
        %get3A_1703 = tpu.vector_load %arg7[%get3A_1701, %get3A_1702] {strides = array<i32>} : memref<400x128xf32, #tpu.memory_space<vmem>>, vector<1x16xf32>,
        %get3A_1704 = vector.shape_cast %get3A_1703 : vector<1x16xf32> to vector<16xf32>
        %add3A_1705 = arith.addf %add3A_1694, %get3A_1704 : vector<16xf32>
        %mul3A_1706 = arith.constant 2 : i32
        %mul3A_1707 = arith.muli %mul3A_1706, %scan3A_1558 : i32
        %add3A_1708 = arith.constant 250 : i32
        %add3A_1709 = arith.addi %add3A_1708, %mul3A_1707 : i32
        %get3A_1710 = arith.index_cast %add3A_1709 : i32 to index
        %get3A_1711 = arith.constant 112 : index
        %get3A_1712 = tpu.vector_load %arg7[%get3A_1710, %get3A_1711] {strides = array<i32>} : memref<400x128xf32, #tpu.memory_space<vmem>>, vector<1x16xf32>,
        %get3A_1713 = vector.shape_cast %get3A_1712 : vector<1x16xf32> to vector<16xf32>
        %add3A_1714 = arith.addf %scan3A_1566, %get3A_1713 : vector<16xf32>
        %mul3A_1715 = arith.constant 2 : i32
        %mul3A_1716 = arith.muli %mul3A_1715, %scan3A_1558 : i32
        %add3A_1717 = arith.constant 250 : i32
        %add3A_1718 = arith.addi %add3A_1717, %mul3A_1716 : i32
        %add3A_1719 = arith.constant 1 : i32
        %add3A_1720 = arith.addi %add3A_1718, %add3A_1719 : i32
        %get3A_1721 = arith.index_cast %add3A_1720 : i32 to index
        %get3A_1722 = arith.constant 112 : index
        %get3A_1723 = tpu.vector_load %arg7[%get3A_1721, %get3A_1722] {strides = array<i32>} : memref<400x128xf32, #tpu.memory_space<vmem>>, vector<1x16xf32>,
        %get3A_1724 = vector.shape_cast %get3A_1723 : vector<1x16xf32> to vector<16xf32>
        %add3A_1725 = arith.addf %add3A_1714, %get3A_1724 : vector<16xf32>
        scf.yield %add3A_1585, %add3A_1605, %add3A_1625, %add3A_1645, %add3A_1665, %add3A_1685, %add3A_1705, %add3A_1725 : vector<16xf32>, vector<16xf32>, vector<16xf32>, vector<16xf32>, vector<16xf32>, vector<16xf32>, vector<16xf32>, vector<16xf32>
      }
      %scan3A_1297 = arith.constant 25 : i32
      %mul3A_1298 = arith.constant 2.000000e-02 : f32
      %mul3A_1299 = vector.broadcast %mul3A_1298 : f32 to vector<16xf32>
      %mul3A_1300 = arith.mulf %scan3A_1296#0, %mul3A_1299 : vector<16xf32>
      %swap3A_1301 = arith.constant 5 : i32
      %swap3A_1302 = arith.index_cast %swap3A_1301 : i32 to index
      %swap3A_1303 = arith.constant 0 : index
      %swap3A_1304 = tpu.vector_load %arg8[%swap3A_1302, %swap3A_1303] {strides = array<i32>} : memref<8x128xf32, #tpu.memory_space<vmem>>, vector<1x16xf32>,
      %swap3A_1305 = vector.shape_cast %swap3A_1304 : vector<1x16xf32> to vector<16xf32>
      %swap3A_1306 = vector.shape_cast %mul3A_1300 : vector<16xf32> to vector<1x16xf32>
      tpu.vector_store %arg8[%swap3A_1302, %swap3A_1303], %swap3A_1306 {strides = array<i32>} : memref<8x128xf32, #tpu.memory_space<vmem>>, vector<1x16xf32>,
      %mul3A_1307 = arith.constant 2.000000e-02 : f32
      %mul3A_1308 = vector.broadcast %mul3A_1307 : f32 to vector<16xf32>
      %mul3A_1309 = arith.mulf %scan3A_1296#1, %mul3A_1308 : vector<16xf32>
      %swap3A_1310 = arith.constant 5 : i32
      %swap3A_1311 = arith.index_cast %swap3A_1310 : i32 to index
      %swap3A_1312 = arith.constant 16 : index
      %swap3A_1313 = tpu.vector_load %arg8[%swap3A_1311, %swap3A_1312] {strides = array<i32>} : memref<8x128xf32, #tpu.memory_space<vmem>>, vector<1x16xf32>,
      %swap3A_1314 = vector.shape_cast %swap3A_1313 : vector<1x16xf32> to vector<16xf32>
      %swap3A_1315 = vector.shape_cast %mul3A_1309 : vector<16xf32> to vector<1x16xf32>
      tpu.vector_store %arg8[%swap3A_1311, %swap3A_1312], %swap3A_1315 {strides = array<i32>} : memref<8x128xf32, #tpu.memory_space<vmem>>, vector<1x16xf32>,
      %mul3A_1316 = arith.constant 2.000000e-02 : f32
      %mul3A_1317 = vector.broadcast %mul3A_1316 : f32 to vector<16xf32>
      %mul3A_1318 = arith.mulf %scan3A_1296#2, %mul3A_1317 : vector<16xf32>
      %swap3A_1319 = arith.constant 5 : i32
      %swap3A_1320 = arith.index_cast %swap3A_1319 : i32 to index
      %swap3A_1321 = arith.constant 32 : index
      %swap3A_1322 = tpu.vector_load %arg8[%swap3A_1320, %swap3A_1321] {strides = array<i32>} : memref<8x128xf32, #tpu.memory_space<vmem>>, vector<1x16xf32>,
      %swap3A_1323 = vector.shape_cast %swap3A_1322 : vector<1x16xf32> to vector<16xf32>
      %swap3A_1324 = vector.shape_cast %mul3A_1318 : vector<16xf32> to vector<1x16xf32>
      tpu.vector_store %arg8[%swap3A_1320, %swap3A_1321], %swap3A_1324 {strides = array<i32>} : memref<8x128xf32, #tpu.memory_space<vmem>>, vector<1x16xf32>,
      %mul3A_1325 = arith.constant 2.000000e-02 : f32
      %mul3A_1326 = vector.broadcast %mul3A_1325 : f32 to vector<16xf32>
      %mul3A_1327 = arith.mulf %scan3A_1296#3, %mul3A_1326 : vector<16xf32>
      %swap3A_1328 = arith.constant 5 : i32
      %swap3A_1329 = arith.index_cast %swap3A_1328 : i32 to index
      %swap3A_1330 = arith.constant 48 : index
      %swap3A_1331 = tpu.vector_load %arg8[%swap3A_1329, %swap3A_1330] {strides = array<i32>} : memref<8x128xf32, #tpu.memory_space<vmem>>, vector<1x16xf32>,
      %swap3A_1332 = vector.shape_cast %swap3A_1331 : vector<1x16xf32> to vector<16xf32>
      %swap3A_1333 = vector.shape_cast %mul3A_1327 : vector<16xf32> to vector<1x16xf32>
      tpu.vector_store %arg8[%swap3A_1329, %swap3A_1330], %swap3A_1333 {strides = array<i32>} : memref<8x128xf32, #tpu.memory_space<vmem>>, vector<1x16xf32>,
      %mul3A_1334 = arith.constant 2.000000e-02 : f32
      %mul3A_1335 = vector.broadcast %mul3A_1334 : f32 to vector<16xf32>
      %mul3A_1336 = arith.mulf %scan3A_1296#4, %mul3A_1335 : vector<16xf32>
      %swap3A_1337 = arith.constant 5 : i32
      %swap3A_1338 = arith.index_cast %swap3A_1337 : i32 to index
      %swap3A_1339 = arith.constant 64 : index
      %swap3A_1340 = tpu.vector_load %arg8[%swap3A_1338, %swap3A_1339] {strides = array<i32>} : memref<8x128xf32, #tpu.memory_space<vmem>>, vector<1x16xf32>,
      %swap3A_1341 = vector.shape_cast %swap3A_1340 : vector<1x16xf32> to vector<16xf32>
      %swap3A_1342 = vector.shape_cast %mul3A_1336 : vector<16xf32> to vector<1x16xf32>
      tpu.vector_store %arg8[%swap3A_1338, %swap3A_1339], %swap3A_1342 {strides = array<i32>} : memref<8x128xf32, #tpu.memory_space<vmem>>, vector<1x16xf32>,
      %mul3A_1343 = arith.constant 2.000000e-02 : f32
      %mul3A_1344 = vector.broadcast %mul3A_1343 : f32 to vector<16xf32>
      %mul3A_1345 = arith.mulf %scan3A_1296#5, %mul3A_1344 : vector<16xf32>
      %swap3A_1346 = arith.constant 5 : i32
      %swap3A_1347 = arith.index_cast %swap3A_1346 : i32 to index
      %swap3A_1348 = arith.constant 80 : index
      %swap3A_1349 = tpu.vector_load %arg8[%swap3A_1347, %swap3A_1348] {strides = array<i32>} : memref<8x128xf32, #tpu.memory_space<vmem>>, vector<1x16xf32>,
      %swap3A_1350 = vector.shape_cast %swap3A_1349 : vector<1x16xf32> to vector<16xf32>
      %swap3A_1351 = vector.shape_cast %mul3A_1345 : vector<16xf32> to vector<1x16xf32>
      tpu.vector_store %arg8[%swap3A_1347, %swap3A_1348], %swap3A_1351 {strides = array<i32>} : memref<8x128xf32, #tpu.memory_space<vmem>>, vector<1x16xf32>,
      %mul3A_1352 = arith.constant 2.000000e-02 : f32
      %mul3A_1353 = vector.broadcast %mul3A_1352 : f32 to vector<16xf32>
      %mul3A_1354 = arith.mulf %scan3A_1296#6, %mul3A_1353 : vector<16xf32>
      %swap3A_1355 = arith.constant 5 : i32
      %swap3A_1356 = arith.index_cast %swap3A_1355 : i32 to index
      %swap3A_1357 = arith.constant 96 : index
      %swap3A_1358 = tpu.vector_load %arg8[%swap3A_1356, %swap3A_1357] {strides = array<i32>} : memref<8x128xf32, #tpu.memory_space<vmem>>, vector<1x16xf32>,
      %swap3A_1359 = vector.shape_cast %swap3A_1358 : vector<1x16xf32> to vector<16xf32>
      %swap3A_1360 = vector.shape_cast %mul3A_1354 : vector<16xf32> to vector<1x16xf32>
      tpu.vector_store %arg8[%swap3A_1356, %swap3A_1357], %swap3A_1360 {strides = array<i32>} : memref<8x128xf32, #tpu.memory_space<vmem>>, vector<1x16xf32>,
      %mul3A_1361 = arith.constant 2.000000e-02 : f32
      %mul3A_1362 = vector.broadcast %mul3A_1361 : f32 to vector<16xf32>
      %mul3A_1363 = arith.mulf %scan3A_1296#7, %mul3A_1362 : vector<16xf32>
      %swap3A_1364 = arith.constant 5 : i32
      %swap3A_1365 = arith.index_cast %swap3A_1364 : i32 to index
      %swap3A_1366 = arith.constant 112 : index
      %swap3A_1367 = tpu.vector_load %arg8[%swap3A_1365, %swap3A_1366] {strides = array<i32>} : memref<8x128xf32, #tpu.memory_space<vmem>>, vector<1x16xf32>,
      %swap3A_1368 = vector.shape_cast %swap3A_1367 : vector<1x16xf32> to vector<16xf32>
      %swap3A_1369 = vector.shape_cast %mul3A_1363 : vector<16xf32> to vector<1x16xf32>
      tpu.vector_store %arg8[%swap3A_1365, %swap3A_1366], %swap3A_1369 {strides = array<i32>} : memref<8x128xf32, #tpu.memory_space<vmem>>, vector<1x16xf32>,
      %broadcast_in_dim3A_1370 = arith.constant 0.000000e+00 : f32
      %broadcast_in_dim3A_1371 = vector.broadcast %broadcast_in_dim3A_1370 : f32 to vector<16xf32>
      %broadcast_in_dim3A_1372 = arith.constant 0.000000e+00 : f32
      %broadcast_in_dim3A_1373 = vector.broadcast %broadcast_in_dim3A_1372 : f32 to vector<16xf32>
      %broadcast_in_dim3A_1374 = arith.constant 0.000000e+00 : f32
      %broadcast_in_dim3A_1375 = vector.broadcast %broadcast_in_dim3A_1374 : f32 to vector<16xf32>
      %broadcast_in_dim3A_1376 = arith.constant 0.000000e+00 : f32
      %broadcast_in_dim3A_1377 = vector.broadcast %broadcast_in_dim3A_1376 : f32 to vector<16xf32>
      %broadcast_in_dim3A_1378 = arith.constant 0.000000e+00 : f32
      %broadcast_in_dim3A_1379 = vector.broadcast %broadcast_in_dim3A_1378 : f32 to vector<16xf32>
      %broadcast_in_dim3A_1380 = arith.constant 0.000000e+00 : f32
      %broadcast_in_dim3A_1381 = vector.broadcast %broadcast_in_dim3A_1380 : f32 to vector<16xf32>
      %broadcast_in_dim3A_1382 = arith.constant 0.000000e+00 : f32
      %broadcast_in_dim3A_1383 = vector.broadcast %broadcast_in_dim3A_1382 : f32 to vector<16xf32>
      %broadcast_in_dim3A_1384 = arith.constant 0.000000e+00 : f32
      %broadcast_in_dim3A_1385 = vector.broadcast %broadcast_in_dim3A_1384 : f32 to vector<16xf32>
      %scan3A_1386 = arith.constant 0 : i32
      %scan3A_1387 = arith.constant 25 : i32
      %scan3A_1388 = arith.addi %scan3A_1386, %scan3A_1387 : i32
      %scan3A_1389 = arith.constant 1 : i32
      %scan3A_1390:8 = scf.for %scan3A_1558 = %scan3A_1386 to %scan3A_1388 step %scan3A_1389 iter_args(%scan3A_1559 = %broadcast_in_dim3A_1371, %scan3A_1560 = %broadcast_in_dim3A_1373, %scan3A_1561 = %broadcast_in_dim3A_1375, %scan3A_1562 = %broadcast_in_dim3A_1377, %scan3A_1563 = %broadcast_in_dim3A_1379, %scan3A_1564 = %broadcast_in_dim3A_1381, %scan3A_1565 = %broadcast_in_dim3A_1383, %scan3A_1566 = %broadcast_in_dim3A_1385) -> (vector<16xf32>, vector<16xf32>, vector<16xf32>, vector<16xf32>, vector<16xf32>, vector<16xf32>, vector<16xf32>, vector<16xf32>)  : i32 {
        %mul3A_1567 = arith.constant 2 : i32
        %mul3A_1568 = arith.muli %mul3A_1567, %scan3A_1558 : i32
        %add3A_1569 = arith.constant 300 : i32
        %add3A_1570 = arith.addi %add3A_1569, %mul3A_1568 : i32
        %get3A = arith.index_cast %add3A_1570 : i32 to index
        %get3A_1571 = arith.constant 0 : index
        %get3A_1572 = tpu.vector_load %arg7[%get3A, %get3A_1571] {strides = array<i32>} : memref<400x128xf32, #tpu.memory_space<vmem>>, vector<1x16xf32>,
        %get3A_1573 = vector.shape_cast %get3A_1572 : vector<1x16xf32> to vector<16xf32>
        %add3A_1574 = arith.addf %scan3A_1559, %get3A_1573 : vector<16xf32>
        %mul3A_1575 = arith.constant 2 : i32
        %mul3A_1576 = arith.muli %mul3A_1575, %scan3A_1558 : i32
        %add3A_1577 = arith.constant 300 : i32
        %add3A_1578 = arith.addi %add3A_1577, %mul3A_1576 : i32
        %add3A_1579 = arith.constant 1 : i32
        %add3A_1580 = arith.addi %add3A_1578, %add3A_1579 : i32
        %get3A_1581 = arith.index_cast %add3A_1580 : i32 to index
        %get3A_1582 = arith.constant 0 : index
        %get3A_1583 = tpu.vector_load %arg7[%get3A_1581, %get3A_1582] {strides = array<i32>} : memref<400x128xf32, #tpu.memory_space<vmem>>, vector<1x16xf32>,
        %get3A_1584 = vector.shape_cast %get3A_1583 : vector<1x16xf32> to vector<16xf32>
        %add3A_1585 = arith.addf %add3A_1574, %get3A_1584 : vector<16xf32>
        %mul3A_1586 = arith.constant 2 : i32
        %mul3A_1587 = arith.muli %mul3A_1586, %scan3A_1558 : i32
        %add3A_1588 = arith.constant 300 : i32
        %add3A_1589 = arith.addi %add3A_1588, %mul3A_1587 : i32
        %get3A_1590 = arith.index_cast %add3A_1589 : i32 to index
        %get3A_1591 = arith.constant 16 : index
        %get3A_1592 = tpu.vector_load %arg7[%get3A_1590, %get3A_1591] {strides = array<i32>} : memref<400x128xf32, #tpu.memory_space<vmem>>, vector<1x16xf32>,
        %get3A_1593 = vector.shape_cast %get3A_1592 : vector<1x16xf32> to vector<16xf32>
        %add3A_1594 = arith.addf %scan3A_1560, %get3A_1593 : vector<16xf32>
        %mul3A_1595 = arith.constant 2 : i32
        %mul3A_1596 = arith.muli %mul3A_1595, %scan3A_1558 : i32
        %add3A_1597 = arith.constant 300 : i32
        %add3A_1598 = arith.addi %add3A_1597, %mul3A_1596 : i32
        %add3A_1599 = arith.constant 1 : i32
        %add3A_1600 = arith.addi %add3A_1598, %add3A_1599 : i32
        %get3A_1601 = arith.index_cast %add3A_1600 : i32 to index
        %get3A_1602 = arith.constant 16 : index
        %get3A_1603 = tpu.vector_load %arg7[%get3A_1601, %get3A_1602] {strides = array<i32>} : memref<400x128xf32, #tpu.memory_space<vmem>>, vector<1x16xf32>,
        %get3A_1604 = vector.shape_cast %get3A_1603 : vector<1x16xf32> to vector<16xf32>
        %add3A_1605 = arith.addf %add3A_1594, %get3A_1604 : vector<16xf32>
        %mul3A_1606 = arith.constant 2 : i32
        %mul3A_1607 = arith.muli %mul3A_1606, %scan3A_1558 : i32
        %add3A_1608 = arith.constant 300 : i32
        %add3A_1609 = arith.addi %add3A_1608, %mul3A_1607 : i32
        %get3A_1610 = arith.index_cast %add3A_1609 : i32 to index
        %get3A_1611 = arith.constant 32 : index
        %get3A_1612 = tpu.vector_load %arg7[%get3A_1610, %get3A_1611] {strides = array<i32>} : memref<400x128xf32, #tpu.memory_space<vmem>>, vector<1x16xf32>,
        %get3A_1613 = vector.shape_cast %get3A_1612 : vector<1x16xf32> to vector<16xf32>
        %add3A_1614 = arith.addf %scan3A_1561, %get3A_1613 : vector<16xf32>
        %mul3A_1615 = arith.constant 2 : i32
        %mul3A_1616 = arith.muli %mul3A_1615, %scan3A_1558 : i32
        %add3A_1617 = arith.constant 300 : i32
        %add3A_1618 = arith.addi %add3A_1617, %mul3A_1616 : i32
        %add3A_1619 = arith.constant 1 : i32
        %add3A_1620 = arith.addi %add3A_1618, %add3A_1619 : i32
        %get3A_1621 = arith.index_cast %add3A_1620 : i32 to index
        %get3A_1622 = arith.constant 32 : index
        %get3A_1623 = tpu.vector_load %arg7[%get3A_1621, %get3A_1622] {strides = array<i32>} : memref<400x128xf32, #tpu.memory_space<vmem>>, vector<1x16xf32>,
        %get3A_1624 = vector.shape_cast %get3A_1623 : vector<1x16xf32> to vector<16xf32>
        %add3A_1625 = arith.addf %add3A_1614, %get3A_1624 : vector<16xf32>
        %mul3A_1626 = arith.constant 2 : i32
        %mul3A_1627 = arith.muli %mul3A_1626, %scan3A_1558 : i32
        %add3A_1628 = arith.constant 300 : i32
        %add3A_1629 = arith.addi %add3A_1628, %mul3A_1627 : i32
        %get3A_1630 = arith.index_cast %add3A_1629 : i32 to index
        %get3A_1631 = arith.constant 48 : index
        %get3A_1632 = tpu.vector_load %arg7[%get3A_1630, %get3A_1631] {strides = array<i32>} : memref<400x128xf32, #tpu.memory_space<vmem>>, vector<1x16xf32>,
        %get3A_1633 = vector.shape_cast %get3A_1632 : vector<1x16xf32> to vector<16xf32>
        %add3A_1634 = arith.addf %scan3A_1562, %get3A_1633 : vector<16xf32>
        %mul3A_1635 = arith.constant 2 : i32
        %mul3A_1636 = arith.muli %mul3A_1635, %scan3A_1558 : i32
        %add3A_1637 = arith.constant 300 : i32
        %add3A_1638 = arith.addi %add3A_1637, %mul3A_1636 : i32
        %add3A_1639 = arith.constant 1 : i32
        %add3A_1640 = arith.addi %add3A_1638, %add3A_1639 : i32
        %get3A_1641 = arith.index_cast %add3A_1640 : i32 to index
        %get3A_1642 = arith.constant 48 : index
        %get3A_1643 = tpu.vector_load %arg7[%get3A_1641, %get3A_1642] {strides = array<i32>} : memref<400x128xf32, #tpu.memory_space<vmem>>, vector<1x16xf32>,
        %get3A_1644 = vector.shape_cast %get3A_1643 : vector<1x16xf32> to vector<16xf32>
        %add3A_1645 = arith.addf %add3A_1634, %get3A_1644 : vector<16xf32>
        %mul3A_1646 = arith.constant 2 : i32
        %mul3A_1647 = arith.muli %mul3A_1646, %scan3A_1558 : i32
        %add3A_1648 = arith.constant 300 : i32
        %add3A_1649 = arith.addi %add3A_1648, %mul3A_1647 : i32
        %get3A_1650 = arith.index_cast %add3A_1649 : i32 to index
        %get3A_1651 = arith.constant 64 : index
        %get3A_1652 = tpu.vector_load %arg7[%get3A_1650, %get3A_1651] {strides = array<i32>} : memref<400x128xf32, #tpu.memory_space<vmem>>, vector<1x16xf32>,
        %get3A_1653 = vector.shape_cast %get3A_1652 : vector<1x16xf32> to vector<16xf32>
        %add3A_1654 = arith.addf %scan3A_1563, %get3A_1653 : vector<16xf32>
        %mul3A_1655 = arith.constant 2 : i32
        %mul3A_1656 = arith.muli %mul3A_1655, %scan3A_1558 : i32
        %add3A_1657 = arith.constant 300 : i32
        %add3A_1658 = arith.addi %add3A_1657, %mul3A_1656 : i32
        %add3A_1659 = arith.constant 1 : i32
        %add3A_1660 = arith.addi %add3A_1658, %add3A_1659 : i32
        %get3A_1661 = arith.index_cast %add3A_1660 : i32 to index
        %get3A_1662 = arith.constant 64 : index
        %get3A_1663 = tpu.vector_load %arg7[%get3A_1661, %get3A_1662] {strides = array<i32>} : memref<400x128xf32, #tpu.memory_space<vmem>>, vector<1x16xf32>,
        %get3A_1664 = vector.shape_cast %get3A_1663 : vector<1x16xf32> to vector<16xf32>
        %add3A_1665 = arith.addf %add3A_1654, %get3A_1664 : vector<16xf32>
        %mul3A_1666 = arith.constant 2 : i32
        %mul3A_1667 = arith.muli %mul3A_1666, %scan3A_1558 : i32
        %add3A_1668 = arith.constant 300 : i32
        %add3A_1669 = arith.addi %add3A_1668, %mul3A_1667 : i32
        %get3A_1670 = arith.index_cast %add3A_1669 : i32 to index
        %get3A_1671 = arith.constant 80 : index
        %get3A_1672 = tpu.vector_load %arg7[%get3A_1670, %get3A_1671] {strides = array<i32>} : memref<400x128xf32, #tpu.memory_space<vmem>>, vector<1x16xf32>,
        %get3A_1673 = vector.shape_cast %get3A_1672 : vector<1x16xf32> to vector<16xf32>
        %add3A_1674 = arith.addf %scan3A_1564, %get3A_1673 : vector<16xf32>
        %mul3A_1675 = arith.constant 2 : i32
        %mul3A_1676 = arith.muli %mul3A_1675, %scan3A_1558 : i32
        %add3A_1677 = arith.constant 300 : i32
        %add3A_1678 = arith.addi %add3A_1677, %mul3A_1676 : i32
        %add3A_1679 = arith.constant 1 : i32
        %add3A_1680 = arith.addi %add3A_1678, %add3A_1679 : i32
        %get3A_1681 = arith.index_cast %add3A_1680 : i32 to index
        %get3A_1682 = arith.constant 80 : index
        %get3A_1683 = tpu.vector_load %arg7[%get3A_1681, %get3A_1682] {strides = array<i32>} : memref<400x128xf32, #tpu.memory_space<vmem>>, vector<1x16xf32>,
        %get3A_1684 = vector.shape_cast %get3A_1683 : vector<1x16xf32> to vector<16xf32>
        %add3A_1685 = arith.addf %add3A_1674, %get3A_1684 : vector<16xf32>
        %mul3A_1686 = arith.constant 2 : i32
        %mul3A_1687 = arith.muli %mul3A_1686, %scan3A_1558 : i32
        %add3A_1688 = arith.constant 300 : i32
        %add3A_1689 = arith.addi %add3A_1688, %mul3A_1687 : i32
        %get3A_1690 = arith.index_cast %add3A_1689 : i32 to index
        %get3A_1691 = arith.constant 96 : index
        %get3A_1692 = tpu.vector_load %arg7[%get3A_1690, %get3A_1691] {strides = array<i32>} : memref<400x128xf32, #tpu.memory_space<vmem>>, vector<1x16xf32>,
        %get3A_1693 = vector.shape_cast %get3A_1692 : vector<1x16xf32> to vector<16xf32>
        %add3A_1694 = arith.addf %scan3A_1565, %get3A_1693 : vector<16xf32>
        %mul3A_1695 = arith.constant 2 : i32
        %mul3A_1696 = arith.muli %mul3A_1695, %scan3A_1558 : i32
        %add3A_1697 = arith.constant 300 : i32
        %add3A_1698 = arith.addi %add3A_1697, %mul3A_1696 : i32
        %add3A_1699 = arith.constant 1 : i32
        %add3A_1700 = arith.addi %add3A_1698, %add3A_1699 : i32
        %get3A_1701 = arith.index_cast %add3A_1700 : i32 to index
        %get3A_1702 = arith.constant 96 : index
        %get3A_1703 = tpu.vector_load %arg7[%get3A_1701, %get3A_1702] {strides = array<i32>} : memref<400x128xf32, #tpu.memory_space<vmem>>, vector<1x16xf32>,
        %get3A_1704 = vector.shape_cast %get3A_1703 : vector<1x16xf32> to vector<16xf32>
        %add3A_1705 = arith.addf %add3A_1694, %get3A_1704 : vector<16xf32>
        %mul3A_1706 = arith.constant 2 : i32
        %mul3A_1707 = arith.muli %mul3A_1706, %scan3A_1558 : i32
        %add3A_1708 = arith.constant 300 : i32
        %add3A_1709 = arith.addi %add3A_1708, %mul3A_1707 : i32
        %get3A_1710 = arith.index_cast %add3A_1709 : i32 to index
        %get3A_1711 = arith.constant 112 : index
        %get3A_1712 = tpu.vector_load %arg7[%get3A_1710, %get3A_1711] {strides = array<i32>} : memref<400x128xf32, #tpu.memory_space<vmem>>, vector<1x16xf32>,
        %get3A_1713 = vector.shape_cast %get3A_1712 : vector<1x16xf32> to vector<16xf32>
        %add3A_1714 = arith.addf %scan3A_1566, %get3A_1713 : vector<16xf32>
        %mul3A_1715 = arith.constant 2 : i32
        %mul3A_1716 = arith.muli %mul3A_1715, %scan3A_1558 : i32
        %add3A_1717 = arith.constant 300 : i32
        %add3A_1718 = arith.addi %add3A_1717, %mul3A_1716 : i32
        %add3A_1719 = arith.constant 1 : i32
        %add3A_1720 = arith.addi %add3A_1718, %add3A_1719 : i32
        %get3A_1721 = arith.index_cast %add3A_1720 : i32 to index
        %get3A_1722 = arith.constant 112 : index
        %get3A_1723 = tpu.vector_load %arg7[%get3A_1721, %get3A_1722] {strides = array<i32>} : memref<400x128xf32, #tpu.memory_space<vmem>>, vector<1x16xf32>,
        %get3A_1724 = vector.shape_cast %get3A_1723 : vector<1x16xf32> to vector<16xf32>
        %add3A_1725 = arith.addf %add3A_1714, %get3A_1724 : vector<16xf32>
        scf.yield %add3A_1585, %add3A_1605, %add3A_1625, %add3A_1645, %add3A_1665, %add3A_1685, %add3A_1705, %add3A_1725 : vector<16xf32>, vector<16xf32>, vector<16xf32>, vector<16xf32>, vector<16xf32>, vector<16xf32>, vector<16xf32>, vector<16xf32>
      }
      %scan3A_1391 = arith.constant 25 : i32
      %mul3A_1392 = arith.constant 2.000000e-02 : f32
      %mul3A_1393 = vector.broadcast %mul3A_1392 : f32 to vector<16xf32>
      %mul3A_1394 = arith.mulf %scan3A_1390#0, %mul3A_1393 : vector<16xf32>
      %swap3A_1395 = arith.constant 6 : i32
      %swap3A_1396 = arith.index_cast %swap3A_1395 : i32 to index
      %swap3A_1397 = arith.constant 0 : index
      %swap3A_1398 = tpu.vector_load %arg8[%swap3A_1396, %swap3A_1397] {strides = array<i32>} : memref<8x128xf32, #tpu.memory_space<vmem>>, vector<1x16xf32>,
      %swap3A_1399 = vector.shape_cast %swap3A_1398 : vector<1x16xf32> to vector<16xf32>
      %swap3A_1400 = vector.shape_cast %mul3A_1394 : vector<16xf32> to vector<1x16xf32>
      tpu.vector_store %arg8[%swap3A_1396, %swap3A_1397], %swap3A_1400 {strides = array<i32>} : memref<8x128xf32, #tpu.memory_space<vmem>>, vector<1x16xf32>,
      %mul3A_1401 = arith.constant 2.000000e-02 : f32
      %mul3A_1402 = vector.broadcast %mul3A_1401 : f32 to vector<16xf32>
      %mul3A_1403 = arith.mulf %scan3A_1390#1, %mul3A_1402 : vector<16xf32>
      %swap3A_1404 = arith.constant 6 : i32
      %swap3A_1405 = arith.index_cast %swap3A_1404 : i32 to index
      %swap3A_1406 = arith.constant 16 : index
      %swap3A_1407 = tpu.vector_load %arg8[%swap3A_1405, %swap3A_1406] {strides = array<i32>} : memref<8x128xf32, #tpu.memory_space<vmem>>, vector<1x16xf32>,
      %swap3A_1408 = vector.shape_cast %swap3A_1407 : vector<1x16xf32> to vector<16xf32>
      %swap3A_1409 = vector.shape_cast %mul3A_1403 : vector<16xf32> to vector<1x16xf32>
      tpu.vector_store %arg8[%swap3A_1405, %swap3A_1406], %swap3A_1409 {strides = array<i32>} : memref<8x128xf32, #tpu.memory_space<vmem>>, vector<1x16xf32>,
      %mul3A_1410 = arith.constant 2.000000e-02 : f32
      %mul3A_1411 = vector.broadcast %mul3A_1410 : f32 to vector<16xf32>
      %mul3A_1412 = arith.mulf %scan3A_1390#2, %mul3A_1411 : vector<16xf32>
      %swap3A_1413 = arith.constant 6 : i32
      %swap3A_1414 = arith.index_cast %swap3A_1413 : i32 to index
      %swap3A_1415 = arith.constant 32 : index
      %swap3A_1416 = tpu.vector_load %arg8[%swap3A_1414, %swap3A_1415] {strides = array<i32>} : memref<8x128xf32, #tpu.memory_space<vmem>>, vector<1x16xf32>,
      %swap3A_1417 = vector.shape_cast %swap3A_1416 : vector<1x16xf32> to vector<16xf32>
      %swap3A_1418 = vector.shape_cast %mul3A_1412 : vector<16xf32> to vector<1x16xf32>
      tpu.vector_store %arg8[%swap3A_1414, %swap3A_1415], %swap3A_1418 {strides = array<i32>} : memref<8x128xf32, #tpu.memory_space<vmem>>, vector<1x16xf32>,
      %mul3A_1419 = arith.constant 2.000000e-02 : f32
      %mul3A_1420 = vector.broadcast %mul3A_1419 : f32 to vector<16xf32>
      %mul3A_1421 = arith.mulf %scan3A_1390#3, %mul3A_1420 : vector<16xf32>
      %swap3A_1422 = arith.constant 6 : i32
      %swap3A_1423 = arith.index_cast %swap3A_1422 : i32 to index
      %swap3A_1424 = arith.constant 48 : index
      %swap3A_1425 = tpu.vector_load %arg8[%swap3A_1423, %swap3A_1424] {strides = array<i32>} : memref<8x128xf32, #tpu.memory_space<vmem>>, vector<1x16xf32>,
      %swap3A_1426 = vector.shape_cast %swap3A_1425 : vector<1x16xf32> to vector<16xf32>
      %swap3A_1427 = vector.shape_cast %mul3A_1421 : vector<16xf32> to vector<1x16xf32>
      tpu.vector_store %arg8[%swap3A_1423, %swap3A_1424], %swap3A_1427 {strides = array<i32>} : memref<8x128xf32, #tpu.memory_space<vmem>>, vector<1x16xf32>,
      %mul3A_1428 = arith.constant 2.000000e-02 : f32
      %mul3A_1429 = vector.broadcast %mul3A_1428 : f32 to vector<16xf32>
      %mul3A_1430 = arith.mulf %scan3A_1390#4, %mul3A_1429 : vector<16xf32>
      %swap3A_1431 = arith.constant 6 : i32
      %swap3A_1432 = arith.index_cast %swap3A_1431 : i32 to index
      %swap3A_1433 = arith.constant 64 : index
      %swap3A_1434 = tpu.vector_load %arg8[%swap3A_1432, %swap3A_1433] {strides = array<i32>} : memref<8x128xf32, #tpu.memory_space<vmem>>, vector<1x16xf32>,
      %swap3A_1435 = vector.shape_cast %swap3A_1434 : vector<1x16xf32> to vector<16xf32>
      %swap3A_1436 = vector.shape_cast %mul3A_1430 : vector<16xf32> to vector<1x16xf32>
      tpu.vector_store %arg8[%swap3A_1432, %swap3A_1433], %swap3A_1436 {strides = array<i32>} : memref<8x128xf32, #tpu.memory_space<vmem>>, vector<1x16xf32>,
      %mul3A_1437 = arith.constant 2.000000e-02 : f32
      %mul3A_1438 = vector.broadcast %mul3A_1437 : f32 to vector<16xf32>
      %mul3A_1439 = arith.mulf %scan3A_1390#5, %mul3A_1438 : vector<16xf32>
      %swap3A_1440 = arith.constant 6 : i32
      %swap3A_1441 = arith.index_cast %swap3A_1440 : i32 to index
      %swap3A_1442 = arith.constant 80 : index
      %swap3A_1443 = tpu.vector_load %arg8[%swap3A_1441, %swap3A_1442] {strides = array<i32>} : memref<8x128xf32, #tpu.memory_space<vmem>>, vector<1x16xf32>,
      %swap3A_1444 = vector.shape_cast %swap3A_1443 : vector<1x16xf32> to vector<16xf32>
      %swap3A_1445 = vector.shape_cast %mul3A_1439 : vector<16xf32> to vector<1x16xf32>
      tpu.vector_store %arg8[%swap3A_1441, %swap3A_1442], %swap3A_1445 {strides = array<i32>} : memref<8x128xf32, #tpu.memory_space<vmem>>, vector<1x16xf32>,
      %mul3A_1446 = arith.constant 2.000000e-02 : f32
      %mul3A_1447 = vector.broadcast %mul3A_1446 : f32 to vector<16xf32>
      %mul3A_1448 = arith.mulf %scan3A_1390#6, %mul3A_1447 : vector<16xf32>
      %swap3A_1449 = arith.constant 6 : i32
      %swap3A_1450 = arith.index_cast %swap3A_1449 : i32 to index
      %swap3A_1451 = arith.constant 96 : index
      %swap3A_1452 = tpu.vector_load %arg8[%swap3A_1450, %swap3A_1451] {strides = array<i32>} : memref<8x128xf32, #tpu.memory_space<vmem>>, vector<1x16xf32>,
      %swap3A_1453 = vector.shape_cast %swap3A_1452 : vector<1x16xf32> to vector<16xf32>
      %swap3A_1454 = vector.shape_cast %mul3A_1448 : vector<16xf32> to vector<1x16xf32>
      tpu.vector_store %arg8[%swap3A_1450, %swap3A_1451], %swap3A_1454 {strides = array<i32>} : memref<8x128xf32, #tpu.memory_space<vmem>>, vector<1x16xf32>,
      %mul3A_1455 = arith.constant 2.000000e-02 : f32
      %mul3A_1456 = vector.broadcast %mul3A_1455 : f32 to vector<16xf32>
      %mul3A_1457 = arith.mulf %scan3A_1390#7, %mul3A_1456 : vector<16xf32>
      %swap3A_1458 = arith.constant 6 : i32
      %swap3A_1459 = arith.index_cast %swap3A_1458 : i32 to index
      %swap3A_1460 = arith.constant 112 : index
      %swap3A_1461 = tpu.vector_load %arg8[%swap3A_1459, %swap3A_1460] {strides = array<i32>} : memref<8x128xf32, #tpu.memory_space<vmem>>, vector<1x16xf32>,
      %swap3A_1462 = vector.shape_cast %swap3A_1461 : vector<1x16xf32> to vector<16xf32>
      %swap3A_1463 = vector.shape_cast %mul3A_1457 : vector<16xf32> to vector<1x16xf32>
      tpu.vector_store %arg8[%swap3A_1459, %swap3A_1460], %swap3A_1463 {strides = array<i32>} : memref<8x128xf32, #tpu.memory_space<vmem>>, vector<1x16xf32>,
      %broadcast_in_dim3A_1464 = arith.constant 0.000000e+00 : f32
      %broadcast_in_dim3A_1465 = vector.broadcast %broadcast_in_dim3A_1464 : f32 to vector<16xf32>
      %broadcast_in_dim3A_1466 = arith.constant 0.000000e+00 : f32
      %broadcast_in_dim3A_1467 = vector.broadcast %broadcast_in_dim3A_1466 : f32 to vector<16xf32>
      %broadcast_in_dim3A_1468 = arith.constant 0.000000e+00 : f32
      %broadcast_in_dim3A_1469 = vector.broadcast %broadcast_in_dim3A_1468 : f32 to vector<16xf32>
      %broadcast_in_dim3A_1470 = arith.constant 0.000000e+00 : f32
      %broadcast_in_dim3A_1471 = vector.broadcast %broadcast_in_dim3A_1470 : f32 to vector<16xf32>
      %broadcast_in_dim3A_1472 = arith.constant 0.000000e+00 : f32
      %broadcast_in_dim3A_1473 = vector.broadcast %broadcast_in_dim3A_1472 : f32 to vector<16xf32>
      %broadcast_in_dim3A_1474 = arith.constant 0.000000e+00 : f32
      %broadcast_in_dim3A_1475 = vector.broadcast %broadcast_in_dim3A_1474 : f32 to vector<16xf32>
      %broadcast_in_dim3A_1476 = arith.constant 0.000000e+00 : f32
      %broadcast_in_dim3A_1477 = vector.broadcast %broadcast_in_dim3A_1476 : f32 to vector<16xf32>
      %broadcast_in_dim3A_1478 = arith.constant 0.000000e+00 : f32
      %broadcast_in_dim3A_1479 = vector.broadcast %broadcast_in_dim3A_1478 : f32 to vector<16xf32>
      %scan3A_1480 = arith.constant 0 : i32
      %scan3A_1481 = arith.constant 25 : i32
      %scan3A_1482 = arith.addi %scan3A_1480, %scan3A_1481 : i32
      %scan3A_1483 = arith.constant 1 : i32
      %scan3A_1484:8 = scf.for %scan3A_1558 = %scan3A_1480 to %scan3A_1482 step %scan3A_1483 iter_args(%scan3A_1559 = %broadcast_in_dim3A_1465, %scan3A_1560 = %broadcast_in_dim3A_1467, %scan3A_1561 = %broadcast_in_dim3A_1469, %scan3A_1562 = %broadcast_in_dim3A_1471, %scan3A_1563 = %broadcast_in_dim3A_1473, %scan3A_1564 = %broadcast_in_dim3A_1475, %scan3A_1565 = %broadcast_in_dim3A_1477, %scan3A_1566 = %broadcast_in_dim3A_1479) -> (vector<16xf32>, vector<16xf32>, vector<16xf32>, vector<16xf32>, vector<16xf32>, vector<16xf32>, vector<16xf32>, vector<16xf32>)  : i32 {
        %mul3A_1567 = arith.constant 2 : i32
        %mul3A_1568 = arith.muli %mul3A_1567, %scan3A_1558 : i32
        %add3A_1569 = arith.constant 350 : i32
        %add3A_1570 = arith.addi %add3A_1569, %mul3A_1568 : i32
        %get3A = arith.index_cast %add3A_1570 : i32 to index
        %get3A_1571 = arith.constant 0 : index
        %get3A_1572 = tpu.vector_load %arg7[%get3A, %get3A_1571] {strides = array<i32>} : memref<400x128xf32, #tpu.memory_space<vmem>>, vector<1x16xf32>,
        %get3A_1573 = vector.shape_cast %get3A_1572 : vector<1x16xf32> to vector<16xf32>
        %add3A_1574 = arith.addf %scan3A_1559, %get3A_1573 : vector<16xf32>
        %mul3A_1575 = arith.constant 2 : i32
        %mul3A_1576 = arith.muli %mul3A_1575, %scan3A_1558 : i32
        %add3A_1577 = arith.constant 350 : i32
        %add3A_1578 = arith.addi %add3A_1577, %mul3A_1576 : i32
        %add3A_1579 = arith.constant 1 : i32
        %add3A_1580 = arith.addi %add3A_1578, %add3A_1579 : i32
        %get3A_1581 = arith.index_cast %add3A_1580 : i32 to index
        %get3A_1582 = arith.constant 0 : index
        %get3A_1583 = tpu.vector_load %arg7[%get3A_1581, %get3A_1582] {strides = array<i32>} : memref<400x128xf32, #tpu.memory_space<vmem>>, vector<1x16xf32>,
        %get3A_1584 = vector.shape_cast %get3A_1583 : vector<1x16xf32> to vector<16xf32>
        %add3A_1585 = arith.addf %add3A_1574, %get3A_1584 : vector<16xf32>
        %mul3A_1586 = arith.constant 2 : i32
        %mul3A_1587 = arith.muli %mul3A_1586, %scan3A_1558 : i32
        %add3A_1588 = arith.constant 350 : i32
        %add3A_1589 = arith.addi %add3A_1588, %mul3A_1587 : i32
        %get3A_1590 = arith.index_cast %add3A_1589 : i32 to index
        %get3A_1591 = arith.constant 16 : index
        %get3A_1592 = tpu.vector_load %arg7[%get3A_1590, %get3A_1591] {strides = array<i32>} : memref<400x128xf32, #tpu.memory_space<vmem>>, vector<1x16xf32>,
        %get3A_1593 = vector.shape_cast %get3A_1592 : vector<1x16xf32> to vector<16xf32>
        %add3A_1594 = arith.addf %scan3A_1560, %get3A_1593 : vector<16xf32>
        %mul3A_1595 = arith.constant 2 : i32
        %mul3A_1596 = arith.muli %mul3A_1595, %scan3A_1558 : i32
        %add3A_1597 = arith.constant 350 : i32
        %add3A_1598 = arith.addi %add3A_1597, %mul3A_1596 : i32
        %add3A_1599 = arith.constant 1 : i32
        %add3A_1600 = arith.addi %add3A_1598, %add3A_1599 : i32
        %get3A_1601 = arith.index_cast %add3A_1600 : i32 to index
        %get3A_1602 = arith.constant 16 : index
        %get3A_1603 = tpu.vector_load %arg7[%get3A_1601, %get3A_1602] {strides = array<i32>} : memref<400x128xf32, #tpu.memory_space<vmem>>, vector<1x16xf32>,
        %get3A_1604 = vector.shape_cast %get3A_1603 : vector<1x16xf32> to vector<16xf32>
        %add3A_1605 = arith.addf %add3A_1594, %get3A_1604 : vector<16xf32>
        %mul3A_1606 = arith.constant 2 : i32
        %mul3A_1607 = arith.muli %mul3A_1606, %scan3A_1558 : i32
        %add3A_1608 = arith.constant 350 : i32
        %add3A_1609 = arith.addi %add3A_1608, %mul3A_1607 : i32
        %get3A_1610 = arith.index_cast %add3A_1609 : i32 to index
        %get3A_1611 = arith.constant 32 : index
        %get3A_1612 = tpu.vector_load %arg7[%get3A_1610, %get3A_1611] {strides = array<i32>} : memref<400x128xf32, #tpu.memory_space<vmem>>, vector<1x16xf32>,
        %get3A_1613 = vector.shape_cast %get3A_1612 : vector<1x16xf32> to vector<16xf32>
        %add3A_1614 = arith.addf %scan3A_1561, %get3A_1613 : vector<16xf32>
        %mul3A_1615 = arith.constant 2 : i32
        %mul3A_1616 = arith.muli %mul3A_1615, %scan3A_1558 : i32
        %add3A_1617 = arith.constant 350 : i32
        %add3A_1618 = arith.addi %add3A_1617, %mul3A_1616 : i32
        %add3A_1619 = arith.constant 1 : i32
        %add3A_1620 = arith.addi %add3A_1618, %add3A_1619 : i32
        %get3A_1621 = arith.index_cast %add3A_1620 : i32 to index
        %get3A_1622 = arith.constant 32 : index
        %get3A_1623 = tpu.vector_load %arg7[%get3A_1621, %get3A_1622] {strides = array<i32>} : memref<400x128xf32, #tpu.memory_space<vmem>>, vector<1x16xf32>,
        %get3A_1624 = vector.shape_cast %get3A_1623 : vector<1x16xf32> to vector<16xf32>
        %add3A_1625 = arith.addf %add3A_1614, %get3A_1624 : vector<16xf32>
        %mul3A_1626 = arith.constant 2 : i32
        %mul3A_1627 = arith.muli %mul3A_1626, %scan3A_1558 : i32
        %add3A_1628 = arith.constant 350 : i32
        %add3A_1629 = arith.addi %add3A_1628, %mul3A_1627 : i32
        %get3A_1630 = arith.index_cast %add3A_1629 : i32 to index
        %get3A_1631 = arith.constant 48 : index
        %get3A_1632 = tpu.vector_load %arg7[%get3A_1630, %get3A_1631] {strides = array<i32>} : memref<400x128xf32, #tpu.memory_space<vmem>>, vector<1x16xf32>,
        %get3A_1633 = vector.shape_cast %get3A_1632 : vector<1x16xf32> to vector<16xf32>
        %add3A_1634 = arith.addf %scan3A_1562, %get3A_1633 : vector<16xf32>
        %mul3A_1635 = arith.constant 2 : i32
        %mul3A_1636 = arith.muli %mul3A_1635, %scan3A_1558 : i32
        %add3A_1637 = arith.constant 350 : i32
        %add3A_1638 = arith.addi %add3A_1637, %mul3A_1636 : i32
        %add3A_1639 = arith.constant 1 : i32
        %add3A_1640 = arith.addi %add3A_1638, %add3A_1639 : i32
        %get3A_1641 = arith.index_cast %add3A_1640 : i32 to index
        %get3A_1642 = arith.constant 48 : index
        %get3A_1643 = tpu.vector_load %arg7[%get3A_1641, %get3A_1642] {strides = array<i32>} : memref<400x128xf32, #tpu.memory_space<vmem>>, vector<1x16xf32>,
        %get3A_1644 = vector.shape_cast %get3A_1643 : vector<1x16xf32> to vector<16xf32>
        %add3A_1645 = arith.addf %add3A_1634, %get3A_1644 : vector<16xf32>
        %mul3A_1646 = arith.constant 2 : i32
        %mul3A_1647 = arith.muli %mul3A_1646, %scan3A_1558 : i32
        %add3A_1648 = arith.constant 350 : i32
        %add3A_1649 = arith.addi %add3A_1648, %mul3A_1647 : i32
        %get3A_1650 = arith.index_cast %add3A_1649 : i32 to index
        %get3A_1651 = arith.constant 64 : index
        %get3A_1652 = tpu.vector_load %arg7[%get3A_1650, %get3A_1651] {strides = array<i32>} : memref<400x128xf32, #tpu.memory_space<vmem>>, vector<1x16xf32>,
        %get3A_1653 = vector.shape_cast %get3A_1652 : vector<1x16xf32> to vector<16xf32>
        %add3A_1654 = arith.addf %scan3A_1563, %get3A_1653 : vector<16xf32>
        %mul3A_1655 = arith.constant 2 : i32
        %mul3A_1656 = arith.muli %mul3A_1655, %scan3A_1558 : i32
        %add3A_1657 = arith.constant 350 : i32
        %add3A_1658 = arith.addi %add3A_1657, %mul3A_1656 : i32
        %add3A_1659 = arith.constant 1 : i32
        %add3A_1660 = arith.addi %add3A_1658, %add3A_1659 : i32
        %get3A_1661 = arith.index_cast %add3A_1660 : i32 to index
        %get3A_1662 = arith.constant 64 : index
        %get3A_1663 = tpu.vector_load %arg7[%get3A_1661, %get3A_1662] {strides = array<i32>} : memref<400x128xf32, #tpu.memory_space<vmem>>, vector<1x16xf32>,
        %get3A_1664 = vector.shape_cast %get3A_1663 : vector<1x16xf32> to vector<16xf32>
        %add3A_1665 = arith.addf %add3A_1654, %get3A_1664 : vector<16xf32>
        %mul3A_1666 = arith.constant 2 : i32
        %mul3A_1667 = arith.muli %mul3A_1666, %scan3A_1558 : i32
        %add3A_1668 = arith.constant 350 : i32
        %add3A_1669 = arith.addi %add3A_1668, %mul3A_1667 : i32
        %get3A_1670 = arith.index_cast %add3A_1669 : i32 to index
        %get3A_1671 = arith.constant 80 : index
        %get3A_1672 = tpu.vector_load %arg7[%get3A_1670, %get3A_1671] {strides = array<i32>} : memref<400x128xf32, #tpu.memory_space<vmem>>, vector<1x16xf32>,
        %get3A_1673 = vector.shape_cast %get3A_1672 : vector<1x16xf32> to vector<16xf32>
        %add3A_1674 = arith.addf %scan3A_1564, %get3A_1673 : vector<16xf32>
        %mul3A_1675 = arith.constant 2 : i32
        %mul3A_1676 = arith.muli %mul3A_1675, %scan3A_1558 : i32
        %add3A_1677 = arith.constant 350 : i32
        %add3A_1678 = arith.addi %add3A_1677, %mul3A_1676 : i32
        %add3A_1679 = arith.constant 1 : i32
        %add3A_1680 = arith.addi %add3A_1678, %add3A_1679 : i32
        %get3A_1681 = arith.index_cast %add3A_1680 : i32 to index
        %get3A_1682 = arith.constant 80 : index
        %get3A_1683 = tpu.vector_load %arg7[%get3A_1681, %get3A_1682] {strides = array<i32>} : memref<400x128xf32, #tpu.memory_space<vmem>>, vector<1x16xf32>,
        %get3A_1684 = vector.shape_cast %get3A_1683 : vector<1x16xf32> to vector<16xf32>
        %add3A_1685 = arith.addf %add3A_1674, %get3A_1684 : vector<16xf32>
        %mul3A_1686 = arith.constant 2 : i32
        %mul3A_1687 = arith.muli %mul3A_1686, %scan3A_1558 : i32
        %add3A_1688 = arith.constant 350 : i32
        %add3A_1689 = arith.addi %add3A_1688, %mul3A_1687 : i32
        %get3A_1690 = arith.index_cast %add3A_1689 : i32 to index
        %get3A_1691 = arith.constant 96 : index
        %get3A_1692 = tpu.vector_load %arg7[%get3A_1690, %get3A_1691] {strides = array<i32>} : memref<400x128xf32, #tpu.memory_space<vmem>>, vector<1x16xf32>,
        %get3A_1693 = vector.shape_cast %get3A_1692 : vector<1x16xf32> to vector<16xf32>
        %add3A_1694 = arith.addf %scan3A_1565, %get3A_1693 : vector<16xf32>
        %mul3A_1695 = arith.constant 2 : i32
        %mul3A_1696 = arith.muli %mul3A_1695, %scan3A_1558 : i32
        %add3A_1697 = arith.constant 350 : i32
        %add3A_1698 = arith.addi %add3A_1697, %mul3A_1696 : i32
        %add3A_1699 = arith.constant 1 : i32
        %add3A_1700 = arith.addi %add3A_1698, %add3A_1699 : i32
        %get3A_1701 = arith.index_cast %add3A_1700 : i32 to index
        %get3A_1702 = arith.constant 96 : index
        %get3A_1703 = tpu.vector_load %arg7[%get3A_1701, %get3A_1702] {strides = array<i32>} : memref<400x128xf32, #tpu.memory_space<vmem>>, vector<1x16xf32>,
        %get3A_1704 = vector.shape_cast %get3A_1703 : vector<1x16xf32> to vector<16xf32>
        %add3A_1705 = arith.addf %add3A_1694, %get3A_1704 : vector<16xf32>
        %mul3A_1706 = arith.constant 2 : i32
        %mul3A_1707 = arith.muli %mul3A_1706, %scan3A_1558 : i32
        %add3A_1708 = arith.constant 350 : i32
        %add3A_1709 = arith.addi %add3A_1708, %mul3A_1707 : i32
        %get3A_1710 = arith.index_cast %add3A_1709 : i32 to index
        %get3A_1711 = arith.constant 112 : index
        %get3A_1712 = tpu.vector_load %arg7[%get3A_1710, %get3A_1711] {strides = array<i32>} : memref<400x128xf32, #tpu.memory_space<vmem>>, vector<1x16xf32>,
        %get3A_1713 = vector.shape_cast %get3A_1712 : vector<1x16xf32> to vector<16xf32>
        %add3A_1714 = arith.addf %scan3A_1566, %get3A_1713 : vector<16xf32>
        %mul3A_1715 = arith.constant 2 : i32
        %mul3A_1716 = arith.muli %mul3A_1715, %scan3A_1558 : i32
        %add3A_1717 = arith.constant 350 : i32
        %add3A_1718 = arith.addi %add3A_1717, %mul3A_1716 : i32
        %add3A_1719 = arith.constant 1 : i32
        %add3A_1720 = arith.addi %add3A_1718, %add3A_1719 : i32
        %get3A_1721 = arith.index_cast %add3A_1720 : i32 to index
        %get3A_1722 = arith.constant 112 : index
        %get3A_1723 = tpu.vector_load %arg7[%get3A_1721, %get3A_1722] {strides = array<i32>} : memref<400x128xf32, #tpu.memory_space<vmem>>, vector<1x16xf32>,
        %get3A_1724 = vector.shape_cast %get3A_1723 : vector<1x16xf32> to vector<16xf32>
        %add3A_1725 = arith.addf %add3A_1714, %get3A_1724 : vector<16xf32>
        scf.yield %add3A_1585, %add3A_1605, %add3A_1625, %add3A_1645, %add3A_1665, %add3A_1685, %add3A_1705, %add3A_1725 : vector<16xf32>, vector<16xf32>, vector<16xf32>, vector<16xf32>, vector<16xf32>, vector<16xf32>, vector<16xf32>, vector<16xf32>
      }
      %scan3A_1485 = arith.constant 25 : i32
      %mul3A_1486 = arith.constant 2.000000e-02 : f32
      %mul3A_1487 = vector.broadcast %mul3A_1486 : f32 to vector<16xf32>
      %mul3A_1488 = arith.mulf %scan3A_1484#0, %mul3A_1487 : vector<16xf32>
      %swap3A_1489 = arith.constant 7 : i32
      %swap3A_1490 = arith.index_cast %swap3A_1489 : i32 to index
      %swap3A_1491 = arith.constant 0 : index
      %swap3A_1492 = tpu.vector_load %arg8[%swap3A_1490, %swap3A_1491] {strides = array<i32>} : memref<8x128xf32, #tpu.memory_space<vmem>>, vector<1x16xf32>,
      %swap3A_1493 = vector.shape_cast %swap3A_1492 : vector<1x16xf32> to vector<16xf32>
      %swap3A_1494 = vector.shape_cast %mul3A_1488 : vector<16xf32> to vector<1x16xf32>
      tpu.vector_store %arg8[%swap3A_1490, %swap3A_1491], %swap3A_1494 {strides = array<i32>} : memref<8x128xf32, #tpu.memory_space<vmem>>, vector<1x16xf32>,
      %mul3A_1495 = arith.constant 2.000000e-02 : f32
      %mul3A_1496 = vector.broadcast %mul3A_1495 : f32 to vector<16xf32>
      %mul3A_1497 = arith.mulf %scan3A_1484#1, %mul3A_1496 : vector<16xf32>
      %swap3A_1498 = arith.constant 7 : i32
      %swap3A_1499 = arith.index_cast %swap3A_1498 : i32 to index
      %swap3A_1500 = arith.constant 16 : index
      %swap3A_1501 = tpu.vector_load %arg8[%swap3A_1499, %swap3A_1500] {strides = array<i32>} : memref<8x128xf32, #tpu.memory_space<vmem>>, vector<1x16xf32>,
      %swap3A_1502 = vector.shape_cast %swap3A_1501 : vector<1x16xf32> to vector<16xf32>
      %swap3A_1503 = vector.shape_cast %mul3A_1497 : vector<16xf32> to vector<1x16xf32>
      tpu.vector_store %arg8[%swap3A_1499, %swap3A_1500], %swap3A_1503 {strides = array<i32>} : memref<8x128xf32, #tpu.memory_space<vmem>>, vector<1x16xf32>,
      %mul3A_1504 = arith.constant 2.000000e-02 : f32
      %mul3A_1505 = vector.broadcast %mul3A_1504 : f32 to vector<16xf32>
      %mul3A_1506 = arith.mulf %scan3A_1484#2, %mul3A_1505 : vector<16xf32>
      %swap3A_1507 = arith.constant 7 : i32
      %swap3A_1508 = arith.index_cast %swap3A_1507 : i32 to index
      %swap3A_1509 = arith.constant 32 : index
      %swap3A_1510 = tpu.vector_load %arg8[%swap3A_1508, %swap3A_1509] {strides = array<i32>} : memref<8x128xf32, #tpu.memory_space<vmem>>, vector<1x16xf32>,
      %swap3A_1511 = vector.shape_cast %swap3A_1510 : vector<1x16xf32> to vector<16xf32>
      %swap3A_1512 = vector.shape_cast %mul3A_1506 : vector<16xf32> to vector<1x16xf32>
      tpu.vector_store %arg8[%swap3A_1508, %swap3A_1509], %swap3A_1512 {strides = array<i32>} : memref<8x128xf32, #tpu.memory_space<vmem>>, vector<1x16xf32>,
      %mul3A_1513 = arith.constant 2.000000e-02 : f32
      %mul3A_1514 = vector.broadcast %mul3A_1513 : f32 to vector<16xf32>
      %mul3A_1515 = arith.mulf %scan3A_1484#3, %mul3A_1514 : vector<16xf32>
      %swap3A_1516 = arith.constant 7 : i32
      %swap3A_1517 = arith.index_cast %swap3A_1516 : i32 to index
      %swap3A_1518 = arith.constant 48 : index
      %swap3A_1519 = tpu.vector_load %arg8[%swap3A_1517, %swap3A_1518] {strides = array<i32>} : memref<8x128xf32, #tpu.memory_space<vmem>>, vector<1x16xf32>,
      %swap3A_1520 = vector.shape_cast %swap3A_1519 : vector<1x16xf32> to vector<16xf32>
      %swap3A_1521 = vector.shape_cast %mul3A_1515 : vector<16xf32> to vector<1x16xf32>
      tpu.vector_store %arg8[%swap3A_1517, %swap3A_1518], %swap3A_1521 {strides = array<i32>} : memref<8x128xf32, #tpu.memory_space<vmem>>, vector<1x16xf32>,
      %mul3A_1522 = arith.constant 2.000000e-02 : f32
      %mul3A_1523 = vector.broadcast %mul3A_1522 : f32 to vector<16xf32>
      %mul3A_1524 = arith.mulf %scan3A_1484#4, %mul3A_1523 : vector<16xf32>
      %swap3A_1525 = arith.constant 7 : i32
      %swap3A_1526 = arith.index_cast %swap3A_1525 : i32 to index
      %swap3A_1527 = arith.constant 64 : index
      %swap3A_1528 = tpu.vector_load %arg8[%swap3A_1526, %swap3A_1527] {strides = array<i32>} : memref<8x128xf32, #tpu.memory_space<vmem>>, vector<1x16xf32>,
      %swap3A_1529 = vector.shape_cast %swap3A_1528 : vector<1x16xf32> to vector<16xf32>
      %swap3A_1530 = vector.shape_cast %mul3A_1524 : vector<16xf32> to vector<1x16xf32>
      tpu.vector_store %arg8[%swap3A_1526, %swap3A_1527], %swap3A_1530 {strides = array<i32>} : memref<8x128xf32, #tpu.memory_space<vmem>>, vector<1x16xf32>,
      %mul3A_1531 = arith.constant 2.000000e-02 : f32
      %mul3A_1532 = vector.broadcast %mul3A_1531 : f32 to vector<16xf32>
      %mul3A_1533 = arith.mulf %scan3A_1484#5, %mul3A_1532 : vector<16xf32>
      %swap3A_1534 = arith.constant 7 : i32
      %swap3A_1535 = arith.index_cast %swap3A_1534 : i32 to index
      %swap3A_1536 = arith.constant 80 : index
      %swap3A_1537 = tpu.vector_load %arg8[%swap3A_1535, %swap3A_1536] {strides = array<i32>} : memref<8x128xf32, #tpu.memory_space<vmem>>, vector<1x16xf32>,
      %swap3A_1538 = vector.shape_cast %swap3A_1537 : vector<1x16xf32> to vector<16xf32>
      %swap3A_1539 = vector.shape_cast %mul3A_1533 : vector<16xf32> to vector<1x16xf32>
      tpu.vector_store %arg8[%swap3A_1535, %swap3A_1536], %swap3A_1539 {strides = array<i32>} : memref<8x128xf32, #tpu.memory_space<vmem>>, vector<1x16xf32>,
      %mul3A_1540 = arith.constant 2.000000e-02 : f32
      %mul3A_1541 = vector.broadcast %mul3A_1540 : f32 to vector<16xf32>
      %mul3A_1542 = arith.mulf %scan3A_1484#6, %mul3A_1541 : vector<16xf32>
      %swap3A_1543 = arith.constant 7 : i32
      %swap3A_1544 = arith.index_cast %swap3A_1543 : i32 to index
      %swap3A_1545 = arith.constant 96 : index
      %swap3A_1546 = tpu.vector_load %arg8[%swap3A_1544, %swap3A_1545] {strides = array<i32>} : memref<8x128xf32, #tpu.memory_space<vmem>>, vector<1x16xf32>,
      %swap3A_1547 = vector.shape_cast %swap3A_1546 : vector<1x16xf32> to vector<16xf32>
      %swap3A_1548 = vector.shape_cast %mul3A_1542 : vector<16xf32> to vector<1x16xf32>
      tpu.vector_store %arg8[%swap3A_1544, %swap3A_1545], %swap3A_1548 {strides = array<i32>} : memref<8x128xf32, #tpu.memory_space<vmem>>, vector<1x16xf32>,
      %mul3A_1549 = arith.constant 2.000000e-02 : f32
      %mul3A_1550 = vector.broadcast %mul3A_1549 : f32 to vector<16xf32>
      %mul3A_1551 = arith.mulf %scan3A_1484#7, %mul3A_1550 : vector<16xf32>
      %swap3A_1552 = arith.constant 7 : i32
      %swap3A_1553 = arith.index_cast %swap3A_1552 : i32 to index
      %swap3A_1554 = arith.constant 112 : index
      %swap3A_1555 = tpu.vector_load %arg8[%swap3A_1553, %swap3A_1554] {strides = array<i32>} : memref<8x128xf32, #tpu.memory_space<vmem>>, vector<1x16xf32>,
      %swap3A_1556 = vector.shape_cast %swap3A_1555 : vector<1x16xf32> to vector<16xf32>
      %swap3A_1557 = vector.shape_cast %mul3A_1551 : vector<16xf32> to vector<1x16xf32>
      tpu.vector_store %arg8[%swap3A_1553, %swap3A_1554], %swap3A_1557 {strides = array<i32>} : memref<8x128xf32, #tpu.memory_space<vmem>>, vector<1x16xf32>,
      "tpu.region"() ({
        %run_scoped3A = tpu.sem_alloc : memref<!tpu.dma_semaphore, #tpu.memory_space<semaphore_mem>>
        %dma_start3A_1558 = arith.constant 0 : i32
        %dma_start3A_1559 = tpu.memref_slice %arg4[%add3A_805, %dma_start3A_1558] : memref<4096x128xf32, #tpu.memory_space<hbm>> -> memref<8x128xf32, #tpu.memory_space<hbm>>
        %dma_start3A_1560 = arith.constant 0 : i32
        %dma_start3A_1561 = tpu.memref_slice %arg4[%add3A_805, %dma_start3A_1560] : memref<4096x128xf32, #tpu.memory_space<hbm>> -> memref<8x128xf32, #tpu.memory_space<hbm>>
        tpu.enqueue_dma source(%arg8 : memref<8x128xf32, #tpu.memory_space<vmem>>) target(%dma_start3A_1561 : memref<8x128xf32, #tpu.memory_space<hbm>>) target_semaphore(%run_scoped3A : memref<!tpu.dma_semaphore, #tpu.memory_space<semaphore_mem>>)
        %dma_wait3A_1562 = arith.constant 0 : i32
        %dma_wait3A_1563 = tpu.memref_slice %arg4[%add3A_805, %dma_wait3A_1562] : memref<4096x128xf32, #tpu.memory_space<hbm>> -> memref<8x128xf32, #tpu.memory_space<hbm>>
        %dma_wait3A_1564 = arith.constant 0 : i32
        %dma_wait3A_1565 = tpu.memref_slice %arg4[%add3A_805, %dma_wait3A_1564] : memref<4096x128xf32, #tpu.memory_space<hbm>> -> memref<8x128xf32, #tpu.memory_space<hbm>>
        tpu.wait_dma2 semaphore(%run_scoped3A : memref<!tpu.dma_semaphore, #tpu.memory_space<semaphore_mem>>) src(%arg8 : memref<8x128xf32, #tpu.memory_space<vmem>>) dst(%dma_wait3A_1565 : memref<8x128xf32, #tpu.memory_space<hbm>>)
        tpu.yield
      }) : () -> ()
    }
    %scan3A_13 = arith.constant 8 : i32
    return
  }
}

module attributes {stable_mosaic.version = 14 : i64} {
  func.func @_mlp_body(%arg0: i32, %arg1: memref<2048x128xf32, #tpu.memory_space<vmem>>, %arg2: memref<1024x128xbf16, #tpu.memory_space<vmem>>, %arg3: memref<1x1024xf32, #tpu.memory_space<vmem>>, %arg4: memref<512x1024xbf16, #tpu.memory_space<vmem>>, %arg5: memref<1x512xf32, #tpu.memory_space<vmem>>, %arg6: memref<32x512xbf16, #tpu.memory_space<vmem>>, %arg7: memref<1x32xf32, #tpu.memory_space<vmem>>, %arg8: memref<2048x32xf32, #tpu.memory_space<vmem>>) attributes {dimension_semantics = [#tpu.dimension_semantics<arbitrary>], iteration_bounds = array<i64: 2>, scalar_prefetch = 0 : i64, scratch_operands = 0 : i64, tpu.core_type = #tpu.core_type<tc>, window_params = [{transform_indices = @transform_0, window_bounds = array<i64: 2048, 128>}, {pipeline_mode = #tpu.pipeline_mode<synchronous>, transform_indices = @transform_1, window_bounds = array<i64: 1024, 128>}, {pipeline_mode = #tpu.pipeline_mode<synchronous>, transform_indices = @transform_2, window_bounds = array<i64: 1, 1024>}, {pipeline_mode = #tpu.pipeline_mode<synchronous>, transform_indices = @transform_3, window_bounds = array<i64: 512, 1024>}, {pipeline_mode = #tpu.pipeline_mode<synchronous>, transform_indices = @transform_4, window_bounds = array<i64: 1, 512>}, {pipeline_mode = #tpu.pipeline_mode<synchronous>, transform_indices = @transform_5, window_bounds = array<i64: 32, 512>}, {pipeline_mode = #tpu.pipeline_mode<synchronous>, transform_indices = @transform_6, window_bounds = array<i64: 1, 32>}, {transform_indices = @transform_7, window_bounds = array<i64: 2048, 32>}]} {
    %get3A = arith.constant 0 : index
    %get3A_0 = arith.constant 0 : index
    %get3A_1 = vector.load %arg1[%get3A, %get3A_0] : memref<2048x128xf32, #tpu.memory_space<vmem>>, vector<2048x128xf32>
    %get3A_2 = arith.constant 0 : index
    %get3A_3 = arith.constant 0 : index
    %get3A_4 = vector.load %arg2[%get3A_2, %get3A_3] : memref<1024x128xbf16, #tpu.memory_space<vmem>>, vector<1024x128xbf16>
    %convert_element_type3A = arith.truncf %get3A_1 : vector<2048x128xf32> to vector<2048x128xbf16>
    %dot_general3A = arith.constant dense<0.000000e+00> : vector<2048x1024xf32>
    %dot_general3A_5 = tpu.matmul %convert_element_type3A, %get3A_4, %dot_general3A {dimension_numbers = #tpu.dot_dimension_numbers<[1], [1], [0], [0], [0, 0, 1, 0], [], []>, transpose_lhs_hint = false} : vector<2048x128xbf16>, vector<1024x128xbf16>, vector<2048x1024xf32> -> vector<2048x1024xf32>
    %get3A_6 = arith.constant 0 : index
    %get3A_7 = arith.constant 0 : index
    %get3A_8 = vector.load %arg3[%get3A_6, %get3A_7] : memref<1x1024xf32, #tpu.memory_space<vmem>>, vector<1x1024xf32>
    %add3A = vector.broadcast %get3A_8 : vector<1x1024xf32> to vector<2048x1024xf32>
    %add3A_9 = arith.addf %dot_general3A_5, %add3A : vector<2048x1024xf32>
    %max3A = arith.constant 0.000000e+00 : f32
    %max3A_10 = vector.broadcast %max3A : f32 to vector<2048x1024xf32>
    %max3A_11 = arith.maximumf %add3A_9, %max3A_10 : vector<2048x1024xf32>
    %get3A_12 = arith.constant 0 : index
    %get3A_13 = arith.constant 0 : index
    %get3A_14 = vector.load %arg4[%get3A_12, %get3A_13] : memref<512x1024xbf16, #tpu.memory_space<vmem>>, vector<512x1024xbf16>
    %convert_element_type3A_15 = arith.truncf %max3A_11 : vector<2048x1024xf32> to vector<2048x1024xbf16>
    %dot_general3A_16 = arith.constant dense<0.000000e+00> : vector<2048x512xf32>
    %dot_general3A_17 = tpu.matmul %convert_element_type3A_15, %get3A_14, %dot_general3A_16 {dimension_numbers = #tpu.dot_dimension_numbers<[1], [1], [0], [0], [0, 0, 1, 0], [], []>, transpose_lhs_hint = false} : vector<2048x1024xbf16>, vector<512x1024xbf16>, vector<2048x512xf32> -> vector<2048x512xf32>
    %get3A_18 = arith.constant 0 : index
    %get3A_19 = arith.constant 0 : index
    %get3A_20 = vector.load %arg5[%get3A_18, %get3A_19] : memref<1x512xf32, #tpu.memory_space<vmem>>, vector<1x512xf32>
    %add3A_21 = vector.broadcast %get3A_20 : vector<1x512xf32> to vector<2048x512xf32>
    %add3A_22 = arith.addf %dot_general3A_17, %add3A_21 : vector<2048x512xf32>
    %max3A_23 = arith.constant 0.000000e+00 : f32
    %max3A_24 = vector.broadcast %max3A_23 : f32 to vector<2048x512xf32>
    %max3A_25 = arith.maximumf %add3A_22, %max3A_24 : vector<2048x512xf32>
    %get3A_26 = arith.constant 0 : index
    %get3A_27 = arith.constant 0 : index
    %get3A_28 = vector.load %arg6[%get3A_26, %get3A_27] : memref<32x512xbf16, #tpu.memory_space<vmem>>, vector<32x512xbf16>
    %convert_element_type3A_29 = arith.truncf %max3A_25 : vector<2048x512xf32> to vector<2048x512xbf16>
    %dot_general3A_30 = arith.constant dense<0.000000e+00> : vector<2048x32xf32>
    %dot_general3A_31 = tpu.matmul %convert_element_type3A_29, %get3A_28, %dot_general3A_30 {dimension_numbers = #tpu.dot_dimension_numbers<[1], [1], [0], [0], [0, 0, 1, 0], [], []>, transpose_lhs_hint = false} : vector<2048x512xbf16>, vector<32x512xbf16>, vector<2048x32xf32> -> vector<2048x32xf32>
    %get3A_32 = arith.constant 0 : index
    %get3A_33 = arith.constant 0 : index
    %get3A_34 = vector.load %arg7[%get3A_32, %get3A_33] : memref<1x32xf32, #tpu.memory_space<vmem>>, vector<1x32xf32>
    %add3A_35 = vector.broadcast %get3A_34 : vector<1x32xf32> to vector<2048x32xf32>
    %add3A_36 = arith.addf %dot_general3A_31, %add3A_35 : vector<2048x32xf32>
    %swap3A = arith.constant 0 : index
    %swap3A_37 = arith.constant 0 : index
    %swap3A_38 = vector.load %arg8[%swap3A, %swap3A_37] : memref<2048x32xf32, #tpu.memory_space<vmem>>, vector<2048x32xf32>
    tpu.vector_store %arg8[%swap3A, %swap3A_37], %add3A_36 {strides = array<i32>} : memref<2048x32xf32, #tpu.memory_space<vmem>>, vector<2048x32xf32>,
    return
  }
  func.func @transform_0(%arg0: i32) -> (i32, i32) {
    %c0_i32 = arith.constant 0 : i32
    %c0_i32_0 = arith.constant 0 : i32
    return %arg0, %c0_i32 : i32, i32
  }
  func.func @transform_1(%arg0: i32) -> (i32, i32) {
    %c0_i32 = arith.constant 0 : i32
    %c0_i32_0 = arith.constant 0 : i32
    %c0_i32_1 = arith.constant 0 : i32
    return %c0_i32, %c0_i32_0 : i32, i32
  }
  func.func @transform_2(%arg0: i32) -> (i32, i32) {
    %c0_i32 = arith.constant 0 : i32
    %c0_i32_0 = arith.constant 0 : i32
    %c0_i32_1 = arith.constant 0 : i32
    return %c0_i32, %c0_i32_0 : i32, i32
  }
  func.func @transform_3(%arg0: i32) -> (i32, i32) {
    %c0_i32 = arith.constant 0 : i32
    %c0_i32_0 = arith.constant 0 : i32
    %c0_i32_1 = arith.constant 0 : i32
    return %c0_i32, %c0_i32_0 : i32, i32
  }
  func.func @transform_4(%arg0: i32) -> (i32, i32) {
    %c0_i32 = arith.constant 0 : i32
    %c0_i32_0 = arith.constant 0 : i32
    %c0_i32_1 = arith.constant 0 : i32
    return %c0_i32, %c0_i32_0 : i32, i32
  }
  func.func @transform_5(%arg0: i32) -> (i32, i32) {
    %c0_i32 = arith.constant 0 : i32
    %c0_i32_0 = arith.constant 0 : i32
    %c0_i32_1 = arith.constant 0 : i32
    return %c0_i32, %c0_i32_0 : i32, i32
  }
  func.func @transform_6(%arg0: i32) -> (i32, i32) {
    %c0_i32 = arith.constant 0 : i32
    %c0_i32_0 = arith.constant 0 : i32
    %c0_i32_1 = arith.constant 0 : i32
    return %c0_i32, %c0_i32_0 : i32, i32
  }
  func.func @transform_7(%arg0: i32) -> (i32, i32) {
    %c0_i32 = arith.constant 0 : i32
    %c0_i32_0 = arith.constant 0 : i32
    return %arg0, %c0_i32 : i32, i32
  }
}

</mosaic_0001>

<sc_bundles>
// kernel: kernel.4.cloned.1.call-start
scs
__scs_entry_jumppad:
0x0: {  	(pc) =	sbr.rel $0x88, $3  }
0x1: {  	(tag) =	ssettag $0x0;
	lr =	simm.s32 $0x1  }
0x2: {  	[smem:$0x3F99] =	sst lr;
	_ =	strace $0xD0000000  }
0x3: {  	_ = 	snop  }
0x4: {  	_ = 	snop  }
0x5: {  	_ = 	snop  }
0x6: {  	_ = 	snop  }
0x7: {  	_ = 	snop  }
__scs_overlays_trampoline_lowered:
0x8: {  	[smem:$0x3FA8] =	sst s0  }
0x9: {  	[smem:$0x3FA9] =	sst s1  }
0xa: {  	[smem:$0x3FAA] =	sst s2  }
0xb: {  	[smem:$0x3FAB] =	sst s3  }
0xc: {  	[smem:$0x3FAC] =	sst s4  }
0xd: {  	[smem:$0x3FAD] =	sst s5  }
0xe: {  	[smem:$0x3FAE] =	sst s6  }
0xf: {  	[smem:$0x3FAF] =	sst s7  }
0x10: {  	[smem:$0x3FB0] =	sst s8  }
0x11: {  	[smem:$0x3FB1] =	sst s9;
	s0 =	simm.s32 @!p0 $0x0  }
0x12: {  	s1 =	sld [smem:$0x3F97];
	s0 =	simm.s32 @p0 $0x1  }
0x13: {  	[smem:$0x3FB2] =	sst s0;
	s0 =	simm.s32 @!p1 $0x0  }
0x14: {  	s2 =	sld [smem:$0x3F96];
	s0 =	simm.s32 @p1 $0x1  }
0x15: {  	[smem:$0x3FB3] =	sst s0;
	s0 =	simm.s32 @!p2 $0x0  }
0x16: {  	s3 =	sld [smem:$0x3FDB];
	s0 =	simm.s32 @p2 $0x1  }
0x17: {  	s4 =	simm.s32 $0x1BF5;
	[smem:$0x3FB5] =	sst s0  }
0x18: {  	s0 =	sld [smem:$0x3F98];
	_ =	swait.ge [sflag:s4], $0x0  }
0x19: {  	s7 =	sld [smem:$0x3F99]  }
0x1a: {  	s8 =	sadd.s32 $0xFFFFE003, lr  }
0x1b: {  	s9 =	sadd.s32 $0xFFFFFEF7, lr;
	s5 =	simm.s32 $0xFFFFFFFF;
	p2 =	slt.u32 s8, $0xFFFFF086  }
0x1c: {  	p1 =	slt.u32 s9, $0xF7A;
	s5 =	simm.s32 @!p2 $0x0  }
0x1d: {  	s5 =	simm.s32 @p1 $0x1;
	p0 =	seq.s32 s7, s2  }
0x1e: {  	s7 =	smul.u32 @!p0 $0xF7A, s2;
	p2 =	seq.s32 @!p0 s5, $0x0  }
0x1f: {  	s9 =	smul.u32 $0xF7A, s1;
	s8 =	simm.s32 @!p0 $0x1BF5;
	p2 =	por !p2, p0  }
0x20: {  	[sflag:s8] =	ssyncset.s32 @!p0 $0xFFFFF086;
	s6 =	sadd.s32 @!p0 s3, s7;
	s7 =	simm.s32 @!p0 $0x108  }
0x21: {  	s3 =	sadd.s32 s3, s9;
	s6 =	sadd.s32 @!p0 $0x88, s6;
	s7 =	simm.s32 @p2 $0x1082  }
0x22: {  	[simem:s7], [sflag:s8] =	dma.local @!p0 [hbm:s6], $0xF7A  }
0x23: {  	s9 =	sor.u32 $0xD0000000, s2;
	s6 =	simm.s32 $0x108;
	_ =	swait.ge @!p0 [sflag:s8], $0x0  }
0x24: {  	s3 =	sadd.s32 $0x88, s3;
	s6 =	simm.s32 @!p1 $0x1082;
	[sflag:s4] =	ssyncset.s32 $0xFFFFF086  }
0x25: {  	[simem:s6], [sflag:s4] =	dma.local [hbm:s3], $0xF7A  }
0x26: {  	[smem:$0x3F99] =	sst s1;
	(tag) =	ssettag s2;
	_ =	strace s9  }
0x27: {  	s1 =	sld [smem:$0x3FA9]  }
0x28: {  	s2 =	sld [smem:$0x3FAA]  }
0x29: {  	s4 =	sld [smem:$0x3FAC]  }
0x2a: {  	p0 =	seq.s32 s5, $0x0;
	s5 =	sld [smem:$0x3FAD]  }
0x2b: {  	s6 =	sld [smem:$0x3FAE]  }
0x2c: {  	s7 =	sld [smem:$0x3FAF]  }
0x2d: {  	s3 =	simm.s32 $0x108;
	s8 =	sld [smem:$0x3FB0]  }
0x2e: {  	s3 =	simm.s32 @!p0 $0x1082;
	s9 =	sld [smem:$0x3FB1]  }
0x2f: {  	lr =	sadd.s32 s0, s3;
	s0 =	sld [smem:$0x3FA8]  }
0x30: {  	s3 =	sld [smem:$0x3FAB]  }
0x31: {  	[smem:$0x3FB4] =	sst s10  }
0x32: {  	s10 =	sld [smem:$0x3FB2];
	_ =	sdelay $0x3  }
0x33: {  	p0 =	seq.s32 s10, $0x1;
	s10 =	sld [smem:$0x3FB4];
	_ =	sdelay $0x3  }
0x34: {  	[smem:$0x3FB4] =	sst s10  }
0x35: {  	s10 =	sld [smem:$0x3FB3];
	_ =	sdelay $0x3  }
0x36: {  	p1 =	seq.s32 s10, $0x1;
	s10 =	sld [smem:$0x3FB4];
	_ =	sdelay $0x3  }
0x37: {  	[smem:$0x3FB4] =	sst s10  }
0x38: {  	s10 =	sld [smem:$0x3FB5]  }
0x39: {  	_ = 	snop;
	(pc) =	sbr.ind lr, $3  }
0x3a: {  	_ = 	snop  }
0x3b: {  	_ = 	snop  }
0x3c: {  	p2 =	seq.s32 s10, $0x1;
	s10 =	sld [smem:$0x3FB4]  }
0x3d: {  	_ =	shalt  }
0x3e: {  	_ =	shalt  }
0x3f: {  	_ =	shalt  }
0x40: {  	_ =	shalt  }
0x41: {  	_ =	shalt  }
0x42: {  	_ =	shalt  }
0x43: {  	_ =	shalt  }
0x44: {  	_ =	shalt  }
0x45: {  	_ =	shalt  }
0x46: {  	_ =	shalt  }
0x47: {  	_ =	shalt  }
0x48: {  	_ =	shalt  }
0x49: {  	_ =	shalt  }
0x4a: {  	_ =	shalt  }
0x4b: {  	_ =	shalt  }
0x4c: {  	_ =	shalt  }
0x4d: {  	_ =	shalt  }
0x4e: {  	_ =	shalt  }
0x4f: {  	_ =	shalt  }
0x50: {  	_ =	shalt  }
0x51: {  	_ =	shalt  }
0x52: {  	_ =	shalt  }
0x53: {  	_ =	shalt  }
0x54: {  	_ =	shalt  }
0x55: {  	_ =	shalt  }
0x56: {  	_ =	shalt  }
0x57: {  	_ =	shalt  }
0x58: {  	_ =	shalt  }
0x59: {  	_ =	shalt  }
0x5a: {  	_ =	shalt  }
0x5b: {  	_ =	shalt  }
0x5c: {  	_ =	shalt  }
0x5d: {  	_ =	shalt  }
0x5e: {  	_ =	shalt  }
0x5f: {  	_ =	shalt  }
0x60: {  	_ =	shalt  }
0x61: {  	_ =	shalt  }
0x62: {  	_ =	shalt  }
0x63: {  	_ =	shalt  }
0x64: {  	_ =	shalt  }
0x65: {  	_ =	shalt  }
0x66: {  	_ =	shalt  }
0x67: {  	_ =	shalt  }
0x68: {  	_ =	shalt  }
0x69: {  	_ =	shalt  }
0x6a: {  	_ =	shalt  }
0x6b: {  	_ =	shalt  }
0x6c: {  	_ =	shalt  }
0x6d: {  	_ =	shalt  }
0x6e: {  	_ =	shalt  }
0x6f: {  	_ =	shalt  }
0x70: {  	_ =	shalt  }
0x71: {  	_ =	shalt  }
0x72: {  	_ =	shalt  }
0x73: {  	_ =	shalt  }
0x74: {  	_ =	shalt  }
0x75: {  	_ =	shalt  }
0x76: {  	_ =	shalt  }
0x77: {  	_ =	shalt  }
0x78: {  	_ =	shalt  }
0x79: {  	_ =	shalt  }
0x7a: {  	_ =	shalt  }
0x7b: {  	_ =	shalt  }
0x7c: {  	_ =	shalt  }
0x7d: {  	_ =	shalt  }
0x7e: {  	_ =	shalt  }
0x7f: {  	_ =	shalt  }
0x80: {  	_ =	shalt  }
0x81: {  	_ =	shalt  }
0x82: {  	_ =	shalt  }
0x83: {  	_ =	shalt  }
0x84: {  	_ =	shalt  }
0x85: {  	_ =	shalt  }
0x86: {  	_ =	shalt  }
0x87: {  	_ =	shalt  }
.Lfunc_end0:
.L_simem_size_0:
called_computation_lowered:
.L_overlay_start_0:
0x88: {  	s2 =	sld [smem:$0x3FD9]  }
0x89: {  	s3 =	sld [smem:$0x3FFE];
	_ =	sdelay $0x1  }
0x8a: {  	s1 =	srdreg.scid  }
0x8b: {  	s0 =	sand.u32 $0x1, s1  }
0x8c: {  	s17 =	sshll.u32 s0, $0xA;
	s2 =	sadd.s32 s3, s2  }
0x8d: {  	s2 =	sadd.s32 s2, s17  }
0x8e: {  	[smem:$0x3FC0] =	sst s2  }
0x8f: {  	_ = 	snop  }
0x90: {  	s2 =	sld [smem:$0x3FC8];
	(tm) =	ssettm $0x1  }
0x91: {  	s18 =	sld [smem:$0x3FFB];
	_ =	sdelay $0x3  }
0x92: {  	_ =	strace s18  }
0x93: {  	s3 =	sld [smem:$0x3FFC];
	_ =	sdelay $0x3  }
0x94: {  	_ =	strace s3  }
0x95: {  	s3 =	sld [smem:$0x3FFD];
	_ =	sdelay $0x3  }
0x96: {  	_ =	strace s3  }
0x97: {  	_ =	strace $0x8FFFFFFF  }
0x98: {  	s19 =	sld [smem:$0x3FDB];
	_ =	sdelay $0x1  }
0x99: {  	s4 =	simm.s32 $_scs_section_size  }
0x9a: {  	s5 =	simm.s32 $_size__tile_overlayer_lowered;
	s6 =	simm.s32 $_tile_overlayer_lowered  }
0x9b: {  	s22 =	simm.s32 $0x1BFF;
	s21 =	sshll.u32 s6, $0x1;
	s3 =	sadd.s32 s4, s19  }
0x9c: {  	s7 =	simm.s32 $0x0;
	s20 =	sshll.u32 s5, $0x1;
	s5 =	sadd.s32 s21, s3  }
0x9d: {  	[timem:s7], [sflag:s22] =	dma.local [hbm:s5], s20  }
0x9e: {  	_ =	swait.ge [sflag:s22], s20  }
0x9f: {  	s4 =	ssub.s32 $0x0, s20;
	[sflag:s22] =	ssyncset.done $0x0  }
0xa0: {  	[sflag:s22] =	ssyncadd.s32 s4;
	_ =	sdelay $0x1  }
0xa1: {  	s23 =	simm.s32 $0x1B8B  }
0xa2: {  	_ =	swait.ge [sflag:s23], $0x1  }
0xa3: {  	[sflag:s23] =	ssyncset.done $0x0  }
0xa4: {  	s25 =	simm.s32 $0x1B8E;
	s24 =	sld [smem:$0x3FFE];
	[sflag:s23] =	ssyncadd.s32 $0xFFFFFFFF  }
0xa5: {  	s26 =	simm.s32 $execute0_lowered;
	[smem:$0x3FD2] =	sst s25  }
0xa6: {  	s5 =	sshll.u32 s26, $0x1;
	_ =	strace $0x80000046;
	[dreg:$0x1] =	wrdreg $0xFFFFFFFF  }
0xa7: {  	s28 =	simm.s32 $_size_execute0_lowered;
	s3 =	sadd.s32 s3, s5;
	[dreg:$0x0] =	wrdreg $0x0  }
0xa8: {  	s5 =	sshll.u32 s28, $0x1;
	[dreg:$0x2] =	wrdreg s3  }
0xa9: {  	[dreg:$0x3] =	wrdreg s5  }
0xaa: {  	[dreg:$0x4] =	wrdreg $0xC0  }
0xab: {  	_ =	task [dreg:s7], $0x5FFFF  }
0xac: {  	[dreg:$0x1] =	wrdreg $0xFFFFFFFF  }
0xad: {  	[dreg:$0x0] =	wrdreg $0x60  }
0xae: {  	[dreg:$0x2] =	wrdreg s24  }
0xaf: {  	[dreg:$0x3] =	wrdreg s2  }
0xb0: {  	[dreg:$0x4] =	wrdreg $0x9  }
0xb1: {  	_ =	task.clear_ibuf [dreg:s7], $0x5FFFF;
	_ =	strace $0x90000046  }
0xb2: {  	s29 =	simm.s32 $0x9;
	_ =	strace $0x80000048  }
0xb3: {  	_ =	swait.ge [sflag:s29], $0x1  }
0xb4: {  	[sflag:s29] =	ssyncadd.s32 $0xFFFFFFFF  }
0xb5: {  	_ =	strace $0x90000048  }
0xb6: {  	_ =	sfence  }
0xb7: {  	s30 =	sld [smem:$0x0];
	_ =	sdelay $0x2  }
0xb8: {  	s31 =	sshll.u32 s1, $0xD;
	s1 =	sshrl.u32 s1, $0x2  }
0xb9: {  	s3 =	sand.u32 $0x4000, s31;
	s1 =	sadd.s32 s1, s30  }
0xba: {  	s0 =	sor.u32 s3, s0;
	s1 =	sshll.u32 s1, $0x11  }
0xbb: {  	s0 =	sor.u32 s1, s0  }
0xbc: {  	s0 =	sadd.s32 $0x8F2B, s0  }
0xbd: {  	[sflag:s0] =	ssyncadd.remote.s32 $0x1  }
0xbe: {  	_ =	sfence.sel $0xFFFF  }
0xbf: {  	[dreg:$0x0] =	wrdreg $0xFFFFFFFF;
	(pc) =	sbr.abs _section_cstart, $3  }
0xc0: {  	[dreg:$0x1] =	wrdreg $0xFFFFFFFF  }
0xc1: {  	_ =	task.clear_ibuf [dreg:s7], $0x2FFFF;
	_ =	strace $0x9FFFFFFF  }
0xc2: {  	(tm) =	ssettm $0x7FFFFFFF  }
0xc3: {  	_ =	shalt  }
tec
execute0_lowered:
.L_overlay_start_1:
0x0: {  	(tag) =	ssettag $0x1  }
0x1: {  	s4 =	rddreg [dreg:$0x0];
	s1 =	srdreg.scid  }
0x2: {  	s0 =	stileid.u32;
	s2 =	rddreg [dreg:$0x1];
	s3 =	simm.s32 $0x0  }
0x3: {  	s9 =	simm.s32 $0x1900;
	s10 =	simm.s32 $0xE100;
	s11 =	simm.s32 $0x1  }
0x4: {  	s12 =	simm.s32 $0x1A900;
	s13 =	simm.s32 $0x2;
	s14 =	simm.s32 $0x0  }
0x5: {  	s5 =	sand.u32 $0x1, s1;
	s6 =	sshll.u32 s0, $0x1;
	s1 =	rddreg [dreg:$0x2]  }
0x6: {  	[smem:$0x7FF] =	sst s3;
	s6 =	sor.u32 s5, s6;
	s5 =	ssub.s32 $0x2, s5  }
0x7: {  	s7 =	smul.u32 $0x320, s6;
	s6 =	sshll.u32 s6, $0xB;
	s31 =	sshrl.u32 s5, $0x1  }
0x8: {  	_ =	strace $0x80000047;
	s6 =	sadd.s32 s6, s4;
	s8 =	ssub.s32 s5, s31  }
0x9: {  	s7 =	sadd.s32 s7, s4;
	s5 =	sadd.s32 $0x7600, s6;
	s6 =	smax.u32 s8, $0x1  }
0xa: {  	s8 =	simm.s32 $0x190;
	s4 =	sadd.s32 $0x1200, s7;
	s7 =	simm.s32 $0x3  }
.LBB2_1:
0xb: {  	[tilespmem:s3], [sflag:$0x3] =	stream.linear.gather [hbm4b:s4+s3], $0x1900, $0x38;
	[tilespmem:$0x1AD00] =	vst v63  }
0xc: {  	_ =	swait.ge [sflag:s7], $0x1900  }
0xd: {  	[sflag:s7] =	ssyncset.done $0x0  }
0xe: {  	s15 =	simm.s32 $0x0;
	[sflag:s7] =	ssyncadd.s32 $0xFFFFE700  }
0xf: {  	[tilespmem:s9], [sflag:$0x1] =	stream.indirect.gather [hbm4b:s2+s8], $0x80, s3, s8, $0xb8;
	[tilespmem:$0x1AD00] =	vst v63  }
.LBB2_2:
0x10: {  	s16 =	sshllo.u32 s15, $0x1  }
0x11: {  	s17 =	smul.u32 $0x640, s16;
	_ =	sdelay $0x1  }
0x12: {  	s17 =	sshra.s32 s17, $0x2  }
0x13: {  	[tilespmem:s10], [sflag:$0x2] =	stream.indirect.gather [hbm4b:s2+s8], $0x80, s17, s8, $0xb8;
	[tilespmem:$0x1AD00] =	vst v63  }
0x14: {  	_ =	swait.ge [sflag:s11], $0xC800  }
0x15: {  	[sflag:s11] =	ssyncset.done $0x0  }
0x16: {  	s17 =	simm.s32 $0x0;
	[sflag:s11] =	ssyncadd.s32 $0xFFFF3800  }
0x17: {  	v3 =	vld [tilespmem:s17+$0x1980]  }
0x18: {  	v5 =	vld [tilespmem:s17+$0x1990]  }
0x19: {  	v2 =	vld [tilespmem:s17+$0x19A0]  }
0x1a: {  	v4 =	vld [tilespmem:s17+$0x19B0]  }
0x1b: {  	v0 =	vld [tilespmem:s17+$0x19C0]  }
0x1c: {  	v1 =	vld [tilespmem:s17+$0x19D0]  }
0x1d: {  	v19 =	vld [tilespmem:s17+$0x1900]  }
0x1e: {  	v20 =	vld [tilespmem:s17+$0x1910]  }
0x1f: {  	v17 =	vld [tilespmem:s17+$0x1920]  }
0x20: {  	v18 =	vld [tilespmem:s17+$0x1930]  }
0x21: {  	v10 =	vimm.f32 $0.0e+00;
	v11 =	vimm.f32 $0.0e+00;
	v14 =	vld [tilespmem:s17+$0x1940]  }
0x22: {  	v13 =	vimm.f32 $0.0e+00;
	v12 =	vimm.f32 $0.0e+00;
	v8 =	vimm.f32 $0.0e+00;
	v15 =	vld [tilespmem:s17+$0x1950]  }
0x23: {  	s18 =	simm.s32 $0x400;
	v9 =	vimm.f32 $0.0e+00;
	v7 =	vimm.f32 $0.0e+00;
	v6 =	vimm.f32 $0.0e+00;
	v16 =	vld [tilespmem:s17+$0x1960]  }
.LBB2_3:
0x24: {  	p0 =	sne.s32 s18, $0x6000;
	v10 =	vadd.f32 v19, v10;
	v11 =	vadd.f32 v20, v11;
	v19 =	vld [tilespmem:s17+$0x1970]  }
0x25: {  	v13 =	vadd.f32 v17, v13;
	v12 =	vadd.f32 v18, v12;
	v17 =	vld [tilespmem:s17+$0x19E0]  }
0x26: {  	v10 =	vadd.f32 v3, v10;
	v11 =	vadd.f32 v5, v11;
	v18 =	vld [tilespmem:s17+$0x19F0];
	s17 =	sshra.s32 s18, $0x2  }
0x27: {  	v13 =	vadd.f32 v2, v13;
	v3 =	vld [tilespmem:s17+$0x1980];
	v12 =	vadd.f32 v4, v12  }
0x28: {  	v8 =	vadd.f32 v14, v8;
	v9 =	vadd.f32 v15, v9;
	v5 =	vld [tilespmem:s17+$0x1990]  }
0x29: {  	v7 =	vadd.f32 v16, v7;
	v2 =	vld [tilespmem:s17+$0x19A0];
	v6 =	vadd.f32 v19, v6  }
0x2a: {  	v8 =	vadd.f32 v0, v8;
	v9 =	vadd.f32 v1, v9;
	v4 =	vld [tilespmem:s17+$0x19B0]  }
0x2b: {  	v7 =	vadd.f32 v17, v7;
	v0 =	vld [tilespmem:s17+$0x19C0];
	v6 =	vadd.f32 v18, v6  }
0x2c: {  	v1 =	vld [tilespmem:s17+$0x19D0]  }
0x2d: {  	v19 =	vld [tilespmem:s17+$0x1900]  }
0x2e: {  	v20 =	vld [tilespmem:s17+$0x1910]  }
.Ltmp0:
0x2f: {  	v17 =	vld [tilespmem:s17+$0x1920];
	(pc) =	sbr.rel @p0 .LBB2_3-.Ltmp0, $4  }
0x30: {  	v18 =	vld [tilespmem:s17+$0x1930]  }
0x31: {  	v14 =	vld [tilespmem:s17+$0x1940]  }
0x32: {  	v15 =	vld [tilespmem:s17+$0x1950]  }
0x33: {  	s18 =	sadd.s32 $0x400, s18;
	v16 =	vld [tilespmem:s17+$0x1960]  }
0x34: {  	v10 =	vadd.f32 v19, v10  }
0x35: {  	v11 =	vadd.f32 v20, v11  }
0x36: {  	v19 =	vld [tilespmem:s17+$0x1970];
	v13 =	vadd.f32 v17, v13;
	v3 =	vadd.f32 v3, v10  }
0x37: {  	v10 =	vadd.f32 v18, v12;
	v12 =	vld [tilespmem:s17+$0x19E0];
	v5 =	vadd.f32 v5, v11  }
0x38: {  	v11 =	vld [tilespmem:s17+$0x19F0];
	v2 =	vadd.f32 v2, v13;
	v8 =	vadd.f32 v14, v8;
	v3 =	vmul.f32 $1.999999960e-02, v3  }
0x39: {  	v9 =	vadd.f32 v15, v9;
	v4 =	vadd.f32 v4, v10;
	v5 =	vmul.f32 $1.999999960e-02, v5  }
0x3a: {  	v7 =	vadd.f32 v16, v7;
	v0 =	vadd.f32 v0, v8;
	v2 =	vmul.f32 $1.999999960e-02, v2;
	[tilespmem:$0x1A900] =	vst v3  }
0x3b: {  	v1 =	vadd.f32 v1, v9;
	v3 =	vadd.f32 v19, v6;
	[tilespmem:$0x1A910] =	vst v5;
	v4 =	vmul.f32 $1.999999960e-02, v4  }
0x3c: {  	[tilespmem:$0x1A920] =	vst v2;
	v0 =	vmul.f32 $1.999999960e-02, v0;
	v5 =	vadd.f32 v12, v7  }
0x3d: {  	v1 =	vmul.f32 $1.999999960e-02, v1;
	v2 =	vadd.f32 v11, v3;
	[tilespmem:$0x1A930] =	vst v4  }
0x3e: {  	[tilespmem:$0x1A940] =	vst v0;
	v0 =	vmul.f32 $1.999999960e-02, v5  }
0x3f: {  	[tilespmem:$0x1A950] =	vst v1;
	v1 =	vmul.f32 $1.999999960e-02, v2  }
0x40: {  	[tilespmem:$0x1A960] =	vst v0  }
0x41: {  	s17 =	simm.s32 $0x0;
	[tilespmem:$0x1A970] =	vst v1  }
0x42: {  	v3 =	vld [tilespmem:s17+$0x3280]  }
0x43: {  	v5 =	vld [tilespmem:s17+$0x3290]  }
0x44: {  	v2 =	vld [tilespmem:s17+$0x32A0]  }
0x45: {  	v4 =	vld [tilespmem:s17+$0x32B0]  }
0x46: {  	v0 =	vld [tilespmem:s17+$0x32C0]  }
0x47: {  	v1 =	vld [tilespmem:s17+$0x32D0]  }
0x48: {  	v19 =	vld [tilespmem:s17+$0x3200]  }
0x49: {  	v20 =	vld [tilespmem:s17+$0x3210]  }
0x4a: {  	v17 =	vld [tilespmem:s17+$0x3220]  }
0x4b: {  	v18 =	vld [tilespmem:s17+$0x3230]  }
0x4c: {  	v13 =	vimm.f32 $0.0e+00;
	v10 =	vimm.f32 $0.0e+00;
	v14 =	vld [tilespmem:s17+$0x3240]  }
0x4d: {  	v8 =	vimm.f32 $0.0e+00;
	v9 =	vimm.f32 $0.0e+00;
	v6 =	vimm.f32 $0.0e+00;
	v15 =	vld [tilespmem:s17+$0x3250]  }
0x4e: {  	s18 =	simm.s32 $0x400;
	v12 =	vimm.f32 $0.0e+00;
	v7 =	vimm.f32 $0.0e+00;
	v11 =	vimm.f32 $0.0e+00;
	v16 =	vld [tilespmem:s17+$0x3260]  }
.LBB2_5:
0x4f: {  	p0 =	sne.s32 s18, $0x6000;
	v10 =	vadd.f32 v19, v10;
	v11 =	vadd.f32 v20, v11;
	v19 =	vld [tilespmem:s17+$0x3270]  }
0x50: {  	v13 =	vadd.f32 v17, v13;
	v12 =	vadd.f32 v18, v12;
	v17 =	vld [tilespmem:s17+$0x32E0]  }
0x51: {  	v10 =	vadd.f32 v3, v10;
	v11 =	vadd.f32 v5, v11;
	v18 =	vld [tilespmem:s17+$0x32F0];
	s17 =	sshra.s32 s18, $0x2  }
0x52: {  	v13 =	vadd.f32 v2, v13;
	v3 =	vld [tilespmem:s17+$0x3280];
	v12 =	vadd.f32 v4, v12  }
0x53: {  	v8 =	vadd.f32 v14, v8;
	v9 =	vadd.f32 v15, v9;
	v5 =	vld [tilespmem:s17+$0x3290]  }
0x54: {  	v7 =	vadd.f32 v16, v7;
	v2 =	vld [tilespmem:s17+$0x32A0];
	v6 =	vadd.f32 v19, v6  }
0x55: {  	v8 =	vadd.f32 v0, v8;
	v9 =	vadd.f32 v1, v9;
	v4 =	vld [tilespmem:s17+$0x32B0]  }
0x56: {  	v7 =	vadd.f32 v17, v7;
	v0 =	vld [tilespmem:s17+$0x32C0];
	v6 =	vadd.f32 v18, v6  }
0x57: {  	v1 =	vld [tilespmem:s17+$0x32D0]  }
0x58: {  	v19 =	vld [tilespmem:s17+$0x3200]  }
0x59: {  	v20 =	vld [tilespmem:s17+$0x3210]  }
.Ltmp1:
0x5a: {  	v17 =	vld [tilespmem:s17+$0x3220];
	(pc) =	sbr.rel @p0 .LBB2_5-.Ltmp1, $4  }
0x5b: {  	v18 =	vld [tilespmem:s17+$0x3230]  }
0x5c: {  	v14 =	vld [tilespmem:s17+$0x3240]  }
0x5d: {  	v15 =	vld [tilespmem:s17+$0x3250]  }
0x5e: {  	s18 =	sadd.s32 $0x400, s18;
	v16 =	vld [tilespmem:s17+$0x3260]  }
0x5f: {  	v10 =	vadd.f32 v19, v10  }
0x60: {  	v11 =	vadd.f32 v20, v11  }
0x61: {  	v19 =	vld [tilespmem:s17+$0x3270];
	v13 =	vadd.f32 v17, v13;
	v3 =	vadd.f32 v3, v10  }
0x62: {  	v10 =	vadd.f32 v18, v12;
	v12 =	vld [tilespmem:s17+$0x32E0];
	v5 =	vadd.f32 v5, v11  }
0x63: {  	v11 =	vld [tilespmem:s17+$0x32F0];
	v2 =	vadd.f32 v2, v13;
	v8 =	vadd.f32 v14, v8;
	v3 =	vmul.f32 $1.999999960e-02, v3  }
0x64: {  	v9 =	vadd.f32 v15, v9;
	v4 =	vadd.f32 v4, v10;
	v5 =	vmul.f32 $1.999999960e-02, v5  }
0x65: {  	v7 =	vadd.f32 v16, v7;
	v0 =	vadd.f32 v0, v8;
	v2 =	vmul.f32 $1.999999960e-02, v2;
	[tilespmem:$0x1A980] =	vst v3  }
0x66: {  	v1 =	vadd.f32 v1, v9;
	v3 =	vadd.f32 v19, v6;
	[tilespmem:$0x1A990] =	vst v5;
	v4 =	vmul.f32 $1.999999960e-02, v4  }
0x67: {  	[tilespmem:$0x1A9A0] =	vst v2;
	v0 =	vmul.f32 $1.999999960e-02, v0;
	v5 =	vadd.f32 v12, v7  }
0x68: {  	v1 =	vmul.f32 $1.999999960e-02, v1;
	v2 =	vadd.f32 v11, v3;
	[tilespmem:$0x1A9B0] =	vst v4  }
0x69: {  	[tilespmem:$0x1A9C0] =	vst v0;
	v0 =	vmul.f32 $1.999999960e-02, v5  }
0x6a: {  	[tilespmem:$0x1A9D0] =	vst v1;
	v1 =	vmul.f32 $1.999999960e-02, v2  }
0x6b: {  	[tilespmem:$0x1A9E0] =	vst v0  }
0x6c: {  	s17 =	simm.s32 $0x0;
	[tilespmem:$0x1A9F0] =	vst v1  }
0x6d: {  	v3 =	vld [tilespmem:s17+$0x4B80]  }
0x6e: {  	v5 =	vld [tilespmem:s17+$0x4B90]  }
0x6f: {  	v2 =	vld [tilespmem:s17+$0x4BA0]  }
0x70: {  	v4 =	vld [tilespmem:s17+$0x4BB0]  }
0x71: {  	v0 =	vld [tilespmem:s17+$0x4BC0]  }
0x72: {  	v1 =	vld [tilespmem:s17+$0x4BD0]  }
0x73: {  	v19 =	vld [tilespmem:s17+$0x4B00]  }
0x74: {  	v20 =	vld [tilespmem:s17+$0x4B10]  }
0x75: {  	v17 =	vld [tilespmem:s17+$0x4B20]  }
0x76: {  	v18 =	vld [tilespmem:s17+$0x4B30]  }
0x77: {  	v13 =	vimm.f32 $0.0e+00;
	v10 =	vimm.f32 $0.0e+00;
	v14 =	vld [tilespmem:s17+$0x4B40]  }
0x78: {  	v8 =	vimm.f32 $0.0e+00;
	v9 =	vimm.f32 $0.0e+00;
	v6 =	vimm.f32 $0.0e+00;
	v15 =	vld [tilespmem:s17+$0x4B50]  }
0x79: {  	s18 =	simm.s32 $0x400;
	v12 =	vimm.f32 $0.0e+00;
	v7 =	vimm.f32 $0.0e+00;
	v11 =	vimm.f32 $0.0e+00;
	v16 =	vld [tilespmem:s17+$0x4B60]  }
.LBB2_7:
0x7a: {  	p0 =	sne.s32 s18, $0x6000;
	v10 =	vadd.f32 v19, v10;
	v11 =	vadd.f32 v20, v11;
	v19 =	vld [tilespmem:s17+$0x4B70]  }
0x7b: {  	v13 =	vadd.f32 v17, v13;
	v12 =	vadd.f32 v18, v12;
	v17 =	vld [tilespmem:s17+$0x4BE0]  }
0x7c: {  	v10 =	vadd.f32 v3, v10;
	v11 =	vadd.f32 v5, v11;
	v18 =	vld [tilespmem:s17+$0x4BF0];
	s17 =	sshra.s32 s18, $0x2  }
0x7d: {  	v13 =	vadd.f32 v2, v13;
	v3 =	vld [tilespmem:s17+$0x4B80];
	v12 =	vadd.f32 v4, v12  }
0x7e: {  	v8 =	vadd.f32 v14, v8;
	v9 =	vadd.f32 v15, v9;
	v5 =	vld [tilespmem:s17+$0x4B90]  }
0x7f: {  	v7 =	vadd.f32 v16, v7;
	v2 =	vld [tilespmem:s17+$0x4BA0];
	v6 =	vadd.f32 v19, v6  }
0x80: {  	v8 =	vadd.f32 v0, v8;
	v9 =	vadd.f32 v1, v9;
	v4 =	vld [tilespmem:s17+$0x4BB0]  }
0x81: {  	v7 =	vadd.f32 v17, v7;
	v0 =	vld [tilespmem:s17+$0x4BC0];
	v6 =	vadd.f32 v18, v6  }
0x82: {  	v1 =	vld [tilespmem:s17+$0x4BD0]  }
0x83: {  	v19 =	vld [tilespmem:s17+$0x4B00]  }
0x84: {  	v20 =	vld [tilespmem:s17+$0x4B10]  }
.Ltmp2:
0x85: {  	v17 =	vld [tilespmem:s17+$0x4B20];
	(pc) =	sbr.rel @p0 .LBB2_7-.Ltmp2, $4  }
0x86: {  	v18 =	vld [tilespmem:s17+$0x4B30]  }
0x87: {  	v14 =	vld [tilespmem:s17+$0x4B40]  }
0x88: {  	v15 =	vld [tilespmem:s17+$0x4B50]  }
0x89: {  	s18 =	sadd.s32 $0x400, s18;
	v16 =	vld [tilespmem:s17+$0x4B60]  }
0x8a: {  	v10 =	vadd.f32 v19, v10  }
0x8b: {  	v11 =	vadd.f32 v20, v11  }
0x8c: {  	v19 =	vld [tilespmem:s17+$0x4B70];
	v13 =	vadd.f32 v17, v13;
	v3 =	vadd.f32 v3, v10  }
0x8d: {  	v10 =	vadd.f32 v18, v12;
	v12 =	vld [tilespmem:s17+$0x4BE0];
	v5 =	vadd.f32 v5, v11  }
0x8e: {  	v11 =	vld [tilespmem:s17+$0x4BF0];
	v2 =	vadd.f32 v2, v13;
	v8 =	vadd.f32 v14, v8;
	v3 =	vmul.f32 $1.999999960e-02, v3  }
0x8f: {  	v9 =	vadd.f32 v15, v9;
	v4 =	vadd.f32 v4, v10;
	v5 =	vmul.f32 $1.999999960e-02, v5  }
0x90: {  	v7 =	vadd.f32 v16, v7;
	v0 =	vadd.f32 v0, v8;
	v2 =	vmul.f32 $1.999999960e-02, v2;
	[tilespmem:$0x1AA00] =	vst v3  }
0x91: {  	v1 =	vadd.f32 v1, v9;
	v3 =	vadd.f32 v19, v6;
	[tilespmem:$0x1AA10] =	vst v5;
	v4 =	vmul.f32 $1.999999960e-02, v4  }
0x92: {  	[tilespmem:$0x1AA20] =	vst v2;
	v0 =	vmul.f32 $1.999999960e-02, v0;
	v5 =	vadd.f32 v12, v7  }
0x93: {  	v1 =	vmul.f32 $1.999999960e-02, v1;
	v2 =	vadd.f32 v11, v3;
	[tilespmem:$0x1AA30] =	vst v4  }
0x94: {  	[tilespmem:$0x1AA40] =	vst v0;
	v0 =	vmul.f32 $1.999999960e-02, v5  }
0x95: {  	[tilespmem:$0x1AA50] =	vst v1;
	v1 =	vmul.f32 $1.999999960e-02, v2  }
0x96: {  	[tilespmem:$0x1AA60] =	vst v0  }
0x97: {  	s17 =	simm.s32 $0x0;
	[tilespmem:$0x1AA70] =	vst v1  }
0x98: {  	v3 =	vld [tilespmem:s17+$0x6480]  }
0x99: {  	v5 =	vld [tilespmem:s17+$0x6490]  }
0x9a: {  	v2 =	vld [tilespmem:s17+$0x64A0]  }
0x9b: {  	v4 =	vld [tilespmem:s17+$0x64B0]  }
0x9c: {  	v0 =	vld [tilespmem:s17+$0x64C0]  }
0x9d: {  	v1 =	vld [tilespmem:s17+$0x64D0]  }
0x9e: {  	v19 =	vld [tilespmem:s17+$0x6400]  }
0x9f: {  	v20 =	vld [tilespmem:s17+$0x6410]  }
0xa0: {  	v17 =	vld [tilespmem:s17+$0x6420]  }
0xa1: {  	v18 =	vld [tilespmem:s17+$0x6430]  }
0xa2: {  	v13 =	vimm.f32 $0.0e+00;
	v10 =	vimm.f32 $0.0e+00;
	v14 =	vld [tilespmem:s17+$0x6440]  }
0xa3: {  	v8 =	vimm.f32 $0.0e+00;
	v9 =	vimm.f32 $0.0e+00;
	v6 =	vimm.f32 $0.0e+00;
	v15 =	vld [tilespmem:s17+$0x6450]  }
0xa4: {  	s18 =	simm.s32 $0x400;
	v12 =	vimm.f32 $0.0e+00;
	v7 =	vimm.f32 $0.0e+00;
	v11 =	vimm.f32 $0.0e+00;
	v16 =	vld [tilespmem:s17+$0x6460]  }
.LBB2_9:
0xa5: {  	p0 =	sne.s32 s18, $0x6000;
	v10 =	vadd.f32 v19, v10;
	v11 =	vadd.f32 v20, v11;
	v19 =	vld [tilespmem:s17+$0x6470]  }
0xa6: {  	v13 =	vadd.f32 v17, v13;
	v12 =	vadd.f32 v18, v12;
	v17 =	vld [tilespmem:s17+$0x64E0]  }
0xa7: {  	v10 =	vadd.f32 v3, v10;
	v11 =	vadd.f32 v5, v11;
	v18 =	vld [tilespmem:s17+$0x64F0];
	s17 =	sshra.s32 s18, $0x2  }
0xa8: {  	v13 =	vadd.f32 v2, v13;
	v3 =	vld [tilespmem:s17+$0x6480];
	v12 =	vadd.f32 v4, v12  }
0xa9: {  	v8 =	vadd.f32 v14, v8;
	v9 =	vadd.f32 v15, v9;
	v5 =	vld [tilespmem:s17+$0x6490]  }
0xaa: {  	v7 =	vadd.f32 v16, v7;
	v2 =	vld [tilespmem:s17+$0x64A0];
	v6 =	vadd.f32 v19, v6  }
0xab: {  	v8 =	vadd.f32 v0, v8;
	v9 =	vadd.f32 v1, v9;
	v4 =	vld [tilespmem:s17+$0x64B0]  }
0xac: {  	v7 =	vadd.f32 v17, v7;
	v0 =	vld [tilespmem:s17+$0x64C0];
	v6 =	vadd.f32 v18, v6  }
0xad: {  	v1 =	vld [tilespmem:s17+$0x64D0]  }
0xae: {  	v19 =	vld [tilespmem:s17+$0x6400]  }
0xaf: {  	v20 =	vld [tilespmem:s17+$0x6410]  }
.Ltmp3:
0xb0: {  	v17 =	vld [tilespmem:s17+$0x6420];
	(pc) =	sbr.rel @p0 .LBB2_9-.Ltmp3, $4  }
0xb1: {  	v18 =	vld [tilespmem:s17+$0x6430]  }
0xb2: {  	v14 =	vld [tilespmem:s17+$0x6440]  }
0xb3: {  	v15 =	vld [tilespmem:s17+$0x6450]  }
0xb4: {  	s18 =	sadd.s32 $0x400, s18;
	v16 =	vld [tilespmem:s17+$0x6460]  }
0xb5: {  	v10 =	vadd.f32 v19, v10  }
0xb6: {  	v11 =	vadd.f32 v20, v11  }
0xb7: {  	v19 =	vld [tilespmem:s17+$0x6470];
	v13 =	vadd.f32 v17, v13;
	v3 =	vadd.f32 v3, v10  }
0xb8: {  	v10 =	vadd.f32 v18, v12;
	v12 =	vld [tilespmem:s17+$0x64E0];
	v5 =	vadd.f32 v5, v11  }
0xb9: {  	v11 =	vld [tilespmem:s17+$0x64F0];
	v2 =	vadd.f32 v2, v13;
	v8 =	vadd.f32 v14, v8;
	v3 =	vmul.f32 $1.999999960e-02, v3  }
0xba: {  	v9 =	vadd.f32 v15, v9;
	v4 =	vadd.f32 v4, v10;
	v5 =	vmul.f32 $1.999999960e-02, v5  }
0xbb: {  	v7 =	vadd.f32 v16, v7;
	v0 =	vadd.f32 v0, v8;
	v2 =	vmul.f32 $1.999999960e-02, v2;
	[tilespmem:$0x1AA80] =	vst v3  }
0xbc: {  	v1 =	vadd.f32 v1, v9;
	v3 =	vadd.f32 v19, v6;
	[tilespmem:$0x1AA90] =	vst v5;
	v4 =	vmul.f32 $1.999999960e-02, v4  }
0xbd: {  	[tilespmem:$0x1AAA0] =	vst v2;
	v0 =	vmul.f32 $1.999999960e-02, v0;
	v5 =	vadd.f32 v12, v7  }
0xbe: {  	v1 =	vmul.f32 $1.999999960e-02, v1;
	v2 =	vadd.f32 v11, v3;
	[tilespmem:$0x1AAB0] =	vst v4  }
0xbf: {  	[tilespmem:$0x1AAC0] =	vst v0;
	v0 =	vmul.f32 $1.999999960e-02, v5  }
0xc0: {  	[tilespmem:$0x1AAD0] =	vst v1;
	v1 =	vmul.f32 $1.999999960e-02, v2  }
0xc1: {  	[tilespmem:$0x1AAE0] =	vst v0  }
0xc2: {  	s17 =	simm.s32 $0x0;
	[tilespmem:$0x1AAF0] =	vst v1  }
0xc3: {  	v3 =	vld [tilespmem:s17+$0x7D80]  }
0xc4: {  	v5 =	vld [tilespmem:s17+$0x7D90]  }
0xc5: {  	v2 =	vld [tilespmem:s17+$0x7DA0]  }
0xc6: {  	v4 =	vld [tilespmem:s17+$0x7DB0]  }
0xc7: {  	v0 =	vld [tilespmem:s17+$0x7DC0]  }
0xc8: {  	v1 =	vld [tilespmem:s17+$0x7DD0]  }
0xc9: {  	v19 =	vld [tilespmem:s17+$0x7D00]  }
0xca: {  	v20 =	vld [tilespmem:s17+$0x7D10]  }
0xcb: {  	v17 =	vld [tilespmem:s17+$0x7D20]  }
0xcc: {  	v18 =	vld [tilespmem:s17+$0x7D30]  }
0xcd: {  	v13 =	vimm.f32 $0.0e+00;
	v10 =	vimm.f32 $0.0e+00;
	v14 =	vld [tilespmem:s17+$0x7D40]  }
0xce: {  	v8 =	vimm.f32 $0.0e+00;
	v9 =	vimm.f32 $0.0e+00;
	v6 =	vimm.f32 $0.0e+00;
	v15 =	vld [tilespmem:s17+$0x7D50]  }
0xcf: {  	s18 =	simm.s32 $0x400;
	v12 =	vimm.f32 $0.0e+00;
	v7 =	vimm.f32 $0.0e+00;
	v11 =	vimm.f32 $0.0e+00;
	v16 =	vld [tilespmem:s17+$0x7D60]  }
.LBB2_11:
0xd0: {  	p0 =	sne.s32 s18, $0x6000;
	v10 =	vadd.f32 v19, v10;
	v11 =	vadd.f32 v20, v11;
	v19 =	vld [tilespmem:s17+$0x7D70]  }
0xd1: {  	v13 =	vadd.f32 v17, v13;
	v12 =	vadd.f32 v18, v12;
	v17 =	vld [tilespmem:s17+$0x7DE0]  }
0xd2: {  	v10 =	vadd.f32 v3, v10;
	v11 =	vadd.f32 v5, v11;
	v18 =	vld [tilespmem:s17+$0x7DF0];
	s17 =	sshra.s32 s18, $0x2  }
0xd3: {  	v13 =	vadd.f32 v2, v13;
	v3 =	vld [tilespmem:s17+$0x7D80];
	v12 =	vadd.f32 v4, v12  }
0xd4: {  	v8 =	vadd.f32 v14, v8;
	v9 =	vadd.f32 v15, v9;
	v5 =	vld [tilespmem:s17+$0x7D90]  }
0xd5: {  	v7 =	vadd.f32 v16, v7;
	v2 =	vld [tilespmem:s17+$0x7DA0];
	v6 =	vadd.f32 v19, v6  }
0xd6: {  	v8 =	vadd.f32 v0, v8;
	v9 =	vadd.f32 v1, v9;
	v4 =	vld [tilespmem:s17+$0x7DB0]  }
0xd7: {  	v7 =	vadd.f32 v17, v7;
	v0 =	vld [tilespmem:s17+$0x7DC0];
	v6 =	vadd.f32 v18, v6  }
0xd8: {  	v1 =	vld [tilespmem:s17+$0x7DD0]  }
0xd9: {  	v19 =	vld [tilespmem:s17+$0x7D00]  }
0xda: {  	v20 =	vld [tilespmem:s17+$0x7D10]  }
.Ltmp4:
0xdb: {  	v17 =	vld [tilespmem:s17+$0x7D20];
	(pc) =	sbr.rel @p0 .LBB2_11-.Ltmp4, $4  }
0xdc: {  	v18 =	vld [tilespmem:s17+$0x7D30]  }
0xdd: {  	v14 =	vld [tilespmem:s17+$0x7D40]  }
0xde: {  	v15 =	vld [tilespmem:s17+$0x7D50]  }
0xdf: {  	s18 =	sadd.s32 $0x400, s18;
	v16 =	vld [tilespmem:s17+$0x7D60]  }
0xe0: {  	v10 =	vadd.f32 v19, v10  }
0xe1: {  	v11 =	vadd.f32 v20, v11  }
0xe2: {  	v19 =	vld [tilespmem:s17+$0x7D70];
	v13 =	vadd.f32 v17, v13;
	v3 =	vadd.f32 v3, v10  }
0xe3: {  	v10 =	vadd.f32 v18, v12;
	v12 =	vld [tilespmem:s17+$0x7DE0];
	v5 =	vadd.f32 v5, v11  }
0xe4: {  	v11 =	vld [tilespmem:s17+$0x7DF0];
	v2 =	vadd.f32 v2, v13;
	v8 =	vadd.f32 v14, v8;
	v3 =	vmul.f32 $1.999999960e-02, v3  }
0xe5: {  	v9 =	vadd.f32 v15, v9;
	v4 =	vadd.f32 v4, v10;
	v5 =	vmul.f32 $1.999999960e-02, v5  }
0xe6: {  	v7 =	vadd.f32 v16, v7;
	v0 =	vadd.f32 v0, v8;
	v2 =	vmul.f32 $1.999999960e-02, v2;
	[tilespmem:$0x1AB00] =	vst v3  }
0xe7: {  	v1 =	vadd.f32 v1, v9;
	v3 =	vadd.f32 v19, v6;
	[tilespmem:$0x1AB10] =	vst v5;
	v4 =	vmul.f32 $1.999999960e-02, v4  }
0xe8: {  	[tilespmem:$0x1AB20] =	vst v2;
	v0 =	vmul.f32 $1.999999960e-02, v0;
	v5 =	vadd.f32 v12, v7  }
0xe9: {  	v1 =	vmul.f32 $1.999999960e-02, v1;
	v2 =	vadd.f32 v11, v3;
	[tilespmem:$0x1AB30] =	vst v4  }
0xea: {  	[tilespmem:$0x1AB40] =	vst v0;
	v0 =	vmul.f32 $1.999999960e-02, v5  }
0xeb: {  	[tilespmem:$0x1AB50] =	vst v1;
	v1 =	vmul.f32 $1.999999960e-02, v2  }
0xec: {  	[tilespmem:$0x1AB60] =	vst v0  }
0xed: {  	s17 =	simm.s32 $0x0;
	[tilespmem:$0x1AB70] =	vst v1  }
0xee: {  	v3 =	vld [tilespmem:s17+$0x9680]  }
0xef: {  	v5 =	vld [tilespmem:s17+$0x9690]  }
0xf0: {  	v2 =	vld [tilespmem:s17+$0x96A0]  }
0xf1: {  	v4 =	vld [tilespmem:s17+$0x96B0]  }
0xf2: {  	v0 =	vld [tilespmem:s17+$0x96C0]  }
0xf3: {  	v1 =	vld [tilespmem:s17+$0x96D0]  }
0xf4: {  	v19 =	vld [tilespmem:s17+$0x9600]  }
0xf5: {  	v20 =	vld [tilespmem:s17+$0x9610]  }
0xf6: {  	v17 =	vld [tilespmem:s17+$0x9620]  }
0xf7: {  	v18 =	vld [tilespmem:s17+$0x9630]  }
0xf8: {  	v13 =	vimm.f32 $0.0e+00;
	v10 =	vimm.f32 $0.0e+00;
	v14 =	vld [tilespmem:s17+$0x9640]  }
0xf9: {  	v8 =	vimm.f32 $0.0e+00;
	v9 =	vimm.f32 $0.0e+00;
	v6 =	vimm.f32 $0.0e+00;
	v15 =	vld [tilespmem:s17+$0x9650]  }
0xfa: {  	s18 =	simm.s32 $0x400;
	v12 =	vimm.f32 $0.0e+00;
	v7 =	vimm.f32 $0.0e+00;
	v11 =	vimm.f32 $0.0e+00;
	v16 =	vld [tilespmem:s17+$0x9660]  }
.LBB2_13:
0xfb: {  	p0 =	sne.s32 s18, $0x6000;
	v10 =	vadd.f32 v19, v10;
	v11 =	vadd.f32 v20, v11;
	v19 =	vld [tilespmem:s17+$0x9670]  }
0xfc: {  	v13 =	vadd.f32 v17, v13;
	v12 =	vadd.f32 v18, v12;
	v17 =	vld [tilespmem:s17+$0x96E0]  }
0xfd: {  	v10 =	vadd.f32 v3, v10;
	v11 =	vadd.f32 v5, v11;
	v18 =	vld [tilespmem:s17+$0x96F0];
	s17 =	sshra.s32 s18, $0x2  }
0xfe: {  	v13 =	vadd.f32 v2, v13;
	v3 =	vld [tilespmem:s17+$0x9680];
	v12 =	vadd.f32 v4, v12  }
0xff: {  	v8 =	vadd.f32 v14, v8;
	v9 =	vadd.f32 v15, v9;
	v5 =	vld [tilespmem:s17+$0x9690]  }
0x100: {  	v7 =	vadd.f32 v16, v7;
	v2 =	vld [tilespmem:s17+$0x96A0];
	v6 =	vadd.f32 v19, v6  }
0x101: {  	v8 =	vadd.f32 v0, v8;
	v9 =	vadd.f32 v1, v9;
	v4 =	vld [tilespmem:s17+$0x96B0]  }
0x102: {  	v7 =	vadd.f32 v17, v7;
	v0 =	vld [tilespmem:s17+$0x96C0];
	v6 =	vadd.f32 v18, v6  }
0x103: {  	v1 =	vld [tilespmem:s17+$0x96D0]  }
0x104: {  	v19 =	vld [tilespmem:s17+$0x9600]  }
0x105: {  	v20 =	vld [tilespmem:s17+$0x9610]  }
.Ltmp5:
0x106: {  	v17 =	vld [tilespmem:s17+$0x9620];
	(pc) =	sbr.rel @p0 .LBB2_13-.Ltmp5, $4  }
0x107: {  	v18 =	vld [tilespmem:s17+$0x9630]  }
0x108: {  	v14 =	vld [tilespmem:s17+$0x9640]  }
0x109: {  	v15 =	vld [tilespmem:s17+$0x9650]  }
0x10a: {  	s18 =	sadd.s32 $0x400, s18;
	v16 =	vld [tilespmem:s17+$0x9660]  }
0x10b: {  	v10 =	vadd.f32 v19, v10  }
0x10c: {  	v11 =	vadd.f32 v20, v11  }
0x10d: {  	v19 =	vld [tilespmem:s17+$0x9670];
	v13 =	vadd.f32 v17, v13;
	v3 =	vadd.f32 v3, v10  }
0x10e: {  	v10 =	vadd.f32 v18, v12;
	v12 =	vld [tilespmem:s17+$0x96E0];
	v5 =	vadd.f32 v5, v11  }
0x10f: {  	v11 =	vld [tilespmem:s17+$0x96F0];
	v2 =	vadd.f32 v2, v13;
	v8 =	vadd.f32 v14, v8;
	v3 =	vmul.f32 $1.999999960e-02, v3  }
0x110: {  	v9 =	vadd.f32 v15, v9;
	v4 =	vadd.f32 v4, v10;
	v5 =	vmul.f32 $1.999999960e-02, v5  }
0x111: {  	v7 =	vadd.f32 v16, v7;
	v0 =	vadd.f32 v0, v8;
	v2 =	vmul.f32 $1.999999960e-02, v2;
	[tilespmem:$0x1AB80] =	vst v3  }
0x112: {  	v1 =	vadd.f32 v1, v9;
	v3 =	vadd.f32 v19, v6;
	[tilespmem:$0x1AB90] =	vst v5;
	v4 =	vmul.f32 $1.999999960e-02, v4  }
0x113: {  	[tilespmem:$0x1ABA0] =	vst v2;
	v0 =	vmul.f32 $1.999999960e-02, v0;
	v5 =	vadd.f32 v12, v7  }
0x114: {  	v1 =	vmul.f32 $1.999999960e-02, v1;
	v2 =	vadd.f32 v11, v3;
	[tilespmem:$0x1ABB0] =	vst v4  }
0x115: {  	[tilespmem:$0x1ABC0] =	vst v0;
	v0 =	vmul.f32 $1.999999960e-02, v5  }
0x116: {  	[tilespmem:$0x1ABD0] =	vst v1;
	v1 =	vmul.f32 $1.999999960e-02, v2  }
0x117: {  	[tilespmem:$0x1ABE0] =	vst v0  }
0x118: {  	s17 =	simm.s32 $0x0;
	[tilespmem:$0x1ABF0] =	vst v1  }
0x119: {  	v3 =	vld [tilespmem:s17+$0xAF80]  }
0x11a: {  	v5 =	vld [tilespmem:s17+$0xAF90]  }
0x11b: {  	v2 =	vld [tilespmem:s17+$0xAFA0]  }
0x11c: {  	v4 =	vld [tilespmem:s17+$0xAFB0]  }
0x11d: {  	v0 =	vld [tilespmem:s17+$0xAFC0]  }
0x11e: {  	v1 =	vld [tilespmem:s17+$0xAFD0]  }
0x11f: {  	v19 =	vld [tilespmem:s17+$0xAF00]  }
0x120: {  	v20 =	vld [tilespmem:s17+$0xAF10]  }
0x121: {  	v17 =	vld [tilespmem:s17+$0xAF20]  }
0x122: {  	v18 =	vld [tilespmem:s17+$0xAF30]  }
0x123: {  	v13 =	vimm.f32 $0.0e+00;
	v10 =	vimm.f32 $0.0e+00;
	v14 =	vld [tilespmem:s17+$0xAF40]  }
0x124: {  	v8 =	vimm.f32 $0.0e+00;
	v9 =	vimm.f32 $0.0e+00;
	v6 =	vimm.f32 $0.0e+00;
	v15 =	vld [tilespmem:s17+$0xAF50]  }
0x125: {  	s18 =	simm.s32 $0x400;
	v12 =	vimm.f32 $0.0e+00;
	v7 =	vimm.f32 $0.0e+00;
	v11 =	vimm.f32 $0.0e+00;
	v16 =	vld [tilespmem:s17+$0xAF60]  }
.LBB2_15:
0x126: {  	p0 =	sne.s32 s18, $0x6000;
	v10 =	vadd.f32 v19, v10;
	v11 =	vadd.f32 v20, v11;
	v19 =	vld [tilespmem:s17+$0xAF70]  }
0x127: {  	v13 =	vadd.f32 v17, v13;
	v12 =	vadd.f32 v18, v12;
	v17 =	vld [tilespmem:s17+$0xAFE0]  }
0x128: {  	v10 =	vadd.f32 v3, v10;
	v11 =	vadd.f32 v5, v11;
	v18 =	vld [tilespmem:s17+$0xAFF0];
	s17 =	sshra.s32 s18, $0x2  }
0x129: {  	v13 =	vadd.f32 v2, v13;
	v3 =	vld [tilespmem:s17+$0xAF80];
	v12 =	vadd.f32 v4, v12  }
0x12a: {  	v8 =	vadd.f32 v14, v8;
	v9 =	vadd.f32 v15, v9;
	v5 =	vld [tilespmem:s17+$0xAF90]  }
0x12b: {  	v7 =	vadd.f32 v16, v7;
	v2 =	vld [tilespmem:s17+$0xAFA0];
	v6 =	vadd.f32 v19, v6  }
0x12c: {  	v8 =	vadd.f32 v0, v8;
	v9 =	vadd.f32 v1, v9;
	v4 =	vld [tilespmem:s17+$0xAFB0]  }
0x12d: {  	v7 =	vadd.f32 v17, v7;
	v0 =	vld [tilespmem:s17+$0xAFC0];
	v6 =	vadd.f32 v18, v6  }
0x12e: {  	v1 =	vld [tilespmem:s17+$0xAFD0]  }
0x12f: {  	v19 =	vld [tilespmem:s17+$0xAF00]  }
0x130: {  	v20 =	vld [tilespmem:s17+$0xAF10]  }
.Ltmp6:
0x131: {  	v17 =	vld [tilespmem:s17+$0xAF20];
	(pc) =	sbr.rel @p0 .LBB2_15-.Ltmp6, $4  }
0x132: {  	v18 =	vld [tilespmem:s17+$0xAF30]  }
0x133: {  	v14 =	vld [tilespmem:s17+$0xAF40]  }
0x134: {  	v15 =	vld [tilespmem:s17+$0xAF50]  }
0x135: {  	s18 =	sadd.s32 $0x400, s18;
	v16 =	vld [tilespmem:s17+$0xAF60]  }
0x136: {  	v10 =	vadd.f32 v19, v10  }
0x137: {  	v11 =	vadd.f32 v20, v11  }
0x138: {  	v19 =	vld [tilespmem:s17+$0xAF70];
	v13 =	vadd.f32 v17, v13;
	v3 =	vadd.f32 v3, v10  }
0x139: {  	v10 =	vadd.f32 v18, v12;
	v12 =	vld [tilespmem:s17+$0xAFE0];
	v5 =	vadd.f32 v5, v11  }
0x13a: {  	v11 =	vld [tilespmem:s17+$0xAFF0];
	v2 =	vadd.f32 v2, v13;
	v8 =	vadd.f32 v14, v8;
	v3 =	vmul.f32 $1.999999960e-02, v3  }
0x13b: {  	v9 =	vadd.f32 v15, v9;
	v4 =	vadd.f32 v4, v10;
	v5 =	vmul.f32 $1.999999960e-02, v5  }
0x13c: {  	v7 =	vadd.f32 v16, v7;
	v0 =	vadd.f32 v0, v8;
	v2 =	vmul.f32 $1.999999960e-02, v2;
	[tilespmem:$0x1AC00] =	vst v3  }
0x13d: {  	v1 =	vadd.f32 v1, v9;
	v3 =	vadd.f32 v19, v6;
	[tilespmem:$0x1AC10] =	vst v5;
	v4 =	vmul.f32 $1.999999960e-02, v4  }
0x13e: {  	[tilespmem:$0x1AC20] =	vst v2;
	v0 =	vmul.f32 $1.999999960e-02, v0;
	v5 =	vadd.f32 v12, v7  }
0x13f: {  	v1 =	vmul.f32 $1.999999960e-02, v1;
	v2 =	vadd.f32 v11, v3;
	[tilespmem:$0x1AC30] =	vst v4  }
0x140: {  	[tilespmem:$0x1AC40] =	vst v0;
	v0 =	vmul.f32 $1.999999960e-02, v5  }
0x141: {  	[tilespmem:$0x1AC50] =	vst v1;
	v1 =	vmul.f32 $1.999999960e-02, v2  }
0x142: {  	[tilespmem:$0x1AC60] =	vst v0  }
0x143: {  	s17 =	simm.s32 $0x0;
	[tilespmem:$0x1AC70] =	vst v1  }
0x144: {  	v3 =	vld [tilespmem:s17+$0xC880]  }
0x145: {  	v5 =	vld [tilespmem:s17+$0xC890]  }
0x146: {  	v2 =	vld [tilespmem:s17+$0xC8A0]  }
0x147: {  	v4 =	vld [tilespmem:s17+$0xC8B0]  }
0x148: {  	v0 =	vld [tilespmem:s17+$0xC8C0]  }
0x149: {  	v1 =	vld [tilespmem:s17+$0xC8D0]  }
0x14a: {  	v19 =	vld [tilespmem:s17+$0xC800]  }
0x14b: {  	v20 =	vld [tilespmem:s17+$0xC810]  }
0x14c: {  	v17 =	vld [tilespmem:s17+$0xC820]  }
0x14d: {  	v18 =	vld [tilespmem:s17+$0xC830]  }
0x14e: {  	v13 =	vimm.f32 $0.0e+00;
	v10 =	vimm.f32 $0.0e+00;
	v14 =	vld [tilespmem:s17+$0xC840]  }
0x14f: {  	v8 =	vimm.f32 $0.0e+00;
	v9 =	vimm.f32 $0.0e+00;
	v6 =	vimm.f32 $0.0e+00;
	v15 =	vld [tilespmem:s17+$0xC850]  }
0x150: {  	s18 =	simm.s32 $0x400;
	v12 =	vimm.f32 $0.0e+00;
	v7 =	vimm.f32 $0.0e+00;
	v11 =	vimm.f32 $0.0e+00;
	v16 =	vld [tilespmem:s17+$0xC860]  }
.LBB2_17:
0x151: {  	p0 =	sne.s32 s18, $0x6000;
	v10 =	vadd.f32 v19, v10;
	v11 =	vadd.f32 v20, v11;
	v19 =	vld [tilespmem:s17+$0xC870]  }
0x152: {  	v13 =	vadd.f32 v17, v13;
	v12 =	vadd.f32 v18, v12;
	v17 =	vld [tilespmem:s17+$0xC8E0]  }
0x153: {  	v10 =	vadd.f32 v3, v10;
	v11 =	vadd.f32 v5, v11;
	v18 =	vld [tilespmem:s17+$0xC8F0];
	s17 =	sshra.s32 s18, $0x2  }
0x154: {  	v13 =	vadd.f32 v2, v13;
	v3 =	vld [tilespmem:s17+$0xC880];
	v12 =	vadd.f32 v4, v12  }
0x155: {  	v8 =	vadd.f32 v14, v8;
	v9 =	vadd.f32 v15, v9;
	v5 =	vld [tilespmem:s17+$0xC890]  }
0x156: {  	v7 =	vadd.f32 v16, v7;
	v2 =	vld [tilespmem:s17+$0xC8A0];
	v6 =	vadd.f32 v19, v6  }
0x157: {  	v8 =	vadd.f32 v0, v8;
	v9 =	vadd.f32 v1, v9;
	v4 =	vld [tilespmem:s17+$0xC8B0]  }
0x158: {  	v7 =	vadd.f32 v17, v7;
	v0 =	vld [tilespmem:s17+$0xC8C0];
	v6 =	vadd.f32 v18, v6  }
0x159: {  	v1 =	vld [tilespmem:s17+$0xC8D0]  }
0x15a: {  	v19 =	vld [tilespmem:s17+$0xC800]  }
0x15b: {  	v20 =	vld [tilespmem:s17+$0xC810]  }
.Ltmp7:
0x15c: {  	v17 =	vld [tilespmem:s17+$0xC820];
	(pc) =	sbr.rel @p0 .LBB2_17-.Ltmp7, $4  }
0x15d: {  	v18 =	vld [tilespmem:s17+$0xC830]  }
0x15e: {  	v14 =	vld [tilespmem:s17+$0xC840]  }
0x15f: {  	v15 =	vld [tilespmem:s17+$0xC850]  }
0x160: {  	s18 =	sadd.s32 $0x400, s18;
	v16 =	vld [tilespmem:s17+$0xC860]  }
0x161: {  	v10 =	vadd.f32 v19, v10  }
0x162: {  	v11 =	vadd.f32 v20, v11  }
0x163: {  	v19 =	vld [tilespmem:s17+$0xC870];
	v13 =	vadd.f32 v17, v13;
	v3 =	vadd.f32 v3, v10  }
0x164: {  	v10 =	vadd.f32 v18, v12;
	v12 =	vld [tilespmem:s17+$0xC8E0];
	v5 =	vadd.f32 v5, v11  }
0x165: {  	v11 =	vld [tilespmem:s17+$0xC8F0];
	v2 =	vadd.f32 v2, v13;
	v8 =	vadd.f32 v14, v8;
	v3 =	vmul.f32 $1.999999960e-02, v3  }
0x166: {  	v9 =	vadd.f32 v15, v9;
	v4 =	vadd.f32 v4, v10;
	v5 =	vmul.f32 $1.999999960e-02, v5  }
0x167: {  	v7 =	vadd.f32 v16, v7;
	v0 =	vadd.f32 v0, v8;
	v2 =	vmul.f32 $1.999999960e-02, v2;
	[tilespmem:$0x1AC80] =	vst v3  }
0x168: {  	v1 =	vadd.f32 v1, v9;
	v3 =	vadd.f32 v19, v6;
	[tilespmem:$0x1AC90] =	vst v5;
	v4 =	vmul.f32 $1.999999960e-02, v4  }
0x169: {  	[tilespmem:$0x1ACA0] =	vst v2;
	v0 =	vmul.f32 $1.999999960e-02, v0;
	v5 =	vadd.f32 v12, v7  }
0x16a: {  	v1 =	vmul.f32 $1.999999960e-02, v1;
	v2 =	vadd.f32 v11, v3;
	[tilespmem:$0x1ACB0] =	vst v4  }
0x16b: {  	[tilespmem:$0x1ACC0] =	vst v0;
	v0 =	vmul.f32 $1.999999960e-02, v5  }
0x16c: {  	[tilespmem:$0x1ACD0] =	vst v1;
	v1 =	vmul.f32 $1.999999960e-02, v2  }
0x16d: {  	s31 =	sshll.u32 s15, $0x8;
	[tilespmem:$0x1ACE0] =	vst v0  }
0x16e: {  	p0 =	seq.s32 s15, $0x7;
	s17 =	sadd.s32 s31, s5;
	[tilespmem:$0x1ACF0] =	vst v1  }
0x16f: {  	[hbm4b:s17+s3] =	stream.linear.scatter [tilespmem:s12], [sflag:$0x3], $0x400, $0x38;
	[tilespmem:$0x1AD00] =	vst v63  }
0x170: {  	s17 =	smul.u32 @!p0 $0xC80, s15  }
0x171: {  	_ =	swait.ge [sflag:s7], $0x400  }
0x172: {  	s18 =	simm.s32 @!p0 $0x190;
	[sflag:s7] =	ssyncset.done $0x0;
	s17 =	sshra.s32 @!p0 s17, $0x2  }
0x173: {  	s19 =	simm.s32 @!p0 $0x1900;
	[sflag:s7] =	ssyncadd.s32 $0xFFFFFC00;
	s17 =	sadd.s32 @!p0 $0x320, s17  }
0x174: {  	[tilespmem:s19], [sflag:$0x1] =	stream.indirect.gather @!p0 [hbm4b:s2+s18], $0x80, s17, s18, $0xb8;
	[tilespmem:$0x1AD00] =	vst v63  }
0x175: {  	_ =	swait.ge [sflag:s13], $0xC800  }
0x176: {  	[sflag:s13] =	ssyncset.done $0x0  }
0x177: {  	s17 =	simm.s32 $0x0;
	[sflag:s13] =	ssyncadd.s32 $0xFFFF3800  }
0x178: {  	v3 =	vld [tilespmem:s17+$0xE180]  }
0x179: {  	v5 =	vld [tilespmem:s17+$0xE190]  }
0x17a: {  	v2 =	vld [tilespmem:s17+$0xE1A0]  }
0x17b: {  	v4 =	vld [tilespmem:s17+$0xE1B0]  }
0x17c: {  	v0 =	vld [tilespmem:s17+$0xE1C0]  }
0x17d: {  	v1 =	vld [tilespmem:s17+$0xE1D0]  }
0x17e: {  	v19 =	vld [tilespmem:s17+$0xE100]  }
0x17f: {  	v20 =	vld [tilespmem:s17+$0xE110]  }
0x180: {  	v17 =	vld [tilespmem:s17+$0xE120]  }
0x181: {  	v18 =	vld [tilespmem:s17+$0xE130]  }
0x182: {  	v13 =	vimm.f32 $0.0e+00;
	v10 =	vimm.f32 $0.0e+00;
	v14 =	vld [tilespmem:s17+$0xE140]  }
0x183: {  	v8 =	vimm.f32 $0.0e+00;
	v9 =	vimm.f32 $0.0e+00;
	v6 =	vimm.f32 $0.0e+00;
	v15 =	vld [tilespmem:s17+$0xE150]  }
0x184: {  	v12 =	vimm.f32 $0.0e+00;
	v7 =	vimm.f32 $0.0e+00;
	v11 =	vimm.f32 $0.0e+00;
	s18 =	simm.s32 $0x400;
	v16 =	vld [tilespmem:s17+$0xE160]  }
.LBB2_19:
0x185: {  	p0 =	sne.s32 s18, $0x6000;
	v10 =	vadd.f32 v19, v10;
	v11 =	vadd.f32 v20, v11;
	v19 =	vld [tilespmem:s17+$0xE170]  }
0x186: {  	v13 =	vadd.f32 v17, v13;
	v12 =	vadd.f32 v18, v12;
	v17 =	vld [tilespmem:s17+$0xE1E0]  }
0x187: {  	v10 =	vadd.f32 v3, v10;
	v11 =	vadd.f32 v5, v11;
	v18 =	vld [tilespmem:s17+$0xE1F0];
	s17 =	sshra.s32 s18, $0x2  }
0x188: {  	v13 =	vadd.f32 v2, v13;
	v3 =	vld [tilespmem:s17+$0xE180];
	v12 =	vadd.f32 v4, v12  }
0x189: {  	v8 =	vadd.f32 v14, v8;
	v9 =	vadd.f32 v15, v9;
	v5 =	vld [tilespmem:s17+$0xE190]  }
0x18a: {  	v7 =	vadd.f32 v16, v7;
	v2 =	vld [tilespmem:s17+$0xE1A0];
	v6 =	vadd.f32 v19, v6  }
0x18b: {  	v8 =	vadd.f32 v0, v8;
	v9 =	vadd.f32 v1, v9;
	v4 =	vld [tilespmem:s17+$0xE1B0]  }
0x18c: {  	v7 =	vadd.f32 v17, v7;
	v0 =	vld [tilespmem:s17+$0xE1C0];
	v6 =	vadd.f32 v18, v6  }
0x18d: {  	v1 =	vld [tilespmem:s17+$0xE1D0]  }
0x18e: {  	v19 =	vld [tilespmem:s17+$0xE100]  }
0x18f: {  	v20 =	vld [tilespmem:s17+$0xE110]  }
.Ltmp8:
0x190: {  	v17 =	vld [tilespmem:s17+$0xE120];
	(pc) =	sbr.rel @p0 .LBB2_19-.Ltmp8, $4  }
0x191: {  	v18 =	vld [tilespmem:s17+$0xE130]  }
0x192: {  	v14 =	vld [tilespmem:s17+$0xE140]  }
0x193: {  	v15 =	vld [tilespmem:s17+$0xE150]  }
0x194: {  	s18 =	sadd.s32 $0x400, s18;
	v16 =	vld [tilespmem:s17+$0xE160]  }
0x195: {  	v10 =	vadd.f32 v19, v10  }
0x196: {  	v11 =	vadd.f32 v20, v11  }
0x197: {  	v19 =	vld [tilespmem:s17+$0xE170];
	v13 =	vadd.f32 v17, v13;
	v3 =	vadd.f32 v3, v10  }
0x198: {  	v10 =	vadd.f32 v18, v12;
	v12 =	vld [tilespmem:s17+$0xE1E0];
	v5 =	vadd.f32 v5, v11  }
0x199: {  	v11 =	vld [tilespmem:s17+$0xE1F0];
	v2 =	vadd.f32 v2, v13;
	v8 =	vadd.f32 v14, v8;
	v3 =	vmul.f32 $1.999999960e-02, v3  }
0x19a: {  	v9 =	vadd.f32 v15, v9;
	v4 =	vadd.f32 v4, v10;
	v5 =	vmul.f32 $1.999999960e-02, v5  }
0x19b: {  	v7 =	vadd.f32 v16, v7;
	v0 =	vadd.f32 v0, v8;
	v2 =	vmul.f32 $1.999999960e-02, v2;
	[tilespmem:$0x1A900] =	vst v3  }
0x19c: {  	v1 =	vadd.f32 v1, v9;
	v3 =	vadd.f32 v19, v6;
	[tilespmem:$0x1A910] =	vst v5;
	v4 =	vmul.f32 $1.999999960e-02, v4  }
0x19d: {  	[tilespmem:$0x1A920] =	vst v2;
	v0 =	vmul.f32 $1.999999960e-02, v0;
	v5 =	vadd.f32 v12, v7  }
0x19e: {  	v1 =	vmul.f32 $1.999999960e-02, v1;
	v2 =	vadd.f32 v11, v3;
	[tilespmem:$0x1A930] =	vst v4  }
0x19f: {  	[tilespmem:$0x1A940] =	vst v0;
	v0 =	vmul.f32 $1.999999960e-02, v5  }
0x1a0: {  	[tilespmem:$0x1A950] =	vst v1;
	v1 =	vmul.f32 $1.999999960e-02, v2  }
0x1a1: {  	[tilespmem:$0x1A960] =	vst v0  }
0x1a2: {  	s17 =	simm.s32 $0x0;
	[tilespmem:$0x1A970] =	vst v1  }
0x1a3: {  	v3 =	vld [tilespmem:s17+$0xFA80]  }
0x1a4: {  	v5 =	vld [tilespmem:s17+$0xFA90]  }
0x1a5: {  	v2 =	vld [tilespmem:s17+$0xFAA0]  }
0x1a6: {  	v4 =	vld [tilespmem:s17+$0xFAB0]  }
0x1a7: {  	v0 =	vld [tilespmem:s17+$0xFAC0]  }
0x1a8: {  	v1 =	vld [tilespmem:s17+$0xFAD0]  }
0x1a9: {  	v19 =	vld [tilespmem:s17+$0xFA00]  }
0x1aa: {  	v20 =	vld [tilespmem:s17+$0xFA10]  }
0x1ab: {  	v17 =	vld [tilespmem:s17+$0xFA20]  }
0x1ac: {  	v18 =	vld [tilespmem:s17+$0xFA30]  }
0x1ad: {  	v13 =	vimm.f32 $0.0e+00;
	v10 =	vimm.f32 $0.0e+00;
	v14 =	vld [tilespmem:s17+$0xFA40]  }
0x1ae: {  	v8 =	vimm.f32 $0.0e+00;
	v9 =	vimm.f32 $0.0e+00;
	v6 =	vimm.f32 $0.0e+00;
	v15 =	vld [tilespmem:s17+$0xFA50]  }
0x1af: {  	s18 =	simm.s32 $0x400;
	v12 =	vimm.f32 $0.0e+00;
	v7 =	vimm.f32 $0.0e+00;
	v11 =	vimm.f32 $0.0e+00;
	v16 =	vld [tilespmem:s17+$0xFA60]  }
.LBB2_21:
0x1b0: {  	p0 =	sne.s32 s18, $0x6000;
	v10 =	vadd.f32 v19, v10;
	v11 =	vadd.f32 v20, v11;
	v19 =	vld [tilespmem:s17+$0xFA70]  }
0x1b1: {  	v13 =	vadd.f32 v17, v13;
	v12 =	vadd.f32 v18, v12;
	v17 =	vld [tilespmem:s17+$0xFAE0]  }
0x1b2: {  	v10 =	vadd.f32 v3, v10;
	v11 =	vadd.f32 v5, v11;
	v18 =	vld [tilespmem:s17+$0xFAF0];
	s17 =	sshra.s32 s18, $0x2  }
0x1b3: {  	v13 =	vadd.f32 v2, v13;
	v3 =	vld [tilespmem:s17+$0xFA80];
	v12 =	vadd.f32 v4, v12  }
0x1b4: {  	v8 =	vadd.f32 v14, v8;
	v9 =	vadd.f32 v15, v9;
	v5 =	vld [tilespmem:s17+$0xFA90]  }
0x1b5: {  	v7 =	vadd.f32 v16, v7;
	v2 =	vld [tilespmem:s17+$0xFAA0];
	v6 =	vadd.f32 v19, v6  }
0x1b6: {  	v8 =	vadd.f32 v0, v8;
	v9 =	vadd.f32 v1, v9;
	v4 =	vld [tilespmem:s17+$0xFAB0]  }
0x1b7: {  	v7 =	vadd.f32 v17, v7;
	v0 =	vld [tilespmem:s17+$0xFAC0];
	v6 =	vadd.f32 v18, v6  }
0x1b8: {  	v1 =	vld [tilespmem:s17+$0xFAD0]  }
0x1b9: {  	v19 =	vld [tilespmem:s17+$0xFA00]  }
0x1ba: {  	v20 =	vld [tilespmem:s17+$0xFA10]  }
.Ltmp9:
0x1bb: {  	v17 =	vld [tilespmem:s17+$0xFA20];
	(pc) =	sbr.rel @p0 .LBB2_21-.Ltmp9, $4  }
0x1bc: {  	v18 =	vld [tilespmem:s17+$0xFA30]  }
0x1bd: {  	v14 =	vld [tilespmem:s17+$0xFA40]  }
0x1be: {  	v15 =	vld [tilespmem:s17+$0xFA50]  }
0x1bf: {  	s18 =	sadd.s32 $0x400, s18;
	v16 =	vld [tilespmem:s17+$0xFA60]  }
0x1c0: {  	v10 =	vadd.f32 v19, v10  }
0x1c1: {  	v11 =	vadd.f32 v20, v11  }
0x1c2: {  	v19 =	vld [tilespmem:s17+$0xFA70];
	v13 =	vadd.f32 v17, v13;
	v3 =	vadd.f32 v3, v10  }
0x1c3: {  	v10 =	vadd.f32 v18, v12;
	v12 =	vld [tilespmem:s17+$0xFAE0];
	v5 =	vadd.f32 v5, v11  }
0x1c4: {  	v11 =	vld [tilespmem:s17+$0xFAF0];
	v2 =	vadd.f32 v2, v13;
	v8 =	vadd.f32 v14, v8;
	v3 =	vmul.f32 $1.999999960e-02, v3  }
0x1c5: {  	v9 =	vadd.f32 v15, v9;
	v4 =	vadd.f32 v4, v10;
	v5 =	vmul.f32 $1.999999960e-02, v5  }
0x1c6: {  	v7 =	vadd.f32 v16, v7;
	v0 =	vadd.f32 v0, v8;
	v2 =	vmul.f32 $1.999999960e-02, v2;
	[tilespmem:$0x1A980] =	vst v3  }
0x1c7: {  	v1 =	vadd.f32 v1, v9;
	v3 =	vadd.f32 v19, v6;
	[tilespmem:$0x1A990] =	vst v5;
	v4 =	vmul.f32 $1.999999960e-02, v4  }
0x1c8: {  	[tilespmem:$0x1A9A0] =	vst v2;
	v0 =	vmul.f32 $1.999999960e-02, v0;
	v5 =	vadd.f32 v12, v7  }
0x1c9: {  	v1 =	vmul.f32 $1.999999960e-02, v1;
	v2 =	vadd.f32 v11, v3;
	[tilespmem:$0x1A9B0] =	vst v4  }
0x1ca: {  	[tilespmem:$0x1A9C0] =	vst v0;
	v0 =	vmul.f32 $1.999999960e-02, v5  }
0x1cb: {  	[tilespmem:$0x1A9D0] =	vst v1;
	v1 =	vmul.f32 $1.999999960e-02, v2  }
0x1cc: {  	[tilespmem:$0x1A9E0] =	vst v0  }
0x1cd: {  	s17 =	simm.s32 $0x0;
	[tilespmem:$0x1A9F0] =	vst v1  }
0x1ce: {  	v3 =	vld [tilespmem:s17+$0x11380]  }
0x1cf: {  	v5 =	vld [tilespmem:s17+$0x11390]  }
0x1d0: {  	v2 =	vld [tilespmem:s17+$0x113A0]  }
0x1d1: {  	v4 =	vld [tilespmem:s17+$0x113B0]  }
0x1d2: {  	v0 =	vld [tilespmem:s17+$0x113C0]  }
0x1d3: {  	v1 =	vld [tilespmem:s17+$0x113D0]  }
0x1d4: {  	v19 =	vld [tilespmem:s17+$0x11300]  }
0x1d5: {  	v20 =	vld [tilespmem:s17+$0x11310]  }
0x1d6: {  	v17 =	vld [tilespmem:s17+$0x11320]  }
0x1d7: {  	v18 =	vld [tilespmem:s17+$0x11330]  }
0x1d8: {  	v13 =	vimm.f32 $0.0e+00;
	v10 =	vimm.f32 $0.0e+00;
	v14 =	vld [tilespmem:s17+$0x11340]  }
0x1d9: {  	v8 =	vimm.f32 $0.0e+00;
	v9 =	vimm.f32 $0.0e+00;
	v6 =	vimm.f32 $0.0e+00;
	v15 =	vld [tilespmem:s17+$0x11350]  }
0x1da: {  	s18 =	simm.s32 $0x400;
	v12 =	vimm.f32 $0.0e+00;
	v7 =	vimm.f32 $0.0e+00;
	v11 =	vimm.f32 $0.0e+00;
	v16 =	vld [tilespmem:s17+$0x11360]  }
.LBB2_23:
0x1db: {  	p0 =	sne.s32 s18, $0x6000;
	v10 =	vadd.f32 v19, v10;
	v11 =	vadd.f32 v20, v11;
	v19 =	vld [tilespmem:s17+$0x11370]  }
0x1dc: {  	v13 =	vadd.f32 v17, v13;
	v12 =	vadd.f32 v18, v12;
	v17 =	vld [tilespmem:s17+$0x113E0]  }
0x1dd: {  	v10 =	vadd.f32 v3, v10;
	v11 =	vadd.f32 v5, v11;
	v18 =	vld [tilespmem:s17+$0x113F0];
	s17 =	sshra.s32 s18, $0x2  }
0x1de: {  	v13 =	vadd.f32 v2, v13;
	v3 =	vld [tilespmem:s17+$0x11380];
	v12 =	vadd.f32 v4, v12  }
0x1df: {  	v8 =	vadd.f32 v14, v8;
	v9 =	vadd.f32 v15, v9;
	v5 =	vld [tilespmem:s17+$0x11390]  }
0x1e0: {  	v7 =	vadd.f32 v16, v7;
	v2 =	vld [tilespmem:s17+$0x113A0];
	v6 =	vadd.f32 v19, v6  }
0x1e1: {  	v8 =	vadd.f32 v0, v8;
	v9 =	vadd.f32 v1, v9;
	v4 =	vld [tilespmem:s17+$0x113B0]  }
0x1e2: {  	v7 =	vadd.f32 v17, v7;
	v0 =	vld [tilespmem:s17+$0x113C0];
	v6 =	vadd.f32 v18, v6  }
0x1e3: {  	v1 =	vld [tilespmem:s17+$0x113D0]  }
0x1e4: {  	v19 =	vld [tilespmem:s17+$0x11300]  }
0x1e5: {  	v20 =	vld [tilespmem:s17+$0x11310]  }
.Ltmp10:
0x1e6: {  	v17 =	vld [tilespmem:s17+$0x11320];
	(pc) =	sbr.rel @p0 .LBB2_23-.Ltmp10, $4  }
0x1e7: {  	v18 =	vld [tilespmem:s17+$0x11330]  }
0x1e8: {  	v14 =	vld [tilespmem:s17+$0x11340]  }
0x1e9: {  	v15 =	vld [tilespmem:s17+$0x11350]  }
0x1ea: {  	s18 =	sadd.s32 $0x400, s18;
	v16 =	vld [tilespmem:s17+$0x11360]  }
0x1eb: {  	v10 =	vadd.f32 v19, v10  }
0x1ec: {  	v11 =	vadd.f32 v20, v11  }
0x1ed: {  	v19 =	vld [tilespmem:s17+$0x11370];
	v13 =	vadd.f32 v17, v13;
	v3 =	vadd.f32 v3, v10  }
0x1ee: {  	v10 =	vadd.f32 v18, v12;
	v12 =	vld [tilespmem:s17+$0x113E0];
	v5 =	vadd.f32 v5, v11  }
0x1ef: {  	v11 =	vld [tilespmem:s17+$0x113F0];
	v2 =	vadd.f32 v2, v13;
	v8 =	vadd.f32 v14, v8;
	v3 =	vmul.f32 $1.999999960e-02, v3  }
0x1f0: {  	v9 =	vadd.f32 v15, v9;
	v4 =	vadd.f32 v4, v10;
	v5 =	vmul.f32 $1.999999960e-02, v5  }
0x1f1: {  	v7 =	vadd.f32 v16, v7;
	v0 =	vadd.f32 v0, v8;
	v2 =	vmul.f32 $1.999999960e-02, v2;
	[tilespmem:$0x1AA00] =	vst v3  }
0x1f2: {  	v1 =	vadd.f32 v1, v9;
	v3 =	vadd.f32 v19, v6;
	[tilespmem:$0x1AA10] =	vst v5;
	v4 =	vmul.f32 $1.999999960e-02, v4  }
0x1f3: {  	[tilespmem:$0x1AA20] =	vst v2;
	v0 =	vmul.f32 $1.999999960e-02, v0;
	v5 =	vadd.f32 v12, v7  }
0x1f4: {  	v1 =	vmul.f32 $1.999999960e-02, v1;
	v2 =	vadd.f32 v11, v3;
	[tilespmem:$0x1AA30] =	vst v4  }
0x1f5: {  	[tilespmem:$0x1AA40] =	vst v0;
	v0 =	vmul.f32 $1.999999960e-02, v5  }
0x1f6: {  	[tilespmem:$0x1AA50] =	vst v1;
	v1 =	vmul.f32 $1.999999960e-02, v2  }
0x1f7: {  	[tilespmem:$0x1AA60] =	vst v0  }
0x1f8: {  	s17 =	simm.s32 $0x0;
	[tilespmem:$0x1AA70] =	vst v1  }
0x1f9: {  	v3 =	vld [tilespmem:s17+$0x12C80]  }
0x1fa: {  	v5 =	vld [tilespmem:s17+$0x12C90]  }
0x1fb: {  	v2 =	vld [tilespmem:s17+$0x12CA0]  }
0x1fc: {  	v4 =	vld [tilespmem:s17+$0x12CB0]  }
0x1fd: {  	v0 =	vld [tilespmem:s17+$0x12CC0]  }
0x1fe: {  	v1 =	vld [tilespmem:s17+$0x12CD0]  }
0x1ff: {  	v19 =	vld [tilespmem:s17+$0x12C00]  }
0x200: {  	v20 =	vld [tilespmem:s17+$0x12C10]  }
0x201: {  	v17 =	vld [tilespmem:s17+$0x12C20]  }
0x202: {  	v18 =	vld [tilespmem:s17+$0x12C30]  }
0x203: {  	v13 =	vimm.f32 $0.0e+00;
	v10 =	vimm.f32 $0.0e+00;
	v14 =	vld [tilespmem:s17+$0x12C40]  }
0x204: {  	v8 =	vimm.f32 $0.0e+00;
	v9 =	vimm.f32 $0.0e+00;
	v6 =	vimm.f32 $0.0e+00;
	v15 =	vld [tilespmem:s17+$0x12C50]  }
0x205: {  	s18 =	simm.s32 $0x400;
	v12 =	vimm.f32 $0.0e+00;
	v7 =	vimm.f32 $0.0e+00;
	v11 =	vimm.f32 $0.0e+00;
	v16 =	vld [tilespmem:s17+$0x12C60]  }
.LBB2_25:
0x206: {  	p0 =	sne.s32 s18, $0x6000;
	v10 =	vadd.f32 v19, v10;
	v11 =	vadd.f32 v20, v11;
	v19 =	vld [tilespmem:s17+$0x12C70]  }
0x207: {  	v13 =	vadd.f32 v17, v13;
	v12 =	vadd.f32 v18, v12;
	v17 =	vld [tilespmem:s17+$0x12CE0]  }
0x208: {  	v10 =	vadd.f32 v3, v10;
	v11 =	vadd.f32 v5, v11;
	v18 =	vld [tilespmem:s17+$0x12CF0];
	s17 =	sshra.s32 s18, $0x2  }
0x209: {  	v13 =	vadd.f32 v2, v13;
	v3 =	vld [tilespmem:s17+$0x12C80];
	v12 =	vadd.f32 v4, v12  }
0x20a: {  	v8 =	vadd.f32 v14, v8;
	v9 =	vadd.f32 v15, v9;
	v5 =	vld [tilespmem:s17+$0x12C90]  }
0x20b: {  	v7 =	vadd.f32 v16, v7;
	v2 =	vld [tilespmem:s17+$0x12CA0];
	v6 =	vadd.f32 v19, v6  }
0x20c: {  	v8 =	vadd.f32 v0, v8;
	v9 =	vadd.f32 v1, v9;
	v4 =	vld [tilespmem:s17+$0x12CB0]  }
0x20d: {  	v7 =	vadd.f32 v17, v7;
	v0 =	vld [tilespmem:s17+$0x12CC0];
	v6 =	vadd.f32 v18, v6  }
0x20e: {  	v1 =	vld [tilespmem:s17+$0x12CD0]  }
0x20f: {  	v19 =	vld [tilespmem:s17+$0x12C00]  }
0x210: {  	v20 =	vld [tilespmem:s17+$0x12C10]  }
.Ltmp11:
0x211: {  	v17 =	vld [tilespmem:s17+$0x12C20];
	(pc) =	sbr.rel @p0 .LBB2_25-.Ltmp11, $4  }
0x212: {  	v18 =	vld [tilespmem:s17+$0x12C30]  }
0x213: {  	v14 =	vld [tilespmem:s17+$0x12C40]  }
0x214: {  	v15 =	vld [tilespmem:s17+$0x12C50]  }
0x215: {  	s18 =	sadd.s32 $0x400, s18;
	v16 =	vld [tilespmem:s17+$0x12C60]  }
0x216: {  	v10 =	vadd.f32 v19, v10  }
0x217: {  	v11 =	vadd.f32 v20, v11  }
0x218: {  	v19 =	vld [tilespmem:s17+$0x12C70];
	v13 =	vadd.f32 v17, v13;
	v3 =	vadd.f32 v3, v10  }
0x219: {  	v10 =	vadd.f32 v18, v12;
	v12 =	vld [tilespmem:s17+$0x12CE0];
	v5 =	vadd.f32 v5, v11  }
0x21a: {  	v11 =	vld [tilespmem:s17+$0x12CF0];
	v2 =	vadd.f32 v2, v13;
	v8 =	vadd.f32 v14, v8;
	v3 =	vmul.f32 $1.999999960e-02, v3  }
0x21b: {  	v9 =	vadd.f32 v15, v9;
	v4 =	vadd.f32 v4, v10;
	v5 =	vmul.f32 $1.999999960e-02, v5  }
0x21c: {  	v7 =	vadd.f32 v16, v7;
	v0 =	vadd.f32 v0, v8;
	v2 =	vmul.f32 $1.999999960e-02, v2;
	[tilespmem:$0x1AA80] =	vst v3  }
0x21d: {  	v1 =	vadd.f32 v1, v9;
	v3 =	vadd.f32 v19, v6;
	[tilespmem:$0x1AA90] =	vst v5;
	v4 =	vmul.f32 $1.999999960e-02, v4  }
0x21e: {  	[tilespmem:$0x1AAA0] =	vst v2;
	v0 =	vmul.f32 $1.999999960e-02, v0;
	v5 =	vadd.f32 v12, v7  }
0x21f: {  	v1 =	vmul.f32 $1.999999960e-02, v1;
	v2 =	vadd.f32 v11, v3;
	[tilespmem:$0x1AAB0] =	vst v4  }
0x220: {  	[tilespmem:$0x1AAC0] =	vst v0;
	v0 =	vmul.f32 $1.999999960e-02, v5  }
0x221: {  	[tilespmem:$0x1AAD0] =	vst v1;
	v1 =	vmul.f32 $1.999999960e-02, v2  }
0x222: {  	[tilespmem:$0x1AAE0] =	vst v0  }
0x223: {  	s17 =	simm.s32 $0x0;
	[tilespmem:$0x1AAF0] =	vst v1  }
0x224: {  	v3 =	vld [tilespmem:s17+$0x14580]  }
0x225: {  	v5 =	vld [tilespmem:s17+$0x14590]  }
0x226: {  	v2 =	vld [tilespmem:s17+$0x145A0]  }
0x227: {  	v4 =	vld [tilespmem:s17+$0x145B0]  }
0x228: {  	v0 =	vld [tilespmem:s17+$0x145C0]  }
0x229: {  	v1 =	vld [tilespmem:s17+$0x145D0]  }
0x22a: {  	v19 =	vld [tilespmem:s17+$0x14500]  }
0x22b: {  	v20 =	vld [tilespmem:s17+$0x14510]  }
0x22c: {  	v17 =	vld [tilespmem:s17+$0x14520]  }
0x22d: {  	v18 =	vld [tilespmem:s17+$0x14530]  }
0x22e: {  	v13 =	vimm.f32 $0.0e+00;
	v10 =	vimm.f32 $0.0e+00;
	v14 =	vld [tilespmem:s17+$0x14540]  }
0x22f: {  	v8 =	vimm.f32 $0.0e+00;
	v9 =	vimm.f32 $0.0e+00;
	v6 =	vimm.f32 $0.0e+00;
	v15 =	vld [tilespmem:s17+$0x14550]  }
0x230: {  	s18 =	simm.s32 $0x400;
	v12 =	vimm.f32 $0.0e+00;
	v7 =	vimm.f32 $0.0e+00;
	v11 =	vimm.f32 $0.0e+00;
	v16 =	vld [tilespmem:s17+$0x14560]  }
.LBB2_27:
0x231: {  	p0 =	sne.s32 s18, $0x6000;
	v10 =	vadd.f32 v19, v10;
	v11 =	vadd.f32 v20, v11;
	v19 =	vld [tilespmem:s17+$0x14570]  }
0x232: {  	v13 =	vadd.f32 v17, v13;
	v12 =	vadd.f32 v18, v12;
	v17 =	vld [tilespmem:s17+$0x145E0]  }
0x233: {  	v10 =	vadd.f32 v3, v10;
	v11 =	vadd.f32 v5, v11;
	v18 =	vld [tilespmem:s17+$0x145F0];
	s17 =	sshra.s32 s18, $0x2  }
0x234: {  	v13 =	vadd.f32 v2, v13;
	v3 =	vld [tilespmem:s17+$0x14580];
	v12 =	vadd.f32 v4, v12  }
0x235: {  	v8 =	vadd.f32 v14, v8;
	v9 =	vadd.f32 v15, v9;
	v5 =	vld [tilespmem:s17+$0x14590]  }
0x236: {  	v7 =	vadd.f32 v16, v7;
	v2 =	vld [tilespmem:s17+$0x145A0];
	v6 =	vadd.f32 v19, v6  }
0x237: {  	v8 =	vadd.f32 v0, v8;
	v9 =	vadd.f32 v1, v9;
	v4 =	vld [tilespmem:s17+$0x145B0]  }
0x238: {  	v7 =	vadd.f32 v17, v7;
	v0 =	vld [tilespmem:s17+$0x145C0];
	v6 =	vadd.f32 v18, v6  }
0x239: {  	v1 =	vld [tilespmem:s17+$0x145D0]  }
0x23a: {  	v19 =	vld [tilespmem:s17+$0x14500]  }
0x23b: {  	v20 =	vld [tilespmem:s17+$0x14510]  }
.Ltmp12:
0x23c: {  	v17 =	vld [tilespmem:s17+$0x14520];
	(pc) =	sbr.rel @p0 .LBB2_27-.Ltmp12, $4  }
0x23d: {  	v18 =	vld [tilespmem:s17+$0x14530]  }
0x23e: {  	v14 =	vld [tilespmem:s17+$0x14540]  }
0x23f: {  	v15 =	vld [tilespmem:s17+$0x14550]  }
0x240: {  	s18 =	sadd.s32 $0x400, s18;
	v16 =	vld [tilespmem:s17+$0x14560]  }
0x241: {  	v10 =	vadd.f32 v19, v10  }
0x242: {  	v11 =	vadd.f32 v20, v11  }
0x243: {  	v19 =	vld [tilespmem:s17+$0x14570];
	v13 =	vadd.f32 v17, v13;
	v3 =	vadd.f32 v3, v10  }
0x244: {  	v10 =	vadd.f32 v18, v12;
	v12 =	vld [tilespmem:s17+$0x145E0];
	v5 =	vadd.f32 v5, v11  }
0x245: {  	v11 =	vld [tilespmem:s17+$0x145F0];
	v2 =	vadd.f32 v2, v13;
	v8 =	vadd.f32 v14, v8;
	v3 =	vmul.f32 $1.999999960e-02, v3  }
0x246: {  	v9 =	vadd.f32 v15, v9;
	v4 =	vadd.f32 v4, v10;
	v5 =	vmul.f32 $1.999999960e-02, v5  }
0x247: {  	v7 =	vadd.f32 v16, v7;
	v0 =	vadd.f32 v0, v8;
	v2 =	vmul.f32 $1.999999960e-02, v2;
	[tilespmem:$0x1AB00] =	vst v3  }
0x248: {  	v1 =	vadd.f32 v1, v9;
	v3 =	vadd.f32 v19, v6;
	[tilespmem:$0x1AB10] =	vst v5;
	v4 =	vmul.f32 $1.999999960e-02, v4  }
0x249: {  	[tilespmem:$0x1AB20] =	vst v2;
	v0 =	vmul.f32 $1.999999960e-02, v0;
	v5 =	vadd.f32 v12, v7  }
0x24a: {  	v1 =	vmul.f32 $1.999999960e-02, v1;
	v2 =	vadd.f32 v11, v3;
	[tilespmem:$0x1AB30] =	vst v4  }
0x24b: {  	[tilespmem:$0x1AB40] =	vst v0;
	v0 =	vmul.f32 $1.999999960e-02, v5  }
0x24c: {  	[tilespmem:$0x1AB50] =	vst v1;
	v1 =	vmul.f32 $1.999999960e-02, v2  }
0x24d: {  	[tilespmem:$0x1AB60] =	vst v0  }
0x24e: {  	s17 =	simm.s32 $0x0;
	[tilespmem:$0x1AB70] =	vst v1  }
0x24f: {  	v3 =	vld [tilespmem:s17+$0x15E80]  }
0x250: {  	v5 =	vld [tilespmem:s17+$0x15E90]  }
0x251: {  	v2 =	vld [tilespmem:s17+$0x15EA0]  }
0x252: {  	v4 =	vld [tilespmem:s17+$0x15EB0]  }
0x253: {  	v0 =	vld [tilespmem:s17+$0x15EC0]  }
0x254: {  	v1 =	vld [tilespmem:s17+$0x15ED0]  }
0x255: {  	v19 =	vld [tilespmem:s17+$0x15E00]  }
0x256: {  	v20 =	vld [tilespmem:s17+$0x15E10]  }
0x257: {  	v17 =	vld [tilespmem:s17+$0x15E20]  }
0x258: {  	v18 =	vld [tilespmem:s17+$0x15E30]  }
0x259: {  	v13 =	vimm.f32 $0.0e+00;
	v10 =	vimm.f32 $0.0e+00;
	v14 =	vld [tilespmem:s17+$0x15E40]  }
0x25a: {  	v8 =	vimm.f32 $0.0e+00;
	v9 =	vimm.f32 $0.0e+00;
	v6 =	vimm.f32 $0.0e+00;
	v15 =	vld [tilespmem:s17+$0x15E50]  }
0x25b: {  	s18 =	simm.s32 $0x400;
	v12 =	vimm.f32 $0.0e+00;
	v7 =	vimm.f32 $0.0e+00;
	v11 =	vimm.f32 $0.0e+00;
	v16 =	vld [tilespmem:s17+$0x15E60]  }
.LBB2_29:
0x25c: {  	p0 =	sne.s32 s18, $0x6000;
	v10 =	vadd.f32 v19, v10;
	v11 =	vadd.f32 v20, v11;
	v19 =	vld [tilespmem:s17+$0x15E70]  }
0x25d: {  	v13 =	vadd.f32 v17, v13;
	v12 =	vadd.f32 v18, v12;
	v17 =	vld [tilespmem:s17+$0x15EE0]  }
0x25e: {  	v10 =	vadd.f32 v3, v10;
	v11 =	vadd.f32 v5, v11;
	v18 =	vld [tilespmem:s17+$0x15EF0];
	s17 =	sshra.s32 s18, $0x2  }
0x25f: {  	v13 =	vadd.f32 v2, v13;
	v3 =	vld [tilespmem:s17+$0x15E80];
	v12 =	vadd.f32 v4, v12  }
0x260: {  	v8 =	vadd.f32 v14, v8;
	v9 =	vadd.f32 v15, v9;
	v5 =	vld [tilespmem:s17+$0x15E90]  }
0x261: {  	v7 =	vadd.f32 v16, v7;
	v2 =	vld [tilespmem:s17+$0x15EA0];
	v6 =	vadd.f32 v19, v6  }
0x262: {  	v8 =	vadd.f32 v0, v8;
	v9 =	vadd.f32 v1, v9;
	v4 =	vld [tilespmem:s17+$0x15EB0]  }
0x263: {  	v7 =	vadd.f32 v17, v7;
	v0 =	vld [tilespmem:s17+$0x15EC0];
	v6 =	vadd.f32 v18, v6  }
0x264: {  	v1 =	vld [tilespmem:s17+$0x15ED0]  }
0x265: {  	v19 =	vld [tilespmem:s17+$0x15E00]  }
0x266: {  	v20 =	vld [tilespmem:s17+$0x15E10]  }
.Ltmp13:
0x267: {  	v17 =	vld [tilespmem:s17+$0x15E20];
	(pc) =	sbr.rel @p0 .LBB2_29-.Ltmp13, $4  }
0x268: {  	v18 =	vld [tilespmem:s17+$0x15E30]  }
0x269: {  	v14 =	vld [tilespmem:s17+$0x15E40]  }
0x26a: {  	v15 =	vld [tilespmem:s17+$0x15E50]  }
0x26b: {  	s18 =	sadd.s32 $0x400, s18;
	v16 =	vld [tilespmem:s17+$0x15E60]  }
0x26c: {  	v10 =	vadd.f32 v19, v10  }
0x26d: {  	v11 =	vadd.f32 v20, v11  }
0x26e: {  	v19 =	vld [tilespmem:s17+$0x15E70];
	v13 =	vadd.f32 v17, v13;
	v3 =	vadd.f32 v3, v10  }
0x26f: {  	v10 =	vadd.f32 v18, v12;
	v12 =	vld [tilespmem:s17+$0x15EE0];
	v5 =	vadd.f32 v5, v11  }
0x270: {  	v11 =	vld [tilespmem:s17+$0x15EF0];
	v2 =	vadd.f32 v2, v13;
	v8 =	vadd.f32 v14, v8;
	v3 =	vmul.f32 $1.999999960e-02, v3  }
0x271: {  	v9 =	vadd.f32 v15, v9;
	v4 =	vadd.f32 v4, v10;
	v5 =	vmul.f32 $1.999999960e-02, v5  }
0x272: {  	v7 =	vadd.f32 v16, v7;
	v0 =	vadd.f32 v0, v8;
	v2 =	vmul.f32 $1.999999960e-02, v2;
	[tilespmem:$0x1AB80] =	vst v3  }
0x273: {  	v1 =	vadd.f32 v1, v9;
	v3 =	vadd.f32 v19, v6;
	[tilespmem:$0x1AB90] =	vst v5;
	v4 =	vmul.f32 $1.999999960e-02, v4  }
0x274: {  	[tilespmem:$0x1ABA0] =	vst v2;
	v0 =	vmul.f32 $1.999999960e-02, v0;
	v5 =	vadd.f32 v12, v7  }
0x275: {  	v1 =	vmul.f32 $1.999999960e-02, v1;
	v2 =	vadd.f32 v11, v3;
	[tilespmem:$0x1ABB0] =	vst v4  }
0x276: {  	[tilespmem:$0x1ABC0] =	vst v0;
	v0 =	vmul.f32 $1.999999960e-02, v5  }
0x277: {  	[tilespmem:$0x1ABD0] =	vst v1;
	v1 =	vmul.f32 $1.999999960e-02, v2  }
0x278: {  	[tilespmem:$0x1ABE0] =	vst v0  }
0x279: {  	s17 =	simm.s32 $0x0;
	[tilespmem:$0x1ABF0] =	vst v1  }
0x27a: {  	v3 =	vld [tilespmem:s17+$0x17780]  }
0x27b: {  	v5 =	vld [tilespmem:s17+$0x17790]  }
0x27c: {  	v2 =	vld [tilespmem:s17+$0x177A0]  }
0x27d: {  	v4 =	vld [tilespmem:s17+$0x177B0]  }
0x27e: {  	v0 =	vld [tilespmem:s17+$0x177C0]  }
0x27f: {  	v1 =	vld [tilespmem:s17+$0x177D0]  }
0x280: {  	v19 =	vld [tilespmem:s17+$0x17700]  }
0x281: {  	v20 =	vld [tilespmem:s17+$0x17710]  }
0x282: {  	v17 =	vld [tilespmem:s17+$0x17720]  }
0x283: {  	v18 =	vld [tilespmem:s17+$0x17730]  }
0x284: {  	v13 =	vimm.f32 $0.0e+00;
	v10 =	vimm.f32 $0.0e+00;
	v14 =	vld [tilespmem:s17+$0x17740]  }
0x285: {  	v8 =	vimm.f32 $0.0e+00;
	v9 =	vimm.f32 $0.0e+00;
	v6 =	vimm.f32 $0.0e+00;
	v15 =	vld [tilespmem:s17+$0x17750]  }
0x286: {  	s18 =	simm.s32 $0x400;
	v12 =	vimm.f32 $0.0e+00;
	v7 =	vimm.f32 $0.0e+00;
	v11 =	vimm.f32 $0.0e+00;
	v16 =	vld [tilespmem:s17+$0x17760]  }
.LBB2_31:
0x287: {  	p0 =	sne.s32 s18, $0x6000;
	v10 =	vadd.f32 v19, v10;
	v11 =	vadd.f32 v20, v11;
	v19 =	vld [tilespmem:s17+$0x17770]  }
0x288: {  	v13 =	vadd.f32 v17, v13;
	v12 =	vadd.f32 v18, v12;
	v17 =	vld [tilespmem:s17+$0x177E0]  }
0x289: {  	v10 =	vadd.f32 v3, v10;
	v11 =	vadd.f32 v5, v11;
	v18 =	vld [tilespmem:s17+$0x177F0];
	s17 =	sshra.s32 s18, $0x2  }
0x28a: {  	v13 =	vadd.f32 v2, v13;
	v3 =	vld [tilespmem:s17+$0x17780];
	v12 =	vadd.f32 v4, v12  }
0x28b: {  	v8 =	vadd.f32 v14, v8;
	v9 =	vadd.f32 v15, v9;
	v5 =	vld [tilespmem:s17+$0x17790]  }
0x28c: {  	v7 =	vadd.f32 v16, v7;
	v2 =	vld [tilespmem:s17+$0x177A0];
	v6 =	vadd.f32 v19, v6  }
0x28d: {  	v8 =	vadd.f32 v0, v8;
	v9 =	vadd.f32 v1, v9;
	v4 =	vld [tilespmem:s17+$0x177B0]  }
0x28e: {  	v7 =	vadd.f32 v17, v7;
	v0 =	vld [tilespmem:s17+$0x177C0];
	v6 =	vadd.f32 v18, v6  }
0x28f: {  	v1 =	vld [tilespmem:s17+$0x177D0]  }
0x290: {  	v19 =	vld [tilespmem:s17+$0x17700]  }
0x291: {  	v20 =	vld [tilespmem:s17+$0x17710]  }
.Ltmp14:
0x292: {  	v17 =	vld [tilespmem:s17+$0x17720];
	(pc) =	sbr.rel @p0 .LBB2_31-.Ltmp14, $4  }
0x293: {  	v18 =	vld [tilespmem:s17+$0x17730]  }
0x294: {  	v14 =	vld [tilespmem:s17+$0x17740]  }
0x295: {  	v15 =	vld [tilespmem:s17+$0x17750]  }
0x296: {  	s18 =	sadd.s32 $0x400, s18;
	v16 =	vld [tilespmem:s17+$0x17760]  }
0x297: {  	v10 =	vadd.f32 v19, v10  }
0x298: {  	v11 =	vadd.f32 v20, v11  }
0x299: {  	v19 =	vld [tilespmem:s17+$0x17770];
	v13 =	vadd.f32 v17, v13;
	v3 =	vadd.f32 v3, v10  }
0x29a: {  	v10 =	vadd.f32 v18, v12;
	v12 =	vld [tilespmem:s17+$0x177E0];
	v5 =	vadd.f32 v5, v11  }
0x29b: {  	v11 =	vld [tilespmem:s17+$0x177F0];
	v2 =	vadd.f32 v2, v13;
	v8 =	vadd.f32 v14, v8;
	v3 =	vmul.f32 $1.999999960e-02, v3  }
0x29c: {  	v9 =	vadd.f32 v15, v9;
	v4 =	vadd.f32 v4, v10;
	v5 =	vmul.f32 $1.999999960e-02, v5  }
0x29d: {  	v7 =	vadd.f32 v16, v7;
	v0 =	vadd.f32 v0, v8;
	v2 =	vmul.f32 $1.999999960e-02, v2;
	[tilespmem:$0x1AC00] =	vst v3  }
0x29e: {  	v1 =	vadd.f32 v1, v9;
	v3 =	vadd.f32 v19, v6;
	[tilespmem:$0x1AC10] =	vst v5;
	v4 =	vmul.f32 $1.999999960e-02, v4  }
0x29f: {  	[tilespmem:$0x1AC20] =	vst v2;
	v0 =	vmul.f32 $1.999999960e-02, v0;
	v5 =	vadd.f32 v12, v7  }
0x2a0: {  	v1 =	vmul.f32 $1.999999960e-02, v1;
	v2 =	vadd.f32 v11, v3;
	[tilespmem:$0x1AC30] =	vst v4  }
0x2a1: {  	[tilespmem:$0x1AC40] =	vst v0;
	v0 =	vmul.f32 $1.999999960e-02, v5  }
0x2a2: {  	[tilespmem:$0x1AC50] =	vst v1;
	v1 =	vmul.f32 $1.999999960e-02, v2  }
0x2a3: {  	[tilespmem:$0x1AC60] =	vst v0  }
0x2a4: {  	s17 =	simm.s32 $0x0;
	[tilespmem:$0x1AC70] =	vst v1  }
0x2a5: {  	v3 =	vld [tilespmem:s17+$0x19080]  }
0x2a6: {  	v5 =	vld [tilespmem:s17+$0x19090]  }
0x2a7: {  	v2 =	vld [tilespmem:s17+$0x190A0]  }
0x2a8: {  	v4 =	vld [tilespmem:s17+$0x190B0]  }
0x2a9: {  	v0 =	vld [tilespmem:s17+$0x190C0]  }
0x2aa: {  	v1 =	vld [tilespmem:s17+$0x190D0]  }
0x2ab: {  	v19 =	vld [tilespmem:s17+$0x19000]  }
0x2ac: {  	v20 =	vld [tilespmem:s17+$0x19010]  }
0x2ad: {  	v17 =	vld [tilespmem:s17+$0x19020]  }
0x2ae: {  	v18 =	vld [tilespmem:s17+$0x19030]  }
0x2af: {  	v13 =	vimm.f32 $0.0e+00;
	v10 =	vimm.f32 $0.0e+00;
	v14 =	vld [tilespmem:s17+$0x19040]  }
0x2b0: {  	v8 =	vimm.f32 $0.0e+00;
	v9 =	vimm.f32 $0.0e+00;
	v6 =	vimm.f32 $0.0e+00;
	v15 =	vld [tilespmem:s17+$0x19050]  }
0x2b1: {  	s18 =	simm.s32 $0x400;
	v12 =	vimm.f32 $0.0e+00;
	v7 =	vimm.f32 $0.0e+00;
	v11 =	vimm.f32 $0.0e+00;
	v16 =	vld [tilespmem:s17+$0x19060]  }
.LBB2_33:
0x2b2: {  	p0 =	sne.s32 s18, $0x6000;
	v10 =	vadd.f32 v19, v10;
	v11 =	vadd.f32 v20, v11;
	v19 =	vld [tilespmem:s17+$0x19070]  }
0x2b3: {  	v13 =	vadd.f32 v17, v13;
	v12 =	vadd.f32 v18, v12;
	v17 =	vld [tilespmem:s17+$0x190E0]  }
0x2b4: {  	v10 =	vadd.f32 v3, v10;
	v11 =	vadd.f32 v5, v11;
	v18 =	vld [tilespmem:s17+$0x190F0];
	s17 =	sshra.s32 s18, $0x2  }
0x2b5: {  	v13 =	vadd.f32 v2, v13;
	v3 =	vld [tilespmem:s17+$0x19080];
	v12 =	vadd.f32 v4, v12  }
0x2b6: {  	v8 =	vadd.f32 v14, v8;
	v9 =	vadd.f32 v15, v9;
	v5 =	vld [tilespmem:s17+$0x19090]  }
0x2b7: {  	v7 =	vadd.f32 v16, v7;
	v2 =	vld [tilespmem:s17+$0x190A0];
	v6 =	vadd.f32 v19, v6  }
0x2b8: {  	v8 =	vadd.f32 v0, v8;
	v9 =	vadd.f32 v1, v9;
	v4 =	vld [tilespmem:s17+$0x190B0]  }
0x2b9: {  	v7 =	vadd.f32 v17, v7;
	v0 =	vld [tilespmem:s17+$0x190C0];
	v6 =	vadd.f32 v18, v6  }
0x2ba: {  	v1 =	vld [tilespmem:s17+$0x190D0]  }
0x2bb: {  	v19 =	vld [tilespmem:s17+$0x19000]  }
0x2bc: {  	v20 =	vld [tilespmem:s17+$0x19010]  }
.Ltmp15:
0x2bd: {  	v17 =	vld [tilespmem:s17+$0x19020];
	(pc) =	sbr.rel @p0 .LBB2_33-.Ltmp15, $4  }
0x2be: {  	v18 =	vld [tilespmem:s17+$0x19030]  }
0x2bf: {  	v14 =	vld [tilespmem:s17+$0x19040]  }
0x2c0: {  	v15 =	vld [tilespmem:s17+$0x19050]  }
0x2c1: {  	s18 =	sadd.s32 $0x400, s18;
	v16 =	vld [tilespmem:s17+$0x19060]  }
0x2c2: {  	v10 =	vadd.f32 v19, v10  }
0x2c3: {  	v11 =	vadd.f32 v20, v11  }
0x2c4: {  	v55 =	vld [tilespmem:s17+$0x19070];
	v13 =	vadd.f32 v17, v13;
	v3 =	vadd.f32 v3, v10  }
0x2c5: {  	v57 =	vld [tilespmem:s17+$0x190E0];
	v56 =	vadd.f32 v18, v12;
	v5 =	vadd.f32 v5, v11  }
0x2c6: {  	v58 =	vld [tilespmem:s17+$0x190F0];
	v2 =	vadd.f32 v2, v13;
	v8 =	vadd.f32 v14, v8;
	v3 =	vmul.f32 $1.999999960e-02, v3  }
0x2c7: {  	v4 =	vadd.f32 v4, v56;
	v9 =	vadd.f32 v15, v9;
	v5 =	vmul.f32 $1.999999960e-02, v5  }
0x2c8: {  	v7 =	vadd.f32 v16, v7;
	v0 =	vadd.f32 v0, v8;
	v2 =	vmul.f32 $1.999999960e-02, v2;
	[tilespmem:$0x1AC80] =	vst v3  }
0x2c9: {  	v59 =	vadd.f32 v55, v6;
	v1 =	vadd.f32 v1, v9;
	v4 =	vmul.f32 $1.999999960e-02, v4;
	[tilespmem:$0x1AC90] =	vst v5  }
0x2ca: {  	v60 =	vadd.f32 v57, v7;
	[tilespmem:$0x1ACA0] =	vst v2;
	v0 =	vmul.f32 $1.999999960e-02, v0  }
0x2cb: {  	v61 =	vadd.f32 v58, v59;
	[tilespmem:$0x1ACB0] =	vst v4;
	v1 =	vmul.f32 $1.999999960e-02, v1  }
0x2cc: {  	[tilespmem:$0x1ACC0] =	vst v0;
	v62 =	vmul.f32 $1.999999960e-02, v60  }
0x2cd: {  	s15 =	sadd.s32 $0x1, s15;
	[tilespmem:$0x1ACD0] =	vst v1;
	v63 =	vmul.f32 $1.999999960e-02, v61  }
0x2ce: {  	s16 =	sshll.u32 s16, $0x7;
	p0 =	sne.s32 s15, $0x8;
	[tilespmem:$0x1ACE0] =	vst v62  }
.Ltmp16:
0x2cf: {  	s16 =	sadd.s32 s16, s5;
	[tilespmem:$0x1ACF0] =	vst v63;
	(pc) =	sbr.rel @p0 .LBB2_2-.Ltmp16, $4  }
0x2d0: {  	[hbm4b:s16+s3] =	stream.linear.scatter [tilespmem:s12], [sflag:$0x3], $0x400, $0x38;
	[tilespmem:$0x1AD00] =	vst v63  }
0x2d1: {  	_ =	swait.ge [sflag:s7], $0x400  }
0x2d2: {  	[sflag:s7] =	ssyncset.done $0x0  }
0x2d3: {  	[sflag:s7] =	ssyncadd.s32 $0xFFFFFC00  }
0x2d4: {  	s14 =	sadd.s32 $0x1, s14  }
0x2d5: {  	p0 =	sne.s32 s14, s6  }
.Ltmp17:
0x2d6: {  	_ = 	snop;
	(pc) =	sbr.rel @p0 .LBB2_1-.Ltmp17, $1  }
0x2d7: {  	_ =	sdelay $0x3  }
0x2d8: {  	_ =	sfence.sel $0x180000  }
0x2d9: {  	[bflag:$0x0] =	sbarrier.arrive $0xFFFF  }
0x2da: {  	p0 =	sne.s32 s0, $0x0;
	_ =	strace $0x90000047  }
0x2db: {  	s0 =	sadd.s32 @!p0 $0x100000, s1;
	[bflag:$0x2] =	sbarrier.arrive $0xFFFF  }
0x2dc: {  	[sflag:s0] =	ssyncadd.tile.s32 @!p0 $0x1;
	_ =	shalt  }
.Lfunc_end2:
_tile_overlayer_lowered:
.L_overlay_start_2:
0x2dd: {  	(tag) =	ssettag $0x2  }
0x2de: {  	s0 =	rddreg [dreg:$0x0];
	s2 =	stileid.u32  }
0x2df: {  	s1 =	rddreg [dreg:$0x1];
	p0 =	sne.s32 s2, $0x0  }
0x2e0: {  	s3 =	rddreg [dreg:$0x2];
	[bflag:$0x3] =	sbarrier.arrive $0xFFFF;
	s2 =	simm.s32 @!p0 $0x1C03  }
0x2e1: {  	[timem:s3], [sflag:s2] =	dma.local @!p0 [hbm:s0], s1  }
0x2e2: {  	s0 =	simm.s32 @!p0 $0x3  }
0x2e3: {  	_ =	swait.ge @!p0 [sflag:s0], s1  }
0x2e4: {  	s1 =	ssub.s32 @!p0 $0x0, s1;
	[sflag:s0] =	ssyncset.done @!p0 $0x0  }
0x2e5: {  	[sflag:s0] =	ssyncadd.s32 @!p0 s1  }
0x2e6: {  	[bflag:$0x3] =	sbarrier.arrive $0xFFFF  }
0x2e7: {  	_ =	shalt  }

</sc_bundles>
